<compile_context>
chip_gen: v7x
topology: tpu7x:2x2x1
jax: 0.10.2.dev20260603
libtpu: 0.0.44.dev20260713+nightly
codegen_flags: <defaults>
</compile_context>

<pallas_src>
import jax
import jax.numpy as jnp
from jax import lax
from jax.experimental import pallas as pl
from jax.experimental.pallas import tpu as pltpu
from jax.experimental.pallas import tpu_sc as plsc

B = 16384
DIM = 32
LANES = 16
NROWS = 1000000

_info = plsc.get_sparse_core_info()
_NC, _NS = _info.num_cores, _info.num_subcores
_NW = _NC * _NS
_BPW = B // _NW
_NCHUNK = 4
_CHUNK = _BPW // _NCHUNK


def _mf_body(u_hbm, i_hbm, U_hbm, V_hbm, bu_hbm, bi_hbm, mu_hbm, out_hbm,
             u_idx, i_idx, u_rows, v_rows, bu_rows, bi_rows, mu_v, out_v,
             sem, bsem):
    wid = lax.axis_index("s") * _NC + lax.axis_index("c")
    base = wid * _BPW

    for c in range(_NCHUNK):
        pltpu.sync_copy(u_hbm.at[pl.ds(base + c * _CHUNK, _CHUNK)], u_idx.at[c])
        pltpu.sync_copy(i_hbm.at[pl.ds(base + c * _CHUNK, _CHUNK)], i_idx.at[c])

    cps = []
    for c in range(_NCHUNK):
        cps.append(pltpu.async_copy(U_hbm.at[u_idx.at[c]], u_rows.at[c], sem))
        cps.append(pltpu.async_copy(V_hbm.at[i_idx.at[c]], v_rows.at[c], sem))
        cps.append(pltpu.async_copy(bu_hbm.at[u_idx.at[c]], bu_rows.at[c], bsem))
        cps.append(pltpu.async_copy(bi_hbm.at[i_idx.at[c]], bi_rows.at[c], bsem))
    cps.append(pltpu.async_copy(
        mu_hbm.at[jnp.zeros((LANES,), jnp.int32)], mu_v, bsem))
    for cp in cps:
        cp.wait()

    mu_lane = mu_v[...]

    for c in range(_NCHUNK):
        def dot(k, carry, c=c):
            sl = pl.ds(k * LANES, LANES)
            acc = bu_rows.at[c][sl] + bi_rows.at[c][sl] + mu_lane
            rows = lax.iota(jnp.int32, LANES) + k * LANES
            for d in range(DIM):
                dd = jnp.full((LANES,), d, jnp.int32)
                acc = acc + (plsc.load_gather(u_rows.at[c], [rows, dd])
                             * plsc.load_gather(v_rows.at[c], [rows, dd]))
            out_v[pl.ds(c * _CHUNK + k * LANES, LANES)] = acc
            return carry

        lax.fori_loop(0, _CHUNK // LANES, dot, 0)

    pltpu.sync_copy(out_v, out_hbm.at[pl.ds(base, _BPW)])


@jax.jit
def _mf_sc(u, i, U, V, bu, bi, mu):
    mesh = plsc.VectorSubcoreMesh(core_axis_name="c", subcore_axis_name="s")
    return pl.kernel(
        _mf_body,
        mesh=mesh,
        compiler_params=pltpu.CompilerParams(
            needs_layout_passes=False, use_tc_tiling_on_sc=False),
        out_type=jax.ShapeDtypeStruct((B,), jnp.float32),
        scratch_types=[
            pltpu.VMEM((_NCHUNK, _CHUNK), jnp.int32),
            pltpu.VMEM((_NCHUNK, _CHUNK), jnp.int32),
            pltpu.VMEM((_NCHUNK, _CHUNK, DIM), jnp.float32),
            pltpu.VMEM((_NCHUNK, _CHUNK, DIM), jnp.float32),
            pltpu.VMEM((_NCHUNK, _CHUNK), jnp.float32),
            pltpu.VMEM((_NCHUNK, _CHUNK), jnp.float32),
            pltpu.VMEM((LANES,), jnp.float32),
            pltpu.VMEM((_BPW,), jnp.float32),
            pltpu.SemaphoreType.DMA,
            pltpu.SemaphoreType.DMA,
        ],
    )(u, i, U, V, bu.reshape(-1), bi.reshape(-1), mu)


def kernel(u, i, U, V, bu, bi, mu):
    return _mf_sc(u, i, U, V, bu, bi, mu)

# --- scband reference (transcript-rebuilt; emitter-appended) ---
"""Pipeline reference for scband-mf-14748917694871 (READ-ONLY COPY).

The authoritative reference and input builder live on the scoring server;
editing this copy changes nothing except your own understanding.
"""

import jax, jax.numpy as jnp
import numpy as np

N_USERS = 1000000
N_ITEMS = 1000000
DIM = 32
BATCH = 16384


def setup_inputs(seed: int = 0) -> dict:
    key = jax.random.key(seed)
    k_u, k_i, k_U, k_V = jax.random.split(key, 4)
    u = jax.random.randint(k_u, (BATCH,), 0, N_USERS, dtype=jnp.int64 if jax.config.jax_enable_x64 else jnp.int32).astype(jnp.int32)
    i = jax.random.randint(k_i, (BATCH,), 0, N_ITEMS, dtype=jnp.int64 if jax.config.jax_enable_x64 else jnp.int32).astype(jnp.int32)
    U = 0.01 * jax.random.normal(k_U, (N_USERS, DIM), dtype=jnp.float32)
    V = 0.01 * jax.random.normal(k_V, (N_ITEMS, DIM), dtype=jnp.float32)
    bu = jnp.zeros((N_USERS, 1), dtype=jnp.float32)
    bi = jnp.zeros((N_ITEMS, 1), dtype=jnp.float32)
    mu = jnp.zeros((1,), dtype=jnp.float32)
    return {"u": u, "i": i, "U": U, "V": V, "bu": bu, "bi": bi, "mu": mu}


def reference(u, i, U, V, bu, bi, mu):
    # Embedding lookups (gather)
    u_emb = jnp.take(U, u, axis=0)          # [B, DIM]
    v_emb = jnp.take(V, i, axis=0)          # [B, DIM]
    logits = jnp.sum(u_emb * v_emb, axis=-1)  # [B]
    logits = logits + jnp.take(bu, u, axis=0).squeeze(-1) + jnp.take(bi, i, axis=0).squeeze(-1) + mu
    return logits

if __name__ == "__main__":
    import jax
    _d = setup_inputs()
    print(jax.jit(kernel)(*tuple(_d.values())))

</pallas_src>

<mosaic_0001>
#map = affine_map<(d0, d1) -> (0)>
#map1 = affine_map<(d0, d1) -> (0, 0)>
module attributes {stable_mosaic.version = 14 : i64} {
  func.func @_mf_body(%arg0: i32, %arg1: i32, %arg2: memref<16384xi32, #tpu.memory_space<hbm>>, %arg3: memref<16384xi32, #tpu.memory_space<hbm>>, %arg4: memref<1000000x32xf32, #tpu.memory_space<hbm>>, %arg5: memref<1000000x32xf32, #tpu.memory_space<hbm>>, %arg6: memref<1000000xf32, #tpu.memory_space<hbm>>, %arg7: memref<1000000xf32, #tpu.memory_space<hbm>>, %arg8: memref<1xf32, #tpu.memory_space<hbm>>, %arg9: memref<16384xf32, #tpu.memory_space<hbm>>, %arg10: memref<4x128xi32, #tpu.memory_space<vmem>>, %arg11: memref<4x128xi32, #tpu.memory_space<vmem>>, %arg12: memref<4x128x32xf32, #tpu.memory_space<vmem>>, %arg13: memref<4x128x32xf32, #tpu.memory_space<vmem>>, %arg14: memref<4x128xf32, #tpu.memory_space<vmem>>, %arg15: memref<4x128xf32, #tpu.memory_space<vmem>>, %arg16: memref<16xf32, #tpu.memory_space<vmem>>, %arg17: memref<512xf32, #tpu.memory_space<vmem>>, %arg18: memref<!tpu.dma_semaphore, #tpu.memory_space<semaphore_mem>>, %arg19: memref<!tpu.dma_semaphore, #tpu.memory_space<semaphore_mem>>) attributes {dimension_semantics = [#tpu.dimension_semantics<core_parallel>, #tpu.dimension_semantics<subcore_parallel>], iteration_bounds = array<i64: 2, 16>, scalar_prefetch = 0 : i64, scratch_operands = 10 : i64, tpu.core_type = #tpu.core_type<sc_vector_subcore>, window_params = [{transform_indices = #map}, {transform_indices = #map}, {transform_indices = #map1}, {transform_indices = #map1}, {transform_indices = #map}, {transform_indices = #map}, {transform_indices = #map}, {transform_indices = #map}]} {
    %mul3A = arith.constant 2 : i32
    %mul3A_0 = arith.muli %arg1, %mul3A : i32
    %add3A = arith.addi %mul3A_0, %arg0 : i32
    %mul3A_1 = arith.constant 512 : i32
    %mul3A_2 = arith.muli %add3A, %mul3A_1 : i32
    %add3A_3 = arith.constant 0 : i32
    %add3A_4 = arith.addi %mul3A_2, %add3A_3 : i32
    %run_scoped3A = arith.constant 0 : i32
    "tpu.region"() ({
      %run_scoped3A_405 = tpu.sem_alloc : memref<!tpu.dma_semaphore, #tpu.memory_space<semaphore_mem>>
      %dma_start3A_406 = arith.constant 0 : i32
      %dma_start3A_407 = tpu.memref_slice %arg10[%run_scoped3A, %dma_start3A_406] : memref<4x128xi32, #tpu.memory_space<vmem>> -> memref<1x128xi32, #tpu.memory_space<vmem>>
      %dma_start3A_408 = tpu.memref_squeeze %dma_start3A_407 : memref<1x128xi32, #tpu.memory_space<vmem>> -> memref<128xi32, #tpu.memory_space<vmem>>
      %dma_start3A_409 = tpu.memref_slice %arg2[%add3A_4] : memref<16384xi32, #tpu.memory_space<hbm>> -> memref<128xi32, #tpu.memory_space<hbm>>
      %dma_start3A_410 = arith.constant 0 : i32
      %dma_start3A_411 = tpu.memref_slice %arg10[%run_scoped3A, %dma_start3A_410] : memref<4x128xi32, #tpu.memory_space<vmem>> -> memref<1x128xi32, #tpu.memory_space<vmem>>
      %dma_start3A_412 = tpu.memref_squeeze %dma_start3A_411 : memref<1x128xi32, #tpu.memory_space<vmem>> -> memref<128xi32, #tpu.memory_space<vmem>>
      %dma_start3A_413 = tpu.memref_slice %arg2[%add3A_4] : memref<16384xi32, #tpu.memory_space<hbm>> -> memref<128xi32, #tpu.memory_space<hbm>>
      tpu.enqueue_dma source(%dma_start3A_413 : memref<128xi32, #tpu.memory_space<hbm>>) target(%dma_start3A_412 : memref<128xi32, #tpu.memory_space<vmem>>) target_semaphore(%run_scoped3A_405 : memref<!tpu.dma_semaphore, #tpu.memory_space<semaphore_mem>>)
      %dma_wait3A_414 = arith.constant 0 : i32
      %dma_wait3A_415 = tpu.memref_slice %arg10[%run_scoped3A, %dma_wait3A_414] : memref<4x128xi32, #tpu.memory_space<vmem>> -> memref<1x128xi32, #tpu.memory_space<vmem>>
      %dma_wait3A_416 = tpu.memref_squeeze %dma_wait3A_415 : memref<1x128xi32, #tpu.memory_space<vmem>> -> memref<128xi32, #tpu.memory_space<vmem>>
      %dma_wait3A_417 = tpu.memref_slice %arg2[%add3A_4] : memref<16384xi32, #tpu.memory_space<hbm>> -> memref<128xi32, #tpu.memory_space<hbm>>
      %dma_wait3A_418 = arith.constant 0 : i32
      %dma_wait3A_419 = tpu.memref_slice %arg10[%run_scoped3A, %dma_wait3A_418] : memref<4x128xi32, #tpu.memory_space<vmem>> -> memref<1x128xi32, #tpu.memory_space<vmem>>
      %dma_wait3A_420 = tpu.memref_squeeze %dma_wait3A_419 : memref<1x128xi32, #tpu.memory_space<vmem>> -> memref<128xi32, #tpu.memory_space<vmem>>
      %dma_wait3A_421 = tpu.memref_slice %arg2[%add3A_4] : memref<16384xi32, #tpu.memory_space<hbm>> -> memref<128xi32, #tpu.memory_space<hbm>>
      tpu.wait_dma2 semaphore(%run_scoped3A_405 : memref<!tpu.dma_semaphore, #tpu.memory_space<semaphore_mem>>) src(%dma_wait3A_421 : memref<128xi32, #tpu.memory_space<hbm>>) dst(%dma_wait3A_420 : memref<128xi32, #tpu.memory_space<vmem>>)
      tpu.yield
    }) : () -> ()
    %add3A_5 = arith.constant 0 : i32
    %add3A_6 = arith.addi %mul3A_2, %add3A_5 : i32
    %run_scoped3A_7 = arith.constant 0 : i32
    "tpu.region"() ({
      %run_scoped3A_405 = tpu.sem_alloc : memref<!tpu.dma_semaphore, #tpu.memory_space<semaphore_mem>>
      %dma_start3A_406 = arith.constant 0 : i32
      %dma_start3A_407 = tpu.memref_slice %arg11[%run_scoped3A_7, %dma_start3A_406] : memref<4x128xi32, #tpu.memory_space<vmem>> -> memref<1x128xi32, #tpu.memory_space<vmem>>
      %dma_start3A_408 = tpu.memref_squeeze %dma_start3A_407 : memref<1x128xi32, #tpu.memory_space<vmem>> -> memref<128xi32, #tpu.memory_space<vmem>>
      %dma_start3A_409 = tpu.memref_slice %arg3[%add3A_6] : memref<16384xi32, #tpu.memory_space<hbm>> -> memref<128xi32, #tpu.memory_space<hbm>>
      %dma_start3A_410 = arith.constant 0 : i32
      %dma_start3A_411 = tpu.memref_slice %arg11[%run_scoped3A_7, %dma_start3A_410] : memref<4x128xi32, #tpu.memory_space<vmem>> -> memref<1x128xi32, #tpu.memory_space<vmem>>
      %dma_start3A_412 = tpu.memref_squeeze %dma_start3A_411 : memref<1x128xi32, #tpu.memory_space<vmem>> -> memref<128xi32, #tpu.memory_space<vmem>>
      %dma_start3A_413 = tpu.memref_slice %arg3[%add3A_6] : memref<16384xi32, #tpu.memory_space<hbm>> -> memref<128xi32, #tpu.memory_space<hbm>>
      tpu.enqueue_dma source(%dma_start3A_413 : memref<128xi32, #tpu.memory_space<hbm>>) target(%dma_start3A_412 : memref<128xi32, #tpu.memory_space<vmem>>) target_semaphore(%run_scoped3A_405 : memref<!tpu.dma_semaphore, #tpu.memory_space<semaphore_mem>>)
      %dma_wait3A_414 = arith.constant 0 : i32
      %dma_wait3A_415 = tpu.memref_slice %arg11[%run_scoped3A_7, %dma_wait3A_414] : memref<4x128xi32, #tpu.memory_space<vmem>> -> memref<1x128xi32, #tpu.memory_space<vmem>>
      %dma_wait3A_416 = tpu.memref_squeeze %dma_wait3A_415 : memref<1x128xi32, #tpu.memory_space<vmem>> -> memref<128xi32, #tpu.memory_space<vmem>>
      %dma_wait3A_417 = tpu.memref_slice %arg3[%add3A_6] : memref<16384xi32, #tpu.memory_space<hbm>> -> memref<128xi32, #tpu.memory_space<hbm>>
      %dma_wait3A_418 = arith.constant 0 : i32
      %dma_wait3A_419 = tpu.memref_slice %arg11[%run_scoped3A_7, %dma_wait3A_418] : memref<4x128xi32, #tpu.memory_space<vmem>> -> memref<1x128xi32, #tpu.memory_space<vmem>>
      %dma_wait3A_420 = tpu.memref_squeeze %dma_wait3A_419 : memref<1x128xi32, #tpu.memory_space<vmem>> -> memref<128xi32, #tpu.memory_space<vmem>>
      %dma_wait3A_421 = tpu.memref_slice %arg3[%add3A_6] : memref<16384xi32, #tpu.memory_space<hbm>> -> memref<128xi32, #tpu.memory_space<hbm>>
      tpu.wait_dma2 semaphore(%run_scoped3A_405 : memref<!tpu.dma_semaphore, #tpu.memory_space<semaphore_mem>>) src(%dma_wait3A_421 : memref<128xi32, #tpu.memory_space<hbm>>) dst(%dma_wait3A_420 : memref<128xi32, #tpu.memory_space<vmem>>)
      tpu.yield
    }) : () -> ()
    %add3A_8 = arith.constant 128 : i32
    %add3A_9 = arith.addi %mul3A_2, %add3A_8 : i32
    %run_scoped3A_10 = arith.constant 1 : i32
    "tpu.region"() ({
      %run_scoped3A_405 = tpu.sem_alloc : memref<!tpu.dma_semaphore, #tpu.memory_space<semaphore_mem>>
      %dma_start3A_406 = arith.constant 0 : i32
      %dma_start3A_407 = tpu.memref_slice %arg10[%run_scoped3A_10, %dma_start3A_406] : memref<4x128xi32, #tpu.memory_space<vmem>> -> memref<1x128xi32, #tpu.memory_space<vmem>>
      %dma_start3A_408 = tpu.memref_squeeze %dma_start3A_407 : memref<1x128xi32, #tpu.memory_space<vmem>> -> memref<128xi32, #tpu.memory_space<vmem>>
      %dma_start3A_409 = tpu.memref_slice %arg2[%add3A_9] : memref<16384xi32, #tpu.memory_space<hbm>> -> memref<128xi32, #tpu.memory_space<hbm>>
      %dma_start3A_410 = arith.constant 0 : i32
      %dma_start3A_411 = tpu.memref_slice %arg10[%run_scoped3A_10, %dma_start3A_410] : memref<4x128xi32, #tpu.memory_space<vmem>> -> memref<1x128xi32, #tpu.memory_space<vmem>>
      %dma_start3A_412 = tpu.memref_squeeze %dma_start3A_411 : memref<1x128xi32, #tpu.memory_space<vmem>> -> memref<128xi32, #tpu.memory_space<vmem>>
      %dma_start3A_413 = tpu.memref_slice %arg2[%add3A_9] : memref<16384xi32, #tpu.memory_space<hbm>> -> memref<128xi32, #tpu.memory_space<hbm>>
      tpu.enqueue_dma source(%dma_start3A_413 : memref<128xi32, #tpu.memory_space<hbm>>) target(%dma_start3A_412 : memref<128xi32, #tpu.memory_space<vmem>>) target_semaphore(%run_scoped3A_405 : memref<!tpu.dma_semaphore, #tpu.memory_space<semaphore_mem>>)
      %dma_wait3A_414 = arith.constant 0 : i32
      %dma_wait3A_415 = tpu.memref_slice %arg10[%run_scoped3A_10, %dma_wait3A_414] : memref<4x128xi32, #tpu.memory_space<vmem>> -> memref<1x128xi32, #tpu.memory_space<vmem>>
      %dma_wait3A_416 = tpu.memref_squeeze %dma_wait3A_415 : memref<1x128xi32, #tpu.memory_space<vmem>> -> memref<128xi32, #tpu.memory_space<vmem>>
      %dma_wait3A_417 = tpu.memref_slice %arg2[%add3A_9] : memref<16384xi32, #tpu.memory_space<hbm>> -> memref<128xi32, #tpu.memory_space<hbm>>
      %dma_wait3A_418 = arith.constant 0 : i32
      %dma_wait3A_419 = tpu.memref_slice %arg10[%run_scoped3A_10, %dma_wait3A_418] : memref<4x128xi32, #tpu.memory_space<vmem>> -> memref<1x128xi32, #tpu.memory_space<vmem>>
      %dma_wait3A_420 = tpu.memref_squeeze %dma_wait3A_419 : memref<1x128xi32, #tpu.memory_space<vmem>> -> memref<128xi32, #tpu.memory_space<vmem>>
      %dma_wait3A_421 = tpu.memref_slice %arg2[%add3A_9] : memref<16384xi32, #tpu.memory_space<hbm>> -> memref<128xi32, #tpu.memory_space<hbm>>
      tpu.wait_dma2 semaphore(%run_scoped3A_405 : memref<!tpu.dma_semaphore, #tpu.memory_space<semaphore_mem>>) src(%dma_wait3A_421 : memref<128xi32, #tpu.memory_space<hbm>>) dst(%dma_wait3A_420 : memref<128xi32, #tpu.memory_space<vmem>>)
      tpu.yield
    }) : () -> ()
    %add3A_11 = arith.constant 128 : i32
    %add3A_12 = arith.addi %mul3A_2, %add3A_11 : i32
    %run_scoped3A_13 = arith.constant 1 : i32
    "tpu.region"() ({
      %run_scoped3A_405 = tpu.sem_alloc : memref<!tpu.dma_semaphore, #tpu.memory_space<semaphore_mem>>
      %dma_start3A_406 = arith.constant 0 : i32
      %dma_start3A_407 = tpu.memref_slice %arg11[%run_scoped3A_13, %dma_start3A_406] : memref<4x128xi32, #tpu.memory_space<vmem>> -> memref<1x128xi32, #tpu.memory_space<vmem>>
      %dma_start3A_408 = tpu.memref_squeeze %dma_start3A_407 : memref<1x128xi32, #tpu.memory_space<vmem>> -> memref<128xi32, #tpu.memory_space<vmem>>
      %dma_start3A_409 = tpu.memref_slice %arg3[%add3A_12] : memref<16384xi32, #tpu.memory_space<hbm>> -> memref<128xi32, #tpu.memory_space<hbm>>
      %dma_start3A_410 = arith.constant 0 : i32
      %dma_start3A_411 = tpu.memref_slice %arg11[%run_scoped3A_13, %dma_start3A_410] : memref<4x128xi32, #tpu.memory_space<vmem>> -> memref<1x128xi32, #tpu.memory_space<vmem>>
      %dma_start3A_412 = tpu.memref_squeeze %dma_start3A_411 : memref<1x128xi32, #tpu.memory_space<vmem>> -> memref<128xi32, #tpu.memory_space<vmem>>
      %dma_start3A_413 = tpu.memref_slice %arg3[%add3A_12] : memref<16384xi32, #tpu.memory_space<hbm>> -> memref<128xi32, #tpu.memory_space<hbm>>
      tpu.enqueue_dma source(%dma_start3A_413 : memref<128xi32, #tpu.memory_space<hbm>>) target(%dma_start3A_412 : memref<128xi32, #tpu.memory_space<vmem>>) target_semaphore(%run_scoped3A_405 : memref<!tpu.dma_semaphore, #tpu.memory_space<semaphore_mem>>)
      %dma_wait3A_414 = arith.constant 0 : i32
      %dma_wait3A_415 = tpu.memref_slice %arg11[%run_scoped3A_13, %dma_wait3A_414] : memref<4x128xi32, #tpu.memory_space<vmem>> -> memref<1x128xi32, #tpu.memory_space<vmem>>
      %dma_wait3A_416 = tpu.memref_squeeze %dma_wait3A_415 : memref<1x128xi32, #tpu.memory_space<vmem>> -> memref<128xi32, #tpu.memory_space<vmem>>
      %dma_wait3A_417 = tpu.memref_slice %arg3[%add3A_12] : memref<16384xi32, #tpu.memory_space<hbm>> -> memref<128xi32, #tpu.memory_space<hbm>>
      %dma_wait3A_418 = arith.constant 0 : i32
      %dma_wait3A_419 = tpu.memref_slice %arg11[%run_scoped3A_13, %dma_wait3A_418] : memref<4x128xi32, #tpu.memory_space<vmem>> -> memref<1x128xi32, #tpu.memory_space<vmem>>
      %dma_wait3A_420 = tpu.memref_squeeze %dma_wait3A_419 : memref<1x128xi32, #tpu.memory_space<vmem>> -> memref<128xi32, #tpu.memory_space<vmem>>
      %dma_wait3A_421 = tpu.memref_slice %arg3[%add3A_12] : memref<16384xi32, #tpu.memory_space<hbm>> -> memref<128xi32, #tpu.memory_space<hbm>>
      tpu.wait_dma2 semaphore(%run_scoped3A_405 : memref<!tpu.dma_semaphore, #tpu.memory_space<semaphore_mem>>) src(%dma_wait3A_421 : memref<128xi32, #tpu.memory_space<hbm>>) dst(%dma_wait3A_420 : memref<128xi32, #tpu.memory_space<vmem>>)
      tpu.yield
    }) : () -> ()
    %add3A_14 = arith.constant 256 : i32
    %add3A_15 = arith.addi %mul3A_2, %add3A_14 : i32
    %run_scoped3A_16 = arith.constant 2 : i32
    "tpu.region"() ({
      %run_scoped3A_405 = tpu.sem_alloc : memref<!tpu.dma_semaphore, #tpu.memory_space<semaphore_mem>>
      %dma_start3A_406 = arith.constant 0 : i32
      %dma_start3A_407 = tpu.memref_slice %arg10[%run_scoped3A_16, %dma_start3A_406] : memref<4x128xi32, #tpu.memory_space<vmem>> -> memref<1x128xi32, #tpu.memory_space<vmem>>
      %dma_start3A_408 = tpu.memref_squeeze %dma_start3A_407 : memref<1x128xi32, #tpu.memory_space<vmem>> -> memref<128xi32, #tpu.memory_space<vmem>>
      %dma_start3A_409 = tpu.memref_slice %arg2[%add3A_15] : memref<16384xi32, #tpu.memory_space<hbm>> -> memref<128xi32, #tpu.memory_space<hbm>>
      %dma_start3A_410 = arith.constant 0 : i32
      %dma_start3A_411 = tpu.memref_slice %arg10[%run_scoped3A_16, %dma_start3A_410] : memref<4x128xi32, #tpu.memory_space<vmem>> -> memref<1x128xi32, #tpu.memory_space<vmem>>
      %dma_start3A_412 = tpu.memref_squeeze %dma_start3A_411 : memref<1x128xi32, #tpu.memory_space<vmem>> -> memref<128xi32, #tpu.memory_space<vmem>>
      %dma_start3A_413 = tpu.memref_slice %arg2[%add3A_15] : memref<16384xi32, #tpu.memory_space<hbm>> -> memref<128xi32, #tpu.memory_space<hbm>>
      tpu.enqueue_dma source(%dma_start3A_413 : memref<128xi32, #tpu.memory_space<hbm>>) target(%dma_start3A_412 : memref<128xi32, #tpu.memory_space<vmem>>) target_semaphore(%run_scoped3A_405 : memref<!tpu.dma_semaphore, #tpu.memory_space<semaphore_mem>>)
      %dma_wait3A_414 = arith.constant 0 : i32
      %dma_wait3A_415 = tpu.memref_slice %arg10[%run_scoped3A_16, %dma_wait3A_414] : memref<4x128xi32, #tpu.memory_space<vmem>> -> memref<1x128xi32, #tpu.memory_space<vmem>>
      %dma_wait3A_416 = tpu.memref_squeeze %dma_wait3A_415 : memref<1x128xi32, #tpu.memory_space<vmem>> -> memref<128xi32, #tpu.memory_space<vmem>>
      %dma_wait3A_417 = tpu.memref_slice %arg2[%add3A_15] : memref<16384xi32, #tpu.memory_space<hbm>> -> memref<128xi32, #tpu.memory_space<hbm>>
      %dma_wait3A_418 = arith.constant 0 : i32
      %dma_wait3A_419 = tpu.memref_slice %arg10[%run_scoped3A_16, %dma_wait3A_418] : memref<4x128xi32, #tpu.memory_space<vmem>> -> memref<1x128xi32, #tpu.memory_space<vmem>>
      %dma_wait3A_420 = tpu.memref_squeeze %dma_wait3A_419 : memref<1x128xi32, #tpu.memory_space<vmem>> -> memref<128xi32, #tpu.memory_space<vmem>>
      %dma_wait3A_421 = tpu.memref_slice %arg2[%add3A_15] : memref<16384xi32, #tpu.memory_space<hbm>> -> memref<128xi32, #tpu.memory_space<hbm>>
      tpu.wait_dma2 semaphore(%run_scoped3A_405 : memref<!tpu.dma_semaphore, #tpu.memory_space<semaphore_mem>>) src(%dma_wait3A_421 : memref<128xi32, #tpu.memory_space<hbm>>) dst(%dma_wait3A_420 : memref<128xi32, #tpu.memory_space<vmem>>)
      tpu.yield
    }) : () -> ()
    %add3A_17 = arith.constant 256 : i32
    %add3A_18 = arith.addi %mul3A_2, %add3A_17 : i32
    %run_scoped3A_19 = arith.constant 2 : i32
    "tpu.region"() ({
      %run_scoped3A_405 = tpu.sem_alloc : memref<!tpu.dma_semaphore, #tpu.memory_space<semaphore_mem>>
      %dma_start3A_406 = arith.constant 0 : i32
      %dma_start3A_407 = tpu.memref_slice %arg11[%run_scoped3A_19, %dma_start3A_406] : memref<4x128xi32, #tpu.memory_space<vmem>> -> memref<1x128xi32, #tpu.memory_space<vmem>>
      %dma_start3A_408 = tpu.memref_squeeze %dma_start3A_407 : memref<1x128xi32, #tpu.memory_space<vmem>> -> memref<128xi32, #tpu.memory_space<vmem>>
      %dma_start3A_409 = tpu.memref_slice %arg3[%add3A_18] : memref<16384xi32, #tpu.memory_space<hbm>> -> memref<128xi32, #tpu.memory_space<hbm>>
      %dma_start3A_410 = arith.constant 0 : i32
      %dma_start3A_411 = tpu.memref_slice %arg11[%run_scoped3A_19, %dma_start3A_410] : memref<4x128xi32, #tpu.memory_space<vmem>> -> memref<1x128xi32, #tpu.memory_space<vmem>>
      %dma_start3A_412 = tpu.memref_squeeze %dma_start3A_411 : memref<1x128xi32, #tpu.memory_space<vmem>> -> memref<128xi32, #tpu.memory_space<vmem>>
      %dma_start3A_413 = tpu.memref_slice %arg3[%add3A_18] : memref<16384xi32, #tpu.memory_space<hbm>> -> memref<128xi32, #tpu.memory_space<hbm>>
      tpu.enqueue_dma source(%dma_start3A_413 : memref<128xi32, #tpu.memory_space<hbm>>) target(%dma_start3A_412 : memref<128xi32, #tpu.memory_space<vmem>>) target_semaphore(%run_scoped3A_405 : memref<!tpu.dma_semaphore, #tpu.memory_space<semaphore_mem>>)
      %dma_wait3A_414 = arith.constant 0 : i32
      %dma_wait3A_415 = tpu.memref_slice %arg11[%run_scoped3A_19, %dma_wait3A_414] : memref<4x128xi32, #tpu.memory_space<vmem>> -> memref<1x128xi32, #tpu.memory_space<vmem>>
      %dma_wait3A_416 = tpu.memref_squeeze %dma_wait3A_415 : memref<1x128xi32, #tpu.memory_space<vmem>> -> memref<128xi32, #tpu.memory_space<vmem>>
      %dma_wait3A_417 = tpu.memref_slice %arg3[%add3A_18] : memref<16384xi32, #tpu.memory_space<hbm>> -> memref<128xi32, #tpu.memory_space<hbm>>
      %dma_wait3A_418 = arith.constant 0 : i32
      %dma_wait3A_419 = tpu.memref_slice %arg11[%run_scoped3A_19, %dma_wait3A_418] : memref<4x128xi32, #tpu.memory_space<vmem>> -> memref<1x128xi32, #tpu.memory_space<vmem>>
      %dma_wait3A_420 = tpu.memref_squeeze %dma_wait3A_419 : memref<1x128xi32, #tpu.memory_space<vmem>> -> memref<128xi32, #tpu.memory_space<vmem>>
      %dma_wait3A_421 = tpu.memref_slice %arg3[%add3A_18] : memref<16384xi32, #tpu.memory_space<hbm>> -> memref<128xi32, #tpu.memory_space<hbm>>
      tpu.wait_dma2 semaphore(%run_scoped3A_405 : memref<!tpu.dma_semaphore, #tpu.memory_space<semaphore_mem>>) src(%dma_wait3A_421 : memref<128xi32, #tpu.memory_space<hbm>>) dst(%dma_wait3A_420 : memref<128xi32, #tpu.memory_space<vmem>>)
      tpu.yield
    }) : () -> ()
    %add3A_20 = arith.constant 384 : i32
    %add3A_21 = arith.addi %mul3A_2, %add3A_20 : i32
    %run_scoped3A_22 = arith.constant 3 : i32
    "tpu.region"() ({
      %run_scoped3A_405 = tpu.sem_alloc : memref<!tpu.dma_semaphore, #tpu.memory_space<semaphore_mem>>
      %dma_start3A_406 = arith.constant 0 : i32
      %dma_start3A_407 = tpu.memref_slice %arg10[%run_scoped3A_22, %dma_start3A_406] : memref<4x128xi32, #tpu.memory_space<vmem>> -> memref<1x128xi32, #tpu.memory_space<vmem>>
      %dma_start3A_408 = tpu.memref_squeeze %dma_start3A_407 : memref<1x128xi32, #tpu.memory_space<vmem>> -> memref<128xi32, #tpu.memory_space<vmem>>
      %dma_start3A_409 = tpu.memref_slice %arg2[%add3A_21] : memref<16384xi32, #tpu.memory_space<hbm>> -> memref<128xi32, #tpu.memory_space<hbm>>
      %dma_start3A_410 = arith.constant 0 : i32
      %dma_start3A_411 = tpu.memref_slice %arg10[%run_scoped3A_22, %dma_start3A_410] : memref<4x128xi32, #tpu.memory_space<vmem>> -> memref<1x128xi32, #tpu.memory_space<vmem>>
      %dma_start3A_412 = tpu.memref_squeeze %dma_start3A_411 : memref<1x128xi32, #tpu.memory_space<vmem>> -> memref<128xi32, #tpu.memory_space<vmem>>
      %dma_start3A_413 = tpu.memref_slice %arg2[%add3A_21] : memref<16384xi32, #tpu.memory_space<hbm>> -> memref<128xi32, #tpu.memory_space<hbm>>
      tpu.enqueue_dma source(%dma_start3A_413 : memref<128xi32, #tpu.memory_space<hbm>>) target(%dma_start3A_412 : memref<128xi32, #tpu.memory_space<vmem>>) target_semaphore(%run_scoped3A_405 : memref<!tpu.dma_semaphore, #tpu.memory_space<semaphore_mem>>)
      %dma_wait3A_414 = arith.constant 0 : i32
      %dma_wait3A_415 = tpu.memref_slice %arg10[%run_scoped3A_22, %dma_wait3A_414] : memref<4x128xi32, #tpu.memory_space<vmem>> -> memref<1x128xi32, #tpu.memory_space<vmem>>
      %dma_wait3A_416 = tpu.memref_squeeze %dma_wait3A_415 : memref<1x128xi32, #tpu.memory_space<vmem>> -> memref<128xi32, #tpu.memory_space<vmem>>
      %dma_wait3A_417 = tpu.memref_slice %arg2[%add3A_21] : memref<16384xi32, #tpu.memory_space<hbm>> -> memref<128xi32, #tpu.memory_space<hbm>>
      %dma_wait3A_418 = arith.constant 0 : i32
      %dma_wait3A_419 = tpu.memref_slice %arg10[%run_scoped3A_22, %dma_wait3A_418] : memref<4x128xi32, #tpu.memory_space<vmem>> -> memref<1x128xi32, #tpu.memory_space<vmem>>
      %dma_wait3A_420 = tpu.memref_squeeze %dma_wait3A_419 : memref<1x128xi32, #tpu.memory_space<vmem>> -> memref<128xi32, #tpu.memory_space<vmem>>
      %dma_wait3A_421 = tpu.memref_slice %arg2[%add3A_21] : memref<16384xi32, #tpu.memory_space<hbm>> -> memref<128xi32, #tpu.memory_space<hbm>>
      tpu.wait_dma2 semaphore(%run_scoped3A_405 : memref<!tpu.dma_semaphore, #tpu.memory_space<semaphore_mem>>) src(%dma_wait3A_421 : memref<128xi32, #tpu.memory_space<hbm>>) dst(%dma_wait3A_420 : memref<128xi32, #tpu.memory_space<vmem>>)
      tpu.yield
    }) : () -> ()
    %add3A_23 = arith.constant 384 : i32
    %add3A_24 = arith.addi %mul3A_2, %add3A_23 : i32
    %run_scoped3A_25 = arith.constant 3 : i32
    "tpu.region"() ({
      %run_scoped3A_405 = tpu.sem_alloc : memref<!tpu.dma_semaphore, #tpu.memory_space<semaphore_mem>>
      %dma_start3A_406 = arith.constant 0 : i32
      %dma_start3A_407 = tpu.memref_slice %arg11[%run_scoped3A_25, %dma_start3A_406] : memref<4x128xi32, #tpu.memory_space<vmem>> -> memref<1x128xi32, #tpu.memory_space<vmem>>
      %dma_start3A_408 = tpu.memref_squeeze %dma_start3A_407 : memref<1x128xi32, #tpu.memory_space<vmem>> -> memref<128xi32, #tpu.memory_space<vmem>>
      %dma_start3A_409 = tpu.memref_slice %arg3[%add3A_24] : memref<16384xi32, #tpu.memory_space<hbm>> -> memref<128xi32, #tpu.memory_space<hbm>>
      %dma_start3A_410 = arith.constant 0 : i32
      %dma_start3A_411 = tpu.memref_slice %arg11[%run_scoped3A_25, %dma_start3A_410] : memref<4x128xi32, #tpu.memory_space<vmem>> -> memref<1x128xi32, #tpu.memory_space<vmem>>
      %dma_start3A_412 = tpu.memref_squeeze %dma_start3A_411 : memref<1x128xi32, #tpu.memory_space<vmem>> -> memref<128xi32, #tpu.memory_space<vmem>>
      %dma_start3A_413 = tpu.memref_slice %arg3[%add3A_24] : memref<16384xi32, #tpu.memory_space<hbm>> -> memref<128xi32, #tpu.memory_space<hbm>>
      tpu.enqueue_dma source(%dma_start3A_413 : memref<128xi32, #tpu.memory_space<hbm>>) target(%dma_start3A_412 : memref<128xi32, #tpu.memory_space<vmem>>) target_semaphore(%run_scoped3A_405 : memref<!tpu.dma_semaphore, #tpu.memory_space<semaphore_mem>>)
      %dma_wait3A_414 = arith.constant 0 : i32
      %dma_wait3A_415 = tpu.memref_slice %arg11[%run_scoped3A_25, %dma_wait3A_414] : memref<4x128xi32, #tpu.memory_space<vmem>> -> memref<1x128xi32, #tpu.memory_space<vmem>>
      %dma_wait3A_416 = tpu.memref_squeeze %dma_wait3A_415 : memref<1x128xi32, #tpu.memory_space<vmem>> -> memref<128xi32, #tpu.memory_space<vmem>>
      %dma_wait3A_417 = tpu.memref_slice %arg3[%add3A_24] : memref<16384xi32, #tpu.memory_space<hbm>> -> memref<128xi32, #tpu.memory_space<hbm>>
      %dma_wait3A_418 = arith.constant 0 : i32
      %dma_wait3A_419 = tpu.memref_slice %arg11[%run_scoped3A_25, %dma_wait3A_418] : memref<4x128xi32, #tpu.memory_space<vmem>> -> memref<1x128xi32, #tpu.memory_space<vmem>>
      %dma_wait3A_420 = tpu.memref_squeeze %dma_wait3A_419 : memref<1x128xi32, #tpu.memory_space<vmem>> -> memref<128xi32, #tpu.memory_space<vmem>>
      %dma_wait3A_421 = tpu.memref_slice %arg3[%add3A_24] : memref<16384xi32, #tpu.memory_space<hbm>> -> memref<128xi32, #tpu.memory_space<hbm>>
      tpu.wait_dma2 semaphore(%run_scoped3A_405 : memref<!tpu.dma_semaphore, #tpu.memory_space<semaphore_mem>>) src(%dma_wait3A_421 : memref<128xi32, #tpu.memory_space<hbm>>) dst(%dma_wait3A_420 : memref<128xi32, #tpu.memory_space<vmem>>)
      tpu.yield
    }) : () -> ()
    %dma_start3A = arith.constant 0 : i32
    %dma_start3A_26 = arith.constant 0 : i32
    %dma_start3A_27 = arith.constant 0 : i32
    %dma_start3A_28 = arith.constant 0 : i32
    %dma_start3A_29 = tpu.memref_slice %arg12[%dma_start3A_26, %dma_start3A_27, %dma_start3A_28] : memref<4x128x32xf32, #tpu.memory_space<vmem>> -> memref<1x128x32xf32, #tpu.memory_space<vmem>>
    %dma_start3A_30 = tpu.memref_squeeze %dma_start3A_29 : memref<1x128x32xf32, #tpu.memory_space<vmem>> -> memref<128x32xf32, #tpu.memory_space<vmem>>
    %dma_start3A_31 = arith.constant 0 : i32
    %dma_start3A_32 = tpu.memref_slice %arg10[%dma_start3A, %dma_start3A_31] : memref<4x128xi32, #tpu.memory_space<vmem>> -> memref<1x128xi32, #tpu.memory_space<vmem>>
    %dma_start3A_33 = tpu.memref_squeeze %dma_start3A_32 : memref<1x128xi32, #tpu.memory_space<vmem>> -> memref<128xi32, #tpu.memory_space<vmem>>
    %dma_start3A_34 = arith.constant 0 : i32
    %dma_start3A_35 = arith.constant 0 : i32
    %dma_start3A_36 = tpu.memref_slice %arg4[%dma_start3A_34, %dma_start3A_35] : memref<1000000x32xf32, #tpu.memory_space<hbm>> -> memref<1000000x32xf32, #tpu.memory_space<hbm>>
    tpu.enqueue_indirect_dma source(%dma_start3A_36 : memref<1000000x32xf32, #tpu.memory_space<hbm>>) target(%dma_start3A_30 : memref<128x32xf32, #tpu.memory_space<vmem>>) offsets(%dma_start3A_33 : memref<128xi32, #tpu.memory_space<vmem>>) semaphore(%arg18 : memref<!tpu.dma_semaphore, #tpu.memory_space<semaphore_mem>>)
    %dma_start3A_37 = arith.constant 0 : i32
    %dma_start3A_38 = arith.constant 0 : i32
    %dma_start3A_39 = arith.constant 0 : i32
    %dma_start3A_40 = arith.constant 0 : i32
    %dma_start3A_41 = tpu.memref_slice %arg13[%dma_start3A_38, %dma_start3A_39, %dma_start3A_40] : memref<4x128x32xf32, #tpu.memory_space<vmem>> -> memref<1x128x32xf32, #tpu.memory_space<vmem>>
    %dma_start3A_42 = tpu.memref_squeeze %dma_start3A_41 : memref<1x128x32xf32, #tpu.memory_space<vmem>> -> memref<128x32xf32, #tpu.memory_space<vmem>>
    %dma_start3A_43 = arith.constant 0 : i32
    %dma_start3A_44 = tpu.memref_slice %arg11[%dma_start3A_37, %dma_start3A_43] : memref<4x128xi32, #tpu.memory_space<vmem>> -> memref<1x128xi32, #tpu.memory_space<vmem>>
    %dma_start3A_45 = tpu.memref_squeeze %dma_start3A_44 : memref<1x128xi32, #tpu.memory_space<vmem>> -> memref<128xi32, #tpu.memory_space<vmem>>
    %dma_start3A_46 = arith.constant 0 : i32
    %dma_start3A_47 = arith.constant 0 : i32
    %dma_start3A_48 = tpu.memref_slice %arg5[%dma_start3A_46, %dma_start3A_47] : memref<1000000x32xf32, #tpu.memory_space<hbm>> -> memref<1000000x32xf32, #tpu.memory_space<hbm>>
    tpu.enqueue_indirect_dma source(%dma_start3A_48 : memref<1000000x32xf32, #tpu.memory_space<hbm>>) target(%dma_start3A_42 : memref<128x32xf32, #tpu.memory_space<vmem>>) offsets(%dma_start3A_45 : memref<128xi32, #tpu.memory_space<vmem>>) semaphore(%arg18 : memref<!tpu.dma_semaphore, #tpu.memory_space<semaphore_mem>>)
    %dma_start3A_49 = arith.constant 0 : i32
    %dma_start3A_50 = arith.constant 0 : i32
    %dma_start3A_51 = arith.constant 0 : i32
    %dma_start3A_52 = tpu.memref_slice %arg14[%dma_start3A_50, %dma_start3A_51] : memref<4x128xf32, #tpu.memory_space<vmem>> -> memref<1x128xf32, #tpu.memory_space<vmem>>
    %dma_start3A_53 = tpu.memref_squeeze %dma_start3A_52 : memref<1x128xf32, #tpu.memory_space<vmem>> -> memref<128xf32, #tpu.memory_space<vmem>>
    %dma_start3A_54 = arith.constant 0 : i32
    %dma_start3A_55 = tpu.memref_slice %arg10[%dma_start3A_49, %dma_start3A_54] : memref<4x128xi32, #tpu.memory_space<vmem>> -> memref<1x128xi32, #tpu.memory_space<vmem>>
    %dma_start3A_56 = tpu.memref_squeeze %dma_start3A_55 : memref<1x128xi32, #tpu.memory_space<vmem>> -> memref<128xi32, #tpu.memory_space<vmem>>
    %dma_start3A_57 = arith.constant 0 : i32
    %dma_start3A_58 = tpu.memref_slice %arg6[%dma_start3A_57] : memref<1000000xf32, #tpu.memory_space<hbm>> -> memref<1000000xf32, #tpu.memory_space<hbm>>
    tpu.enqueue_indirect_dma source(%dma_start3A_58 : memref<1000000xf32, #tpu.memory_space<hbm>>) target(%dma_start3A_53 : memref<128xf32, #tpu.memory_space<vmem>>) offsets(%dma_start3A_56 : memref<128xi32, #tpu.memory_space<vmem>>) semaphore(%arg19 : memref<!tpu.dma_semaphore, #tpu.memory_space<semaphore_mem>>)
    %dma_start3A_59 = arith.constant 0 : i32
    %dma_start3A_60 = arith.constant 0 : i32
    %dma_start3A_61 = arith.constant 0 : i32
    %dma_start3A_62 = tpu.memref_slice %arg15[%dma_start3A_60, %dma_start3A_61] : memref<4x128xf32, #tpu.memory_space<vmem>> -> memref<1x128xf32, #tpu.memory_space<vmem>>
    %dma_start3A_63 = tpu.memref_squeeze %dma_start3A_62 : memref<1x128xf32, #tpu.memory_space<vmem>> -> memref<128xf32, #tpu.memory_space<vmem>>
    %dma_start3A_64 = arith.constant 0 : i32
    %dma_start3A_65 = tpu.memref_slice %arg11[%dma_start3A_59, %dma_start3A_64] : memref<4x128xi32, #tpu.memory_space<vmem>> -> memref<1x128xi32, #tpu.memory_space<vmem>>
    %dma_start3A_66 = tpu.memref_squeeze %dma_start3A_65 : memref<1x128xi32, #tpu.memory_space<vmem>> -> memref<128xi32, #tpu.memory_space<vmem>>
    %dma_start3A_67 = arith.constant 0 : i32
    %dma_start3A_68 = tpu.memref_slice %arg7[%dma_start3A_67] : memref<1000000xf32, #tpu.memory_space<hbm>> -> memref<1000000xf32, #tpu.memory_space<hbm>>
    tpu.enqueue_indirect_dma source(%dma_start3A_68 : memref<1000000xf32, #tpu.memory_space<hbm>>) target(%dma_start3A_63 : memref<128xf32, #tpu.memory_space<vmem>>) offsets(%dma_start3A_66 : memref<128xi32, #tpu.memory_space<vmem>>) semaphore(%arg19 : memref<!tpu.dma_semaphore, #tpu.memory_space<semaphore_mem>>)
    %dma_start3A_69 = arith.constant 1 : i32
    %dma_start3A_70 = arith.constant 1 : i32
    %dma_start3A_71 = arith.constant 0 : i32
    %dma_start3A_72 = arith.constant 0 : i32
    %dma_start3A_73 = tpu.memref_slice %arg12[%dma_start3A_70, %dma_start3A_71, %dma_start3A_72] : memref<4x128x32xf32, #tpu.memory_space<vmem>> -> memref<1x128x32xf32, #tpu.memory_space<vmem>>
    %dma_start3A_74 = tpu.memref_squeeze %dma_start3A_73 : memref<1x128x32xf32, #tpu.memory_space<vmem>> -> memref<128x32xf32, #tpu.memory_space<vmem>>
    %dma_start3A_75 = arith.constant 0 : i32
    %dma_start3A_76 = tpu.memref_slice %arg10[%dma_start3A_69, %dma_start3A_75] : memref<4x128xi32, #tpu.memory_space<vmem>> -> memref<1x128xi32, #tpu.memory_space<vmem>>
    %dma_start3A_77 = tpu.memref_squeeze %dma_start3A_76 : memref<1x128xi32, #tpu.memory_space<vmem>> -> memref<128xi32, #tpu.memory_space<vmem>>
    %dma_start3A_78 = arith.constant 0 : i32
    %dma_start3A_79 = arith.constant 0 : i32
    %dma_start3A_80 = tpu.memref_slice %arg4[%dma_start3A_78, %dma_start3A_79] : memref<1000000x32xf32, #tpu.memory_space<hbm>> -> memref<1000000x32xf32, #tpu.memory_space<hbm>>
    tpu.enqueue_indirect_dma source(%dma_start3A_80 : memref<1000000x32xf32, #tpu.memory_space<hbm>>) target(%dma_start3A_74 : memref<128x32xf32, #tpu.memory_space<vmem>>) offsets(%dma_start3A_77 : memref<128xi32, #tpu.memory_space<vmem>>) semaphore(%arg18 : memref<!tpu.dma_semaphore, #tpu.memory_space<semaphore_mem>>)
    %dma_start3A_81 = arith.constant 1 : i32
    %dma_start3A_82 = arith.constant 1 : i32
    %dma_start3A_83 = arith.constant 0 : i32
    %dma_start3A_84 = arith.constant 0 : i32
    %dma_start3A_85 = tpu.memref_slice %arg13[%dma_start3A_82, %dma_start3A_83, %dma_start3A_84] : memref<4x128x32xf32, #tpu.memory_space<vmem>> -> memref<1x128x32xf32, #tpu.memory_space<vmem>>
    %dma_start3A_86 = tpu.memref_squeeze %dma_start3A_85 : memref<1x128x32xf32, #tpu.memory_space<vmem>> -> memref<128x32xf32, #tpu.memory_space<vmem>>
    %dma_start3A_87 = arith.constant 0 : i32
    %dma_start3A_88 = tpu.memref_slice %arg11[%dma_start3A_81, %dma_start3A_87] : memref<4x128xi32, #tpu.memory_space<vmem>> -> memref<1x128xi32, #tpu.memory_space<vmem>>
    %dma_start3A_89 = tpu.memref_squeeze %dma_start3A_88 : memref<1x128xi32, #tpu.memory_space<vmem>> -> memref<128xi32, #tpu.memory_space<vmem>>
    %dma_start3A_90 = arith.constant 0 : i32
    %dma_start3A_91 = arith.constant 0 : i32
    %dma_start3A_92 = tpu.memref_slice %arg5[%dma_start3A_90, %dma_start3A_91] : memref<1000000x32xf32, #tpu.memory_space<hbm>> -> memref<1000000x32xf32, #tpu.memory_space<hbm>>
    tpu.enqueue_indirect_dma source(%dma_start3A_92 : memref<1000000x32xf32, #tpu.memory_space<hbm>>) target(%dma_start3A_86 : memref<128x32xf32, #tpu.memory_space<vmem>>) offsets(%dma_start3A_89 : memref<128xi32, #tpu.memory_space<vmem>>) semaphore(%arg18 : memref<!tpu.dma_semaphore, #tpu.memory_space<semaphore_mem>>)
    %dma_start3A_93 = arith.constant 1 : i32
    %dma_start3A_94 = arith.constant 1 : i32
    %dma_start3A_95 = arith.constant 0 : i32
    %dma_start3A_96 = tpu.memref_slice %arg14[%dma_start3A_94, %dma_start3A_95] : memref<4x128xf32, #tpu.memory_space<vmem>> -> memref<1x128xf32, #tpu.memory_space<vmem>>
    %dma_start3A_97 = tpu.memref_squeeze %dma_start3A_96 : memref<1x128xf32, #tpu.memory_space<vmem>> -> memref<128xf32, #tpu.memory_space<vmem>>
    %dma_start3A_98 = arith.constant 0 : i32
    %dma_start3A_99 = tpu.memref_slice %arg10[%dma_start3A_93, %dma_start3A_98] : memref<4x128xi32, #tpu.memory_space<vmem>> -> memref<1x128xi32, #tpu.memory_space<vmem>>
    %dma_start3A_100 = tpu.memref_squeeze %dma_start3A_99 : memref<1x128xi32, #tpu.memory_space<vmem>> -> memref<128xi32, #tpu.memory_space<vmem>>
    %dma_start3A_101 = arith.constant 0 : i32
    %dma_start3A_102 = tpu.memref_slice %arg6[%dma_start3A_101] : memref<1000000xf32, #tpu.memory_space<hbm>> -> memref<1000000xf32, #tpu.memory_space<hbm>>
    tpu.enqueue_indirect_dma source(%dma_start3A_102 : memref<1000000xf32, #tpu.memory_space<hbm>>) target(%dma_start3A_97 : memref<128xf32, #tpu.memory_space<vmem>>) offsets(%dma_start3A_100 : memref<128xi32, #tpu.memory_space<vmem>>) semaphore(%arg19 : memref<!tpu.dma_semaphore, #tpu.memory_space<semaphore_mem>>)
    %dma_start3A_103 = arith.constant 1 : i32
    %dma_start3A_104 = arith.constant 1 : i32
    %dma_start3A_105 = arith.constant 0 : i32
    %dma_start3A_106 = tpu.memref_slice %arg15[%dma_start3A_104, %dma_start3A_105] : memref<4x128xf32, #tpu.memory_space<vmem>> -> memref<1x128xf32, #tpu.memory_space<vmem>>
    %dma_start3A_107 = tpu.memref_squeeze %dma_start3A_106 : memref<1x128xf32, #tpu.memory_space<vmem>> -> memref<128xf32, #tpu.memory_space<vmem>>
    %dma_start3A_108 = arith.constant 0 : i32
    %dma_start3A_109 = tpu.memref_slice %arg11[%dma_start3A_103, %dma_start3A_108] : memref<4x128xi32, #tpu.memory_space<vmem>> -> memref<1x128xi32, #tpu.memory_space<vmem>>
    %dma_start3A_110 = tpu.memref_squeeze %dma_start3A_109 : memref<1x128xi32, #tpu.memory_space<vmem>> -> memref<128xi32, #tpu.memory_space<vmem>>
    %dma_start3A_111 = arith.constant 0 : i32
    %dma_start3A_112 = tpu.memref_slice %arg7[%dma_start3A_111] : memref<1000000xf32, #tpu.memory_space<hbm>> -> memref<1000000xf32, #tpu.memory_space<hbm>>
    tpu.enqueue_indirect_dma source(%dma_start3A_112 : memref<1000000xf32, #tpu.memory_space<hbm>>) target(%dma_start3A_107 : memref<128xf32, #tpu.memory_space<vmem>>) offsets(%dma_start3A_110 : memref<128xi32, #tpu.memory_space<vmem>>) semaphore(%arg19 : memref<!tpu.dma_semaphore, #tpu.memory_space<semaphore_mem>>)
    %dma_start3A_113 = arith.constant 2 : i32
    %dma_start3A_114 = arith.constant 2 : i32
    %dma_start3A_115 = arith.constant 0 : i32
    %dma_start3A_116 = arith.constant 0 : i32
    %dma_start3A_117 = tpu.memref_slice %arg12[%dma_start3A_114, %dma_start3A_115, %dma_start3A_116] : memref<4x128x32xf32, #tpu.memory_space<vmem>> -> memref<1x128x32xf32, #tpu.memory_space<vmem>>
    %dma_start3A_118 = tpu.memref_squeeze %dma_start3A_117 : memref<1x128x32xf32, #tpu.memory_space<vmem>> -> memref<128x32xf32, #tpu.memory_space<vmem>>
    %dma_start3A_119 = arith.constant 0 : i32
    %dma_start3A_120 = tpu.memref_slice %arg10[%dma_start3A_113, %dma_start3A_119] : memref<4x128xi32, #tpu.memory_space<vmem>> -> memref<1x128xi32, #tpu.memory_space<vmem>>
    %dma_start3A_121 = tpu.memref_squeeze %dma_start3A_120 : memref<1x128xi32, #tpu.memory_space<vmem>> -> memref<128xi32, #tpu.memory_space<vmem>>
    %dma_start3A_122 = arith.constant 0 : i32
    %dma_start3A_123 = arith.constant 0 : i32
    %dma_start3A_124 = tpu.memref_slice %arg4[%dma_start3A_122, %dma_start3A_123] : memref<1000000x32xf32, #tpu.memory_space<hbm>> -> memref<1000000x32xf32, #tpu.memory_space<hbm>>
    tpu.enqueue_indirect_dma source(%dma_start3A_124 : memref<1000000x32xf32, #tpu.memory_space<hbm>>) target(%dma_start3A_118 : memref<128x32xf32, #tpu.memory_space<vmem>>) offsets(%dma_start3A_121 : memref<128xi32, #tpu.memory_space<vmem>>) semaphore(%arg18 : memref<!tpu.dma_semaphore, #tpu.memory_space<semaphore_mem>>)
    %dma_start3A_125 = arith.constant 2 : i32
    %dma_start3A_126 = arith.constant 2 : i32
    %dma_start3A_127 = arith.constant 0 : i32
    %dma_start3A_128 = arith.constant 0 : i32
    %dma_start3A_129 = tpu.memref_slice %arg13[%dma_start3A_126, %dma_start3A_127, %dma_start3A_128] : memref<4x128x32xf32, #tpu.memory_space<vmem>> -> memref<1x128x32xf32, #tpu.memory_space<vmem>>
    %dma_start3A_130 = tpu.memref_squeeze %dma_start3A_129 : memref<1x128x32xf32, #tpu.memory_space<vmem>> -> memref<128x32xf32, #tpu.memory_space<vmem>>
    %dma_start3A_131 = arith.constant 0 : i32
    %dma_start3A_132 = tpu.memref_slice %arg11[%dma_start3A_125, %dma_start3A_131] : memref<4x128xi32, #tpu.memory_space<vmem>> -> memref<1x128xi32, #tpu.memory_space<vmem>>
    %dma_start3A_133 = tpu.memref_squeeze %dma_start3A_132 : memref<1x128xi32, #tpu.memory_space<vmem>> -> memref<128xi32, #tpu.memory_space<vmem>>
    %dma_start3A_134 = arith.constant 0 : i32
    %dma_start3A_135 = arith.constant 0 : i32
    %dma_start3A_136 = tpu.memref_slice %arg5[%dma_start3A_134, %dma_start3A_135] : memref<1000000x32xf32, #tpu.memory_space<hbm>> -> memref<1000000x32xf32, #tpu.memory_space<hbm>>
    tpu.enqueue_indirect_dma source(%dma_start3A_136 : memref<1000000x32xf32, #tpu.memory_space<hbm>>) target(%dma_start3A_130 : memref<128x32xf32, #tpu.memory_space<vmem>>) offsets(%dma_start3A_133 : memref<128xi32, #tpu.memory_space<vmem>>) semaphore(%arg18 : memref<!tpu.dma_semaphore, #tpu.memory_space<semaphore_mem>>)
    %dma_start3A_137 = arith.constant 2 : i32
    %dma_start3A_138 = arith.constant 2 : i32
    %dma_start3A_139 = arith.constant 0 : i32
    %dma_start3A_140 = tpu.memref_slice %arg14[%dma_start3A_138, %dma_start3A_139] : memref<4x128xf32, #tpu.memory_space<vmem>> -> memref<1x128xf32, #tpu.memory_space<vmem>>
    %dma_start3A_141 = tpu.memref_squeeze %dma_start3A_140 : memref<1x128xf32, #tpu.memory_space<vmem>> -> memref<128xf32, #tpu.memory_space<vmem>>
    %dma_start3A_142 = arith.constant 0 : i32
    %dma_start3A_143 = tpu.memref_slice %arg10[%dma_start3A_137, %dma_start3A_142] : memref<4x128xi32, #tpu.memory_space<vmem>> -> memref<1x128xi32, #tpu.memory_space<vmem>>
    %dma_start3A_144 = tpu.memref_squeeze %dma_start3A_143 : memref<1x128xi32, #tpu.memory_space<vmem>> -> memref<128xi32, #tpu.memory_space<vmem>>
    %dma_start3A_145 = arith.constant 0 : i32
    %dma_start3A_146 = tpu.memref_slice %arg6[%dma_start3A_145] : memref<1000000xf32, #tpu.memory_space<hbm>> -> memref<1000000xf32, #tpu.memory_space<hbm>>
    tpu.enqueue_indirect_dma source(%dma_start3A_146 : memref<1000000xf32, #tpu.memory_space<hbm>>) target(%dma_start3A_141 : memref<128xf32, #tpu.memory_space<vmem>>) offsets(%dma_start3A_144 : memref<128xi32, #tpu.memory_space<vmem>>) semaphore(%arg19 : memref<!tpu.dma_semaphore, #tpu.memory_space<semaphore_mem>>)
    %dma_start3A_147 = arith.constant 2 : i32
    %dma_start3A_148 = arith.constant 2 : i32
    %dma_start3A_149 = arith.constant 0 : i32
    %dma_start3A_150 = tpu.memref_slice %arg15[%dma_start3A_148, %dma_start3A_149] : memref<4x128xf32, #tpu.memory_space<vmem>> -> memref<1x128xf32, #tpu.memory_space<vmem>>
    %dma_start3A_151 = tpu.memref_squeeze %dma_start3A_150 : memref<1x128xf32, #tpu.memory_space<vmem>> -> memref<128xf32, #tpu.memory_space<vmem>>
    %dma_start3A_152 = arith.constant 0 : i32
    %dma_start3A_153 = tpu.memref_slice %arg11[%dma_start3A_147, %dma_start3A_152] : memref<4x128xi32, #tpu.memory_space<vmem>> -> memref<1x128xi32, #tpu.memory_space<vmem>>
    %dma_start3A_154 = tpu.memref_squeeze %dma_start3A_153 : memref<1x128xi32, #tpu.memory_space<vmem>> -> memref<128xi32, #tpu.memory_space<vmem>>
    %dma_start3A_155 = arith.constant 0 : i32
    %dma_start3A_156 = tpu.memref_slice %arg7[%dma_start3A_155] : memref<1000000xf32, #tpu.memory_space<hbm>> -> memref<1000000xf32, #tpu.memory_space<hbm>>
    tpu.enqueue_indirect_dma source(%dma_start3A_156 : memref<1000000xf32, #tpu.memory_space<hbm>>) target(%dma_start3A_151 : memref<128xf32, #tpu.memory_space<vmem>>) offsets(%dma_start3A_154 : memref<128xi32, #tpu.memory_space<vmem>>) semaphore(%arg19 : memref<!tpu.dma_semaphore, #tpu.memory_space<semaphore_mem>>)
    %dma_start3A_157 = arith.constant 3 : i32
    %dma_start3A_158 = arith.constant 3 : i32
    %dma_start3A_159 = arith.constant 0 : i32
    %dma_start3A_160 = arith.constant 0 : i32
    %dma_start3A_161 = tpu.memref_slice %arg12[%dma_start3A_158, %dma_start3A_159, %dma_start3A_160] : memref<4x128x32xf32, #tpu.memory_space<vmem>> -> memref<1x128x32xf32, #tpu.memory_space<vmem>>
    %dma_start3A_162 = tpu.memref_squeeze %dma_start3A_161 : memref<1x128x32xf32, #tpu.memory_space<vmem>> -> memref<128x32xf32, #tpu.memory_space<vmem>>
    %dma_start3A_163 = arith.constant 0 : i32
    %dma_start3A_164 = tpu.memref_slice %arg10[%dma_start3A_157, %dma_start3A_163] : memref<4x128xi32, #tpu.memory_space<vmem>> -> memref<1x128xi32, #tpu.memory_space<vmem>>
    %dma_start3A_165 = tpu.memref_squeeze %dma_start3A_164 : memref<1x128xi32, #tpu.memory_space<vmem>> -> memref<128xi32, #tpu.memory_space<vmem>>
    %dma_start3A_166 = arith.constant 0 : i32
    %dma_start3A_167 = arith.constant 0 : i32
    %dma_start3A_168 = tpu.memref_slice %arg4[%dma_start3A_166, %dma_start3A_167] : memref<1000000x32xf32, #tpu.memory_space<hbm>> -> memref<1000000x32xf32, #tpu.memory_space<hbm>>
    tpu.enqueue_indirect_dma source(%dma_start3A_168 : memref<1000000x32xf32, #tpu.memory_space<hbm>>) target(%dma_start3A_162 : memref<128x32xf32, #tpu.memory_space<vmem>>) offsets(%dma_start3A_165 : memref<128xi32, #tpu.memory_space<vmem>>) semaphore(%arg18 : memref<!tpu.dma_semaphore, #tpu.memory_space<semaphore_mem>>)
    %dma_start3A_169 = arith.constant 3 : i32
    %dma_start3A_170 = arith.constant 3 : i32
    %dma_start3A_171 = arith.constant 0 : i32
    %dma_start3A_172 = arith.constant 0 : i32
    %dma_start3A_173 = tpu.memref_slice %arg13[%dma_start3A_170, %dma_start3A_171, %dma_start3A_172] : memref<4x128x32xf32, #tpu.memory_space<vmem>> -> memref<1x128x32xf32, #tpu.memory_space<vmem>>
    %dma_start3A_174 = tpu.memref_squeeze %dma_start3A_173 : memref<1x128x32xf32, #tpu.memory_space<vmem>> -> memref<128x32xf32, #tpu.memory_space<vmem>>
    %dma_start3A_175 = arith.constant 0 : i32
    %dma_start3A_176 = tpu.memref_slice %arg11[%dma_start3A_169, %dma_start3A_175] : memref<4x128xi32, #tpu.memory_space<vmem>> -> memref<1x128xi32, #tpu.memory_space<vmem>>
    %dma_start3A_177 = tpu.memref_squeeze %dma_start3A_176 : memref<1x128xi32, #tpu.memory_space<vmem>> -> memref<128xi32, #tpu.memory_space<vmem>>
    %dma_start3A_178 = arith.constant 0 : i32
    %dma_start3A_179 = arith.constant 0 : i32
    %dma_start3A_180 = tpu.memref_slice %arg5[%dma_start3A_178, %dma_start3A_179] : memref<1000000x32xf32, #tpu.memory_space<hbm>> -> memref<1000000x32xf32, #tpu.memory_space<hbm>>
    tpu.enqueue_indirect_dma source(%dma_start3A_180 : memref<1000000x32xf32, #tpu.memory_space<hbm>>) target(%dma_start3A_174 : memref<128x32xf32, #tpu.memory_space<vmem>>) offsets(%dma_start3A_177 : memref<128xi32, #tpu.memory_space<vmem>>) semaphore(%arg18 : memref<!tpu.dma_semaphore, #tpu.memory_space<semaphore_mem>>)
    %dma_start3A_181 = arith.constant 3 : i32
    %dma_start3A_182 = arith.constant 3 : i32
    %dma_start3A_183 = arith.constant 0 : i32
    %dma_start3A_184 = tpu.memref_slice %arg14[%dma_start3A_182, %dma_start3A_183] : memref<4x128xf32, #tpu.memory_space<vmem>> -> memref<1x128xf32, #tpu.memory_space<vmem>>
    %dma_start3A_185 = tpu.memref_squeeze %dma_start3A_184 : memref<1x128xf32, #tpu.memory_space<vmem>> -> memref<128xf32, #tpu.memory_space<vmem>>
    %dma_start3A_186 = arith.constant 0 : i32
    %dma_start3A_187 = tpu.memref_slice %arg10[%dma_start3A_181, %dma_start3A_186] : memref<4x128xi32, #tpu.memory_space<vmem>> -> memref<1x128xi32, #tpu.memory_space<vmem>>
    %dma_start3A_188 = tpu.memref_squeeze %dma_start3A_187 : memref<1x128xi32, #tpu.memory_space<vmem>> -> memref<128xi32, #tpu.memory_space<vmem>>
    %dma_start3A_189 = arith.constant 0 : i32
    %dma_start3A_190 = tpu.memref_slice %arg6[%dma_start3A_189] : memref<1000000xf32, #tpu.memory_space<hbm>> -> memref<1000000xf32, #tpu.memory_space<hbm>>
    tpu.enqueue_indirect_dma source(%dma_start3A_190 : memref<1000000xf32, #tpu.memory_space<hbm>>) target(%dma_start3A_185 : memref<128xf32, #tpu.memory_space<vmem>>) offsets(%dma_start3A_188 : memref<128xi32, #tpu.memory_space<vmem>>) semaphore(%arg19 : memref<!tpu.dma_semaphore, #tpu.memory_space<semaphore_mem>>)
    %dma_start3A_191 = arith.constant 3 : i32
    %dma_start3A_192 = arith.constant 3 : i32
    %dma_start3A_193 = arith.constant 0 : i32
    %dma_start3A_194 = tpu.memref_slice %arg15[%dma_start3A_192, %dma_start3A_193] : memref<4x128xf32, #tpu.memory_space<vmem>> -> memref<1x128xf32, #tpu.memory_space<vmem>>
    %dma_start3A_195 = tpu.memref_squeeze %dma_start3A_194 : memref<1x128xf32, #tpu.memory_space<vmem>> -> memref<128xf32, #tpu.memory_space<vmem>>
    %dma_start3A_196 = arith.constant 0 : i32
    %dma_start3A_197 = tpu.memref_slice %arg11[%dma_start3A_191, %dma_start3A_196] : memref<4x128xi32, #tpu.memory_space<vmem>> -> memref<1x128xi32, #tpu.memory_space<vmem>>
    %dma_start3A_198 = tpu.memref_squeeze %dma_start3A_197 : memref<1x128xi32, #tpu.memory_space<vmem>> -> memref<128xi32, #tpu.memory_space<vmem>>
    %dma_start3A_199 = arith.constant 0 : i32
    %dma_start3A_200 = tpu.memref_slice %arg7[%dma_start3A_199] : memref<1000000xf32, #tpu.memory_space<hbm>> -> memref<1000000xf32, #tpu.memory_space<hbm>>
    tpu.enqueue_indirect_dma source(%dma_start3A_200 : memref<1000000xf32, #tpu.memory_space<hbm>>) target(%dma_start3A_195 : memref<128xf32, #tpu.memory_space<vmem>>) offsets(%dma_start3A_198 : memref<128xi32, #tpu.memory_space<vmem>>) semaphore(%arg19 : memref<!tpu.dma_semaphore, #tpu.memory_space<semaphore_mem>>)
    %broadcast_in_dim3A = arith.constant 0 : i32
    %broadcast_in_dim3A_201 = vector.broadcast %broadcast_in_dim3A : i32 to vector<16xi32>
    %dma_start3A_202 = arith.constant 0 : i32
    %dma_start3A_203 = tpu.memref_slice %arg8[%dma_start3A_202] : memref<1xf32, #tpu.memory_space<hbm>> -> memref<1xf32, #tpu.memory_space<hbm>>
    tpu.enqueue_indirect_dma source(%dma_start3A_203 : memref<1xf32, #tpu.memory_space<hbm>>) target(%arg16 : memref<16xf32, #tpu.memory_space<vmem>>) offsets(%broadcast_in_dim3A_201 : vector<16xi32>) semaphore(%arg19 : memref<!tpu.dma_semaphore, #tpu.memory_space<semaphore_mem>>)
    %dma_wait3A = arith.constant 0 : i32
    %dma_wait3A_204 = arith.constant 0 : i32
    %dma_wait3A_205 = arith.constant 0 : i32
    %dma_wait3A_206 = arith.constant 0 : i32
    %dma_wait3A_207 = tpu.memref_slice %arg12[%dma_wait3A_204, %dma_wait3A_205, %dma_wait3A_206] : memref<4x128x32xf32, #tpu.memory_space<vmem>> -> memref<1x128x32xf32, #tpu.memory_space<vmem>>
    %dma_wait3A_208 = tpu.memref_squeeze %dma_wait3A_207 : memref<1x128x32xf32, #tpu.memory_space<vmem>> -> memref<128x32xf32, #tpu.memory_space<vmem>>
    %dma_wait3A_209 = arith.constant 0 : i32
    %dma_wait3A_210 = tpu.memref_slice %arg10[%dma_wait3A, %dma_wait3A_209] : memref<4x128xi32, #tpu.memory_space<vmem>> -> memref<1x128xi32, #tpu.memory_space<vmem>>
    %dma_wait3A_211 = tpu.memref_squeeze %dma_wait3A_210 : memref<1x128xi32, #tpu.memory_space<vmem>> -> memref<128xi32, #tpu.memory_space<vmem>>
    %dma_wait3A_212 = arith.constant 0 : i32
    %dma_wait3A_213 = arith.constant 0 : i32
    %dma_wait3A_214 = tpu.memref_slice %arg4[%dma_wait3A_212, %dma_wait3A_213] : memref<1000000x32xf32, #tpu.memory_space<hbm>> -> memref<1000000x32xf32, #tpu.memory_space<hbm>>
    tpu.wait_indirect_dma semaphore(%arg18 : memref<!tpu.dma_semaphore, #tpu.memory_space<semaphore_mem>>) src(%dma_wait3A_214 : memref<1000000x32xf32, #tpu.memory_space<hbm>>) dst(%dma_wait3A_208 : memref<128x32xf32, #tpu.memory_space<vmem>>)
    %dma_wait3A_215 = arith.constant 0 : i32
    %dma_wait3A_216 = arith.constant 0 : i32
    %dma_wait3A_217 = arith.constant 0 : i32
    %dma_wait3A_218 = arith.constant 0 : i32
    %dma_wait3A_219 = tpu.memref_slice %arg13[%dma_wait3A_216, %dma_wait3A_217, %dma_wait3A_218] : memref<4x128x32xf32, #tpu.memory_space<vmem>> -> memref<1x128x32xf32, #tpu.memory_space<vmem>>
    %dma_wait3A_220 = tpu.memref_squeeze %dma_wait3A_219 : memref<1x128x32xf32, #tpu.memory_space<vmem>> -> memref<128x32xf32, #tpu.memory_space<vmem>>
    %dma_wait3A_221 = arith.constant 0 : i32
    %dma_wait3A_222 = tpu.memref_slice %arg11[%dma_wait3A_215, %dma_wait3A_221] : memref<4x128xi32, #tpu.memory_space<vmem>> -> memref<1x128xi32, #tpu.memory_space<vmem>>
    %dma_wait3A_223 = tpu.memref_squeeze %dma_wait3A_222 : memref<1x128xi32, #tpu.memory_space<vmem>> -> memref<128xi32, #tpu.memory_space<vmem>>
    %dma_wait3A_224 = arith.constant 0 : i32
    %dma_wait3A_225 = arith.constant 0 : i32
    %dma_wait3A_226 = tpu.memref_slice %arg5[%dma_wait3A_224, %dma_wait3A_225] : memref<1000000x32xf32, #tpu.memory_space<hbm>> -> memref<1000000x32xf32, #tpu.memory_space<hbm>>
    tpu.wait_indirect_dma semaphore(%arg18 : memref<!tpu.dma_semaphore, #tpu.memory_space<semaphore_mem>>) src(%dma_wait3A_226 : memref<1000000x32xf32, #tpu.memory_space<hbm>>) dst(%dma_wait3A_220 : memref<128x32xf32, #tpu.memory_space<vmem>>)
    %dma_wait3A_227 = arith.constant 0 : i32
    %dma_wait3A_228 = arith.constant 0 : i32
    %dma_wait3A_229 = arith.constant 0 : i32
    %dma_wait3A_230 = tpu.memref_slice %arg14[%dma_wait3A_228, %dma_wait3A_229] : memref<4x128xf32, #tpu.memory_space<vmem>> -> memref<1x128xf32, #tpu.memory_space<vmem>>
    %dma_wait3A_231 = tpu.memref_squeeze %dma_wait3A_230 : memref<1x128xf32, #tpu.memory_space<vmem>> -> memref<128xf32, #tpu.memory_space<vmem>>
    %dma_wait3A_232 = arith.constant 0 : i32
    %dma_wait3A_233 = tpu.memref_slice %arg10[%dma_wait3A_227, %dma_wait3A_232] : memref<4x128xi32, #tpu.memory_space<vmem>> -> memref<1x128xi32, #tpu.memory_space<vmem>>
    %dma_wait3A_234 = tpu.memref_squeeze %dma_wait3A_233 : memref<1x128xi32, #tpu.memory_space<vmem>> -> memref<128xi32, #tpu.memory_space<vmem>>
    %dma_wait3A_235 = arith.constant 0 : i32
    %dma_wait3A_236 = tpu.memref_slice %arg6[%dma_wait3A_235] : memref<1000000xf32, #tpu.memory_space<hbm>> -> memref<1000000xf32, #tpu.memory_space<hbm>>
    tpu.wait_indirect_dma semaphore(%arg19 : memref<!tpu.dma_semaphore, #tpu.memory_space<semaphore_mem>>) src(%dma_wait3A_236 : memref<1000000xf32, #tpu.memory_space<hbm>>) dst(%dma_wait3A_231 : memref<128xf32, #tpu.memory_space<vmem>>)
    %dma_wait3A_237 = arith.constant 0 : i32
    %dma_wait3A_238 = arith.constant 0 : i32
    %dma_wait3A_239 = arith.constant 0 : i32
    %dma_wait3A_240 = tpu.memref_slice %arg15[%dma_wait3A_238, %dma_wait3A_239] : memref<4x128xf32, #tpu.memory_space<vmem>> -> memref<1x128xf32, #tpu.memory_space<vmem>>
    %dma_wait3A_241 = tpu.memref_squeeze %dma_wait3A_240 : memref<1x128xf32, #tpu.memory_space<vmem>> -> memref<128xf32, #tpu.memory_space<vmem>>
    %dma_wait3A_242 = arith.constant 0 : i32
    %dma_wait3A_243 = tpu.memref_slice %arg11[%dma_wait3A_237, %dma_wait3A_242] : memref<4x128xi32, #tpu.memory_space<vmem>> -> memref<1x128xi32, #tpu.memory_space<vmem>>
    %dma_wait3A_244 = tpu.memref_squeeze %dma_wait3A_243 : memref<1x128xi32, #tpu.memory_space<vmem>> -> memref<128xi32, #tpu.memory_space<vmem>>
    %dma_wait3A_245 = arith.constant 0 : i32
    %dma_wait3A_246 = tpu.memref_slice %arg7[%dma_wait3A_245] : memref<1000000xf32, #tpu.memory_space<hbm>> -> memref<1000000xf32, #tpu.memory_space<hbm>>
    tpu.wait_indirect_dma semaphore(%arg19 : memref<!tpu.dma_semaphore, #tpu.memory_space<semaphore_mem>>) src(%dma_wait3A_246 : memref<1000000xf32, #tpu.memory_space<hbm>>) dst(%dma_wait3A_241 : memref<128xf32, #tpu.memory_space<vmem>>)
    %dma_wait3A_247 = arith.constant 1 : i32
    %dma_wait3A_248 = arith.constant 1 : i32
    %dma_wait3A_249 = arith.constant 0 : i32
    %dma_wait3A_250 = arith.constant 0 : i32
    %dma_wait3A_251 = tpu.memref_slice %arg12[%dma_wait3A_248, %dma_wait3A_249, %dma_wait3A_250] : memref<4x128x32xf32, #tpu.memory_space<vmem>> -> memref<1x128x32xf32, #tpu.memory_space<vmem>>
    %dma_wait3A_252 = tpu.memref_squeeze %dma_wait3A_251 : memref<1x128x32xf32, #tpu.memory_space<vmem>> -> memref<128x32xf32, #tpu.memory_space<vmem>>
    %dma_wait3A_253 = arith.constant 0 : i32
    %dma_wait3A_254 = tpu.memref_slice %arg10[%dma_wait3A_247, %dma_wait3A_253] : memref<4x128xi32, #tpu.memory_space<vmem>> -> memref<1x128xi32, #tpu.memory_space<vmem>>
    %dma_wait3A_255 = tpu.memref_squeeze %dma_wait3A_254 : memref<1x128xi32, #tpu.memory_space<vmem>> -> memref<128xi32, #tpu.memory_space<vmem>>
    %dma_wait3A_256 = arith.constant 0 : i32
    %dma_wait3A_257 = arith.constant 0 : i32
    %dma_wait3A_258 = tpu.memref_slice %arg4[%dma_wait3A_256, %dma_wait3A_257] : memref<1000000x32xf32, #tpu.memory_space<hbm>> -> memref<1000000x32xf32, #tpu.memory_space<hbm>>
    tpu.wait_indirect_dma semaphore(%arg18 : memref<!tpu.dma_semaphore, #tpu.memory_space<semaphore_mem>>) src(%dma_wait3A_258 : memref<1000000x32xf32, #tpu.memory_space<hbm>>) dst(%dma_wait3A_252 : memref<128x32xf32, #tpu.memory_space<vmem>>)
    %dma_wait3A_259 = arith.constant 1 : i32
    %dma_wait3A_260 = arith.constant 1 : i32
    %dma_wait3A_261 = arith.constant 0 : i32
    %dma_wait3A_262 = arith.constant 0 : i32
    %dma_wait3A_263 = tpu.memref_slice %arg13[%dma_wait3A_260, %dma_wait3A_261, %dma_wait3A_262] : memref<4x128x32xf32, #tpu.memory_space<vmem>> -> memref<1x128x32xf32, #tpu.memory_space<vmem>>
    %dma_wait3A_264 = tpu.memref_squeeze %dma_wait3A_263 : memref<1x128x32xf32, #tpu.memory_space<vmem>> -> memref<128x32xf32, #tpu.memory_space<vmem>>
    %dma_wait3A_265 = arith.constant 0 : i32
    %dma_wait3A_266 = tpu.memref_slice %arg11[%dma_wait3A_259, %dma_wait3A_265] : memref<4x128xi32, #tpu.memory_space<vmem>> -> memref<1x128xi32, #tpu.memory_space<vmem>>
    %dma_wait3A_267 = tpu.memref_squeeze %dma_wait3A_266 : memref<1x128xi32, #tpu.memory_space<vmem>> -> memref<128xi32, #tpu.memory_space<vmem>>
    %dma_wait3A_268 = arith.constant 0 : i32
    %dma_wait3A_269 = arith.constant 0 : i32
    %dma_wait3A_270 = tpu.memref_slice %arg5[%dma_wait3A_268, %dma_wait3A_269] : memref<1000000x32xf32, #tpu.memory_space<hbm>> -> memref<1000000x32xf32, #tpu.memory_space<hbm>>
    tpu.wait_indirect_dma semaphore(%arg18 : memref<!tpu.dma_semaphore, #tpu.memory_space<semaphore_mem>>) src(%dma_wait3A_270 : memref<1000000x32xf32, #tpu.memory_space<hbm>>) dst(%dma_wait3A_264 : memref<128x32xf32, #tpu.memory_space<vmem>>)
    %dma_wait3A_271 = arith.constant 1 : i32
    %dma_wait3A_272 = arith.constant 1 : i32
    %dma_wait3A_273 = arith.constant 0 : i32
    %dma_wait3A_274 = tpu.memref_slice %arg14[%dma_wait3A_272, %dma_wait3A_273] : memref<4x128xf32, #tpu.memory_space<vmem>> -> memref<1x128xf32, #tpu.memory_space<vmem>>
    %dma_wait3A_275 = tpu.memref_squeeze %dma_wait3A_274 : memref<1x128xf32, #tpu.memory_space<vmem>> -> memref<128xf32, #tpu.memory_space<vmem>>
    %dma_wait3A_276 = arith.constant 0 : i32
    %dma_wait3A_277 = tpu.memref_slice %arg10[%dma_wait3A_271, %dma_wait3A_276] : memref<4x128xi32, #tpu.memory_space<vmem>> -> memref<1x128xi32, #tpu.memory_space<vmem>>
    %dma_wait3A_278 = tpu.memref_squeeze %dma_wait3A_277 : memref<1x128xi32, #tpu.memory_space<vmem>> -> memref<128xi32, #tpu.memory_space<vmem>>
    %dma_wait3A_279 = arith.constant 0 : i32
    %dma_wait3A_280 = tpu.memref_slice %arg6[%dma_wait3A_279] : memref<1000000xf32, #tpu.memory_space<hbm>> -> memref<1000000xf32, #tpu.memory_space<hbm>>
    tpu.wait_indirect_dma semaphore(%arg19 : memref<!tpu.dma_semaphore, #tpu.memory_space<semaphore_mem>>) src(%dma_wait3A_280 : memref<1000000xf32, #tpu.memory_space<hbm>>) dst(%dma_wait3A_275 : memref<128xf32, #tpu.memory_space<vmem>>)
    %dma_wait3A_281 = arith.constant 1 : i32
    %dma_wait3A_282 = arith.constant 1 : i32
    %dma_wait3A_283 = arith.constant 0 : i32
    %dma_wait3A_284 = tpu.memref_slice %arg15[%dma_wait3A_282, %dma_wait3A_283] : memref<4x128xf32, #tpu.memory_space<vmem>> -> memref<1x128xf32, #tpu.memory_space<vmem>>
    %dma_wait3A_285 = tpu.memref_squeeze %dma_wait3A_284 : memref<1x128xf32, #tpu.memory_space<vmem>> -> memref<128xf32, #tpu.memory_space<vmem>>
    %dma_wait3A_286 = arith.constant 0 : i32
    %dma_wait3A_287 = tpu.memref_slice %arg11[%dma_wait3A_281, %dma_wait3A_286] : memref<4x128xi32, #tpu.memory_space<vmem>> -> memref<1x128xi32, #tpu.memory_space<vmem>>
    %dma_wait3A_288 = tpu.memref_squeeze %dma_wait3A_287 : memref<1x128xi32, #tpu.memory_space<vmem>> -> memref<128xi32, #tpu.memory_space<vmem>>
    %dma_wait3A_289 = arith.constant 0 : i32
    %dma_wait3A_290 = tpu.memref_slice %arg7[%dma_wait3A_289] : memref<1000000xf32, #tpu.memory_space<hbm>> -> memref<1000000xf32, #tpu.memory_space<hbm>>
    tpu.wait_indirect_dma semaphore(%arg19 : memref<!tpu.dma_semaphore, #tpu.memory_space<semaphore_mem>>) src(%dma_wait3A_290 : memref<1000000xf32, #tpu.memory_space<hbm>>) dst(%dma_wait3A_285 : memref<128xf32, #tpu.memory_space<vmem>>)
    %dma_wait3A_291 = arith.constant 2 : i32
    %dma_wait3A_292 = arith.constant 2 : i32
    %dma_wait3A_293 = arith.constant 0 : i32
    %dma_wait3A_294 = arith.constant 0 : i32
    %dma_wait3A_295 = tpu.memref_slice %arg12[%dma_wait3A_292, %dma_wait3A_293, %dma_wait3A_294] : memref<4x128x32xf32, #tpu.memory_space<vmem>> -> memref<1x128x32xf32, #tpu.memory_space<vmem>>
    %dma_wait3A_296 = tpu.memref_squeeze %dma_wait3A_295 : memref<1x128x32xf32, #tpu.memory_space<vmem>> -> memref<128x32xf32, #tpu.memory_space<vmem>>
    %dma_wait3A_297 = arith.constant 0 : i32
    %dma_wait3A_298 = tpu.memref_slice %arg10[%dma_wait3A_291, %dma_wait3A_297] : memref<4x128xi32, #tpu.memory_space<vmem>> -> memref<1x128xi32, #tpu.memory_space<vmem>>
    %dma_wait3A_299 = tpu.memref_squeeze %dma_wait3A_298 : memref<1x128xi32, #tpu.memory_space<vmem>> -> memref<128xi32, #tpu.memory_space<vmem>>
    %dma_wait3A_300 = arith.constant 0 : i32
    %dma_wait3A_301 = arith.constant 0 : i32
    %dma_wait3A_302 = tpu.memref_slice %arg4[%dma_wait3A_300, %dma_wait3A_301] : memref<1000000x32xf32, #tpu.memory_space<hbm>> -> memref<1000000x32xf32, #tpu.memory_space<hbm>>
    tpu.wait_indirect_dma semaphore(%arg18 : memref<!tpu.dma_semaphore, #tpu.memory_space<semaphore_mem>>) src(%dma_wait3A_302 : memref<1000000x32xf32, #tpu.memory_space<hbm>>) dst(%dma_wait3A_296 : memref<128x32xf32, #tpu.memory_space<vmem>>)
    %dma_wait3A_303 = arith.constant 2 : i32
    %dma_wait3A_304 = arith.constant 2 : i32
    %dma_wait3A_305 = arith.constant 0 : i32
    %dma_wait3A_306 = arith.constant 0 : i32
    %dma_wait3A_307 = tpu.memref_slice %arg13[%dma_wait3A_304, %dma_wait3A_305, %dma_wait3A_306] : memref<4x128x32xf32, #tpu.memory_space<vmem>> -> memref<1x128x32xf32, #tpu.memory_space<vmem>>
    %dma_wait3A_308 = tpu.memref_squeeze %dma_wait3A_307 : memref<1x128x32xf32, #tpu.memory_space<vmem>> -> memref<128x32xf32, #tpu.memory_space<vmem>>
    %dma_wait3A_309 = arith.constant 0 : i32
    %dma_wait3A_310 = tpu.memref_slice %arg11[%dma_wait3A_303, %dma_wait3A_309] : memref<4x128xi32, #tpu.memory_space<vmem>> -> memref<1x128xi32, #tpu.memory_space<vmem>>
    %dma_wait3A_311 = tpu.memref_squeeze %dma_wait3A_310 : memref<1x128xi32, #tpu.memory_space<vmem>> -> memref<128xi32, #tpu.memory_space<vmem>>
    %dma_wait3A_312 = arith.constant 0 : i32
    %dma_wait3A_313 = arith.constant 0 : i32
    %dma_wait3A_314 = tpu.memref_slice %arg5[%dma_wait3A_312, %dma_wait3A_313] : memref<1000000x32xf32, #tpu.memory_space<hbm>> -> memref<1000000x32xf32, #tpu.memory_space<hbm>>
    tpu.wait_indirect_dma semaphore(%arg18 : memref<!tpu.dma_semaphore, #tpu.memory_space<semaphore_mem>>) src(%dma_wait3A_314 : memref<1000000x32xf32, #tpu.memory_space<hbm>>) dst(%dma_wait3A_308 : memref<128x32xf32, #tpu.memory_space<vmem>>)
    %dma_wait3A_315 = arith.constant 2 : i32
    %dma_wait3A_316 = arith.constant 2 : i32
    %dma_wait3A_317 = arith.constant 0 : i32
    %dma_wait3A_318 = tpu.memref_slice %arg14[%dma_wait3A_316, %dma_wait3A_317] : memref<4x128xf32, #tpu.memory_space<vmem>> -> memref<1x128xf32, #tpu.memory_space<vmem>>
    %dma_wait3A_319 = tpu.memref_squeeze %dma_wait3A_318 : memref<1x128xf32, #tpu.memory_space<vmem>> -> memref<128xf32, #tpu.memory_space<vmem>>
    %dma_wait3A_320 = arith.constant 0 : i32
    %dma_wait3A_321 = tpu.memref_slice %arg10[%dma_wait3A_315, %dma_wait3A_320] : memref<4x128xi32, #tpu.memory_space<vmem>> -> memref<1x128xi32, #tpu.memory_space<vmem>>
    %dma_wait3A_322 = tpu.memref_squeeze %dma_wait3A_321 : memref<1x128xi32, #tpu.memory_space<vmem>> -> memref<128xi32, #tpu.memory_space<vmem>>
    %dma_wait3A_323 = arith.constant 0 : i32
    %dma_wait3A_324 = tpu.memref_slice %arg6[%dma_wait3A_323] : memref<1000000xf32, #tpu.memory_space<hbm>> -> memref<1000000xf32, #tpu.memory_space<hbm>>
    tpu.wait_indirect_dma semaphore(%arg19 : memref<!tpu.dma_semaphore, #tpu.memory_space<semaphore_mem>>) src(%dma_wait3A_324 : memref<1000000xf32, #tpu.memory_space<hbm>>) dst(%dma_wait3A_319 : memref<128xf32, #tpu.memory_space<vmem>>)
    %dma_wait3A_325 = arith.constant 2 : i32
    %dma_wait3A_326 = arith.constant 2 : i32
    %dma_wait3A_327 = arith.constant 0 : i32
    %dma_wait3A_328 = tpu.memref_slice %arg15[%dma_wait3A_326, %dma_wait3A_327] : memref<4x128xf32, #tpu.memory_space<vmem>> -> memref<1x128xf32, #tpu.memory_space<vmem>>
    %dma_wait3A_329 = tpu.memref_squeeze %dma_wait3A_328 : memref<1x128xf32, #tpu.memory_space<vmem>> -> memref<128xf32, #tpu.memory_space<vmem>>
    %dma_wait3A_330 = arith.constant 0 : i32
    %dma_wait3A_331 = tpu.memref_slice %arg11[%dma_wait3A_325, %dma_wait3A_330] : memref<4x128xi32, #tpu.memory_space<vmem>> -> memref<1x128xi32, #tpu.memory_space<vmem>>
    %dma_wait3A_332 = tpu.memref_squeeze %dma_wait3A_331 : memref<1x128xi32, #tpu.memory_space<vmem>> -> memref<128xi32, #tpu.memory_space<vmem>>
    %dma_wait3A_333 = arith.constant 0 : i32
    %dma_wait3A_334 = tpu.memref_slice %arg7[%dma_wait3A_333] : memref<1000000xf32, #tpu.memory_space<hbm>> -> memref<1000000xf32, #tpu.memory_space<hbm>>
    tpu.wait_indirect_dma semaphore(%arg19 : memref<!tpu.dma_semaphore, #tpu.memory_space<semaphore_mem>>) src(%dma_wait3A_334 : memref<1000000xf32, #tpu.memory_space<hbm>>) dst(%dma_wait3A_329 : memref<128xf32, #tpu.memory_space<vmem>>)
    %dma_wait3A_335 = arith.constant 3 : i32
    %dma_wait3A_336 = arith.constant 3 : i32
    %dma_wait3A_337 = arith.constant 0 : i32
    %dma_wait3A_338 = arith.constant 0 : i32
    %dma_wait3A_339 = tpu.memref_slice %arg12[%dma_wait3A_336, %dma_wait3A_337, %dma_wait3A_338] : memref<4x128x32xf32, #tpu.memory_space<vmem>> -> memref<1x128x32xf32, #tpu.memory_space<vmem>>
    %dma_wait3A_340 = tpu.memref_squeeze %dma_wait3A_339 : memref<1x128x32xf32, #tpu.memory_space<vmem>> -> memref<128x32xf32, #tpu.memory_space<vmem>>
    %dma_wait3A_341 = arith.constant 0 : i32
    %dma_wait3A_342 = tpu.memref_slice %arg10[%dma_wait3A_335, %dma_wait3A_341] : memref<4x128xi32, #tpu.memory_space<vmem>> -> memref<1x128xi32, #tpu.memory_space<vmem>>
    %dma_wait3A_343 = tpu.memref_squeeze %dma_wait3A_342 : memref<1x128xi32, #tpu.memory_space<vmem>> -> memref<128xi32, #tpu.memory_space<vmem>>
    %dma_wait3A_344 = arith.constant 0 : i32
    %dma_wait3A_345 = arith.constant 0 : i32
    %dma_wait3A_346 = tpu.memref_slice %arg4[%dma_wait3A_344, %dma_wait3A_345] : memref<1000000x32xf32, #tpu.memory_space<hbm>> -> memref<1000000x32xf32, #tpu.memory_space<hbm>>
    tpu.wait_indirect_dma semaphore(%arg18 : memref<!tpu.dma_semaphore, #tpu.memory_space<semaphore_mem>>) src(%dma_wait3A_346 : memref<1000000x32xf32, #tpu.memory_space<hbm>>) dst(%dma_wait3A_340 : memref<128x32xf32, #tpu.memory_space<vmem>>)
    %dma_wait3A_347 = arith.constant 3 : i32
    %dma_wait3A_348 = arith.constant 3 : i32
    %dma_wait3A_349 = arith.constant 0 : i32
    %dma_wait3A_350 = arith.constant 0 : i32
    %dma_wait3A_351 = tpu.memref_slice %arg13[%dma_wait3A_348, %dma_wait3A_349, %dma_wait3A_350] : memref<4x128x32xf32, #tpu.memory_space<vmem>> -> memref<1x128x32xf32, #tpu.memory_space<vmem>>
    %dma_wait3A_352 = tpu.memref_squeeze %dma_wait3A_351 : memref<1x128x32xf32, #tpu.memory_space<vmem>> -> memref<128x32xf32, #tpu.memory_space<vmem>>
    %dma_wait3A_353 = arith.constant 0 : i32
    %dma_wait3A_354 = tpu.memref_slice %arg11[%dma_wait3A_347, %dma_wait3A_353] : memref<4x128xi32, #tpu.memory_space<vmem>> -> memref<1x128xi32, #tpu.memory_space<vmem>>
    %dma_wait3A_355 = tpu.memref_squeeze %dma_wait3A_354 : memref<1x128xi32, #tpu.memory_space<vmem>> -> memref<128xi32, #tpu.memory_space<vmem>>
    %dma_wait3A_356 = arith.constant 0 : i32
    %dma_wait3A_357 = arith.constant 0 : i32
    %dma_wait3A_358 = tpu.memref_slice %arg5[%dma_wait3A_356, %dma_wait3A_357] : memref<1000000x32xf32, #tpu.memory_space<hbm>> -> memref<1000000x32xf32, #tpu.memory_space<hbm>>
    tpu.wait_indirect_dma semaphore(%arg18 : memref<!tpu.dma_semaphore, #tpu.memory_space<semaphore_mem>>) src(%dma_wait3A_358 : memref<1000000x32xf32, #tpu.memory_space<hbm>>) dst(%dma_wait3A_352 : memref<128x32xf32, #tpu.memory_space<vmem>>)
    %dma_wait3A_359 = arith.constant 3 : i32
    %dma_wait3A_360 = arith.constant 3 : i32
    %dma_wait3A_361 = arith.constant 0 : i32
    %dma_wait3A_362 = tpu.memref_slice %arg14[%dma_wait3A_360, %dma_wait3A_361] : memref<4x128xf32, #tpu.memory_space<vmem>> -> memref<1x128xf32, #tpu.memory_space<vmem>>
    %dma_wait3A_363 = tpu.memref_squeeze %dma_wait3A_362 : memref<1x128xf32, #tpu.memory_space<vmem>> -> memref<128xf32, #tpu.memory_space<vmem>>
    %dma_wait3A_364 = arith.constant 0 : i32
    %dma_wait3A_365 = tpu.memref_slice %arg10[%dma_wait3A_359, %dma_wait3A_364] : memref<4x128xi32, #tpu.memory_space<vmem>> -> memref<1x128xi32, #tpu.memory_space<vmem>>
    %dma_wait3A_366 = tpu.memref_squeeze %dma_wait3A_365 : memref<1x128xi32, #tpu.memory_space<vmem>> -> memref<128xi32, #tpu.memory_space<vmem>>
    %dma_wait3A_367 = arith.constant 0 : i32
    %dma_wait3A_368 = tpu.memref_slice %arg6[%dma_wait3A_367] : memref<1000000xf32, #tpu.memory_space<hbm>> -> memref<1000000xf32, #tpu.memory_space<hbm>>
    tpu.wait_indirect_dma semaphore(%arg19 : memref<!tpu.dma_semaphore, #tpu.memory_space<semaphore_mem>>) src(%dma_wait3A_368 : memref<1000000xf32, #tpu.memory_space<hbm>>) dst(%dma_wait3A_363 : memref<128xf32, #tpu.memory_space<vmem>>)
    %dma_wait3A_369 = arith.constant 3 : i32
    %dma_wait3A_370 = arith.constant 3 : i32
    %dma_wait3A_371 = arith.constant 0 : i32
    %dma_wait3A_372 = tpu.memref_slice %arg15[%dma_wait3A_370, %dma_wait3A_371] : memref<4x128xf32, #tpu.memory_space<vmem>> -> memref<1x128xf32, #tpu.memory_space<vmem>>
    %dma_wait3A_373 = tpu.memref_squeeze %dma_wait3A_372 : memref<1x128xf32, #tpu.memory_space<vmem>> -> memref<128xf32, #tpu.memory_space<vmem>>
    %dma_wait3A_374 = arith.constant 0 : i32
    %dma_wait3A_375 = tpu.memref_slice %arg11[%dma_wait3A_369, %dma_wait3A_374] : memref<4x128xi32, #tpu.memory_space<vmem>> -> memref<1x128xi32, #tpu.memory_space<vmem>>
    %dma_wait3A_376 = tpu.memref_squeeze %dma_wait3A_375 : memref<1x128xi32, #tpu.memory_space<vmem>> -> memref<128xi32, #tpu.memory_space<vmem>>
    %dma_wait3A_377 = arith.constant 0 : i32
    %dma_wait3A_378 = tpu.memref_slice %arg7[%dma_wait3A_377] : memref<1000000xf32, #tpu.memory_space<hbm>> -> memref<1000000xf32, #tpu.memory_space<hbm>>
    tpu.wait_indirect_dma semaphore(%arg19 : memref<!tpu.dma_semaphore, #tpu.memory_space<semaphore_mem>>) src(%dma_wait3A_378 : memref<1000000xf32, #tpu.memory_space<hbm>>) dst(%dma_wait3A_373 : memref<128xf32, #tpu.memory_space<vmem>>)
    %dma_wait3A_379 = arith.constant 0 : i32
    %dma_wait3A_380 = tpu.memref_slice %arg8[%dma_wait3A_379] : memref<1xf32, #tpu.memory_space<hbm>> -> memref<1xf32, #tpu.memory_space<hbm>>
    tpu.wait_indirect_dma semaphore(%arg19 : memref<!tpu.dma_semaphore, #tpu.memory_space<semaphore_mem>>) src(%dma_wait3A_380 : memref<1xf32, #tpu.memory_space<hbm>>) dst(%arg16 : memref<16xf32, #tpu.memory_space<vmem>>)
    %get3A = arith.constant 0 : index
    %get3A_381 = tpu.vector_load %arg16[%get3A] {strides = array<i32>} : memref<16xf32, #tpu.memory_space<vmem>>, vector<16xf32>,
    %scan3A = arith.constant 0 : i32
    %scan3A_382 = arith.constant 0 : i32
    %scan3A_383 = arith.constant 8 : i32
    %scan3A_384 = arith.addi %scan3A_382, %scan3A_383 : i32
    %scan3A_385 = arith.constant 1 : i32
    scf.for %scan3A_405 = %scan3A_382 to %scan3A_384 step %scan3A_385  : i32 {
      %mul3A_406 = arith.constant 16 : i32
      %mul3A_407 = arith.muli %scan3A_405, %mul3A_406 : i32
      %get3A_408 = arith.constant 0 : i32
      %get3A_409 = arith.constant 0 : i32
      %get3A_410 = tpu.memref_slice %arg14[%get3A_408, %get3A_409] : memref<4x128xf32, #tpu.memory_space<vmem>> -> memref<1x128xf32, #tpu.memory_space<vmem>>
      %get3A_411 = tpu.memref_squeeze %get3A_410 : memref<1x128xf32, #tpu.memory_space<vmem>> -> memref<128xf32, #tpu.memory_space<vmem>>
      %get3A_412 = arith.index_cast %mul3A_407 : i32 to index
      %get3A_413 = tpu.vector_load %get3A_411[%get3A_412] {strides = array<i32>} : memref<128xf32, #tpu.memory_space<vmem>>, vector<16xf32>,
      %get3A_414 = arith.constant 0 : i32
      %get3A_415 = arith.constant 0 : i32
      %get3A_416 = tpu.memref_slice %arg15[%get3A_414, %get3A_415] : memref<4x128xf32, #tpu.memory_space<vmem>> -> memref<1x128xf32, #tpu.memory_space<vmem>>
      %get3A_417 = tpu.memref_squeeze %get3A_416 : memref<1x128xf32, #tpu.memory_space<vmem>> -> memref<128xf32, #tpu.memory_space<vmem>>
      %get3A_418 = arith.index_cast %mul3A_407 : i32 to index
      %get3A_419 = tpu.vector_load %get3A_417[%get3A_418] {strides = array<i32>} : memref<128xf32, #tpu.memory_space<vmem>>, vector<16xf32>,
      %add3A_420 = arith.addf %get3A_413, %get3A_419 : vector<16xf32>
      %add3A_421 = arith.addf %add3A_420, %get3A_381 : vector<16xf32>
      %iota3A = tpu.iota {dimensions = array<i32: 0>} : vector<16xi32>
      %mul3A_422 = arith.constant 16 : i32
      %mul3A_423 = arith.muli %scan3A_405, %mul3A_422 : i32
      %add3A_424 = vector.broadcast %mul3A_423 : i32 to vector<16xi32>
      %add3A_425 = arith.addi %iota3A, %add3A_424 : vector<16xi32>
      %broadcast_in_dim3A_426 = arith.constant 0 : i32
      %broadcast_in_dim3A_427 = vector.broadcast %broadcast_in_dim3A_426 : i32 to vector<16xi32>
      %gather3A = arith.constant 0 : i32
      %gather3A_428 = arith.constant 0 : i32
      %gather3A_429 = arith.constant 0 : i32
      %gather3A_430 = tpu.memref_slice %arg12[%gather3A, %gather3A_428, %gather3A_429] : memref<4x128x32xf32, #tpu.memory_space<vmem>> -> memref<1x128x32xf32, #tpu.memory_space<vmem>>
      %gather3A_431 = tpu.memref_squeeze %gather3A_430 : memref<1x128x32xf32, #tpu.memory_space<vmem>> -> memref<128x32xf32, #tpu.memory_space<vmem>>
      %gather3A_432 = tpu.vector_load_idx %gather3A_431[%add3A_425, %broadcast_in_dim3A_427] : memref<128x32xf32, #tpu.memory_space<vmem>>[vector<16xi32>, vector<16xi32>], vector<16xf32>,
      %gather3A_433 = arith.constant 0 : i32
      %gather3A_434 = arith.constant 0 : i32
      %gather3A_435 = arith.constant 0 : i32
      %gather3A_436 = tpu.memref_slice %arg13[%gather3A_433, %gather3A_434, %gather3A_435] : memref<4x128x32xf32, #tpu.memory_space<vmem>> -> memref<1x128x32xf32, #tpu.memory_space<vmem>>
      %gather3A_437 = tpu.memref_squeeze %gather3A_436 : memref<1x128x32xf32, #tpu.memory_space<vmem>> -> memref<128x32xf32, #tpu.memory_space<vmem>>
      %gather3A_438 = tpu.vector_load_idx %gather3A_437[%add3A_425, %broadcast_in_dim3A_427] : memref<128x32xf32, #tpu.memory_space<vmem>>[vector<16xi32>, vector<16xi32>], vector<16xf32>,
      %mul3A_439 = arith.mulf %gather3A_432, %gather3A_438 : vector<16xf32>
      %add3A_440 = arith.addf %add3A_421, %mul3A_439 : vector<16xf32>
      %broadcast_in_dim3A_441 = arith.constant 1 : i32
      %broadcast_in_dim3A_442 = vector.broadcast %broadcast_in_dim3A_441 : i32 to vector<16xi32>
      %gather3A_443 = arith.constant 0 : i32
      %gather3A_444 = arith.constant 0 : i32
      %gather3A_445 = arith.constant 0 : i32
      %gather3A_446 = tpu.memref_slice %arg12[%gather3A_443, %gather3A_444, %gather3A_445] : memref<4x128x32xf32, #tpu.memory_space<vmem>> -> memref<1x128x32xf32, #tpu.memory_space<vmem>>
      %gather3A_447 = tpu.memref_squeeze %gather3A_446 : memref<1x128x32xf32, #tpu.memory_space<vmem>> -> memref<128x32xf32, #tpu.memory_space<vmem>>
      %gather3A_448 = tpu.vector_load_idx %gather3A_447[%add3A_425, %broadcast_in_dim3A_442] : memref<128x32xf32, #tpu.memory_space<vmem>>[vector<16xi32>, vector<16xi32>], vector<16xf32>,
      %gather3A_449 = arith.constant 0 : i32
      %gather3A_450 = arith.constant 0 : i32
      %gather3A_451 = arith.constant 0 : i32
      %gather3A_452 = tpu.memref_slice %arg13[%gather3A_449, %gather3A_450, %gather3A_451] : memref<4x128x32xf32, #tpu.memory_space<vmem>> -> memref<1x128x32xf32, #tpu.memory_space<vmem>>
      %gather3A_453 = tpu.memref_squeeze %gather3A_452 : memref<1x128x32xf32, #tpu.memory_space<vmem>> -> memref<128x32xf32, #tpu.memory_space<vmem>>
      %gather3A_454 = tpu.vector_load_idx %gather3A_453[%add3A_425, %broadcast_in_dim3A_442] : memref<128x32xf32, #tpu.memory_space<vmem>>[vector<16xi32>, vector<16xi32>], vector<16xf32>,
      %mul3A_455 = arith.mulf %gather3A_448, %gather3A_454 : vector<16xf32>
      %add3A_456 = arith.addf %add3A_440, %mul3A_455 : vector<16xf32>
      %broadcast_in_dim3A_457 = arith.constant 2 : i32
      %broadcast_in_dim3A_458 = vector.broadcast %broadcast_in_dim3A_457 : i32 to vector<16xi32>
      %gather3A_459 = arith.constant 0 : i32
      %gather3A_460 = arith.constant 0 : i32
      %gather3A_461 = arith.constant 0 : i32
      %gather3A_462 = tpu.memref_slice %arg12[%gather3A_459, %gather3A_460, %gather3A_461] : memref<4x128x32xf32, #tpu.memory_space<vmem>> -> memref<1x128x32xf32, #tpu.memory_space<vmem>>
      %gather3A_463 = tpu.memref_squeeze %gather3A_462 : memref<1x128x32xf32, #tpu.memory_space<vmem>> -> memref<128x32xf32, #tpu.memory_space<vmem>>
      %gather3A_464 = tpu.vector_load_idx %gather3A_463[%add3A_425, %broadcast_in_dim3A_458] : memref<128x32xf32, #tpu.memory_space<vmem>>[vector<16xi32>, vector<16xi32>], vector<16xf32>,
      %gather3A_465 = arith.constant 0 : i32
      %gather3A_466 = arith.constant 0 : i32
      %gather3A_467 = arith.constant 0 : i32
      %gather3A_468 = tpu.memref_slice %arg13[%gather3A_465, %gather3A_466, %gather3A_467] : memref<4x128x32xf32, #tpu.memory_space<vmem>> -> memref<1x128x32xf32, #tpu.memory_space<vmem>>
      %gather3A_469 = tpu.memref_squeeze %gather3A_468 : memref<1x128x32xf32, #tpu.memory_space<vmem>> -> memref<128x32xf32, #tpu.memory_space<vmem>>
      %gather3A_470 = tpu.vector_load_idx %gather3A_469[%add3A_425, %broadcast_in_dim3A_458] : memref<128x32xf32, #tpu.memory_space<vmem>>[vector<16xi32>, vector<16xi32>], vector<16xf32>,
      %mul3A_471 = arith.mulf %gather3A_464, %gather3A_470 : vector<16xf32>
      %add3A_472 = arith.addf %add3A_456, %mul3A_471 : vector<16xf32>
      %broadcast_in_dim3A_473 = arith.constant 3 : i32
      %broadcast_in_dim3A_474 = vector.broadcast %broadcast_in_dim3A_473 : i32 to vector<16xi32>
      %gather3A_475 = arith.constant 0 : i32
      %gather3A_476 = arith.constant 0 : i32
      %gather3A_477 = arith.constant 0 : i32
      %gather3A_478 = tpu.memref_slice %arg12[%gather3A_475, %gather3A_476, %gather3A_477] : memref<4x128x32xf32, #tpu.memory_space<vmem>> -> memref<1x128x32xf32, #tpu.memory_space<vmem>>
      %gather3A_479 = tpu.memref_squeeze %gather3A_478 : memref<1x128x32xf32, #tpu.memory_space<vmem>> -> memref<128x32xf32, #tpu.memory_space<vmem>>
      %gather3A_480 = tpu.vector_load_idx %gather3A_479[%add3A_425, %broadcast_in_dim3A_474] : memref<128x32xf32, #tpu.memory_space<vmem>>[vector<16xi32>, vector<16xi32>], vector<16xf32>,
      %gather3A_481 = arith.constant 0 : i32
      %gather3A_482 = arith.constant 0 : i32
      %gather3A_483 = arith.constant 0 : i32
      %gather3A_484 = tpu.memref_slice %arg13[%gather3A_481, %gather3A_482, %gather3A_483] : memref<4x128x32xf32, #tpu.memory_space<vmem>> -> memref<1x128x32xf32, #tpu.memory_space<vmem>>
      %gather3A_485 = tpu.memref_squeeze %gather3A_484 : memref<1x128x32xf32, #tpu.memory_space<vmem>> -> memref<128x32xf32, #tpu.memory_space<vmem>>
      %gather3A_486 = tpu.vector_load_idx %gather3A_485[%add3A_425, %broadcast_in_dim3A_474] : memref<128x32xf32, #tpu.memory_space<vmem>>[vector<16xi32>, vector<16xi32>], vector<16xf32>,
      %mul3A_487 = arith.mulf %gather3A_480, %gather3A_486 : vector<16xf32>
      %add3A_488 = arith.addf %add3A_472, %mul3A_487 : vector<16xf32>
      %broadcast_in_dim3A_489 = arith.constant 4 : i32
      %broadcast_in_dim3A_490 = vector.broadcast %broadcast_in_dim3A_489 : i32 to vector<16xi32>
      %gather3A_491 = arith.constant 0 : i32
      %gather3A_492 = arith.constant 0 : i32
      %gather3A_493 = arith.constant 0 : i32
      %gather3A_494 = tpu.memref_slice %arg12[%gather3A_491, %gather3A_492, %gather3A_493] : memref<4x128x32xf32, #tpu.memory_space<vmem>> -> memref<1x128x32xf32, #tpu.memory_space<vmem>>
      %gather3A_495 = tpu.memref_squeeze %gather3A_494 : memref<1x128x32xf32, #tpu.memory_space<vmem>> -> memref<128x32xf32, #tpu.memory_space<vmem>>
      %gather3A_496 = tpu.vector_load_idx %gather3A_495[%add3A_425, %broadcast_in_dim3A_490] : memref<128x32xf32, #tpu.memory_space<vmem>>[vector<16xi32>, vector<16xi32>], vector<16xf32>,
      %gather3A_497 = arith.constant 0 : i32
      %gather3A_498 = arith.constant 0 : i32
      %gather3A_499 = arith.constant 0 : i32
      %gather3A_500 = tpu.memref_slice %arg13[%gather3A_497, %gather3A_498, %gather3A_499] : memref<4x128x32xf32, #tpu.memory_space<vmem>> -> memref<1x128x32xf32, #tpu.memory_space<vmem>>
      %gather3A_501 = tpu.memref_squeeze %gather3A_500 : memref<1x128x32xf32, #tpu.memory_space<vmem>> -> memref<128x32xf32, #tpu.memory_space<vmem>>
      %gather3A_502 = tpu.vector_load_idx %gather3A_501[%add3A_425, %broadcast_in_dim3A_490] : memref<128x32xf32, #tpu.memory_space<vmem>>[vector<16xi32>, vector<16xi32>], vector<16xf32>,
      %mul3A_503 = arith.mulf %gather3A_496, %gather3A_502 : vector<16xf32>
      %add3A_504 = arith.addf %add3A_488, %mul3A_503 : vector<16xf32>
      %broadcast_in_dim3A_505 = arith.constant 5 : i32
      %broadcast_in_dim3A_506 = vector.broadcast %broadcast_in_dim3A_505 : i32 to vector<16xi32>
      %gather3A_507 = arith.constant 0 : i32
      %gather3A_508 = arith.constant 0 : i32
      %gather3A_509 = arith.constant 0 : i32
      %gather3A_510 = tpu.memref_slice %arg12[%gather3A_507, %gather3A_508, %gather3A_509] : memref<4x128x32xf32, #tpu.memory_space<vmem>> -> memref<1x128x32xf32, #tpu.memory_space<vmem>>
      %gather3A_511 = tpu.memref_squeeze %gather3A_510 : memref<1x128x32xf32, #tpu.memory_space<vmem>> -> memref<128x32xf32, #tpu.memory_space<vmem>>
      %gather3A_512 = tpu.vector_load_idx %gather3A_511[%add3A_425, %broadcast_in_dim3A_506] : memref<128x32xf32, #tpu.memory_space<vmem>>[vector<16xi32>, vector<16xi32>], vector<16xf32>,
      %gather3A_513 = arith.constant 0 : i32
      %gather3A_514 = arith.constant 0 : i32
      %gather3A_515 = arith.constant 0 : i32
      %gather3A_516 = tpu.memref_slice %arg13[%gather3A_513, %gather3A_514, %gather3A_515] : memref<4x128x32xf32, #tpu.memory_space<vmem>> -> memref<1x128x32xf32, #tpu.memory_space<vmem>>
      %gather3A_517 = tpu.memref_squeeze %gather3A_516 : memref<1x128x32xf32, #tpu.memory_space<vmem>> -> memref<128x32xf32, #tpu.memory_space<vmem>>
      %gather3A_518 = tpu.vector_load_idx %gather3A_517[%add3A_425, %broadcast_in_dim3A_506] : memref<128x32xf32, #tpu.memory_space<vmem>>[vector<16xi32>, vector<16xi32>], vector<16xf32>,
      %mul3A_519 = arith.mulf %gather3A_512, %gather3A_518 : vector<16xf32>
      %add3A_520 = arith.addf %add3A_504, %mul3A_519 : vector<16xf32>
      %broadcast_in_dim3A_521 = arith.constant 6 : i32
      %broadcast_in_dim3A_522 = vector.broadcast %broadcast_in_dim3A_521 : i32 to vector<16xi32>
      %gather3A_523 = arith.constant 0 : i32
      %gather3A_524 = arith.constant 0 : i32
      %gather3A_525 = arith.constant 0 : i32
      %gather3A_526 = tpu.memref_slice %arg12[%gather3A_523, %gather3A_524, %gather3A_525] : memref<4x128x32xf32, #tpu.memory_space<vmem>> -> memref<1x128x32xf32, #tpu.memory_space<vmem>>
      %gather3A_527 = tpu.memref_squeeze %gather3A_526 : memref<1x128x32xf32, #tpu.memory_space<vmem>> -> memref<128x32xf32, #tpu.memory_space<vmem>>
      %gather3A_528 = tpu.vector_load_idx %gather3A_527[%add3A_425, %broadcast_in_dim3A_522] : memref<128x32xf32, #tpu.memory_space<vmem>>[vector<16xi32>, vector<16xi32>], vector<16xf32>,
      %gather3A_529 = arith.constant 0 : i32
      %gather3A_530 = arith.constant 0 : i32
      %gather3A_531 = arith.constant 0 : i32
      %gather3A_532 = tpu.memref_slice %arg13[%gather3A_529, %gather3A_530, %gather3A_531] : memref<4x128x32xf32, #tpu.memory_space<vmem>> -> memref<1x128x32xf32, #tpu.memory_space<vmem>>
      %gather3A_533 = tpu.memref_squeeze %gather3A_532 : memref<1x128x32xf32, #tpu.memory_space<vmem>> -> memref<128x32xf32, #tpu.memory_space<vmem>>
      %gather3A_534 = tpu.vector_load_idx %gather3A_533[%add3A_425, %broadcast_in_dim3A_522] : memref<128x32xf32, #tpu.memory_space<vmem>>[vector<16xi32>, vector<16xi32>], vector<16xf32>,
      %mul3A_535 = arith.mulf %gather3A_528, %gather3A_534 : vector<16xf32>
      %add3A_536 = arith.addf %add3A_520, %mul3A_535 : vector<16xf32>
      %broadcast_in_dim3A_537 = arith.constant 7 : i32
      %broadcast_in_dim3A_538 = vector.broadcast %broadcast_in_dim3A_537 : i32 to vector<16xi32>
      %gather3A_539 = arith.constant 0 : i32
      %gather3A_540 = arith.constant 0 : i32
      %gather3A_541 = arith.constant 0 : i32
      %gather3A_542 = tpu.memref_slice %arg12[%gather3A_539, %gather3A_540, %gather3A_541] : memref<4x128x32xf32, #tpu.memory_space<vmem>> -> memref<1x128x32xf32, #tpu.memory_space<vmem>>
      %gather3A_543 = tpu.memref_squeeze %gather3A_542 : memref<1x128x32xf32, #tpu.memory_space<vmem>> -> memref<128x32xf32, #tpu.memory_space<vmem>>
      %gather3A_544 = tpu.vector_load_idx %gather3A_543[%add3A_425, %broadcast_in_dim3A_538] : memref<128x32xf32, #tpu.memory_space<vmem>>[vector<16xi32>, vector<16xi32>], vector<16xf32>,
      %gather3A_545 = arith.constant 0 : i32
      %gather3A_546 = arith.constant 0 : i32
      %gather3A_547 = arith.constant 0 : i32
      %gather3A_548 = tpu.memref_slice %arg13[%gather3A_545, %gather3A_546, %gather3A_547] : memref<4x128x32xf32, #tpu.memory_space<vmem>> -> memref<1x128x32xf32, #tpu.memory_space<vmem>>
      %gather3A_549 = tpu.memref_squeeze %gather3A_548 : memref<1x128x32xf32, #tpu.memory_space<vmem>> -> memref<128x32xf32, #tpu.memory_space<vmem>>
      %gather3A_550 = tpu.vector_load_idx %gather3A_549[%add3A_425, %broadcast_in_dim3A_538] : memref<128x32xf32, #tpu.memory_space<vmem>>[vector<16xi32>, vector<16xi32>], vector<16xf32>,
      %mul3A_551 = arith.mulf %gather3A_544, %gather3A_550 : vector<16xf32>
      %add3A_552 = arith.addf %add3A_536, %mul3A_551 : vector<16xf32>
      %broadcast_in_dim3A_553 = arith.constant 8 : i32
      %broadcast_in_dim3A_554 = vector.broadcast %broadcast_in_dim3A_553 : i32 to vector<16xi32>
      %gather3A_555 = arith.constant 0 : i32
      %gather3A_556 = arith.constant 0 : i32
      %gather3A_557 = arith.constant 0 : i32
      %gather3A_558 = tpu.memref_slice %arg12[%gather3A_555, %gather3A_556, %gather3A_557] : memref<4x128x32xf32, #tpu.memory_space<vmem>> -> memref<1x128x32xf32, #tpu.memory_space<vmem>>
      %gather3A_559 = tpu.memref_squeeze %gather3A_558 : memref<1x128x32xf32, #tpu.memory_space<vmem>> -> memref<128x32xf32, #tpu.memory_space<vmem>>
      %gather3A_560 = tpu.vector_load_idx %gather3A_559[%add3A_425, %broadcast_in_dim3A_554] : memref<128x32xf32, #tpu.memory_space<vmem>>[vector<16xi32>, vector<16xi32>], vector<16xf32>,
      %gather3A_561 = arith.constant 0 : i32
      %gather3A_562 = arith.constant 0 : i32
      %gather3A_563 = arith.constant 0 : i32
      %gather3A_564 = tpu.memref_slice %arg13[%gather3A_561, %gather3A_562, %gather3A_563] : memref<4x128x32xf32, #tpu.memory_space<vmem>> -> memref<1x128x32xf32, #tpu.memory_space<vmem>>
      %gather3A_565 = tpu.memref_squeeze %gather3A_564 : memref<1x128x32xf32, #tpu.memory_space<vmem>> -> memref<128x32xf32, #tpu.memory_space<vmem>>
      %gather3A_566 = tpu.vector_load_idx %gather3A_565[%add3A_425, %broadcast_in_dim3A_554] : memref<128x32xf32, #tpu.memory_space<vmem>>[vector<16xi32>, vector<16xi32>], vector<16xf32>,
      %mul3A_567 = arith.mulf %gather3A_560, %gather3A_566 : vector<16xf32>
      %add3A_568 = arith.addf %add3A_552, %mul3A_567 : vector<16xf32>
      %broadcast_in_dim3A_569 = arith.constant 9 : i32
      %broadcast_in_dim3A_570 = vector.broadcast %broadcast_in_dim3A_569 : i32 to vector<16xi32>
      %gather3A_571 = arith.constant 0 : i32
      %gather3A_572 = arith.constant 0 : i32
      %gather3A_573 = arith.constant 0 : i32
      %gather3A_574 = tpu.memref_slice %arg12[%gather3A_571, %gather3A_572, %gather3A_573] : memref<4x128x32xf32, #tpu.memory_space<vmem>> -> memref<1x128x32xf32, #tpu.memory_space<vmem>>
      %gather3A_575 = tpu.memref_squeeze %gather3A_574 : memref<1x128x32xf32, #tpu.memory_space<vmem>> -> memref<128x32xf32, #tpu.memory_space<vmem>>
      %gather3A_576 = tpu.vector_load_idx %gather3A_575[%add3A_425, %broadcast_in_dim3A_570] : memref<128x32xf32, #tpu.memory_space<vmem>>[vector<16xi32>, vector<16xi32>], vector<16xf32>,
      %gather3A_577 = arith.constant 0 : i32
      %gather3A_578 = arith.constant 0 : i32
      %gather3A_579 = arith.constant 0 : i32
      %gather3A_580 = tpu.memref_slice %arg13[%gather3A_577, %gather3A_578, %gather3A_579] : memref<4x128x32xf32, #tpu.memory_space<vmem>> -> memref<1x128x32xf32, #tpu.memory_space<vmem>>
      %gather3A_581 = tpu.memref_squeeze %gather3A_580 : memref<1x128x32xf32, #tpu.memory_space<vmem>> -> memref<128x32xf32, #tpu.memory_space<vmem>>
      %gather3A_582 = tpu.vector_load_idx %gather3A_581[%add3A_425, %broadcast_in_dim3A_570] : memref<128x32xf32, #tpu.memory_space<vmem>>[vector<16xi32>, vector<16xi32>], vector<16xf32>,
      %mul3A_583 = arith.mulf %gather3A_576, %gather3A_582 : vector<16xf32>
      %add3A_584 = arith.addf %add3A_568, %mul3A_583 : vector<16xf32>
      %broadcast_in_dim3A_585 = arith.constant 10 : i32
      %broadcast_in_dim3A_586 = vector.broadcast %broadcast_in_dim3A_585 : i32 to vector<16xi32>
      %gather3A_587 = arith.constant 0 : i32
      %gather3A_588 = arith.constant 0 : i32
      %gather3A_589 = arith.constant 0 : i32
      %gather3A_590 = tpu.memref_slice %arg12[%gather3A_587, %gather3A_588, %gather3A_589] : memref<4x128x32xf32, #tpu.memory_space<vmem>> -> memref<1x128x32xf32, #tpu.memory_space<vmem>>
      %gather3A_591 = tpu.memref_squeeze %gather3A_590 : memref<1x128x32xf32, #tpu.memory_space<vmem>> -> memref<128x32xf32, #tpu.memory_space<vmem>>
      %gather3A_592 = tpu.vector_load_idx %gather3A_591[%add3A_425, %broadcast_in_dim3A_586] : memref<128x32xf32, #tpu.memory_space<vmem>>[vector<16xi32>, vector<16xi32>], vector<16xf32>,
      %gather3A_593 = arith.constant 0 : i32
      %gather3A_594 = arith.constant 0 : i32
      %gather3A_595 = arith.constant 0 : i32
      %gather3A_596 = tpu.memref_slice %arg13[%gather3A_593, %gather3A_594, %gather3A_595] : memref<4x128x32xf32, #tpu.memory_space<vmem>> -> memref<1x128x32xf32, #tpu.memory_space<vmem>>
      %gather3A_597 = tpu.memref_squeeze %gather3A_596 : memref<1x128x32xf32, #tpu.memory_space<vmem>> -> memref<128x32xf32, #tpu.memory_space<vmem>>
      %gather3A_598 = tpu.vector_load_idx %gather3A_597[%add3A_425, %broadcast_in_dim3A_586] : memref<128x32xf32, #tpu.memory_space<vmem>>[vector<16xi32>, vector<16xi32>], vector<16xf32>,
      %mul3A_599 = arith.mulf %gather3A_592, %gather3A_598 : vector<16xf32>
      %add3A_600 = arith.addf %add3A_584, %mul3A_599 : vector<16xf32>
      %broadcast_in_dim3A_601 = arith.constant 11 : i32
      %broadcast_in_dim3A_602 = vector.broadcast %broadcast_in_dim3A_601 : i32 to vector<16xi32>
      %gather3A_603 = arith.constant 0 : i32
      %gather3A_604 = arith.constant 0 : i32
      %gather3A_605 = arith.constant 0 : i32
      %gather3A_606 = tpu.memref_slice %arg12[%gather3A_603, %gather3A_604, %gather3A_605] : memref<4x128x32xf32, #tpu.memory_space<vmem>> -> memref<1x128x32xf32, #tpu.memory_space<vmem>>
      %gather3A_607 = tpu.memref_squeeze %gather3A_606 : memref<1x128x32xf32, #tpu.memory_space<vmem>> -> memref<128x32xf32, #tpu.memory_space<vmem>>
      %gather3A_608 = tpu.vector_load_idx %gather3A_607[%add3A_425, %broadcast_in_dim3A_602] : memref<128x32xf32, #tpu.memory_space<vmem>>[vector<16xi32>, vector<16xi32>], vector<16xf32>,
      %gather3A_609 = arith.constant 0 : i32
      %gather3A_610 = arith.constant 0 : i32
      %gather3A_611 = arith.constant 0 : i32
      %gather3A_612 = tpu.memref_slice %arg13[%gather3A_609, %gather3A_610, %gather3A_611] : memref<4x128x32xf32, #tpu.memory_space<vmem>> -> memref<1x128x32xf32, #tpu.memory_space<vmem>>
      %gather3A_613 = tpu.memref_squeeze %gather3A_612 : memref<1x128x32xf32, #tpu.memory_space<vmem>> -> memref<128x32xf32, #tpu.memory_space<vmem>>
      %gather3A_614 = tpu.vector_load_idx %gather3A_613[%add3A_425, %broadcast_in_dim3A_602] : memref<128x32xf32, #tpu.memory_space<vmem>>[vector<16xi32>, vector<16xi32>], vector<16xf32>,
      %mul3A_615 = arith.mulf %gather3A_608, %gather3A_614 : vector<16xf32>
      %add3A_616 = arith.addf %add3A_600, %mul3A_615 : vector<16xf32>
      %broadcast_in_dim3A_617 = arith.constant 12 : i32
      %broadcast_in_dim3A_618 = vector.broadcast %broadcast_in_dim3A_617 : i32 to vector<16xi32>
      %gather3A_619 = arith.constant 0 : i32
      %gather3A_620 = arith.constant 0 : i32
      %gather3A_621 = arith.constant 0 : i32
      %gather3A_622 = tpu.memref_slice %arg12[%gather3A_619, %gather3A_620, %gather3A_621] : memref<4x128x32xf32, #tpu.memory_space<vmem>> -> memref<1x128x32xf32, #tpu.memory_space<vmem>>
      %gather3A_623 = tpu.memref_squeeze %gather3A_622 : memref<1x128x32xf32, #tpu.memory_space<vmem>> -> memref<128x32xf32, #tpu.memory_space<vmem>>
      %gather3A_624 = tpu.vector_load_idx %gather3A_623[%add3A_425, %broadcast_in_dim3A_618] : memref<128x32xf32, #tpu.memory_space<vmem>>[vector<16xi32>, vector<16xi32>], vector<16xf32>,
      %gather3A_625 = arith.constant 0 : i32
      %gather3A_626 = arith.constant 0 : i32
      %gather3A_627 = arith.constant 0 : i32
      %gather3A_628 = tpu.memref_slice %arg13[%gather3A_625, %gather3A_626, %gather3A_627] : memref<4x128x32xf32, #tpu.memory_space<vmem>> -> memref<1x128x32xf32, #tpu.memory_space<vmem>>
      %gather3A_629 = tpu.memref_squeeze %gather3A_628 : memref<1x128x32xf32, #tpu.memory_space<vmem>> -> memref<128x32xf32, #tpu.memory_space<vmem>>
      %gather3A_630 = tpu.vector_load_idx %gather3A_629[%add3A_425, %broadcast_in_dim3A_618] : memref<128x32xf32, #tpu.memory_space<vmem>>[vector<16xi32>, vector<16xi32>], vector<16xf32>,
      %mul3A_631 = arith.mulf %gather3A_624, %gather3A_630 : vector<16xf32>
      %add3A_632 = arith.addf %add3A_616, %mul3A_631 : vector<16xf32>
      %broadcast_in_dim3A_633 = arith.constant 13 : i32
      %broadcast_in_dim3A_634 = vector.broadcast %broadcast_in_dim3A_633 : i32 to vector<16xi32>
      %gather3A_635 = arith.constant 0 : i32
      %gather3A_636 = arith.constant 0 : i32
      %gather3A_637 = arith.constant 0 : i32
      %gather3A_638 = tpu.memref_slice %arg12[%gather3A_635, %gather3A_636, %gather3A_637] : memref<4x128x32xf32, #tpu.memory_space<vmem>> -> memref<1x128x32xf32, #tpu.memory_space<vmem>>
      %gather3A_639 = tpu.memref_squeeze %gather3A_638 : memref<1x128x32xf32, #tpu.memory_space<vmem>> -> memref<128x32xf32, #tpu.memory_space<vmem>>
      %gather3A_640 = tpu.vector_load_idx %gather3A_639[%add3A_425, %broadcast_in_dim3A_634] : memref<128x32xf32, #tpu.memory_space<vmem>>[vector<16xi32>, vector<16xi32>], vector<16xf32>,
      %gather3A_641 = arith.constant 0 : i32
      %gather3A_642 = arith.constant 0 : i32
      %gather3A_643 = arith.constant 0 : i32
      %gather3A_644 = tpu.memref_slice %arg13[%gather3A_641, %gather3A_642, %gather3A_643] : memref<4x128x32xf32, #tpu.memory_space<vmem>> -> memref<1x128x32xf32, #tpu.memory_space<vmem>>
      %gather3A_645 = tpu.memref_squeeze %gather3A_644 : memref<1x128x32xf32, #tpu.memory_space<vmem>> -> memref<128x32xf32, #tpu.memory_space<vmem>>
      %gather3A_646 = tpu.vector_load_idx %gather3A_645[%add3A_425, %broadcast_in_dim3A_634] : memref<128x32xf32, #tpu.memory_space<vmem>>[vector<16xi32>, vector<16xi32>], vector<16xf32>,
      %mul3A_647 = arith.mulf %gather3A_640, %gather3A_646 : vector<16xf32>
      %add3A_648 = arith.addf %add3A_632, %mul3A_647 : vector<16xf32>
      %broadcast_in_dim3A_649 = arith.constant 14 : i32
      %broadcast_in_dim3A_650 = vector.broadcast %broadcast_in_dim3A_649 : i32 to vector<16xi32>
      %gather3A_651 = arith.constant 0 : i32
      %gather3A_652 = arith.constant 0 : i32
      %gather3A_653 = arith.constant 0 : i32
      %gather3A_654 = tpu.memref_slice %arg12[%gather3A_651, %gather3A_652, %gather3A_653] : memref<4x128x32xf32, #tpu.memory_space<vmem>> -> memref<1x128x32xf32, #tpu.memory_space<vmem>>
      %gather3A_655 = tpu.memref_squeeze %gather3A_654 : memref<1x128x32xf32, #tpu.memory_space<vmem>> -> memref<128x32xf32, #tpu.memory_space<vmem>>
      %gather3A_656 = tpu.vector_load_idx %gather3A_655[%add3A_425, %broadcast_in_dim3A_650] : memref<128x32xf32, #tpu.memory_space<vmem>>[vector<16xi32>, vector<16xi32>], vector<16xf32>,
      %gather3A_657 = arith.constant 0 : i32
      %gather3A_658 = arith.constant 0 : i32
      %gather3A_659 = arith.constant 0 : i32
      %gather3A_660 = tpu.memref_slice %arg13[%gather3A_657, %gather3A_658, %gather3A_659] : memref<4x128x32xf32, #tpu.memory_space<vmem>> -> memref<1x128x32xf32, #tpu.memory_space<vmem>>
      %gather3A_661 = tpu.memref_squeeze %gather3A_660 : memref<1x128x32xf32, #tpu.memory_space<vmem>> -> memref<128x32xf32, #tpu.memory_space<vmem>>
      %gather3A_662 = tpu.vector_load_idx %gather3A_661[%add3A_425, %broadcast_in_dim3A_650] : memref<128x32xf32, #tpu.memory_space<vmem>>[vector<16xi32>, vector<16xi32>], vector<16xf32>,
      %mul3A_663 = arith.mulf %gather3A_656, %gather3A_662 : vector<16xf32>
      %add3A_664 = arith.addf %add3A_648, %mul3A_663 : vector<16xf32>
      %broadcast_in_dim3A_665 = arith.constant 15 : i32
      %broadcast_in_dim3A_666 = vector.broadcast %broadcast_in_dim3A_665 : i32 to vector<16xi32>
      %gather3A_667 = arith.constant 0 : i32
      %gather3A_668 = arith.constant 0 : i32
      %gather3A_669 = arith.constant 0 : i32
      %gather3A_670 = tpu.memref_slice %arg12[%gather3A_667, %gather3A_668, %gather3A_669] : memref<4x128x32xf32, #tpu.memory_space<vmem>> -> memref<1x128x32xf32, #tpu.memory_space<vmem>>
      %gather3A_671 = tpu.memref_squeeze %gather3A_670 : memref<1x128x32xf32, #tpu.memory_space<vmem>> -> memref<128x32xf32, #tpu.memory_space<vmem>>
      %gather3A_672 = tpu.vector_load_idx %gather3A_671[%add3A_425, %broadcast_in_dim3A_666] : memref<128x32xf32, #tpu.memory_space<vmem>>[vector<16xi32>, vector<16xi32>], vector<16xf32>,
      %gather3A_673 = arith.constant 0 : i32
      %gather3A_674 = arith.constant 0 : i32
      %gather3A_675 = arith.constant 0 : i32
      %gather3A_676 = tpu.memref_slice %arg13[%gather3A_673, %gather3A_674, %gather3A_675] : memref<4x128x32xf32, #tpu.memory_space<vmem>> -> memref<1x128x32xf32, #tpu.memory_space<vmem>>
      %gather3A_677 = tpu.memref_squeeze %gather3A_676 : memref<1x128x32xf32, #tpu.memory_space<vmem>> -> memref<128x32xf32, #tpu.memory_space<vmem>>
      %gather3A_678 = tpu.vector_load_idx %gather3A_677[%add3A_425, %broadcast_in_dim3A_666] : memref<128x32xf32, #tpu.memory_space<vmem>>[vector<16xi32>, vector<16xi32>], vector<16xf32>,
      %mul3A_679 = arith.mulf %gather3A_672, %gather3A_678 : vector<16xf32>
      %add3A_680 = arith.addf %add3A_664, %mul3A_679 : vector<16xf32>
      %broadcast_in_dim3A_681 = arith.constant 16 : i32
      %broadcast_in_dim3A_682 = vector.broadcast %broadcast_in_dim3A_681 : i32 to vector<16xi32>
      %gather3A_683 = arith.constant 0 : i32
      %gather3A_684 = arith.constant 0 : i32
      %gather3A_685 = arith.constant 0 : i32
      %gather3A_686 = tpu.memref_slice %arg12[%gather3A_683, %gather3A_684, %gather3A_685] : memref<4x128x32xf32, #tpu.memory_space<vmem>> -> memref<1x128x32xf32, #tpu.memory_space<vmem>>
      %gather3A_687 = tpu.memref_squeeze %gather3A_686 : memref<1x128x32xf32, #tpu.memory_space<vmem>> -> memref<128x32xf32, #tpu.memory_space<vmem>>
      %gather3A_688 = tpu.vector_load_idx %gather3A_687[%add3A_425, %broadcast_in_dim3A_682] : memref<128x32xf32, #tpu.memory_space<vmem>>[vector<16xi32>, vector<16xi32>], vector<16xf32>,
      %gather3A_689 = arith.constant 0 : i32
      %gather3A_690 = arith.constant 0 : i32
      %gather3A_691 = arith.constant 0 : i32
      %gather3A_692 = tpu.memref_slice %arg13[%gather3A_689, %gather3A_690, %gather3A_691] : memref<4x128x32xf32, #tpu.memory_space<vmem>> -> memref<1x128x32xf32, #tpu.memory_space<vmem>>
      %gather3A_693 = tpu.memref_squeeze %gather3A_692 : memref<1x128x32xf32, #tpu.memory_space<vmem>> -> memref<128x32xf32, #tpu.memory_space<vmem>>
      %gather3A_694 = tpu.vector_load_idx %gather3A_693[%add3A_425, %broadcast_in_dim3A_682] : memref<128x32xf32, #tpu.memory_space<vmem>>[vector<16xi32>, vector<16xi32>], vector<16xf32>,
      %mul3A_695 = arith.mulf %gather3A_688, %gather3A_694 : vector<16xf32>
      %add3A_696 = arith.addf %add3A_680, %mul3A_695 : vector<16xf32>
      %broadcast_in_dim3A_697 = arith.constant 17 : i32
      %broadcast_in_dim3A_698 = vector.broadcast %broadcast_in_dim3A_697 : i32 to vector<16xi32>
      %gather3A_699 = arith.constant 0 : i32
      %gather3A_700 = arith.constant 0 : i32
      %gather3A_701 = arith.constant 0 : i32
      %gather3A_702 = tpu.memref_slice %arg12[%gather3A_699, %gather3A_700, %gather3A_701] : memref<4x128x32xf32, #tpu.memory_space<vmem>> -> memref<1x128x32xf32, #tpu.memory_space<vmem>>
      %gather3A_703 = tpu.memref_squeeze %gather3A_702 : memref<1x128x32xf32, #tpu.memory_space<vmem>> -> memref<128x32xf32, #tpu.memory_space<vmem>>
      %gather3A_704 = tpu.vector_load_idx %gather3A_703[%add3A_425, %broadcast_in_dim3A_698] : memref<128x32xf32, #tpu.memory_space<vmem>>[vector<16xi32>, vector<16xi32>], vector<16xf32>,
      %gather3A_705 = arith.constant 0 : i32
      %gather3A_706 = arith.constant 0 : i32
      %gather3A_707 = arith.constant 0 : i32
      %gather3A_708 = tpu.memref_slice %arg13[%gather3A_705, %gather3A_706, %gather3A_707] : memref<4x128x32xf32, #tpu.memory_space<vmem>> -> memref<1x128x32xf32, #tpu.memory_space<vmem>>
      %gather3A_709 = tpu.memref_squeeze %gather3A_708 : memref<1x128x32xf32, #tpu.memory_space<vmem>> -> memref<128x32xf32, #tpu.memory_space<vmem>>
      %gather3A_710 = tpu.vector_load_idx %gather3A_709[%add3A_425, %broadcast_in_dim3A_698] : memref<128x32xf32, #tpu.memory_space<vmem>>[vector<16xi32>, vector<16xi32>], vector<16xf32>,
      %mul3A_711 = arith.mulf %gather3A_704, %gather3A_710 : vector<16xf32>
      %add3A_712 = arith.addf %add3A_696, %mul3A_711 : vector<16xf32>
      %broadcast_in_dim3A_713 = arith.constant 18 : i32
      %broadcast_in_dim3A_714 = vector.broadcast %broadcast_in_dim3A_713 : i32 to vector<16xi32>
      %gather3A_715 = arith.constant 0 : i32
      %gather3A_716 = arith.constant 0 : i32
      %gather3A_717 = arith.constant 0 : i32
      %gather3A_718 = tpu.memref_slice %arg12[%gather3A_715, %gather3A_716, %gather3A_717] : memref<4x128x32xf32, #tpu.memory_space<vmem>> -> memref<1x128x32xf32, #tpu.memory_space<vmem>>
      %gather3A_719 = tpu.memref_squeeze %gather3A_718 : memref<1x128x32xf32, #tpu.memory_space<vmem>> -> memref<128x32xf32, #tpu.memory_space<vmem>>
      %gather3A_720 = tpu.vector_load_idx %gather3A_719[%add3A_425, %broadcast_in_dim3A_714] : memref<128x32xf32, #tpu.memory_space<vmem>>[vector<16xi32>, vector<16xi32>], vector<16xf32>,
      %gather3A_721 = arith.constant 0 : i32
      %gather3A_722 = arith.constant 0 : i32
      %gather3A_723 = arith.constant 0 : i32
      %gather3A_724 = tpu.memref_slice %arg13[%gather3A_721, %gather3A_722, %gather3A_723] : memref<4x128x32xf32, #tpu.memory_space<vmem>> -> memref<1x128x32xf32, #tpu.memory_space<vmem>>
      %gather3A_725 = tpu.memref_squeeze %gather3A_724 : memref<1x128x32xf32, #tpu.memory_space<vmem>> -> memref<128x32xf32, #tpu.memory_space<vmem>>
      %gather3A_726 = tpu.vector_load_idx %gather3A_725[%add3A_425, %broadcast_in_dim3A_714] : memref<128x32xf32, #tpu.memory_space<vmem>>[vector<16xi32>, vector<16xi32>], vector<16xf32>,
      %mul3A_727 = arith.mulf %gather3A_720, %gather3A_726 : vector<16xf32>
      %add3A_728 = arith.addf %add3A_712, %mul3A_727 : vector<16xf32>
      %broadcast_in_dim3A_729 = arith.constant 19 : i32
      %broadcast_in_dim3A_730 = vector.broadcast %broadcast_in_dim3A_729 : i32 to vector<16xi32>
      %gather3A_731 = arith.constant 0 : i32
      %gather3A_732 = arith.constant 0 : i32
      %gather3A_733 = arith.constant 0 : i32
      %gather3A_734 = tpu.memref_slice %arg12[%gather3A_731, %gather3A_732, %gather3A_733] : memref<4x128x32xf32, #tpu.memory_space<vmem>> -> memref<1x128x32xf32, #tpu.memory_space<vmem>>
      %gather3A_735 = tpu.memref_squeeze %gather3A_734 : memref<1x128x32xf32, #tpu.memory_space<vmem>> -> memref<128x32xf32, #tpu.memory_space<vmem>>
      %gather3A_736 = tpu.vector_load_idx %gather3A_735[%add3A_425, %broadcast_in_dim3A_730] : memref<128x32xf32, #tpu.memory_space<vmem>>[vector<16xi32>, vector<16xi32>], vector<16xf32>,
      %gather3A_737 = arith.constant 0 : i32
      %gather3A_738 = arith.constant 0 : i32
      %gather3A_739 = arith.constant 0 : i32
      %gather3A_740 = tpu.memref_slice %arg13[%gather3A_737, %gather3A_738, %gather3A_739] : memref<4x128x32xf32, #tpu.memory_space<vmem>> -> memref<1x128x32xf32, #tpu.memory_space<vmem>>
      %gather3A_741 = tpu.memref_squeeze %gather3A_740 : memref<1x128x32xf32, #tpu.memory_space<vmem>> -> memref<128x32xf32, #tpu.memory_space<vmem>>
      %gather3A_742 = tpu.vector_load_idx %gather3A_741[%add3A_425, %broadcast_in_dim3A_730] : memref<128x32xf32, #tpu.memory_space<vmem>>[vector<16xi32>, vector<16xi32>], vector<16xf32>,
      %mul3A_743 = arith.mulf %gather3A_736, %gather3A_742 : vector<16xf32>
      %add3A_744 = arith.addf %add3A_728, %mul3A_743 : vector<16xf32>
      %broadcast_in_dim3A_745 = arith.constant 20 : i32
      %broadcast_in_dim3A_746 = vector.broadcast %broadcast_in_dim3A_745 : i32 to vector<16xi32>
      %gather3A_747 = arith.constant 0 : i32
      %gather3A_748 = arith.constant 0 : i32
      %gather3A_749 = arith.constant 0 : i32
      %gather3A_750 = tpu.memref_slice %arg12[%gather3A_747, %gather3A_748, %gather3A_749] : memref<4x128x32xf32, #tpu.memory_space<vmem>> -> memref<1x128x32xf32, #tpu.memory_space<vmem>>
      %gather3A_751 = tpu.memref_squeeze %gather3A_750 : memref<1x128x32xf32, #tpu.memory_space<vmem>> -> memref<128x32xf32, #tpu.memory_space<vmem>>
      %gather3A_752 = tpu.vector_load_idx %gather3A_751[%add3A_425, %broadcast_in_dim3A_746] : memref<128x32xf32, #tpu.memory_space<vmem>>[vector<16xi32>, vector<16xi32>], vector<16xf32>,
      %gather3A_753 = arith.constant 0 : i32
      %gather3A_754 = arith.constant 0 : i32
      %gather3A_755 = arith.constant 0 : i32
      %gather3A_756 = tpu.memref_slice %arg13[%gather3A_753, %gather3A_754, %gather3A_755] : memref<4x128x32xf32, #tpu.memory_space<vmem>> -> memref<1x128x32xf32, #tpu.memory_space<vmem>>
      %gather3A_757 = tpu.memref_squeeze %gather3A_756 : memref<1x128x32xf32, #tpu.memory_space<vmem>> -> memref<128x32xf32, #tpu.memory_space<vmem>>
      %gather3A_758 = tpu.vector_load_idx %gather3A_757[%add3A_425, %broadcast_in_dim3A_746] : memref<128x32xf32, #tpu.memory_space<vmem>>[vector<16xi32>, vector<16xi32>], vector<16xf32>,
      %mul3A_759 = arith.mulf %gather3A_752, %gather3A_758 : vector<16xf32>
      %add3A_760 = arith.addf %add3A_744, %mul3A_759 : vector<16xf32>
      %broadcast_in_dim3A_761 = arith.constant 21 : i32
      %broadcast_in_dim3A_762 = vector.broadcast %broadcast_in_dim3A_761 : i32 to vector<16xi32>
      %gather3A_763 = arith.constant 0 : i32
      %gather3A_764 = arith.constant 0 : i32
      %gather3A_765 = arith.constant 0 : i32
      %gather3A_766 = tpu.memref_slice %arg12[%gather3A_763, %gather3A_764, %gather3A_765] : memref<4x128x32xf32, #tpu.memory_space<vmem>> -> memref<1x128x32xf32, #tpu.memory_space<vmem>>
      %gather3A_767 = tpu.memref_squeeze %gather3A_766 : memref<1x128x32xf32, #tpu.memory_space<vmem>> -> memref<128x32xf32, #tpu.memory_space<vmem>>
      %gather3A_768 = tpu.vector_load_idx %gather3A_767[%add3A_425, %broadcast_in_dim3A_762] : memref<128x32xf32, #tpu.memory_space<vmem>>[vector<16xi32>, vector<16xi32>], vector<16xf32>,
      %gather3A_769 = arith.constant 0 : i32
      %gather3A_770 = arith.constant 0 : i32
      %gather3A_771 = arith.constant 0 : i32
      %gather3A_772 = tpu.memref_slice %arg13[%gather3A_769, %gather3A_770, %gather3A_771] : memref<4x128x32xf32, #tpu.memory_space<vmem>> -> memref<1x128x32xf32, #tpu.memory_space<vmem>>
      %gather3A_773 = tpu.memref_squeeze %gather3A_772 : memref<1x128x32xf32, #tpu.memory_space<vmem>> -> memref<128x32xf32, #tpu.memory_space<vmem>>
      %gather3A_774 = tpu.vector_load_idx %gather3A_773[%add3A_425, %broadcast_in_dim3A_762] : memref<128x32xf32, #tpu.memory_space<vmem>>[vector<16xi32>, vector<16xi32>], vector<16xf32>,
      %mul3A_775 = arith.mulf %gather3A_768, %gather3A_774 : vector<16xf32>
      %add3A_776 = arith.addf %add3A_760, %mul3A_775 : vector<16xf32>
      %broadcast_in_dim3A_777 = arith.constant 22 : i32
      %broadcast_in_dim3A_778 = vector.broadcast %broadcast_in_dim3A_777 : i32 to vector<16xi32>
      %gather3A_779 = arith.constant 0 : i32
      %gather3A_780 = arith.constant 0 : i32
      %gather3A_781 = arith.constant 0 : i32
      %gather3A_782 = tpu.memref_slice %arg12[%gather3A_779, %gather3A_780, %gather3A_781] : memref<4x128x32xf32, #tpu.memory_space<vmem>> -> memref<1x128x32xf32, #tpu.memory_space<vmem>>
      %gather3A_783 = tpu.memref_squeeze %gather3A_782 : memref<1x128x32xf32, #tpu.memory_space<vmem>> -> memref<128x32xf32, #tpu.memory_space<vmem>>
      %gather3A_784 = tpu.vector_load_idx %gather3A_783[%add3A_425, %broadcast_in_dim3A_778] : memref<128x32xf32, #tpu.memory_space<vmem>>[vector<16xi32>, vector<16xi32>], vector<16xf32>,
      %gather3A_785 = arith.constant 0 : i32
      %gather3A_786 = arith.constant 0 : i32
      %gather3A_787 = arith.constant 0 : i32
      %gather3A_788 = tpu.memref_slice %arg13[%gather3A_785, %gather3A_786, %gather3A_787] : memref<4x128x32xf32, #tpu.memory_space<vmem>> -> memref<1x128x32xf32, #tpu.memory_space<vmem>>
      %gather3A_789 = tpu.memref_squeeze %gather3A_788 : memref<1x128x32xf32, #tpu.memory_space<vmem>> -> memref<128x32xf32, #tpu.memory_space<vmem>>
      %gather3A_790 = tpu.vector_load_idx %gather3A_789[%add3A_425, %broadcast_in_dim3A_778] : memref<128x32xf32, #tpu.memory_space<vmem>>[vector<16xi32>, vector<16xi32>], vector<16xf32>,
      %mul3A_791 = arith.mulf %gather3A_784, %gather3A_790 : vector<16xf32>
      %add3A_792 = arith.addf %add3A_776, %mul3A_791 : vector<16xf32>
      %broadcast_in_dim3A_793 = arith.constant 23 : i32
      %broadcast_in_dim3A_794 = vector.broadcast %broadcast_in_dim3A_793 : i32 to vector<16xi32>
      %gather3A_795 = arith.constant 0 : i32
      %gather3A_796 = arith.constant 0 : i32
      %gather3A_797 = arith.constant 0 : i32
      %gather3A_798 = tpu.memref_slice %arg12[%gather3A_795, %gather3A_796, %gather3A_797] : memref<4x128x32xf32, #tpu.memory_space<vmem>> -> memref<1x128x32xf32, #tpu.memory_space<vmem>>
      %gather3A_799 = tpu.memref_squeeze %gather3A_798 : memref<1x128x32xf32, #tpu.memory_space<vmem>> -> memref<128x32xf32, #tpu.memory_space<vmem>>
      %gather3A_800 = tpu.vector_load_idx %gather3A_799[%add3A_425, %broadcast_in_dim3A_794] : memref<128x32xf32, #tpu.memory_space<vmem>>[vector<16xi32>, vector<16xi32>], vector<16xf32>,
      %gather3A_801 = arith.constant 0 : i32
      %gather3A_802 = arith.constant 0 : i32
      %gather3A_803 = arith.constant 0 : i32
      %gather3A_804 = tpu.memref_slice %arg13[%gather3A_801, %gather3A_802, %gather3A_803] : memref<4x128x32xf32, #tpu.memory_space<vmem>> -> memref<1x128x32xf32, #tpu.memory_space<vmem>>
      %gather3A_805 = tpu.memref_squeeze %gather3A_804 : memref<1x128x32xf32, #tpu.memory_space<vmem>> -> memref<128x32xf32, #tpu.memory_space<vmem>>
      %gather3A_806 = tpu.vector_load_idx %gather3A_805[%add3A_425, %broadcast_in_dim3A_794] : memref<128x32xf32, #tpu.memory_space<vmem>>[vector<16xi32>, vector<16xi32>], vector<16xf32>,
      %mul3A_807 = arith.mulf %gather3A_800, %gather3A_806 : vector<16xf32>
      %add3A_808 = arith.addf %add3A_792, %mul3A_807 : vector<16xf32>
      %broadcast_in_dim3A_809 = arith.constant 24 : i32
      %broadcast_in_dim3A_810 = vector.broadcast %broadcast_in_dim3A_809 : i32 to vector<16xi32>
      %gather3A_811 = arith.constant 0 : i32
      %gather3A_812 = arith.constant 0 : i32
      %gather3A_813 = arith.constant 0 : i32
      %gather3A_814 = tpu.memref_slice %arg12[%gather3A_811, %gather3A_812, %gather3A_813] : memref<4x128x32xf32, #tpu.memory_space<vmem>> -> memref<1x128x32xf32, #tpu.memory_space<vmem>>
      %gather3A_815 = tpu.memref_squeeze %gather3A_814 : memref<1x128x32xf32, #tpu.memory_space<vmem>> -> memref<128x32xf32, #tpu.memory_space<vmem>>
      %gather3A_816 = tpu.vector_load_idx %gather3A_815[%add3A_425, %broadcast_in_dim3A_810] : memref<128x32xf32, #tpu.memory_space<vmem>>[vector<16xi32>, vector<16xi32>], vector<16xf32>,
      %gather3A_817 = arith.constant 0 : i32
      %gather3A_818 = arith.constant 0 : i32
      %gather3A_819 = arith.constant 0 : i32
      %gather3A_820 = tpu.memref_slice %arg13[%gather3A_817, %gather3A_818, %gather3A_819] : memref<4x128x32xf32, #tpu.memory_space<vmem>> -> memref<1x128x32xf32, #tpu.memory_space<vmem>>
      %gather3A_821 = tpu.memref_squeeze %gather3A_820 : memref<1x128x32xf32, #tpu.memory_space<vmem>> -> memref<128x32xf32, #tpu.memory_space<vmem>>
      %gather3A_822 = tpu.vector_load_idx %gather3A_821[%add3A_425, %broadcast_in_dim3A_810] : memref<128x32xf32, #tpu.memory_space<vmem>>[vector<16xi32>, vector<16xi32>], vector<16xf32>,
      %mul3A_823 = arith.mulf %gather3A_816, %gather3A_822 : vector<16xf32>
      %add3A_824 = arith.addf %add3A_808, %mul3A_823 : vector<16xf32>
      %broadcast_in_dim3A_825 = arith.constant 25 : i32
      %broadcast_in_dim3A_826 = vector.broadcast %broadcast_in_dim3A_825 : i32 to vector<16xi32>
      %gather3A_827 = arith.constant 0 : i32
      %gather3A_828 = arith.constant 0 : i32
      %gather3A_829 = arith.constant 0 : i32
      %gather3A_830 = tpu.memref_slice %arg12[%gather3A_827, %gather3A_828, %gather3A_829] : memref<4x128x32xf32, #tpu.memory_space<vmem>> -> memref<1x128x32xf32, #tpu.memory_space<vmem>>
      %gather3A_831 = tpu.memref_squeeze %gather3A_830 : memref<1x128x32xf32, #tpu.memory_space<vmem>> -> memref<128x32xf32, #tpu.memory_space<vmem>>
      %gather3A_832 = tpu.vector_load_idx %gather3A_831[%add3A_425, %broadcast_in_dim3A_826] : memref<128x32xf32, #tpu.memory_space<vmem>>[vector<16xi32>, vector<16xi32>], vector<16xf32>,
      %gather3A_833 = arith.constant 0 : i32
      %gather3A_834 = arith.constant 0 : i32
      %gather3A_835 = arith.constant 0 : i32
      %gather3A_836 = tpu.memref_slice %arg13[%gather3A_833, %gather3A_834, %gather3A_835] : memref<4x128x32xf32, #tpu.memory_space<vmem>> -> memref<1x128x32xf32, #tpu.memory_space<vmem>>
      %gather3A_837 = tpu.memref_squeeze %gather3A_836 : memref<1x128x32xf32, #tpu.memory_space<vmem>> -> memref<128x32xf32, #tpu.memory_space<vmem>>
      %gather3A_838 = tpu.vector_load_idx %gather3A_837[%add3A_425, %broadcast_in_dim3A_826] : memref<128x32xf32, #tpu.memory_space<vmem>>[vector<16xi32>, vector<16xi32>], vector<16xf32>,
      %mul3A_839 = arith.mulf %gather3A_832, %gather3A_838 : vector<16xf32>
      %add3A_840 = arith.addf %add3A_824, %mul3A_839 : vector<16xf32>
      %broadcast_in_dim3A_841 = arith.constant 26 : i32
      %broadcast_in_dim3A_842 = vector.broadcast %broadcast_in_dim3A_841 : i32 to vector<16xi32>
      %gather3A_843 = arith.constant 0 : i32
      %gather3A_844 = arith.constant 0 : i32
      %gather3A_845 = arith.constant 0 : i32
      %gather3A_846 = tpu.memref_slice %arg12[%gather3A_843, %gather3A_844, %gather3A_845] : memref<4x128x32xf32, #tpu.memory_space<vmem>> -> memref<1x128x32xf32, #tpu.memory_space<vmem>>
      %gather3A_847 = tpu.memref_squeeze %gather3A_846 : memref<1x128x32xf32, #tpu.memory_space<vmem>> -> memref<128x32xf32, #tpu.memory_space<vmem>>
      %gather3A_848 = tpu.vector_load_idx %gather3A_847[%add3A_425, %broadcast_in_dim3A_842] : memref<128x32xf32, #tpu.memory_space<vmem>>[vector<16xi32>, vector<16xi32>], vector<16xf32>,
      %gather3A_849 = arith.constant 0 : i32
      %gather3A_850 = arith.constant 0 : i32
      %gather3A_851 = arith.constant 0 : i32
      %gather3A_852 = tpu.memref_slice %arg13[%gather3A_849, %gather3A_850, %gather3A_851] : memref<4x128x32xf32, #tpu.memory_space<vmem>> -> memref<1x128x32xf32, #tpu.memory_space<vmem>>
      %gather3A_853 = tpu.memref_squeeze %gather3A_852 : memref<1x128x32xf32, #tpu.memory_space<vmem>> -> memref<128x32xf32, #tpu.memory_space<vmem>>
      %gather3A_854 = tpu.vector_load_idx %gather3A_853[%add3A_425, %broadcast_in_dim3A_842] : memref<128x32xf32, #tpu.memory_space<vmem>>[vector<16xi32>, vector<16xi32>], vector<16xf32>,
      %mul3A_855 = arith.mulf %gather3A_848, %gather3A_854 : vector<16xf32>
      %add3A_856 = arith.addf %add3A_840, %mul3A_855 : vector<16xf32>
      %broadcast_in_dim3A_857 = arith.constant 27 : i32
      %broadcast_in_dim3A_858 = vector.broadcast %broadcast_in_dim3A_857 : i32 to vector<16xi32>
      %gather3A_859 = arith.constant 0 : i32
      %gather3A_860 = arith.constant 0 : i32
      %gather3A_861 = arith.constant 0 : i32
      %gather3A_862 = tpu.memref_slice %arg12[%gather3A_859, %gather3A_860, %gather3A_861] : memref<4x128x32xf32, #tpu.memory_space<vmem>> -> memref<1x128x32xf32, #tpu.memory_space<vmem>>
      %gather3A_863 = tpu.memref_squeeze %gather3A_862 : memref<1x128x32xf32, #tpu.memory_space<vmem>> -> memref<128x32xf32, #tpu.memory_space<vmem>>
      %gather3A_864 = tpu.vector_load_idx %gather3A_863[%add3A_425, %broadcast_in_dim3A_858] : memref<128x32xf32, #tpu.memory_space<vmem>>[vector<16xi32>, vector<16xi32>], vector<16xf32>,
      %gather3A_865 = arith.constant 0 : i32
      %gather3A_866 = arith.constant 0 : i32
      %gather3A_867 = arith.constant 0 : i32
      %gather3A_868 = tpu.memref_slice %arg13[%gather3A_865, %gather3A_866, %gather3A_867] : memref<4x128x32xf32, #tpu.memory_space<vmem>> -> memref<1x128x32xf32, #tpu.memory_space<vmem>>
      %gather3A_869 = tpu.memref_squeeze %gather3A_868 : memref<1x128x32xf32, #tpu.memory_space<vmem>> -> memref<128x32xf32, #tpu.memory_space<vmem>>
      %gather3A_870 = tpu.vector_load_idx %gather3A_869[%add3A_425, %broadcast_in_dim3A_858] : memref<128x32xf32, #tpu.memory_space<vmem>>[vector<16xi32>, vector<16xi32>], vector<16xf32>,
      %mul3A_871 = arith.mulf %gather3A_864, %gather3A_870 : vector<16xf32>
      %add3A_872 = arith.addf %add3A_856, %mul3A_871 : vector<16xf32>
      %broadcast_in_dim3A_873 = arith.constant 28 : i32
      %broadcast_in_dim3A_874 = vector.broadcast %broadcast_in_dim3A_873 : i32 to vector<16xi32>
      %gather3A_875 = arith.constant 0 : i32
      %gather3A_876 = arith.constant 0 : i32
      %gather3A_877 = arith.constant 0 : i32
      %gather3A_878 = tpu.memref_slice %arg12[%gather3A_875, %gather3A_876, %gather3A_877] : memref<4x128x32xf32, #tpu.memory_space<vmem>> -> memref<1x128x32xf32, #tpu.memory_space<vmem>>
      %gather3A_879 = tpu.memref_squeeze %gather3A_878 : memref<1x128x32xf32, #tpu.memory_space<vmem>> -> memref<128x32xf32, #tpu.memory_space<vmem>>
      %gather3A_880 = tpu.vector_load_idx %gather3A_879[%add3A_425, %broadcast_in_dim3A_874] : memref<128x32xf32, #tpu.memory_space<vmem>>[vector<16xi32>, vector<16xi32>], vector<16xf32>,
      %gather3A_881 = arith.constant 0 : i32
      %gather3A_882 = arith.constant 0 : i32
      %gather3A_883 = arith.constant 0 : i32
      %gather3A_884 = tpu.memref_slice %arg13[%gather3A_881, %gather3A_882, %gather3A_883] : memref<4x128x32xf32, #tpu.memory_space<vmem>> -> memref<1x128x32xf32, #tpu.memory_space<vmem>>
      %gather3A_885 = tpu.memref_squeeze %gather3A_884 : memref<1x128x32xf32, #tpu.memory_space<vmem>> -> memref<128x32xf32, #tpu.memory_space<vmem>>
      %gather3A_886 = tpu.vector_load_idx %gather3A_885[%add3A_425, %broadcast_in_dim3A_874] : memref<128x32xf32, #tpu.memory_space<vmem>>[vector<16xi32>, vector<16xi32>], vector<16xf32>,
      %mul3A_887 = arith.mulf %gather3A_880, %gather3A_886 : vector<16xf32>
      %add3A_888 = arith.addf %add3A_872, %mul3A_887 : vector<16xf32>
      %broadcast_in_dim3A_889 = arith.constant 29 : i32
      %broadcast_in_dim3A_890 = vector.broadcast %broadcast_in_dim3A_889 : i32 to vector<16xi32>
      %gather3A_891 = arith.constant 0 : i32
      %gather3A_892 = arith.constant 0 : i32
      %gather3A_893 = arith.constant 0 : i32
      %gather3A_894 = tpu.memref_slice %arg12[%gather3A_891, %gather3A_892, %gather3A_893] : memref<4x128x32xf32, #tpu.memory_space<vmem>> -> memref<1x128x32xf32, #tpu.memory_space<vmem>>
      %gather3A_895 = tpu.memref_squeeze %gather3A_894 : memref<1x128x32xf32, #tpu.memory_space<vmem>> -> memref<128x32xf32, #tpu.memory_space<vmem>>
      %gather3A_896 = tpu.vector_load_idx %gather3A_895[%add3A_425, %broadcast_in_dim3A_890] : memref<128x32xf32, #tpu.memory_space<vmem>>[vector<16xi32>, vector<16xi32>], vector<16xf32>,
      %gather3A_897 = arith.constant 0 : i32
      %gather3A_898 = arith.constant 0 : i32
      %gather3A_899 = arith.constant 0 : i32
      %gather3A_900 = tpu.memref_slice %arg13[%gather3A_897, %gather3A_898, %gather3A_899] : memref<4x128x32xf32, #tpu.memory_space<vmem>> -> memref<1x128x32xf32, #tpu.memory_space<vmem>>
      %gather3A_901 = tpu.memref_squeeze %gather3A_900 : memref<1x128x32xf32, #tpu.memory_space<vmem>> -> memref<128x32xf32, #tpu.memory_space<vmem>>
      %gather3A_902 = tpu.vector_load_idx %gather3A_901[%add3A_425, %broadcast_in_dim3A_890] : memref<128x32xf32, #tpu.memory_space<vmem>>[vector<16xi32>, vector<16xi32>], vector<16xf32>,
      %mul3A_903 = arith.mulf %gather3A_896, %gather3A_902 : vector<16xf32>
      %add3A_904 = arith.addf %add3A_888, %mul3A_903 : vector<16xf32>
      %broadcast_in_dim3A_905 = arith.constant 30 : i32
      %broadcast_in_dim3A_906 = vector.broadcast %broadcast_in_dim3A_905 : i32 to vector<16xi32>
      %gather3A_907 = arith.constant 0 : i32
      %gather3A_908 = arith.constant 0 : i32
      %gather3A_909 = arith.constant 0 : i32
      %gather3A_910 = tpu.memref_slice %arg12[%gather3A_907, %gather3A_908, %gather3A_909] : memref<4x128x32xf32, #tpu.memory_space<vmem>> -> memref<1x128x32xf32, #tpu.memory_space<vmem>>
      %gather3A_911 = tpu.memref_squeeze %gather3A_910 : memref<1x128x32xf32, #tpu.memory_space<vmem>> -> memref<128x32xf32, #tpu.memory_space<vmem>>
      %gather3A_912 = tpu.vector_load_idx %gather3A_911[%add3A_425, %broadcast_in_dim3A_906] : memref<128x32xf32, #tpu.memory_space<vmem>>[vector<16xi32>, vector<16xi32>], vector<16xf32>,
      %gather3A_913 = arith.constant 0 : i32
      %gather3A_914 = arith.constant 0 : i32
      %gather3A_915 = arith.constant 0 : i32
      %gather3A_916 = tpu.memref_slice %arg13[%gather3A_913, %gather3A_914, %gather3A_915] : memref<4x128x32xf32, #tpu.memory_space<vmem>> -> memref<1x128x32xf32, #tpu.memory_space<vmem>>
      %gather3A_917 = tpu.memref_squeeze %gather3A_916 : memref<1x128x32xf32, #tpu.memory_space<vmem>> -> memref<128x32xf32, #tpu.memory_space<vmem>>
      %gather3A_918 = tpu.vector_load_idx %gather3A_917[%add3A_425, %broadcast_in_dim3A_906] : memref<128x32xf32, #tpu.memory_space<vmem>>[vector<16xi32>, vector<16xi32>], vector<16xf32>,
      %mul3A_919 = arith.mulf %gather3A_912, %gather3A_918 : vector<16xf32>
      %add3A_920 = arith.addf %add3A_904, %mul3A_919 : vector<16xf32>
      %broadcast_in_dim3A_921 = arith.constant 31 : i32
      %broadcast_in_dim3A_922 = vector.broadcast %broadcast_in_dim3A_921 : i32 to vector<16xi32>
      %gather3A_923 = arith.constant 0 : i32
      %gather3A_924 = arith.constant 0 : i32
      %gather3A_925 = arith.constant 0 : i32
      %gather3A_926 = tpu.memref_slice %arg12[%gather3A_923, %gather3A_924, %gather3A_925] : memref<4x128x32xf32, #tpu.memory_space<vmem>> -> memref<1x128x32xf32, #tpu.memory_space<vmem>>
      %gather3A_927 = tpu.memref_squeeze %gather3A_926 : memref<1x128x32xf32, #tpu.memory_space<vmem>> -> memref<128x32xf32, #tpu.memory_space<vmem>>
      %gather3A_928 = tpu.vector_load_idx %gather3A_927[%add3A_425, %broadcast_in_dim3A_922] : memref<128x32xf32, #tpu.memory_space<vmem>>[vector<16xi32>, vector<16xi32>], vector<16xf32>,
      %gather3A_929 = arith.constant 0 : i32
      %gather3A_930 = arith.constant 0 : i32
      %gather3A_931 = arith.constant 0 : i32
      %gather3A_932 = tpu.memref_slice %arg13[%gather3A_929, %gather3A_930, %gather3A_931] : memref<4x128x32xf32, #tpu.memory_space<vmem>> -> memref<1x128x32xf32, #tpu.memory_space<vmem>>
      %gather3A_933 = tpu.memref_squeeze %gather3A_932 : memref<1x128x32xf32, #tpu.memory_space<vmem>> -> memref<128x32xf32, #tpu.memory_space<vmem>>
      %gather3A_934 = tpu.vector_load_idx %gather3A_933[%add3A_425, %broadcast_in_dim3A_922] : memref<128x32xf32, #tpu.memory_space<vmem>>[vector<16xi32>, vector<16xi32>], vector<16xf32>,
      %mul3A_935 = arith.mulf %gather3A_928, %gather3A_934 : vector<16xf32>
      %add3A_936 = arith.addf %add3A_920, %mul3A_935 : vector<16xf32>
      %mul3A_937 = arith.constant 16 : i32
      %mul3A_938 = arith.muli %scan3A_405, %mul3A_937 : i32
      %add3A_939 = arith.constant 0 : i32
      %add3A_940 = arith.addi %add3A_939, %mul3A_938 : i32
      %swap3A = arith.index_cast %add3A_940 : i32 to index
      %swap3A_941 = tpu.vector_load %arg17[%swap3A] {strides = array<i32>} : memref<512xf32, #tpu.memory_space<vmem>>, vector<16xf32>,
      tpu.vector_store %arg17[%swap3A], %add3A_936 {strides = array<i32>} : memref<512xf32, #tpu.memory_space<vmem>>, vector<16xf32>,
    }
    %scan3A_386 = arith.constant 8 : i32
    %scan3A_387 = arith.constant 0 : i32
    %scan3A_388 = arith.constant 0 : i32
    %scan3A_389 = arith.constant 8 : i32
    %scan3A_390 = arith.addi %scan3A_388, %scan3A_389 : i32
    %scan3A_391 = arith.constant 1 : i32
    scf.for %scan3A_405 = %scan3A_388 to %scan3A_390 step %scan3A_391  : i32 {
      %mul3A_406 = arith.constant 16 : i32
      %mul3A_407 = arith.muli %scan3A_405, %mul3A_406 : i32
      %get3A_408 = arith.constant 1 : i32
      %get3A_409 = arith.constant 0 : i32
      %get3A_410 = tpu.memref_slice %arg14[%get3A_408, %get3A_409] : memref<4x128xf32, #tpu.memory_space<vmem>> -> memref<1x128xf32, #tpu.memory_space<vmem>>
      %get3A_411 = tpu.memref_squeeze %get3A_410 : memref<1x128xf32, #tpu.memory_space<vmem>> -> memref<128xf32, #tpu.memory_space<vmem>>
      %get3A_412 = arith.index_cast %mul3A_407 : i32 to index
      %get3A_413 = tpu.vector_load %get3A_411[%get3A_412] {strides = array<i32>} : memref<128xf32, #tpu.memory_space<vmem>>, vector<16xf32>,
      %get3A_414 = arith.constant 1 : i32
      %get3A_415 = arith.constant 0 : i32
      %get3A_416 = tpu.memref_slice %arg15[%get3A_414, %get3A_415] : memref<4x128xf32, #tpu.memory_space<vmem>> -> memref<1x128xf32, #tpu.memory_space<vmem>>
      %get3A_417 = tpu.memref_squeeze %get3A_416 : memref<1x128xf32, #tpu.memory_space<vmem>> -> memref<128xf32, #tpu.memory_space<vmem>>
      %get3A_418 = arith.index_cast %mul3A_407 : i32 to index
      %get3A_419 = tpu.vector_load %get3A_417[%get3A_418] {strides = array<i32>} : memref<128xf32, #tpu.memory_space<vmem>>, vector<16xf32>,
      %add3A_420 = arith.addf %get3A_413, %get3A_419 : vector<16xf32>
      %add3A_421 = arith.addf %add3A_420, %get3A_381 : vector<16xf32>
      %iota3A = tpu.iota {dimensions = array<i32: 0>} : vector<16xi32>
      %mul3A_422 = arith.constant 16 : i32
      %mul3A_423 = arith.muli %scan3A_405, %mul3A_422 : i32
      %add3A_424 = vector.broadcast %mul3A_423 : i32 to vector<16xi32>
      %add3A_425 = arith.addi %iota3A, %add3A_424 : vector<16xi32>
      %broadcast_in_dim3A_426 = arith.constant 0 : i32
      %broadcast_in_dim3A_427 = vector.broadcast %broadcast_in_dim3A_426 : i32 to vector<16xi32>
      %gather3A = arith.constant 1 : i32
      %gather3A_428 = arith.constant 0 : i32
      %gather3A_429 = arith.constant 0 : i32
      %gather3A_430 = tpu.memref_slice %arg12[%gather3A, %gather3A_428, %gather3A_429] : memref<4x128x32xf32, #tpu.memory_space<vmem>> -> memref<1x128x32xf32, #tpu.memory_space<vmem>>
      %gather3A_431 = tpu.memref_squeeze %gather3A_430 : memref<1x128x32xf32, #tpu.memory_space<vmem>> -> memref<128x32xf32, #tpu.memory_space<vmem>>
      %gather3A_432 = tpu.vector_load_idx %gather3A_431[%add3A_425, %broadcast_in_dim3A_427] : memref<128x32xf32, #tpu.memory_space<vmem>>[vector<16xi32>, vector<16xi32>], vector<16xf32>,
      %gather3A_433 = arith.constant 1 : i32
      %gather3A_434 = arith.constant 0 : i32
      %gather3A_435 = arith.constant 0 : i32
      %gather3A_436 = tpu.memref_slice %arg13[%gather3A_433, %gather3A_434, %gather3A_435] : memref<4x128x32xf32, #tpu.memory_space<vmem>> -> memref<1x128x32xf32, #tpu.memory_space<vmem>>
      %gather3A_437 = tpu.memref_squeeze %gather3A_436 : memref<1x128x32xf32, #tpu.memory_space<vmem>> -> memref<128x32xf32, #tpu.memory_space<vmem>>
      %gather3A_438 = tpu.vector_load_idx %gather3A_437[%add3A_425, %broadcast_in_dim3A_427] : memref<128x32xf32, #tpu.memory_space<vmem>>[vector<16xi32>, vector<16xi32>], vector<16xf32>,
      %mul3A_439 = arith.mulf %gather3A_432, %gather3A_438 : vector<16xf32>
      %add3A_440 = arith.addf %add3A_421, %mul3A_439 : vector<16xf32>
      %broadcast_in_dim3A_441 = arith.constant 1 : i32
      %broadcast_in_dim3A_442 = vector.broadcast %broadcast_in_dim3A_441 : i32 to vector<16xi32>
      %gather3A_443 = arith.constant 1 : i32
      %gather3A_444 = arith.constant 0 : i32
      %gather3A_445 = arith.constant 0 : i32
      %gather3A_446 = tpu.memref_slice %arg12[%gather3A_443, %gather3A_444, %gather3A_445] : memref<4x128x32xf32, #tpu.memory_space<vmem>> -> memref<1x128x32xf32, #tpu.memory_space<vmem>>
      %gather3A_447 = tpu.memref_squeeze %gather3A_446 : memref<1x128x32xf32, #tpu.memory_space<vmem>> -> memref<128x32xf32, #tpu.memory_space<vmem>>
      %gather3A_448 = tpu.vector_load_idx %gather3A_447[%add3A_425, %broadcast_in_dim3A_442] : memref<128x32xf32, #tpu.memory_space<vmem>>[vector<16xi32>, vector<16xi32>], vector<16xf32>,
      %gather3A_449 = arith.constant 1 : i32
      %gather3A_450 = arith.constant 0 : i32
      %gather3A_451 = arith.constant 0 : i32
      %gather3A_452 = tpu.memref_slice %arg13[%gather3A_449, %gather3A_450, %gather3A_451] : memref<4x128x32xf32, #tpu.memory_space<vmem>> -> memref<1x128x32xf32, #tpu.memory_space<vmem>>
      %gather3A_453 = tpu.memref_squeeze %gather3A_452 : memref<1x128x32xf32, #tpu.memory_space<vmem>> -> memref<128x32xf32, #tpu.memory_space<vmem>>
      %gather3A_454 = tpu.vector_load_idx %gather3A_453[%add3A_425, %broadcast_in_dim3A_442] : memref<128x32xf32, #tpu.memory_space<vmem>>[vector<16xi32>, vector<16xi32>], vector<16xf32>,
      %mul3A_455 = arith.mulf %gather3A_448, %gather3A_454 : vector<16xf32>
      %add3A_456 = arith.addf %add3A_440, %mul3A_455 : vector<16xf32>
      %broadcast_in_dim3A_457 = arith.constant 2 : i32
      %broadcast_in_dim3A_458 = vector.broadcast %broadcast_in_dim3A_457 : i32 to vector<16xi32>
      %gather3A_459 = arith.constant 1 : i32
      %gather3A_460 = arith.constant 0 : i32
      %gather3A_461 = arith.constant 0 : i32
      %gather3A_462 = tpu.memref_slice %arg12[%gather3A_459, %gather3A_460, %gather3A_461] : memref<4x128x32xf32, #tpu.memory_space<vmem>> -> memref<1x128x32xf32, #tpu.memory_space<vmem>>
      %gather3A_463 = tpu.memref_squeeze %gather3A_462 : memref<1x128x32xf32, #tpu.memory_space<vmem>> -> memref<128x32xf32, #tpu.memory_space<vmem>>
      %gather3A_464 = tpu.vector_load_idx %gather3A_463[%add3A_425, %broadcast_in_dim3A_458] : memref<128x32xf32, #tpu.memory_space<vmem>>[vector<16xi32>, vector<16xi32>], vector<16xf32>,
      %gather3A_465 = arith.constant 1 : i32
      %gather3A_466 = arith.constant 0 : i32
      %gather3A_467 = arith.constant 0 : i32
      %gather3A_468 = tpu.memref_slice %arg13[%gather3A_465, %gather3A_466, %gather3A_467] : memref<4x128x32xf32, #tpu.memory_space<vmem>> -> memref<1x128x32xf32, #tpu.memory_space<vmem>>
      %gather3A_469 = tpu.memref_squeeze %gather3A_468 : memref<1x128x32xf32, #tpu.memory_space<vmem>> -> memref<128x32xf32, #tpu.memory_space<vmem>>
      %gather3A_470 = tpu.vector_load_idx %gather3A_469[%add3A_425, %broadcast_in_dim3A_458] : memref<128x32xf32, #tpu.memory_space<vmem>>[vector<16xi32>, vector<16xi32>], vector<16xf32>,
      %mul3A_471 = arith.mulf %gather3A_464, %gather3A_470 : vector<16xf32>
      %add3A_472 = arith.addf %add3A_456, %mul3A_471 : vector<16xf32>
      %broadcast_in_dim3A_473 = arith.constant 3 : i32
      %broadcast_in_dim3A_474 = vector.broadcast %broadcast_in_dim3A_473 : i32 to vector<16xi32>
      %gather3A_475 = arith.constant 1 : i32
      %gather3A_476 = arith.constant 0 : i32
      %gather3A_477 = arith.constant 0 : i32
      %gather3A_478 = tpu.memref_slice %arg12[%gather3A_475, %gather3A_476, %gather3A_477] : memref<4x128x32xf32, #tpu.memory_space<vmem>> -> memref<1x128x32xf32, #tpu.memory_space<vmem>>
      %gather3A_479 = tpu.memref_squeeze %gather3A_478 : memref<1x128x32xf32, #tpu.memory_space<vmem>> -> memref<128x32xf32, #tpu.memory_space<vmem>>
      %gather3A_480 = tpu.vector_load_idx %gather3A_479[%add3A_425, %broadcast_in_dim3A_474] : memref<128x32xf32, #tpu.memory_space<vmem>>[vector<16xi32>, vector<16xi32>], vector<16xf32>,
      %gather3A_481 = arith.constant 1 : i32
      %gather3A_482 = arith.constant 0 : i32
      %gather3A_483 = arith.constant 0 : i32
      %gather3A_484 = tpu.memref_slice %arg13[%gather3A_481, %gather3A_482, %gather3A_483] : memref<4x128x32xf32, #tpu.memory_space<vmem>> -> memref<1x128x32xf32, #tpu.memory_space<vmem>>
      %gather3A_485 = tpu.memref_squeeze %gather3A_484 : memref<1x128x32xf32, #tpu.memory_space<vmem>> -> memref<128x32xf32, #tpu.memory_space<vmem>>
      %gather3A_486 = tpu.vector_load_idx %gather3A_485[%add3A_425, %broadcast_in_dim3A_474] : memref<128x32xf32, #tpu.memory_space<vmem>>[vector<16xi32>, vector<16xi32>], vector<16xf32>,
      %mul3A_487 = arith.mulf %gather3A_480, %gather3A_486 : vector<16xf32>
      %add3A_488 = arith.addf %add3A_472, %mul3A_487 : vector<16xf32>
      %broadcast_in_dim3A_489 = arith.constant 4 : i32
      %broadcast_in_dim3A_490 = vector.broadcast %broadcast_in_dim3A_489 : i32 to vector<16xi32>
      %gather3A_491 = arith.constant 1 : i32
      %gather3A_492 = arith.constant 0 : i32
      %gather3A_493 = arith.constant 0 : i32
      %gather3A_494 = tpu.memref_slice %arg12[%gather3A_491, %gather3A_492, %gather3A_493] : memref<4x128x32xf32, #tpu.memory_space<vmem>> -> memref<1x128x32xf32, #tpu.memory_space<vmem>>
      %gather3A_495 = tpu.memref_squeeze %gather3A_494 : memref<1x128x32xf32, #tpu.memory_space<vmem>> -> memref<128x32xf32, #tpu.memory_space<vmem>>
      %gather3A_496 = tpu.vector_load_idx %gather3A_495[%add3A_425, %broadcast_in_dim3A_490] : memref<128x32xf32, #tpu.memory_space<vmem>>[vector<16xi32>, vector<16xi32>], vector<16xf32>,
      %gather3A_497 = arith.constant 1 : i32
      %gather3A_498 = arith.constant 0 : i32
      %gather3A_499 = arith.constant 0 : i32
      %gather3A_500 = tpu.memref_slice %arg13[%gather3A_497, %gather3A_498, %gather3A_499] : memref<4x128x32xf32, #tpu.memory_space<vmem>> -> memref<1x128x32xf32, #tpu.memory_space<vmem>>
      %gather3A_501 = tpu.memref_squeeze %gather3A_500 : memref<1x128x32xf32, #tpu.memory_space<vmem>> -> memref<128x32xf32, #tpu.memory_space<vmem>>
      %gather3A_502 = tpu.vector_load_idx %gather3A_501[%add3A_425, %broadcast_in_dim3A_490] : memref<128x32xf32, #tpu.memory_space<vmem>>[vector<16xi32>, vector<16xi32>], vector<16xf32>,
      %mul3A_503 = arith.mulf %gather3A_496, %gather3A_502 : vector<16xf32>
      %add3A_504 = arith.addf %add3A_488, %mul3A_503 : vector<16xf32>
      %broadcast_in_dim3A_505 = arith.constant 5 : i32
      %broadcast_in_dim3A_506 = vector.broadcast %broadcast_in_dim3A_505 : i32 to vector<16xi32>
      %gather3A_507 = arith.constant 1 : i32
      %gather3A_508 = arith.constant 0 : i32
      %gather3A_509 = arith.constant 0 : i32
      %gather3A_510 = tpu.memref_slice %arg12[%gather3A_507, %gather3A_508, %gather3A_509] : memref<4x128x32xf32, #tpu.memory_space<vmem>> -> memref<1x128x32xf32, #tpu.memory_space<vmem>>
      %gather3A_511 = tpu.memref_squeeze %gather3A_510 : memref<1x128x32xf32, #tpu.memory_space<vmem>> -> memref<128x32xf32, #tpu.memory_space<vmem>>
      %gather3A_512 = tpu.vector_load_idx %gather3A_511[%add3A_425, %broadcast_in_dim3A_506] : memref<128x32xf32, #tpu.memory_space<vmem>>[vector<16xi32>, vector<16xi32>], vector<16xf32>,
      %gather3A_513 = arith.constant 1 : i32
      %gather3A_514 = arith.constant 0 : i32
      %gather3A_515 = arith.constant 0 : i32
      %gather3A_516 = tpu.memref_slice %arg13[%gather3A_513, %gather3A_514, %gather3A_515] : memref<4x128x32xf32, #tpu.memory_space<vmem>> -> memref<1x128x32xf32, #tpu.memory_space<vmem>>
      %gather3A_517 = tpu.memref_squeeze %gather3A_516 : memref<1x128x32xf32, #tpu.memory_space<vmem>> -> memref<128x32xf32, #tpu.memory_space<vmem>>
      %gather3A_518 = tpu.vector_load_idx %gather3A_517[%add3A_425, %broadcast_in_dim3A_506] : memref<128x32xf32, #tpu.memory_space<vmem>>[vector<16xi32>, vector<16xi32>], vector<16xf32>,
      %mul3A_519 = arith.mulf %gather3A_512, %gather3A_518 : vector<16xf32>
      %add3A_520 = arith.addf %add3A_504, %mul3A_519 : vector<16xf32>
      %broadcast_in_dim3A_521 = arith.constant 6 : i32
      %broadcast_in_dim3A_522 = vector.broadcast %broadcast_in_dim3A_521 : i32 to vector<16xi32>
      %gather3A_523 = arith.constant 1 : i32
      %gather3A_524 = arith.constant 0 : i32
      %gather3A_525 = arith.constant 0 : i32
      %gather3A_526 = tpu.memref_slice %arg12[%gather3A_523, %gather3A_524, %gather3A_525] : memref<4x128x32xf32, #tpu.memory_space<vmem>> -> memref<1x128x32xf32, #tpu.memory_space<vmem>>
      %gather3A_527 = tpu.memref_squeeze %gather3A_526 : memref<1x128x32xf32, #tpu.memory_space<vmem>> -> memref<128x32xf32, #tpu.memory_space<vmem>>
      %gather3A_528 = tpu.vector_load_idx %gather3A_527[%add3A_425, %broadcast_in_dim3A_522] : memref<128x32xf32, #tpu.memory_space<vmem>>[vector<16xi32>, vector<16xi32>], vector<16xf32>,
      %gather3A_529 = arith.constant 1 : i32
      %gather3A_530 = arith.constant 0 : i32
      %gather3A_531 = arith.constant 0 : i32
      %gather3A_532 = tpu.memref_slice %arg13[%gather3A_529, %gather3A_530, %gather3A_531] : memref<4x128x32xf32, #tpu.memory_space<vmem>> -> memref<1x128x32xf32, #tpu.memory_space<vmem>>
      %gather3A_533 = tpu.memref_squeeze %gather3A_532 : memref<1x128x32xf32, #tpu.memory_space<vmem>> -> memref<128x32xf32, #tpu.memory_space<vmem>>
      %gather3A_534 = tpu.vector_load_idx %gather3A_533[%add3A_425, %broadcast_in_dim3A_522] : memref<128x32xf32, #tpu.memory_space<vmem>>[vector<16xi32>, vector<16xi32>], vector<16xf32>,
      %mul3A_535 = arith.mulf %gather3A_528, %gather3A_534 : vector<16xf32>
      %add3A_536 = arith.addf %add3A_520, %mul3A_535 : vector<16xf32>
      %broadcast_in_dim3A_537 = arith.constant 7 : i32
      %broadcast_in_dim3A_538 = vector.broadcast %broadcast_in_dim3A_537 : i32 to vector<16xi32>
      %gather3A_539 = arith.constant 1 : i32
      %gather3A_540 = arith.constant 0 : i32
      %gather3A_541 = arith.constant 0 : i32
      %gather3A_542 = tpu.memref_slice %arg12[%gather3A_539, %gather3A_540, %gather3A_541] : memref<4x128x32xf32, #tpu.memory_space<vmem>> -> memref<1x128x32xf32, #tpu.memory_space<vmem>>
      %gather3A_543 = tpu.memref_squeeze %gather3A_542 : memref<1x128x32xf32, #tpu.memory_space<vmem>> -> memref<128x32xf32, #tpu.memory_space<vmem>>
      %gather3A_544 = tpu.vector_load_idx %gather3A_543[%add3A_425, %broadcast_in_dim3A_538] : memref<128x32xf32, #tpu.memory_space<vmem>>[vector<16xi32>, vector<16xi32>], vector<16xf32>,
      %gather3A_545 = arith.constant 1 : i32
      %gather3A_546 = arith.constant 0 : i32
      %gather3A_547 = arith.constant 0 : i32
      %gather3A_548 = tpu.memref_slice %arg13[%gather3A_545, %gather3A_546, %gather3A_547] : memref<4x128x32xf32, #tpu.memory_space<vmem>> -> memref<1x128x32xf32, #tpu.memory_space<vmem>>
      %gather3A_549 = tpu.memref_squeeze %gather3A_548 : memref<1x128x32xf32, #tpu.memory_space<vmem>> -> memref<128x32xf32, #tpu.memory_space<vmem>>
      %gather3A_550 = tpu.vector_load_idx %gather3A_549[%add3A_425, %broadcast_in_dim3A_538] : memref<128x32xf32, #tpu.memory_space<vmem>>[vector<16xi32>, vector<16xi32>], vector<16xf32>,
      %mul3A_551 = arith.mulf %gather3A_544, %gather3A_550 : vector<16xf32>
      %add3A_552 = arith.addf %add3A_536, %mul3A_551 : vector<16xf32>
      %broadcast_in_dim3A_553 = arith.constant 8 : i32
      %broadcast_in_dim3A_554 = vector.broadcast %broadcast_in_dim3A_553 : i32 to vector<16xi32>
      %gather3A_555 = arith.constant 1 : i32
      %gather3A_556 = arith.constant 0 : i32
      %gather3A_557 = arith.constant 0 : i32
      %gather3A_558 = tpu.memref_slice %arg12[%gather3A_555, %gather3A_556, %gather3A_557] : memref<4x128x32xf32, #tpu.memory_space<vmem>> -> memref<1x128x32xf32, #tpu.memory_space<vmem>>
      %gather3A_559 = tpu.memref_squeeze %gather3A_558 : memref<1x128x32xf32, #tpu.memory_space<vmem>> -> memref<128x32xf32, #tpu.memory_space<vmem>>
      %gather3A_560 = tpu.vector_load_idx %gather3A_559[%add3A_425, %broadcast_in_dim3A_554] : memref<128x32xf32, #tpu.memory_space<vmem>>[vector<16xi32>, vector<16xi32>], vector<16xf32>,
      %gather3A_561 = arith.constant 1 : i32
      %gather3A_562 = arith.constant 0 : i32
      %gather3A_563 = arith.constant 0 : i32
      %gather3A_564 = tpu.memref_slice %arg13[%gather3A_561, %gather3A_562, %gather3A_563] : memref<4x128x32xf32, #tpu.memory_space<vmem>> -> memref<1x128x32xf32, #tpu.memory_space<vmem>>
      %gather3A_565 = tpu.memref_squeeze %gather3A_564 : memref<1x128x32xf32, #tpu.memory_space<vmem>> -> memref<128x32xf32, #tpu.memory_space<vmem>>
      %gather3A_566 = tpu.vector_load_idx %gather3A_565[%add3A_425, %broadcast_in_dim3A_554] : memref<128x32xf32, #tpu.memory_space<vmem>>[vector<16xi32>, vector<16xi32>], vector<16xf32>,
      %mul3A_567 = arith.mulf %gather3A_560, %gather3A_566 : vector<16xf32>
      %add3A_568 = arith.addf %add3A_552, %mul3A_567 : vector<16xf32>
      %broadcast_in_dim3A_569 = arith.constant 9 : i32
      %broadcast_in_dim3A_570 = vector.broadcast %broadcast_in_dim3A_569 : i32 to vector<16xi32>
      %gather3A_571 = arith.constant 1 : i32
      %gather3A_572 = arith.constant 0 : i32
      %gather3A_573 = arith.constant 0 : i32
      %gather3A_574 = tpu.memref_slice %arg12[%gather3A_571, %gather3A_572, %gather3A_573] : memref<4x128x32xf32, #tpu.memory_space<vmem>> -> memref<1x128x32xf32, #tpu.memory_space<vmem>>
      %gather3A_575 = tpu.memref_squeeze %gather3A_574 : memref<1x128x32xf32, #tpu.memory_space<vmem>> -> memref<128x32xf32, #tpu.memory_space<vmem>>
      %gather3A_576 = tpu.vector_load_idx %gather3A_575[%add3A_425, %broadcast_in_dim3A_570] : memref<128x32xf32, #tpu.memory_space<vmem>>[vector<16xi32>, vector<16xi32>], vector<16xf32>,
      %gather3A_577 = arith.constant 1 : i32
      %gather3A_578 = arith.constant 0 : i32
      %gather3A_579 = arith.constant 0 : i32
      %gather3A_580 = tpu.memref_slice %arg13[%gather3A_577, %gather3A_578, %gather3A_579] : memref<4x128x32xf32, #tpu.memory_space<vmem>> -> memref<1x128x32xf32, #tpu.memory_space<vmem>>
      %gather3A_581 = tpu.memref_squeeze %gather3A_580 : memref<1x128x32xf32, #tpu.memory_space<vmem>> -> memref<128x32xf32, #tpu.memory_space<vmem>>
      %gather3A_582 = tpu.vector_load_idx %gather3A_581[%add3A_425, %broadcast_in_dim3A_570] : memref<128x32xf32, #tpu.memory_space<vmem>>[vector<16xi32>, vector<16xi32>], vector<16xf32>,
      %mul3A_583 = arith.mulf %gather3A_576, %gather3A_582 : vector<16xf32>
      %add3A_584 = arith.addf %add3A_568, %mul3A_583 : vector<16xf32>
      %broadcast_in_dim3A_585 = arith.constant 10 : i32
      %broadcast_in_dim3A_586 = vector.broadcast %broadcast_in_dim3A_585 : i32 to vector<16xi32>
      %gather3A_587 = arith.constant 1 : i32
      %gather3A_588 = arith.constant 0 : i32
      %gather3A_589 = arith.constant 0 : i32
      %gather3A_590 = tpu.memref_slice %arg12[%gather3A_587, %gather3A_588, %gather3A_589] : memref<4x128x32xf32, #tpu.memory_space<vmem>> -> memref<1x128x32xf32, #tpu.memory_space<vmem>>
      %gather3A_591 = tpu.memref_squeeze %gather3A_590 : memref<1x128x32xf32, #tpu.memory_space<vmem>> -> memref<128x32xf32, #tpu.memory_space<vmem>>
      %gather3A_592 = tpu.vector_load_idx %gather3A_591[%add3A_425, %broadcast_in_dim3A_586] : memref<128x32xf32, #tpu.memory_space<vmem>>[vector<16xi32>, vector<16xi32>], vector<16xf32>,
      %gather3A_593 = arith.constant 1 : i32
      %gather3A_594 = arith.constant 0 : i32
      %gather3A_595 = arith.constant 0 : i32
      %gather3A_596 = tpu.memref_slice %arg13[%gather3A_593, %gather3A_594, %gather3A_595] : memref<4x128x32xf32, #tpu.memory_space<vmem>> -> memref<1x128x32xf32, #tpu.memory_space<vmem>>
      %gather3A_597 = tpu.memref_squeeze %gather3A_596 : memref<1x128x32xf32, #tpu.memory_space<vmem>> -> memref<128x32xf32, #tpu.memory_space<vmem>>
      %gather3A_598 = tpu.vector_load_idx %gather3A_597[%add3A_425, %broadcast_in_dim3A_586] : memref<128x32xf32, #tpu.memory_space<vmem>>[vector<16xi32>, vector<16xi32>], vector<16xf32>,
      %mul3A_599 = arith.mulf %gather3A_592, %gather3A_598 : vector<16xf32>
      %add3A_600 = arith.addf %add3A_584, %mul3A_599 : vector<16xf32>
      %broadcast_in_dim3A_601 = arith.constant 11 : i32
      %broadcast_in_dim3A_602 = vector.broadcast %broadcast_in_dim3A_601 : i32 to vector<16xi32>
      %gather3A_603 = arith.constant 1 : i32
      %gather3A_604 = arith.constant 0 : i32
      %gather3A_605 = arith.constant 0 : i32
      %gather3A_606 = tpu.memref_slice %arg12[%gather3A_603, %gather3A_604, %gather3A_605] : memref<4x128x32xf32, #tpu.memory_space<vmem>> -> memref<1x128x32xf32, #tpu.memory_space<vmem>>
      %gather3A_607 = tpu.memref_squeeze %gather3A_606 : memref<1x128x32xf32, #tpu.memory_space<vmem>> -> memref<128x32xf32, #tpu.memory_space<vmem>>
      %gather3A_608 = tpu.vector_load_idx %gather3A_607[%add3A_425, %broadcast_in_dim3A_602] : memref<128x32xf32, #tpu.memory_space<vmem>>[vector<16xi32>, vector<16xi32>], vector<16xf32>,
      %gather3A_609 = arith.constant 1 : i32
      %gather3A_610 = arith.constant 0 : i32
      %gather3A_611 = arith.constant 0 : i32
      %gather3A_612 = tpu.memref_slice %arg13[%gather3A_609, %gather3A_610, %gather3A_611] : memref<4x128x32xf32, #tpu.memory_space<vmem>> -> memref<1x128x32xf32, #tpu.memory_space<vmem>>
      %gather3A_613 = tpu.memref_squeeze %gather3A_612 : memref<1x128x32xf32, #tpu.memory_space<vmem>> -> memref<128x32xf32, #tpu.memory_space<vmem>>
      %gather3A_614 = tpu.vector_load_idx %gather3A_613[%add3A_425, %broadcast_in_dim3A_602] : memref<128x32xf32, #tpu.memory_space<vmem>>[vector<16xi32>, vector<16xi32>], vector<16xf32>,
      %mul3A_615 = arith.mulf %gather3A_608, %gather3A_614 : vector<16xf32>
      %add3A_616 = arith.addf %add3A_600, %mul3A_615 : vector<16xf32>
      %broadcast_in_dim3A_617 = arith.constant 12 : i32
      %broadcast_in_dim3A_618 = vector.broadcast %broadcast_in_dim3A_617 : i32 to vector<16xi32>
      %gather3A_619 = arith.constant 1 : i32
      %gather3A_620 = arith.constant 0 : i32
      %gather3A_621 = arith.constant 0 : i32
      %gather3A_622 = tpu.memref_slice %arg12[%gather3A_619, %gather3A_620, %gather3A_621] : memref<4x128x32xf32, #tpu.memory_space<vmem>> -> memref<1x128x32xf32, #tpu.memory_space<vmem>>
      %gather3A_623 = tpu.memref_squeeze %gather3A_622 : memref<1x128x32xf32, #tpu.memory_space<vmem>> -> memref<128x32xf32, #tpu.memory_space<vmem>>
      %gather3A_624 = tpu.vector_load_idx %gather3A_623[%add3A_425, %broadcast_in_dim3A_618] : memref<128x32xf32, #tpu.memory_space<vmem>>[vector<16xi32>, vector<16xi32>], vector<16xf32>,
      %gather3A_625 = arith.constant 1 : i32
      %gather3A_626 = arith.constant 0 : i32
      %gather3A_627 = arith.constant 0 : i32
      %gather3A_628 = tpu.memref_slice %arg13[%gather3A_625, %gather3A_626, %gather3A_627] : memref<4x128x32xf32, #tpu.memory_space<vmem>> -> memref<1x128x32xf32, #tpu.memory_space<vmem>>
      %gather3A_629 = tpu.memref_squeeze %gather3A_628 : memref<1x128x32xf32, #tpu.memory_space<vmem>> -> memref<128x32xf32, #tpu.memory_space<vmem>>
      %gather3A_630 = tpu.vector_load_idx %gather3A_629[%add3A_425, %broadcast_in_dim3A_618] : memref<128x32xf32, #tpu.memory_space<vmem>>[vector<16xi32>, vector<16xi32>], vector<16xf32>,
      %mul3A_631 = arith.mulf %gather3A_624, %gather3A_630 : vector<16xf32>
      %add3A_632 = arith.addf %add3A_616, %mul3A_631 : vector<16xf32>
      %broadcast_in_dim3A_633 = arith.constant 13 : i32
      %broadcast_in_dim3A_634 = vector.broadcast %broadcast_in_dim3A_633 : i32 to vector<16xi32>
      %gather3A_635 = arith.constant 1 : i32
      %gather3A_636 = arith.constant 0 : i32
      %gather3A_637 = arith.constant 0 : i32
      %gather3A_638 = tpu.memref_slice %arg12[%gather3A_635, %gather3A_636, %gather3A_637] : memref<4x128x32xf32, #tpu.memory_space<vmem>> -> memref<1x128x32xf32, #tpu.memory_space<vmem>>
      %gather3A_639 = tpu.memref_squeeze %gather3A_638 : memref<1x128x32xf32, #tpu.memory_space<vmem>> -> memref<128x32xf32, #tpu.memory_space<vmem>>
      %gather3A_640 = tpu.vector_load_idx %gather3A_639[%add3A_425, %broadcast_in_dim3A_634] : memref<128x32xf32, #tpu.memory_space<vmem>>[vector<16xi32>, vector<16xi32>], vector<16xf32>,
      %gather3A_641 = arith.constant 1 : i32
      %gather3A_642 = arith.constant 0 : i32
      %gather3A_643 = arith.constant 0 : i32
      %gather3A_644 = tpu.memref_slice %arg13[%gather3A_641, %gather3A_642, %gather3A_643] : memref<4x128x32xf32, #tpu.memory_space<vmem>> -> memref<1x128x32xf32, #tpu.memory_space<vmem>>
      %gather3A_645 = tpu.memref_squeeze %gather3A_644 : memref<1x128x32xf32, #tpu.memory_space<vmem>> -> memref<128x32xf32, #tpu.memory_space<vmem>>
      %gather3A_646 = tpu.vector_load_idx %gather3A_645[%add3A_425, %broadcast_in_dim3A_634] : memref<128x32xf32, #tpu.memory_space<vmem>>[vector<16xi32>, vector<16xi32>], vector<16xf32>,
      %mul3A_647 = arith.mulf %gather3A_640, %gather3A_646 : vector<16xf32>
      %add3A_648 = arith.addf %add3A_632, %mul3A_647 : vector<16xf32>
      %broadcast_in_dim3A_649 = arith.constant 14 : i32
      %broadcast_in_dim3A_650 = vector.broadcast %broadcast_in_dim3A_649 : i32 to vector<16xi32>
      %gather3A_651 = arith.constant 1 : i32
      %gather3A_652 = arith.constant 0 : i32
      %gather3A_653 = arith.constant 0 : i32
      %gather3A_654 = tpu.memref_slice %arg12[%gather3A_651, %gather3A_652, %gather3A_653] : memref<4x128x32xf32, #tpu.memory_space<vmem>> -> memref<1x128x32xf32, #tpu.memory_space<vmem>>
      %gather3A_655 = tpu.memref_squeeze %gather3A_654 : memref<1x128x32xf32, #tpu.memory_space<vmem>> -> memref<128x32xf32, #tpu.memory_space<vmem>>
      %gather3A_656 = tpu.vector_load_idx %gather3A_655[%add3A_425, %broadcast_in_dim3A_650] : memref<128x32xf32, #tpu.memory_space<vmem>>[vector<16xi32>, vector<16xi32>], vector<16xf32>,
      %gather3A_657 = arith.constant 1 : i32
      %gather3A_658 = arith.constant 0 : i32
      %gather3A_659 = arith.constant 0 : i32
      %gather3A_660 = tpu.memref_slice %arg13[%gather3A_657, %gather3A_658, %gather3A_659] : memref<4x128x32xf32, #tpu.memory_space<vmem>> -> memref<1x128x32xf32, #tpu.memory_space<vmem>>
      %gather3A_661 = tpu.memref_squeeze %gather3A_660 : memref<1x128x32xf32, #tpu.memory_space<vmem>> -> memref<128x32xf32, #tpu.memory_space<vmem>>
      %gather3A_662 = tpu.vector_load_idx %gather3A_661[%add3A_425, %broadcast_in_dim3A_650] : memref<128x32xf32, #tpu.memory_space<vmem>>[vector<16xi32>, vector<16xi32>], vector<16xf32>,
      %mul3A_663 = arith.mulf %gather3A_656, %gather3A_662 : vector<16xf32>
      %add3A_664 = arith.addf %add3A_648, %mul3A_663 : vector<16xf32>
      %broadcast_in_dim3A_665 = arith.constant 15 : i32
      %broadcast_in_dim3A_666 = vector.broadcast %broadcast_in_dim3A_665 : i32 to vector<16xi32>
      %gather3A_667 = arith.constant 1 : i32
      %gather3A_668 = arith.constant 0 : i32
      %gather3A_669 = arith.constant 0 : i32
      %gather3A_670 = tpu.memref_slice %arg12[%gather3A_667, %gather3A_668, %gather3A_669] : memref<4x128x32xf32, #tpu.memory_space<vmem>> -> memref<1x128x32xf32, #tpu.memory_space<vmem>>
      %gather3A_671 = tpu.memref_squeeze %gather3A_670 : memref<1x128x32xf32, #tpu.memory_space<vmem>> -> memref<128x32xf32, #tpu.memory_space<vmem>>
      %gather3A_672 = tpu.vector_load_idx %gather3A_671[%add3A_425, %broadcast_in_dim3A_666] : memref<128x32xf32, #tpu.memory_space<vmem>>[vector<16xi32>, vector<16xi32>], vector<16xf32>,
      %gather3A_673 = arith.constant 1 : i32
      %gather3A_674 = arith.constant 0 : i32
      %gather3A_675 = arith.constant 0 : i32
      %gather3A_676 = tpu.memref_slice %arg13[%gather3A_673, %gather3A_674, %gather3A_675] : memref<4x128x32xf32, #tpu.memory_space<vmem>> -> memref<1x128x32xf32, #tpu.memory_space<vmem>>
      %gather3A_677 = tpu.memref_squeeze %gather3A_676 : memref<1x128x32xf32, #tpu.memory_space<vmem>> -> memref<128x32xf32, #tpu.memory_space<vmem>>
      %gather3A_678 = tpu.vector_load_idx %gather3A_677[%add3A_425, %broadcast_in_dim3A_666] : memref<128x32xf32, #tpu.memory_space<vmem>>[vector<16xi32>, vector<16xi32>], vector<16xf32>,
      %mul3A_679 = arith.mulf %gather3A_672, %gather3A_678 : vector<16xf32>
      %add3A_680 = arith.addf %add3A_664, %mul3A_679 : vector<16xf32>
      %broadcast_in_dim3A_681 = arith.constant 16 : i32
      %broadcast_in_dim3A_682 = vector.broadcast %broadcast_in_dim3A_681 : i32 to vector<16xi32>
      %gather3A_683 = arith.constant 1 : i32
      %gather3A_684 = arith.constant 0 : i32
      %gather3A_685 = arith.constant 0 : i32
      %gather3A_686 = tpu.memref_slice %arg12[%gather3A_683, %gather3A_684, %gather3A_685] : memref<4x128x32xf32, #tpu.memory_space<vmem>> -> memref<1x128x32xf32, #tpu.memory_space<vmem>>
      %gather3A_687 = tpu.memref_squeeze %gather3A_686 : memref<1x128x32xf32, #tpu.memory_space<vmem>> -> memref<128x32xf32, #tpu.memory_space<vmem>>
      %gather3A_688 = tpu.vector_load_idx %gather3A_687[%add3A_425, %broadcast_in_dim3A_682] : memref<128x32xf32, #tpu.memory_space<vmem>>[vector<16xi32>, vector<16xi32>], vector<16xf32>,
      %gather3A_689 = arith.constant 1 : i32
      %gather3A_690 = arith.constant 0 : i32
      %gather3A_691 = arith.constant 0 : i32
      %gather3A_692 = tpu.memref_slice %arg13[%gather3A_689, %gather3A_690, %gather3A_691] : memref<4x128x32xf32, #tpu.memory_space<vmem>> -> memref<1x128x32xf32, #tpu.memory_space<vmem>>
      %gather3A_693 = tpu.memref_squeeze %gather3A_692 : memref<1x128x32xf32, #tpu.memory_space<vmem>> -> memref<128x32xf32, #tpu.memory_space<vmem>>
      %gather3A_694 = tpu.vector_load_idx %gather3A_693[%add3A_425, %broadcast_in_dim3A_682] : memref<128x32xf32, #tpu.memory_space<vmem>>[vector<16xi32>, vector<16xi32>], vector<16xf32>,
      %mul3A_695 = arith.mulf %gather3A_688, %gather3A_694 : vector<16xf32>
      %add3A_696 = arith.addf %add3A_680, %mul3A_695 : vector<16xf32>
      %broadcast_in_dim3A_697 = arith.constant 17 : i32
      %broadcast_in_dim3A_698 = vector.broadcast %broadcast_in_dim3A_697 : i32 to vector<16xi32>
      %gather3A_699 = arith.constant 1 : i32
      %gather3A_700 = arith.constant 0 : i32
      %gather3A_701 = arith.constant 0 : i32
      %gather3A_702 = tpu.memref_slice %arg12[%gather3A_699, %gather3A_700, %gather3A_701] : memref<4x128x32xf32, #tpu.memory_space<vmem>> -> memref<1x128x32xf32, #tpu.memory_space<vmem>>
      %gather3A_703 = tpu.memref_squeeze %gather3A_702 : memref<1x128x32xf32, #tpu.memory_space<vmem>> -> memref<128x32xf32, #tpu.memory_space<vmem>>
      %gather3A_704 = tpu.vector_load_idx %gather3A_703[%add3A_425, %broadcast_in_dim3A_698] : memref<128x32xf32, #tpu.memory_space<vmem>>[vector<16xi32>, vector<16xi32>], vector<16xf32>,
      %gather3A_705 = arith.constant 1 : i32
      %gather3A_706 = arith.constant 0 : i32
      %gather3A_707 = arith.constant 0 : i32
      %gather3A_708 = tpu.memref_slice %arg13[%gather3A_705, %gather3A_706, %gather3A_707] : memref<4x128x32xf32, #tpu.memory_space<vmem>> -> memref<1x128x32xf32, #tpu.memory_space<vmem>>
      %gather3A_709 = tpu.memref_squeeze %gather3A_708 : memref<1x128x32xf32, #tpu.memory_space<vmem>> -> memref<128x32xf32, #tpu.memory_space<vmem>>
      %gather3A_710 = tpu.vector_load_idx %gather3A_709[%add3A_425, %broadcast_in_dim3A_698] : memref<128x32xf32, #tpu.memory_space<vmem>>[vector<16xi32>, vector<16xi32>], vector<16xf32>,
      %mul3A_711 = arith.mulf %gather3A_704, %gather3A_710 : vector<16xf32>
      %add3A_712 = arith.addf %add3A_696, %mul3A_711 : vector<16xf32>
      %broadcast_in_dim3A_713 = arith.constant 18 : i32
      %broadcast_in_dim3A_714 = vector.broadcast %broadcast_in_dim3A_713 : i32 to vector<16xi32>
      %gather3A_715 = arith.constant 1 : i32
      %gather3A_716 = arith.constant 0 : i32
      %gather3A_717 = arith.constant 0 : i32
      %gather3A_718 = tpu.memref_slice %arg12[%gather3A_715, %gather3A_716, %gather3A_717] : memref<4x128x32xf32, #tpu.memory_space<vmem>> -> memref<1x128x32xf32, #tpu.memory_space<vmem>>
      %gather3A_719 = tpu.memref_squeeze %gather3A_718 : memref<1x128x32xf32, #tpu.memory_space<vmem>> -> memref<128x32xf32, #tpu.memory_space<vmem>>
      %gather3A_720 = tpu.vector_load_idx %gather3A_719[%add3A_425, %broadcast_in_dim3A_714] : memref<128x32xf32, #tpu.memory_space<vmem>>[vector<16xi32>, vector<16xi32>], vector<16xf32>,
      %gather3A_721 = arith.constant 1 : i32
      %gather3A_722 = arith.constant 0 : i32
      %gather3A_723 = arith.constant 0 : i32
      %gather3A_724 = tpu.memref_slice %arg13[%gather3A_721, %gather3A_722, %gather3A_723] : memref<4x128x32xf32, #tpu.memory_space<vmem>> -> memref<1x128x32xf32, #tpu.memory_space<vmem>>
      %gather3A_725 = tpu.memref_squeeze %gather3A_724 : memref<1x128x32xf32, #tpu.memory_space<vmem>> -> memref<128x32xf32, #tpu.memory_space<vmem>>
      %gather3A_726 = tpu.vector_load_idx %gather3A_725[%add3A_425, %broadcast_in_dim3A_714] : memref<128x32xf32, #tpu.memory_space<vmem>>[vector<16xi32>, vector<16xi32>], vector<16xf32>,
      %mul3A_727 = arith.mulf %gather3A_720, %gather3A_726 : vector<16xf32>
      %add3A_728 = arith.addf %add3A_712, %mul3A_727 : vector<16xf32>
      %broadcast_in_dim3A_729 = arith.constant 19 : i32
      %broadcast_in_dim3A_730 = vector.broadcast %broadcast_in_dim3A_729 : i32 to vector<16xi32>
      %gather3A_731 = arith.constant 1 : i32
      %gather3A_732 = arith.constant 0 : i32
      %gather3A_733 = arith.constant 0 : i32
      %gather3A_734 = tpu.memref_slice %arg12[%gather3A_731, %gather3A_732, %gather3A_733] : memref<4x128x32xf32, #tpu.memory_space<vmem>> -> memref<1x128x32xf32, #tpu.memory_space<vmem>>
      %gather3A_735 = tpu.memref_squeeze %gather3A_734 : memref<1x128x32xf32, #tpu.memory_space<vmem>> -> memref<128x32xf32, #tpu.memory_space<vmem>>
      %gather3A_736 = tpu.vector_load_idx %gather3A_735[%add3A_425, %broadcast_in_dim3A_730] : memref<128x32xf32, #tpu.memory_space<vmem>>[vector<16xi32>, vector<16xi32>], vector<16xf32>,
      %gather3A_737 = arith.constant 1 : i32
      %gather3A_738 = arith.constant 0 : i32
      %gather3A_739 = arith.constant 0 : i32
      %gather3A_740 = tpu.memref_slice %arg13[%gather3A_737, %gather3A_738, %gather3A_739] : memref<4x128x32xf32, #tpu.memory_space<vmem>> -> memref<1x128x32xf32, #tpu.memory_space<vmem>>
      %gather3A_741 = tpu.memref_squeeze %gather3A_740 : memref<1x128x32xf32, #tpu.memory_space<vmem>> -> memref<128x32xf32, #tpu.memory_space<vmem>>
      %gather3A_742 = tpu.vector_load_idx %gather3A_741[%add3A_425, %broadcast_in_dim3A_730] : memref<128x32xf32, #tpu.memory_space<vmem>>[vector<16xi32>, vector<16xi32>], vector<16xf32>,
      %mul3A_743 = arith.mulf %gather3A_736, %gather3A_742 : vector<16xf32>
      %add3A_744 = arith.addf %add3A_728, %mul3A_743 : vector<16xf32>
      %broadcast_in_dim3A_745 = arith.constant 20 : i32
      %broadcast_in_dim3A_746 = vector.broadcast %broadcast_in_dim3A_745 : i32 to vector<16xi32>
      %gather3A_747 = arith.constant 1 : i32
      %gather3A_748 = arith.constant 0 : i32
      %gather3A_749 = arith.constant 0 : i32
      %gather3A_750 = tpu.memref_slice %arg12[%gather3A_747, %gather3A_748, %gather3A_749] : memref<4x128x32xf32, #tpu.memory_space<vmem>> -> memref<1x128x32xf32, #tpu.memory_space<vmem>>
      %gather3A_751 = tpu.memref_squeeze %gather3A_750 : memref<1x128x32xf32, #tpu.memory_space<vmem>> -> memref<128x32xf32, #tpu.memory_space<vmem>>
      %gather3A_752 = tpu.vector_load_idx %gather3A_751[%add3A_425, %broadcast_in_dim3A_746] : memref<128x32xf32, #tpu.memory_space<vmem>>[vector<16xi32>, vector<16xi32>], vector<16xf32>,
      %gather3A_753 = arith.constant 1 : i32
      %gather3A_754 = arith.constant 0 : i32
      %gather3A_755 = arith.constant 0 : i32
      %gather3A_756 = tpu.memref_slice %arg13[%gather3A_753, %gather3A_754, %gather3A_755] : memref<4x128x32xf32, #tpu.memory_space<vmem>> -> memref<1x128x32xf32, #tpu.memory_space<vmem>>
      %gather3A_757 = tpu.memref_squeeze %gather3A_756 : memref<1x128x32xf32, #tpu.memory_space<vmem>> -> memref<128x32xf32, #tpu.memory_space<vmem>>
      %gather3A_758 = tpu.vector_load_idx %gather3A_757[%add3A_425, %broadcast_in_dim3A_746] : memref<128x32xf32, #tpu.memory_space<vmem>>[vector<16xi32>, vector<16xi32>], vector<16xf32>,
      %mul3A_759 = arith.mulf %gather3A_752, %gather3A_758 : vector<16xf32>
      %add3A_760 = arith.addf %add3A_744, %mul3A_759 : vector<16xf32>
      %broadcast_in_dim3A_761 = arith.constant 21 : i32
      %broadcast_in_dim3A_762 = vector.broadcast %broadcast_in_dim3A_761 : i32 to vector<16xi32>
      %gather3A_763 = arith.constant 1 : i32
      %gather3A_764 = arith.constant 0 : i32
      %gather3A_765 = arith.constant 0 : i32
      %gather3A_766 = tpu.memref_slice %arg12[%gather3A_763, %gather3A_764, %gather3A_765] : memref<4x128x32xf32, #tpu.memory_space<vmem>> -> memref<1x128x32xf32, #tpu.memory_space<vmem>>
      %gather3A_767 = tpu.memref_squeeze %gather3A_766 : memref<1x128x32xf32, #tpu.memory_space<vmem>> -> memref<128x32xf32, #tpu.memory_space<vmem>>
      %gather3A_768 = tpu.vector_load_idx %gather3A_767[%add3A_425, %broadcast_in_dim3A_762] : memref<128x32xf32, #tpu.memory_space<vmem>>[vector<16xi32>, vector<16xi32>], vector<16xf32>,
      %gather3A_769 = arith.constant 1 : i32
      %gather3A_770 = arith.constant 0 : i32
      %gather3A_771 = arith.constant 0 : i32
      %gather3A_772 = tpu.memref_slice %arg13[%gather3A_769, %gather3A_770, %gather3A_771] : memref<4x128x32xf32, #tpu.memory_space<vmem>> -> memref<1x128x32xf32, #tpu.memory_space<vmem>>
      %gather3A_773 = tpu.memref_squeeze %gather3A_772 : memref<1x128x32xf32, #tpu.memory_space<vmem>> -> memref<128x32xf32, #tpu.memory_space<vmem>>
      %gather3A_774 = tpu.vector_load_idx %gather3A_773[%add3A_425, %broadcast_in_dim3A_762] : memref<128x32xf32, #tpu.memory_space<vmem>>[vector<16xi32>, vector<16xi32>], vector<16xf32>,
      %mul3A_775 = arith.mulf %gather3A_768, %gather3A_774 : vector<16xf32>
      %add3A_776 = arith.addf %add3A_760, %mul3A_775 : vector<16xf32>
      %broadcast_in_dim3A_777 = arith.constant 22 : i32
      %broadcast_in_dim3A_778 = vector.broadcast %broadcast_in_dim3A_777 : i32 to vector<16xi32>
      %gather3A_779 = arith.constant 1 : i32
      %gather3A_780 = arith.constant 0 : i32
      %gather3A_781 = arith.constant 0 : i32
      %gather3A_782 = tpu.memref_slice %arg12[%gather3A_779, %gather3A_780, %gather3A_781] : memref<4x128x32xf32, #tpu.memory_space<vmem>> -> memref<1x128x32xf32, #tpu.memory_space<vmem>>
      %gather3A_783 = tpu.memref_squeeze %gather3A_782 : memref<1x128x32xf32, #tpu.memory_space<vmem>> -> memref<128x32xf32, #tpu.memory_space<vmem>>
      %gather3A_784 = tpu.vector_load_idx %gather3A_783[%add3A_425, %broadcast_in_dim3A_778] : memref<128x32xf32, #tpu.memory_space<vmem>>[vector<16xi32>, vector<16xi32>], vector<16xf32>,
      %gather3A_785 = arith.constant 1 : i32
      %gather3A_786 = arith.constant 0 : i32
      %gather3A_787 = arith.constant 0 : i32
      %gather3A_788 = tpu.memref_slice %arg13[%gather3A_785, %gather3A_786, %gather3A_787] : memref<4x128x32xf32, #tpu.memory_space<vmem>> -> memref<1x128x32xf32, #tpu.memory_space<vmem>>
      %gather3A_789 = tpu.memref_squeeze %gather3A_788 : memref<1x128x32xf32, #tpu.memory_space<vmem>> -> memref<128x32xf32, #tpu.memory_space<vmem>>
      %gather3A_790 = tpu.vector_load_idx %gather3A_789[%add3A_425, %broadcast_in_dim3A_778] : memref<128x32xf32, #tpu.memory_space<vmem>>[vector<16xi32>, vector<16xi32>], vector<16xf32>,
      %mul3A_791 = arith.mulf %gather3A_784, %gather3A_790 : vector<16xf32>
      %add3A_792 = arith.addf %add3A_776, %mul3A_791 : vector<16xf32>
      %broadcast_in_dim3A_793 = arith.constant 23 : i32
      %broadcast_in_dim3A_794 = vector.broadcast %broadcast_in_dim3A_793 : i32 to vector<16xi32>
      %gather3A_795 = arith.constant 1 : i32
      %gather3A_796 = arith.constant 0 : i32
      %gather3A_797 = arith.constant 0 : i32
      %gather3A_798 = tpu.memref_slice %arg12[%gather3A_795, %gather3A_796, %gather3A_797] : memref<4x128x32xf32, #tpu.memory_space<vmem>> -> memref<1x128x32xf32, #tpu.memory_space<vmem>>
      %gather3A_799 = tpu.memref_squeeze %gather3A_798 : memref<1x128x32xf32, #tpu.memory_space<vmem>> -> memref<128x32xf32, #tpu.memory_space<vmem>>
      %gather3A_800 = tpu.vector_load_idx %gather3A_799[%add3A_425, %broadcast_in_dim3A_794] : memref<128x32xf32, #tpu.memory_space<vmem>>[vector<16xi32>, vector<16xi32>], vector<16xf32>,
      %gather3A_801 = arith.constant 1 : i32
      %gather3A_802 = arith.constant 0 : i32
      %gather3A_803 = arith.constant 0 : i32
      %gather3A_804 = tpu.memref_slice %arg13[%gather3A_801, %gather3A_802, %gather3A_803] : memref<4x128x32xf32, #tpu.memory_space<vmem>> -> memref<1x128x32xf32, #tpu.memory_space<vmem>>
      %gather3A_805 = tpu.memref_squeeze %gather3A_804 : memref<1x128x32xf32, #tpu.memory_space<vmem>> -> memref<128x32xf32, #tpu.memory_space<vmem>>
      %gather3A_806 = tpu.vector_load_idx %gather3A_805[%add3A_425, %broadcast_in_dim3A_794] : memref<128x32xf32, #tpu.memory_space<vmem>>[vector<16xi32>, vector<16xi32>], vector<16xf32>,
      %mul3A_807 = arith.mulf %gather3A_800, %gather3A_806 : vector<16xf32>
      %add3A_808 = arith.addf %add3A_792, %mul3A_807 : vector<16xf32>
      %broadcast_in_dim3A_809 = arith.constant 24 : i32
      %broadcast_in_dim3A_810 = vector.broadcast %broadcast_in_dim3A_809 : i32 to vector<16xi32>
      %gather3A_811 = arith.constant 1 : i32
      %gather3A_812 = arith.constant 0 : i32
      %gather3A_813 = arith.constant 0 : i32
      %gather3A_814 = tpu.memref_slice %arg12[%gather3A_811, %gather3A_812, %gather3A_813] : memref<4x128x32xf32, #tpu.memory_space<vmem>> -> memref<1x128x32xf32, #tpu.memory_space<vmem>>
      %gather3A_815 = tpu.memref_squeeze %gather3A_814 : memref<1x128x32xf32, #tpu.memory_space<vmem>> -> memref<128x32xf32, #tpu.memory_space<vmem>>
      %gather3A_816 = tpu.vector_load_idx %gather3A_815[%add3A_425, %broadcast_in_dim3A_810] : memref<128x32xf32, #tpu.memory_space<vmem>>[vector<16xi32>, vector<16xi32>], vector<16xf32>,
      %gather3A_817 = arith.constant 1 : i32
      %gather3A_818 = arith.constant 0 : i32
      %gather3A_819 = arith.constant 0 : i32
      %gather3A_820 = tpu.memref_slice %arg13[%gather3A_817, %gather3A_818, %gather3A_819] : memref<4x128x32xf32, #tpu.memory_space<vmem>> -> memref<1x128x32xf32, #tpu.memory_space<vmem>>
      %gather3A_821 = tpu.memref_squeeze %gather3A_820 : memref<1x128x32xf32, #tpu.memory_space<vmem>> -> memref<128x32xf32, #tpu.memory_space<vmem>>
      %gather3A_822 = tpu.vector_load_idx %gather3A_821[%add3A_425, %broadcast_in_dim3A_810] : memref<128x32xf32, #tpu.memory_space<vmem>>[vector<16xi32>, vector<16xi32>], vector<16xf32>,
      %mul3A_823 = arith.mulf %gather3A_816, %gather3A_822 : vector<16xf32>
      %add3A_824 = arith.addf %add3A_808, %mul3A_823 : vector<16xf32>
      %broadcast_in_dim3A_825 = arith.constant 25 : i32
      %broadcast_in_dim3A_826 = vector.broadcast %broadcast_in_dim3A_825 : i32 to vector<16xi32>
      %gather3A_827 = arith.constant 1 : i32
      %gather3A_828 = arith.constant 0 : i32
      %gather3A_829 = arith.constant 0 : i32
      %gather3A_830 = tpu.memref_slice %arg12[%gather3A_827, %gather3A_828, %gather3A_829] : memref<4x128x32xf32, #tpu.memory_space<vmem>> -> memref<1x128x32xf32, #tpu.memory_space<vmem>>
      %gather3A_831 = tpu.memref_squeeze %gather3A_830 : memref<1x128x32xf32, #tpu.memory_space<vmem>> -> memref<128x32xf32, #tpu.memory_space<vmem>>
      %gather3A_832 = tpu.vector_load_idx %gather3A_831[%add3A_425, %broadcast_in_dim3A_826] : memref<128x32xf32, #tpu.memory_space<vmem>>[vector<16xi32>, vector<16xi32>], vector<16xf32>,
      %gather3A_833 = arith.constant 1 : i32
      %gather3A_834 = arith.constant 0 : i32
      %gather3A_835 = arith.constant 0 : i32
      %gather3A_836 = tpu.memref_slice %arg13[%gather3A_833, %gather3A_834, %gather3A_835] : memref<4x128x32xf32, #tpu.memory_space<vmem>> -> memref<1x128x32xf32, #tpu.memory_space<vmem>>
      %gather3A_837 = tpu.memref_squeeze %gather3A_836 : memref<1x128x32xf32, #tpu.memory_space<vmem>> -> memref<128x32xf32, #tpu.memory_space<vmem>>
      %gather3A_838 = tpu.vector_load_idx %gather3A_837[%add3A_425, %broadcast_in_dim3A_826] : memref<128x32xf32, #tpu.memory_space<vmem>>[vector<16xi32>, vector<16xi32>], vector<16xf32>,
      %mul3A_839 = arith.mulf %gather3A_832, %gather3A_838 : vector<16xf32>
      %add3A_840 = arith.addf %add3A_824, %mul3A_839 : vector<16xf32>
      %broadcast_in_dim3A_841 = arith.constant 26 : i32
      %broadcast_in_dim3A_842 = vector.broadcast %broadcast_in_dim3A_841 : i32 to vector<16xi32>
      %gather3A_843 = arith.constant 1 : i32
      %gather3A_844 = arith.constant 0 : i32
      %gather3A_845 = arith.constant 0 : i32
      %gather3A_846 = tpu.memref_slice %arg12[%gather3A_843, %gather3A_844, %gather3A_845] : memref<4x128x32xf32, #tpu.memory_space<vmem>> -> memref<1x128x32xf32, #tpu.memory_space<vmem>>
      %gather3A_847 = tpu.memref_squeeze %gather3A_846 : memref<1x128x32xf32, #tpu.memory_space<vmem>> -> memref<128x32xf32, #tpu.memory_space<vmem>>
      %gather3A_848 = tpu.vector_load_idx %gather3A_847[%add3A_425, %broadcast_in_dim3A_842] : memref<128x32xf32, #tpu.memory_space<vmem>>[vector<16xi32>, vector<16xi32>], vector<16xf32>,
      %gather3A_849 = arith.constant 1 : i32
      %gather3A_850 = arith.constant 0 : i32
      %gather3A_851 = arith.constant 0 : i32
      %gather3A_852 = tpu.memref_slice %arg13[%gather3A_849, %gather3A_850, %gather3A_851] : memref<4x128x32xf32, #tpu.memory_space<vmem>> -> memref<1x128x32xf32, #tpu.memory_space<vmem>>
      %gather3A_853 = tpu.memref_squeeze %gather3A_852 : memref<1x128x32xf32, #tpu.memory_space<vmem>> -> memref<128x32xf32, #tpu.memory_space<vmem>>
      %gather3A_854 = tpu.vector_load_idx %gather3A_853[%add3A_425, %broadcast_in_dim3A_842] : memref<128x32xf32, #tpu.memory_space<vmem>>[vector<16xi32>, vector<16xi32>], vector<16xf32>,
      %mul3A_855 = arith.mulf %gather3A_848, %gather3A_854 : vector<16xf32>
      %add3A_856 = arith.addf %add3A_840, %mul3A_855 : vector<16xf32>
      %broadcast_in_dim3A_857 = arith.constant 27 : i32
      %broadcast_in_dim3A_858 = vector.broadcast %broadcast_in_dim3A_857 : i32 to vector<16xi32>
      %gather3A_859 = arith.constant 1 : i32
      %gather3A_860 = arith.constant 0 : i32
      %gather3A_861 = arith.constant 0 : i32
      %gather3A_862 = tpu.memref_slice %arg12[%gather3A_859, %gather3A_860, %gather3A_861] : memref<4x128x32xf32, #tpu.memory_space<vmem>> -> memref<1x128x32xf32, #tpu.memory_space<vmem>>
      %gather3A_863 = tpu.memref_squeeze %gather3A_862 : memref<1x128x32xf32, #tpu.memory_space<vmem>> -> memref<128x32xf32, #tpu.memory_space<vmem>>
      %gather3A_864 = tpu.vector_load_idx %gather3A_863[%add3A_425, %broadcast_in_dim3A_858] : memref<128x32xf32, #tpu.memory_space<vmem>>[vector<16xi32>, vector<16xi32>], vector<16xf32>,
      %gather3A_865 = arith.constant 1 : i32
      %gather3A_866 = arith.constant 0 : i32
      %gather3A_867 = arith.constant 0 : i32
      %gather3A_868 = tpu.memref_slice %arg13[%gather3A_865, %gather3A_866, %gather3A_867] : memref<4x128x32xf32, #tpu.memory_space<vmem>> -> memref<1x128x32xf32, #tpu.memory_space<vmem>>
      %gather3A_869 = tpu.memref_squeeze %gather3A_868 : memref<1x128x32xf32, #tpu.memory_space<vmem>> -> memref<128x32xf32, #tpu.memory_space<vmem>>
      %gather3A_870 = tpu.vector_load_idx %gather3A_869[%add3A_425, %broadcast_in_dim3A_858] : memref<128x32xf32, #tpu.memory_space<vmem>>[vector<16xi32>, vector<16xi32>], vector<16xf32>,
      %mul3A_871 = arith.mulf %gather3A_864, %gather3A_870 : vector<16xf32>
      %add3A_872 = arith.addf %add3A_856, %mul3A_871 : vector<16xf32>
      %broadcast_in_dim3A_873 = arith.constant 28 : i32
      %broadcast_in_dim3A_874 = vector.broadcast %broadcast_in_dim3A_873 : i32 to vector<16xi32>
      %gather3A_875 = arith.constant 1 : i32
      %gather3A_876 = arith.constant 0 : i32
      %gather3A_877 = arith.constant 0 : i32
      %gather3A_878 = tpu.memref_slice %arg12[%gather3A_875, %gather3A_876, %gather3A_877] : memref<4x128x32xf32, #tpu.memory_space<vmem>> -> memref<1x128x32xf32, #tpu.memory_space<vmem>>
      %gather3A_879 = tpu.memref_squeeze %gather3A_878 : memref<1x128x32xf32, #tpu.memory_space<vmem>> -> memref<128x32xf32, #tpu.memory_space<vmem>>
      %gather3A_880 = tpu.vector_load_idx %gather3A_879[%add3A_425, %broadcast_in_dim3A_874] : memref<128x32xf32, #tpu.memory_space<vmem>>[vector<16xi32>, vector<16xi32>], vector<16xf32>,
      %gather3A_881 = arith.constant 1 : i32
      %gather3A_882 = arith.constant 0 : i32
      %gather3A_883 = arith.constant 0 : i32
      %gather3A_884 = tpu.memref_slice %arg13[%gather3A_881, %gather3A_882, %gather3A_883] : memref<4x128x32xf32, #tpu.memory_space<vmem>> -> memref<1x128x32xf32, #tpu.memory_space<vmem>>
      %gather3A_885 = tpu.memref_squeeze %gather3A_884 : memref<1x128x32xf32, #tpu.memory_space<vmem>> -> memref<128x32xf32, #tpu.memory_space<vmem>>
      %gather3A_886 = tpu.vector_load_idx %gather3A_885[%add3A_425, %broadcast_in_dim3A_874] : memref<128x32xf32, #tpu.memory_space<vmem>>[vector<16xi32>, vector<16xi32>], vector<16xf32>,
      %mul3A_887 = arith.mulf %gather3A_880, %gather3A_886 : vector<16xf32>
      %add3A_888 = arith.addf %add3A_872, %mul3A_887 : vector<16xf32>
      %broadcast_in_dim3A_889 = arith.constant 29 : i32
      %broadcast_in_dim3A_890 = vector.broadcast %broadcast_in_dim3A_889 : i32 to vector<16xi32>
      %gather3A_891 = arith.constant 1 : i32
      %gather3A_892 = arith.constant 0 : i32
      %gather3A_893 = arith.constant 0 : i32
      %gather3A_894 = tpu.memref_slice %arg12[%gather3A_891, %gather3A_892, %gather3A_893] : memref<4x128x32xf32, #tpu.memory_space<vmem>> -> memref<1x128x32xf32, #tpu.memory_space<vmem>>
      %gather3A_895 = tpu.memref_squeeze %gather3A_894 : memref<1x128x32xf32, #tpu.memory_space<vmem>> -> memref<128x32xf32, #tpu.memory_space<vmem>>
      %gather3A_896 = tpu.vector_load_idx %gather3A_895[%add3A_425, %broadcast_in_dim3A_890] : memref<128x32xf32, #tpu.memory_space<vmem>>[vector<16xi32>, vector<16xi32>], vector<16xf32>,
      %gather3A_897 = arith.constant 1 : i32
      %gather3A_898 = arith.constant 0 : i32
      %gather3A_899 = arith.constant 0 : i32
      %gather3A_900 = tpu.memref_slice %arg13[%gather3A_897, %gather3A_898, %gather3A_899] : memref<4x128x32xf32, #tpu.memory_space<vmem>> -> memref<1x128x32xf32, #tpu.memory_space<vmem>>
      %gather3A_901 = tpu.memref_squeeze %gather3A_900 : memref<1x128x32xf32, #tpu.memory_space<vmem>> -> memref<128x32xf32, #tpu.memory_space<vmem>>
      %gather3A_902 = tpu.vector_load_idx %gather3A_901[%add3A_425, %broadcast_in_dim3A_890] : memref<128x32xf32, #tpu.memory_space<vmem>>[vector<16xi32>, vector<16xi32>], vector<16xf32>,
      %mul3A_903 = arith.mulf %gather3A_896, %gather3A_902 : vector<16xf32>
      %add3A_904 = arith.addf %add3A_888, %mul3A_903 : vector<16xf32>
      %broadcast_in_dim3A_905 = arith.constant 30 : i32
      %broadcast_in_dim3A_906 = vector.broadcast %broadcast_in_dim3A_905 : i32 to vector<16xi32>
      %gather3A_907 = arith.constant 1 : i32
      %gather3A_908 = arith.constant 0 : i32
      %gather3A_909 = arith.constant 0 : i32
      %gather3A_910 = tpu.memref_slice %arg12[%gather3A_907, %gather3A_908, %gather3A_909] : memref<4x128x32xf32, #tpu.memory_space<vmem>> -> memref<1x128x32xf32, #tpu.memory_space<vmem>>
      %gather3A_911 = tpu.memref_squeeze %gather3A_910 : memref<1x128x32xf32, #tpu.memory_space<vmem>> -> memref<128x32xf32, #tpu.memory_space<vmem>>
      %gather3A_912 = tpu.vector_load_idx %gather3A_911[%add3A_425, %broadcast_in_dim3A_906] : memref<128x32xf32, #tpu.memory_space<vmem>>[vector<16xi32>, vector<16xi32>], vector<16xf32>,
      %gather3A_913 = arith.constant 1 : i32
      %gather3A_914 = arith.constant 0 : i32
      %gather3A_915 = arith.constant 0 : i32
      %gather3A_916 = tpu.memref_slice %arg13[%gather3A_913, %gather3A_914, %gather3A_915] : memref<4x128x32xf32, #tpu.memory_space<vmem>> -> memref<1x128x32xf32, #tpu.memory_space<vmem>>
      %gather3A_917 = tpu.memref_squeeze %gather3A_916 : memref<1x128x32xf32, #tpu.memory_space<vmem>> -> memref<128x32xf32, #tpu.memory_space<vmem>>
      %gather3A_918 = tpu.vector_load_idx %gather3A_917[%add3A_425, %broadcast_in_dim3A_906] : memref<128x32xf32, #tpu.memory_space<vmem>>[vector<16xi32>, vector<16xi32>], vector<16xf32>,
      %mul3A_919 = arith.mulf %gather3A_912, %gather3A_918 : vector<16xf32>
      %add3A_920 = arith.addf %add3A_904, %mul3A_919 : vector<16xf32>
      %broadcast_in_dim3A_921 = arith.constant 31 : i32
      %broadcast_in_dim3A_922 = vector.broadcast %broadcast_in_dim3A_921 : i32 to vector<16xi32>
      %gather3A_923 = arith.constant 1 : i32
      %gather3A_924 = arith.constant 0 : i32
      %gather3A_925 = arith.constant 0 : i32
      %gather3A_926 = tpu.memref_slice %arg12[%gather3A_923, %gather3A_924, %gather3A_925] : memref<4x128x32xf32, #tpu.memory_space<vmem>> -> memref<1x128x32xf32, #tpu.memory_space<vmem>>
      %gather3A_927 = tpu.memref_squeeze %gather3A_926 : memref<1x128x32xf32, #tpu.memory_space<vmem>> -> memref<128x32xf32, #tpu.memory_space<vmem>>
      %gather3A_928 = tpu.vector_load_idx %gather3A_927[%add3A_425, %broadcast_in_dim3A_922] : memref<128x32xf32, #tpu.memory_space<vmem>>[vector<16xi32>, vector<16xi32>], vector<16xf32>,
      %gather3A_929 = arith.constant 1 : i32
      %gather3A_930 = arith.constant 0 : i32
      %gather3A_931 = arith.constant 0 : i32
      %gather3A_932 = tpu.memref_slice %arg13[%gather3A_929, %gather3A_930, %gather3A_931] : memref<4x128x32xf32, #tpu.memory_space<vmem>> -> memref<1x128x32xf32, #tpu.memory_space<vmem>>
      %gather3A_933 = tpu.memref_squeeze %gather3A_932 : memref<1x128x32xf32, #tpu.memory_space<vmem>> -> memref<128x32xf32, #tpu.memory_space<vmem>>
      %gather3A_934 = tpu.vector_load_idx %gather3A_933[%add3A_425, %broadcast_in_dim3A_922] : memref<128x32xf32, #tpu.memory_space<vmem>>[vector<16xi32>, vector<16xi32>], vector<16xf32>,
      %mul3A_935 = arith.mulf %gather3A_928, %gather3A_934 : vector<16xf32>
      %add3A_936 = arith.addf %add3A_920, %mul3A_935 : vector<16xf32>
      %mul3A_937 = arith.constant 16 : i32
      %mul3A_938 = arith.muli %scan3A_405, %mul3A_937 : i32
      %add3A_939 = arith.constant 128 : i32
      %add3A_940 = arith.addi %add3A_939, %mul3A_938 : i32
      %swap3A = arith.index_cast %add3A_940 : i32 to index
      %swap3A_941 = tpu.vector_load %arg17[%swap3A] {strides = array<i32>} : memref<512xf32, #tpu.memory_space<vmem>>, vector<16xf32>,
      tpu.vector_store %arg17[%swap3A], %add3A_936 {strides = array<i32>} : memref<512xf32, #tpu.memory_space<vmem>>, vector<16xf32>,
    }
    %scan3A_392 = arith.constant 8 : i32
    %scan3A_393 = arith.constant 0 : i32
    %scan3A_394 = arith.constant 0 : i32
    %scan3A_395 = arith.constant 8 : i32
    %scan3A_396 = arith.addi %scan3A_394, %scan3A_395 : i32
    %scan3A_397 = arith.constant 1 : i32
    scf.for %scan3A_405 = %scan3A_394 to %scan3A_396 step %scan3A_397  : i32 {
      %mul3A_406 = arith.constant 16 : i32
      %mul3A_407 = arith.muli %scan3A_405, %mul3A_406 : i32
      %get3A_408 = arith.constant 2 : i32
      %get3A_409 = arith.constant 0 : i32
      %get3A_410 = tpu.memref_slice %arg14[%get3A_408, %get3A_409] : memref<4x128xf32, #tpu.memory_space<vmem>> -> memref<1x128xf32, #tpu.memory_space<vmem>>
      %get3A_411 = tpu.memref_squeeze %get3A_410 : memref<1x128xf32, #tpu.memory_space<vmem>> -> memref<128xf32, #tpu.memory_space<vmem>>
      %get3A_412 = arith.index_cast %mul3A_407 : i32 to index
      %get3A_413 = tpu.vector_load %get3A_411[%get3A_412] {strides = array<i32>} : memref<128xf32, #tpu.memory_space<vmem>>, vector<16xf32>,
      %get3A_414 = arith.constant 2 : i32
      %get3A_415 = arith.constant 0 : i32
      %get3A_416 = tpu.memref_slice %arg15[%get3A_414, %get3A_415] : memref<4x128xf32, #tpu.memory_space<vmem>> -> memref<1x128xf32, #tpu.memory_space<vmem>>
      %get3A_417 = tpu.memref_squeeze %get3A_416 : memref<1x128xf32, #tpu.memory_space<vmem>> -> memref<128xf32, #tpu.memory_space<vmem>>
      %get3A_418 = arith.index_cast %mul3A_407 : i32 to index
      %get3A_419 = tpu.vector_load %get3A_417[%get3A_418] {strides = array<i32>} : memref<128xf32, #tpu.memory_space<vmem>>, vector<16xf32>,
      %add3A_420 = arith.addf %get3A_413, %get3A_419 : vector<16xf32>
      %add3A_421 = arith.addf %add3A_420, %get3A_381 : vector<16xf32>
      %iota3A = tpu.iota {dimensions = array<i32: 0>} : vector<16xi32>
      %mul3A_422 = arith.constant 16 : i32
      %mul3A_423 = arith.muli %scan3A_405, %mul3A_422 : i32
      %add3A_424 = vector.broadcast %mul3A_423 : i32 to vector<16xi32>
      %add3A_425 = arith.addi %iota3A, %add3A_424 : vector<16xi32>
      %broadcast_in_dim3A_426 = arith.constant 0 : i32
      %broadcast_in_dim3A_427 = vector.broadcast %broadcast_in_dim3A_426 : i32 to vector<16xi32>
      %gather3A = arith.constant 2 : i32
      %gather3A_428 = arith.constant 0 : i32
      %gather3A_429 = arith.constant 0 : i32
      %gather3A_430 = tpu.memref_slice %arg12[%gather3A, %gather3A_428, %gather3A_429] : memref<4x128x32xf32, #tpu.memory_space<vmem>> -> memref<1x128x32xf32, #tpu.memory_space<vmem>>
      %gather3A_431 = tpu.memref_squeeze %gather3A_430 : memref<1x128x32xf32, #tpu.memory_space<vmem>> -> memref<128x32xf32, #tpu.memory_space<vmem>>
      %gather3A_432 = tpu.vector_load_idx %gather3A_431[%add3A_425, %broadcast_in_dim3A_427] : memref<128x32xf32, #tpu.memory_space<vmem>>[vector<16xi32>, vector<16xi32>], vector<16xf32>,
      %gather3A_433 = arith.constant 2 : i32
      %gather3A_434 = arith.constant 0 : i32
      %gather3A_435 = arith.constant 0 : i32
      %gather3A_436 = tpu.memref_slice %arg13[%gather3A_433, %gather3A_434, %gather3A_435] : memref<4x128x32xf32, #tpu.memory_space<vmem>> -> memref<1x128x32xf32, #tpu.memory_space<vmem>>
      %gather3A_437 = tpu.memref_squeeze %gather3A_436 : memref<1x128x32xf32, #tpu.memory_space<vmem>> -> memref<128x32xf32, #tpu.memory_space<vmem>>
      %gather3A_438 = tpu.vector_load_idx %gather3A_437[%add3A_425, %broadcast_in_dim3A_427] : memref<128x32xf32, #tpu.memory_space<vmem>>[vector<16xi32>, vector<16xi32>], vector<16xf32>,
      %mul3A_439 = arith.mulf %gather3A_432, %gather3A_438 : vector<16xf32>
      %add3A_440 = arith.addf %add3A_421, %mul3A_439 : vector<16xf32>
      %broadcast_in_dim3A_441 = arith.constant 1 : i32
      %broadcast_in_dim3A_442 = vector.broadcast %broadcast_in_dim3A_441 : i32 to vector<16xi32>
      %gather3A_443 = arith.constant 2 : i32
      %gather3A_444 = arith.constant 0 : i32
      %gather3A_445 = arith.constant 0 : i32
      %gather3A_446 = tpu.memref_slice %arg12[%gather3A_443, %gather3A_444, %gather3A_445] : memref<4x128x32xf32, #tpu.memory_space<vmem>> -> memref<1x128x32xf32, #tpu.memory_space<vmem>>
      %gather3A_447 = tpu.memref_squeeze %gather3A_446 : memref<1x128x32xf32, #tpu.memory_space<vmem>> -> memref<128x32xf32, #tpu.memory_space<vmem>>
      %gather3A_448 = tpu.vector_load_idx %gather3A_447[%add3A_425, %broadcast_in_dim3A_442] : memref<128x32xf32, #tpu.memory_space<vmem>>[vector<16xi32>, vector<16xi32>], vector<16xf32>,
      %gather3A_449 = arith.constant 2 : i32
      %gather3A_450 = arith.constant 0 : i32
      %gather3A_451 = arith.constant 0 : i32
      %gather3A_452 = tpu.memref_slice %arg13[%gather3A_449, %gather3A_450, %gather3A_451] : memref<4x128x32xf32, #tpu.memory_space<vmem>> -> memref<1x128x32xf32, #tpu.memory_space<vmem>>
      %gather3A_453 = tpu.memref_squeeze %gather3A_452 : memref<1x128x32xf32, #tpu.memory_space<vmem>> -> memref<128x32xf32, #tpu.memory_space<vmem>>
      %gather3A_454 = tpu.vector_load_idx %gather3A_453[%add3A_425, %broadcast_in_dim3A_442] : memref<128x32xf32, #tpu.memory_space<vmem>>[vector<16xi32>, vector<16xi32>], vector<16xf32>,
      %mul3A_455 = arith.mulf %gather3A_448, %gather3A_454 : vector<16xf32>
      %add3A_456 = arith.addf %add3A_440, %mul3A_455 : vector<16xf32>
      %broadcast_in_dim3A_457 = arith.constant 2 : i32
      %broadcast_in_dim3A_458 = vector.broadcast %broadcast_in_dim3A_457 : i32 to vector<16xi32>
      %gather3A_459 = arith.constant 2 : i32
      %gather3A_460 = arith.constant 0 : i32
      %gather3A_461 = arith.constant 0 : i32
      %gather3A_462 = tpu.memref_slice %arg12[%gather3A_459, %gather3A_460, %gather3A_461] : memref<4x128x32xf32, #tpu.memory_space<vmem>> -> memref<1x128x32xf32, #tpu.memory_space<vmem>>
      %gather3A_463 = tpu.memref_squeeze %gather3A_462 : memref<1x128x32xf32, #tpu.memory_space<vmem>> -> memref<128x32xf32, #tpu.memory_space<vmem>>
      %gather3A_464 = tpu.vector_load_idx %gather3A_463[%add3A_425, %broadcast_in_dim3A_458] : memref<128x32xf32, #tpu.memory_space<vmem>>[vector<16xi32>, vector<16xi32>], vector<16xf32>,
      %gather3A_465 = arith.constant 2 : i32
      %gather3A_466 = arith.constant 0 : i32
      %gather3A_467 = arith.constant 0 : i32
      %gather3A_468 = tpu.memref_slice %arg13[%gather3A_465, %gather3A_466, %gather3A_467] : memref<4x128x32xf32, #tpu.memory_space<vmem>> -> memref<1x128x32xf32, #tpu.memory_space<vmem>>
      %gather3A_469 = tpu.memref_squeeze %gather3A_468 : memref<1x128x32xf32, #tpu.memory_space<vmem>> -> memref<128x32xf32, #tpu.memory_space<vmem>>
      %gather3A_470 = tpu.vector_load_idx %gather3A_469[%add3A_425, %broadcast_in_dim3A_458] : memref<128x32xf32, #tpu.memory_space<vmem>>[vector<16xi32>, vector<16xi32>], vector<16xf32>,
      %mul3A_471 = arith.mulf %gather3A_464, %gather3A_470 : vector<16xf32>
      %add3A_472 = arith.addf %add3A_456, %mul3A_471 : vector<16xf32>
      %broadcast_in_dim3A_473 = arith.constant 3 : i32
      %broadcast_in_dim3A_474 = vector.broadcast %broadcast_in_dim3A_473 : i32 to vector<16xi32>
      %gather3A_475 = arith.constant 2 : i32
      %gather3A_476 = arith.constant 0 : i32
      %gather3A_477 = arith.constant 0 : i32
      %gather3A_478 = tpu.memref_slice %arg12[%gather3A_475, %gather3A_476, %gather3A_477] : memref<4x128x32xf32, #tpu.memory_space<vmem>> -> memref<1x128x32xf32, #tpu.memory_space<vmem>>
      %gather3A_479 = tpu.memref_squeeze %gather3A_478 : memref<1x128x32xf32, #tpu.memory_space<vmem>> -> memref<128x32xf32, #tpu.memory_space<vmem>>
      %gather3A_480 = tpu.vector_load_idx %gather3A_479[%add3A_425, %broadcast_in_dim3A_474] : memref<128x32xf32, #tpu.memory_space<vmem>>[vector<16xi32>, vector<16xi32>], vector<16xf32>,
      %gather3A_481 = arith.constant 2 : i32
      %gather3A_482 = arith.constant 0 : i32
      %gather3A_483 = arith.constant 0 : i32
      %gather3A_484 = tpu.memref_slice %arg13[%gather3A_481, %gather3A_482, %gather3A_483] : memref<4x128x32xf32, #tpu.memory_space<vmem>> -> memref<1x128x32xf32, #tpu.memory_space<vmem>>
      %gather3A_485 = tpu.memref_squeeze %gather3A_484 : memref<1x128x32xf32, #tpu.memory_space<vmem>> -> memref<128x32xf32, #tpu.memory_space<vmem>>
      %gather3A_486 = tpu.vector_load_idx %gather3A_485[%add3A_425, %broadcast_in_dim3A_474] : memref<128x32xf32, #tpu.memory_space<vmem>>[vector<16xi32>, vector<16xi32>], vector<16xf32>,
      %mul3A_487 = arith.mulf %gather3A_480, %gather3A_486 : vector<16xf32>
      %add3A_488 = arith.addf %add3A_472, %mul3A_487 : vector<16xf32>
      %broadcast_in_dim3A_489 = arith.constant 4 : i32
      %broadcast_in_dim3A_490 = vector.broadcast %broadcast_in_dim3A_489 : i32 to vector<16xi32>
      %gather3A_491 = arith.constant 2 : i32
      %gather3A_492 = arith.constant 0 : i32
      %gather3A_493 = arith.constant 0 : i32
      %gather3A_494 = tpu.memref_slice %arg12[%gather3A_491, %gather3A_492, %gather3A_493] : memref<4x128x32xf32, #tpu.memory_space<vmem>> -> memref<1x128x32xf32, #tpu.memory_space<vmem>>
      %gather3A_495 = tpu.memref_squeeze %gather3A_494 : memref<1x128x32xf32, #tpu.memory_space<vmem>> -> memref<128x32xf32, #tpu.memory_space<vmem>>
      %gather3A_496 = tpu.vector_load_idx %gather3A_495[%add3A_425, %broadcast_in_dim3A_490] : memref<128x32xf32, #tpu.memory_space<vmem>>[vector<16xi32>, vector<16xi32>], vector<16xf32>,
      %gather3A_497 = arith.constant 2 : i32
      %gather3A_498 = arith.constant 0 : i32
      %gather3A_499 = arith.constant 0 : i32
      %gather3A_500 = tpu.memref_slice %arg13[%gather3A_497, %gather3A_498, %gather3A_499] : memref<4x128x32xf32, #tpu.memory_space<vmem>> -> memref<1x128x32xf32, #tpu.memory_space<vmem>>
      %gather3A_501 = tpu.memref_squeeze %gather3A_500 : memref<1x128x32xf32, #tpu.memory_space<vmem>> -> memref<128x32xf32, #tpu.memory_space<vmem>>
      %gather3A_502 = tpu.vector_load_idx %gather3A_501[%add3A_425, %broadcast_in_dim3A_490] : memref<128x32xf32, #tpu.memory_space<vmem>>[vector<16xi32>, vector<16xi32>], vector<16xf32>,
      %mul3A_503 = arith.mulf %gather3A_496, %gather3A_502 : vector<16xf32>
      %add3A_504 = arith.addf %add3A_488, %mul3A_503 : vector<16xf32>
      %broadcast_in_dim3A_505 = arith.constant 5 : i32
      %broadcast_in_dim3A_506 = vector.broadcast %broadcast_in_dim3A_505 : i32 to vector<16xi32>
      %gather3A_507 = arith.constant 2 : i32
      %gather3A_508 = arith.constant 0 : i32
      %gather3A_509 = arith.constant 0 : i32
      %gather3A_510 = tpu.memref_slice %arg12[%gather3A_507, %gather3A_508, %gather3A_509] : memref<4x128x32xf32, #tpu.memory_space<vmem>> -> memref<1x128x32xf32, #tpu.memory_space<vmem>>
      %gather3A_511 = tpu.memref_squeeze %gather3A_510 : memref<1x128x32xf32, #tpu.memory_space<vmem>> -> memref<128x32xf32, #tpu.memory_space<vmem>>
      %gather3A_512 = tpu.vector_load_idx %gather3A_511[%add3A_425, %broadcast_in_dim3A_506] : memref<128x32xf32, #tpu.memory_space<vmem>>[vector<16xi32>, vector<16xi32>], vector<16xf32>,
      %gather3A_513 = arith.constant 2 : i32
      %gather3A_514 = arith.constant 0 : i32
      %gather3A_515 = arith.constant 0 : i32
      %gather3A_516 = tpu.memref_slice %arg13[%gather3A_513, %gather3A_514, %gather3A_515] : memref<4x128x32xf32, #tpu.memory_space<vmem>> -> memref<1x128x32xf32, #tpu.memory_space<vmem>>
      %gather3A_517 = tpu.memref_squeeze %gather3A_516 : memref<1x128x32xf32, #tpu.memory_space<vmem>> -> memref<128x32xf32, #tpu.memory_space<vmem>>
      %gather3A_518 = tpu.vector_load_idx %gather3A_517[%add3A_425, %broadcast_in_dim3A_506] : memref<128x32xf32, #tpu.memory_space<vmem>>[vector<16xi32>, vector<16xi32>], vector<16xf32>,
      %mul3A_519 = arith.mulf %gather3A_512, %gather3A_518 : vector<16xf32>
      %add3A_520 = arith.addf %add3A_504, %mul3A_519 : vector<16xf32>
      %broadcast_in_dim3A_521 = arith.constant 6 : i32
      %broadcast_in_dim3A_522 = vector.broadcast %broadcast_in_dim3A_521 : i32 to vector<16xi32>
      %gather3A_523 = arith.constant 2 : i32
      %gather3A_524 = arith.constant 0 : i32
      %gather3A_525 = arith.constant 0 : i32
      %gather3A_526 = tpu.memref_slice %arg12[%gather3A_523, %gather3A_524, %gather3A_525] : memref<4x128x32xf32, #tpu.memory_space<vmem>> -> memref<1x128x32xf32, #tpu.memory_space<vmem>>
      %gather3A_527 = tpu.memref_squeeze %gather3A_526 : memref<1x128x32xf32, #tpu.memory_space<vmem>> -> memref<128x32xf32, #tpu.memory_space<vmem>>
      %gather3A_528 = tpu.vector_load_idx %gather3A_527[%add3A_425, %broadcast_in_dim3A_522] : memref<128x32xf32, #tpu.memory_space<vmem>>[vector<16xi32>, vector<16xi32>], vector<16xf32>,
      %gather3A_529 = arith.constant 2 : i32
      %gather3A_530 = arith.constant 0 : i32
      %gather3A_531 = arith.constant 0 : i32
      %gather3A_532 = tpu.memref_slice %arg13[%gather3A_529, %gather3A_530, %gather3A_531] : memref<4x128x32xf32, #tpu.memory_space<vmem>> -> memref<1x128x32xf32, #tpu.memory_space<vmem>>
      %gather3A_533 = tpu.memref_squeeze %gather3A_532 : memref<1x128x32xf32, #tpu.memory_space<vmem>> -> memref<128x32xf32, #tpu.memory_space<vmem>>
      %gather3A_534 = tpu.vector_load_idx %gather3A_533[%add3A_425, %broadcast_in_dim3A_522] : memref<128x32xf32, #tpu.memory_space<vmem>>[vector<16xi32>, vector<16xi32>], vector<16xf32>,
      %mul3A_535 = arith.mulf %gather3A_528, %gather3A_534 : vector<16xf32>
      %add3A_536 = arith.addf %add3A_520, %mul3A_535 : vector<16xf32>
      %broadcast_in_dim3A_537 = arith.constant 7 : i32
      %broadcast_in_dim3A_538 = vector.broadcast %broadcast_in_dim3A_537 : i32 to vector<16xi32>
      %gather3A_539 = arith.constant 2 : i32
      %gather3A_540 = arith.constant 0 : i32
      %gather3A_541 = arith.constant 0 : i32
      %gather3A_542 = tpu.memref_slice %arg12[%gather3A_539, %gather3A_540, %gather3A_541] : memref<4x128x32xf32, #tpu.memory_space<vmem>> -> memref<1x128x32xf32, #tpu.memory_space<vmem>>
      %gather3A_543 = tpu.memref_squeeze %gather3A_542 : memref<1x128x32xf32, #tpu.memory_space<vmem>> -> memref<128x32xf32, #tpu.memory_space<vmem>>
      %gather3A_544 = tpu.vector_load_idx %gather3A_543[%add3A_425, %broadcast_in_dim3A_538] : memref<128x32xf32, #tpu.memory_space<vmem>>[vector<16xi32>, vector<16xi32>], vector<16xf32>,
      %gather3A_545 = arith.constant 2 : i32
      %gather3A_546 = arith.constant 0 : i32
      %gather3A_547 = arith.constant 0 : i32
      %gather3A_548 = tpu.memref_slice %arg13[%gather3A_545, %gather3A_546, %gather3A_547] : memref<4x128x32xf32, #tpu.memory_space<vmem>> -> memref<1x128x32xf32, #tpu.memory_space<vmem>>
      %gather3A_549 = tpu.memref_squeeze %gather3A_548 : memref<1x128x32xf32, #tpu.memory_space<vmem>> -> memref<128x32xf32, #tpu.memory_space<vmem>>
      %gather3A_550 = tpu.vector_load_idx %gather3A_549[%add3A_425, %broadcast_in_dim3A_538] : memref<128x32xf32, #tpu.memory_space<vmem>>[vector<16xi32>, vector<16xi32>], vector<16xf32>,
      %mul3A_551 = arith.mulf %gather3A_544, %gather3A_550 : vector<16xf32>
      %add3A_552 = arith.addf %add3A_536, %mul3A_551 : vector<16xf32>
      %broadcast_in_dim3A_553 = arith.constant 8 : i32
      %broadcast_in_dim3A_554 = vector.broadcast %broadcast_in_dim3A_553 : i32 to vector<16xi32>
      %gather3A_555 = arith.constant 2 : i32
      %gather3A_556 = arith.constant 0 : i32
      %gather3A_557 = arith.constant 0 : i32
      %gather3A_558 = tpu.memref_slice %arg12[%gather3A_555, %gather3A_556, %gather3A_557] : memref<4x128x32xf32, #tpu.memory_space<vmem>> -> memref<1x128x32xf32, #tpu.memory_space<vmem>>
      %gather3A_559 = tpu.memref_squeeze %gather3A_558 : memref<1x128x32xf32, #tpu.memory_space<vmem>> -> memref<128x32xf32, #tpu.memory_space<vmem>>
      %gather3A_560 = tpu.vector_load_idx %gather3A_559[%add3A_425, %broadcast_in_dim3A_554] : memref<128x32xf32, #tpu.memory_space<vmem>>[vector<16xi32>, vector<16xi32>], vector<16xf32>,
      %gather3A_561 = arith.constant 2 : i32
      %gather3A_562 = arith.constant 0 : i32
      %gather3A_563 = arith.constant 0 : i32
      %gather3A_564 = tpu.memref_slice %arg13[%gather3A_561, %gather3A_562, %gather3A_563] : memref<4x128x32xf32, #tpu.memory_space<vmem>> -> memref<1x128x32xf32, #tpu.memory_space<vmem>>
      %gather3A_565 = tpu.memref_squeeze %gather3A_564 : memref<1x128x32xf32, #tpu.memory_space<vmem>> -> memref<128x32xf32, #tpu.memory_space<vmem>>
      %gather3A_566 = tpu.vector_load_idx %gather3A_565[%add3A_425, %broadcast_in_dim3A_554] : memref<128x32xf32, #tpu.memory_space<vmem>>[vector<16xi32>, vector<16xi32>], vector<16xf32>,
      %mul3A_567 = arith.mulf %gather3A_560, %gather3A_566 : vector<16xf32>
      %add3A_568 = arith.addf %add3A_552, %mul3A_567 : vector<16xf32>
      %broadcast_in_dim3A_569 = arith.constant 9 : i32
      %broadcast_in_dim3A_570 = vector.broadcast %broadcast_in_dim3A_569 : i32 to vector<16xi32>
      %gather3A_571 = arith.constant 2 : i32
      %gather3A_572 = arith.constant 0 : i32
      %gather3A_573 = arith.constant 0 : i32
      %gather3A_574 = tpu.memref_slice %arg12[%gather3A_571, %gather3A_572, %gather3A_573] : memref<4x128x32xf32, #tpu.memory_space<vmem>> -> memref<1x128x32xf32, #tpu.memory_space<vmem>>
      %gather3A_575 = tpu.memref_squeeze %gather3A_574 : memref<1x128x32xf32, #tpu.memory_space<vmem>> -> memref<128x32xf32, #tpu.memory_space<vmem>>
      %gather3A_576 = tpu.vector_load_idx %gather3A_575[%add3A_425, %broadcast_in_dim3A_570] : memref<128x32xf32, #tpu.memory_space<vmem>>[vector<16xi32>, vector<16xi32>], vector<16xf32>,
      %gather3A_577 = arith.constant 2 : i32
      %gather3A_578 = arith.constant 0 : i32
      %gather3A_579 = arith.constant 0 : i32
      %gather3A_580 = tpu.memref_slice %arg13[%gather3A_577, %gather3A_578, %gather3A_579] : memref<4x128x32xf32, #tpu.memory_space<vmem>> -> memref<1x128x32xf32, #tpu.memory_space<vmem>>
      %gather3A_581 = tpu.memref_squeeze %gather3A_580 : memref<1x128x32xf32, #tpu.memory_space<vmem>> -> memref<128x32xf32, #tpu.memory_space<vmem>>
      %gather3A_582 = tpu.vector_load_idx %gather3A_581[%add3A_425, %broadcast_in_dim3A_570] : memref<128x32xf32, #tpu.memory_space<vmem>>[vector<16xi32>, vector<16xi32>], vector<16xf32>,
      %mul3A_583 = arith.mulf %gather3A_576, %gather3A_582 : vector<16xf32>
      %add3A_584 = arith.addf %add3A_568, %mul3A_583 : vector<16xf32>
      %broadcast_in_dim3A_585 = arith.constant 10 : i32
      %broadcast_in_dim3A_586 = vector.broadcast %broadcast_in_dim3A_585 : i32 to vector<16xi32>
      %gather3A_587 = arith.constant 2 : i32
      %gather3A_588 = arith.constant 0 : i32
      %gather3A_589 = arith.constant 0 : i32
      %gather3A_590 = tpu.memref_slice %arg12[%gather3A_587, %gather3A_588, %gather3A_589] : memref<4x128x32xf32, #tpu.memory_space<vmem>> -> memref<1x128x32xf32, #tpu.memory_space<vmem>>
      %gather3A_591 = tpu.memref_squeeze %gather3A_590 : memref<1x128x32xf32, #tpu.memory_space<vmem>> -> memref<128x32xf32, #tpu.memory_space<vmem>>
      %gather3A_592 = tpu.vector_load_idx %gather3A_591[%add3A_425, %broadcast_in_dim3A_586] : memref<128x32xf32, #tpu.memory_space<vmem>>[vector<16xi32>, vector<16xi32>], vector<16xf32>,
      %gather3A_593 = arith.constant 2 : i32
      %gather3A_594 = arith.constant 0 : i32
      %gather3A_595 = arith.constant 0 : i32
      %gather3A_596 = tpu.memref_slice %arg13[%gather3A_593, %gather3A_594, %gather3A_595] : memref<4x128x32xf32, #tpu.memory_space<vmem>> -> memref<1x128x32xf32, #tpu.memory_space<vmem>>
      %gather3A_597 = tpu.memref_squeeze %gather3A_596 : memref<1x128x32xf32, #tpu.memory_space<vmem>> -> memref<128x32xf32, #tpu.memory_space<vmem>>
      %gather3A_598 = tpu.vector_load_idx %gather3A_597[%add3A_425, %broadcast_in_dim3A_586] : memref<128x32xf32, #tpu.memory_space<vmem>>[vector<16xi32>, vector<16xi32>], vector<16xf32>,
      %mul3A_599 = arith.mulf %gather3A_592, %gather3A_598 : vector<16xf32>
      %add3A_600 = arith.addf %add3A_584, %mul3A_599 : vector<16xf32>
      %broadcast_in_dim3A_601 = arith.constant 11 : i32
      %broadcast_in_dim3A_602 = vector.broadcast %broadcast_in_dim3A_601 : i32 to vector<16xi32>
      %gather3A_603 = arith.constant 2 : i32
      %gather3A_604 = arith.constant 0 : i32
      %gather3A_605 = arith.constant 0 : i32
      %gather3A_606 = tpu.memref_slice %arg12[%gather3A_603, %gather3A_604, %gather3A_605] : memref<4x128x32xf32, #tpu.memory_space<vmem>> -> memref<1x128x32xf32, #tpu.memory_space<vmem>>
      %gather3A_607 = tpu.memref_squeeze %gather3A_606 : memref<1x128x32xf32, #tpu.memory_space<vmem>> -> memref<128x32xf32, #tpu.memory_space<vmem>>
      %gather3A_608 = tpu.vector_load_idx %gather3A_607[%add3A_425, %broadcast_in_dim3A_602] : memref<128x32xf32, #tpu.memory_space<vmem>>[vector<16xi32>, vector<16xi32>], vector<16xf32>,
      %gather3A_609 = arith.constant 2 : i32
      %gather3A_610 = arith.constant 0 : i32
      %gather3A_611 = arith.constant 0 : i32
      %gather3A_612 = tpu.memref_slice %arg13[%gather3A_609, %gather3A_610, %gather3A_611] : memref<4x128x32xf32, #tpu.memory_space<vmem>> -> memref<1x128x32xf32, #tpu.memory_space<vmem>>
      %gather3A_613 = tpu.memref_squeeze %gather3A_612 : memref<1x128x32xf32, #tpu.memory_space<vmem>> -> memref<128x32xf32, #tpu.memory_space<vmem>>
      %gather3A_614 = tpu.vector_load_idx %gather3A_613[%add3A_425, %broadcast_in_dim3A_602] : memref<128x32xf32, #tpu.memory_space<vmem>>[vector<16xi32>, vector<16xi32>], vector<16xf32>,
      %mul3A_615 = arith.mulf %gather3A_608, %gather3A_614 : vector<16xf32>
      %add3A_616 = arith.addf %add3A_600, %mul3A_615 : vector<16xf32>
      %broadcast_in_dim3A_617 = arith.constant 12 : i32
      %broadcast_in_dim3A_618 = vector.broadcast %broadcast_in_dim3A_617 : i32 to vector<16xi32>
      %gather3A_619 = arith.constant 2 : i32
      %gather3A_620 = arith.constant 0 : i32
      %gather3A_621 = arith.constant 0 : i32
      %gather3A_622 = tpu.memref_slice %arg12[%gather3A_619, %gather3A_620, %gather3A_621] : memref<4x128x32xf32, #tpu.memory_space<vmem>> -> memref<1x128x32xf32, #tpu.memory_space<vmem>>
      %gather3A_623 = tpu.memref_squeeze %gather3A_622 : memref<1x128x32xf32, #tpu.memory_space<vmem>> -> memref<128x32xf32, #tpu.memory_space<vmem>>
      %gather3A_624 = tpu.vector_load_idx %gather3A_623[%add3A_425, %broadcast_in_dim3A_618] : memref<128x32xf32, #tpu.memory_space<vmem>>[vector<16xi32>, vector<16xi32>], vector<16xf32>,
      %gather3A_625 = arith.constant 2 : i32
      %gather3A_626 = arith.constant 0 : i32
      %gather3A_627 = arith.constant 0 : i32
      %gather3A_628 = tpu.memref_slice %arg13[%gather3A_625, %gather3A_626, %gather3A_627] : memref<4x128x32xf32, #tpu.memory_space<vmem>> -> memref<1x128x32xf32, #tpu.memory_space<vmem>>
      %gather3A_629 = tpu.memref_squeeze %gather3A_628 : memref<1x128x32xf32, #tpu.memory_space<vmem>> -> memref<128x32xf32, #tpu.memory_space<vmem>>
      %gather3A_630 = tpu.vector_load_idx %gather3A_629[%add3A_425, %broadcast_in_dim3A_618] : memref<128x32xf32, #tpu.memory_space<vmem>>[vector<16xi32>, vector<16xi32>], vector<16xf32>,
      %mul3A_631 = arith.mulf %gather3A_624, %gather3A_630 : vector<16xf32>
      %add3A_632 = arith.addf %add3A_616, %mul3A_631 : vector<16xf32>
      %broadcast_in_dim3A_633 = arith.constant 13 : i32
      %broadcast_in_dim3A_634 = vector.broadcast %broadcast_in_dim3A_633 : i32 to vector<16xi32>
      %gather3A_635 = arith.constant 2 : i32
      %gather3A_636 = arith.constant 0 : i32
      %gather3A_637 = arith.constant 0 : i32
      %gather3A_638 = tpu.memref_slice %arg12[%gather3A_635, %gather3A_636, %gather3A_637] : memref<4x128x32xf32, #tpu.memory_space<vmem>> -> memref<1x128x32xf32, #tpu.memory_space<vmem>>
      %gather3A_639 = tpu.memref_squeeze %gather3A_638 : memref<1x128x32xf32, #tpu.memory_space<vmem>> -> memref<128x32xf32, #tpu.memory_space<vmem>>
      %gather3A_640 = tpu.vector_load_idx %gather3A_639[%add3A_425, %broadcast_in_dim3A_634] : memref<128x32xf32, #tpu.memory_space<vmem>>[vector<16xi32>, vector<16xi32>], vector<16xf32>,
      %gather3A_641 = arith.constant 2 : i32
      %gather3A_642 = arith.constant 0 : i32
      %gather3A_643 = arith.constant 0 : i32
      %gather3A_644 = tpu.memref_slice %arg13[%gather3A_641, %gather3A_642, %gather3A_643] : memref<4x128x32xf32, #tpu.memory_space<vmem>> -> memref<1x128x32xf32, #tpu.memory_space<vmem>>
      %gather3A_645 = tpu.memref_squeeze %gather3A_644 : memref<1x128x32xf32, #tpu.memory_space<vmem>> -> memref<128x32xf32, #tpu.memory_space<vmem>>
      %gather3A_646 = tpu.vector_load_idx %gather3A_645[%add3A_425, %broadcast_in_dim3A_634] : memref<128x32xf32, #tpu.memory_space<vmem>>[vector<16xi32>, vector<16xi32>], vector<16xf32>,
      %mul3A_647 = arith.mulf %gather3A_640, %gather3A_646 : vector<16xf32>
      %add3A_648 = arith.addf %add3A_632, %mul3A_647 : vector<16xf32>
      %broadcast_in_dim3A_649 = arith.constant 14 : i32
      %broadcast_in_dim3A_650 = vector.broadcast %broadcast_in_dim3A_649 : i32 to vector<16xi32>
      %gather3A_651 = arith.constant 2 : i32
      %gather3A_652 = arith.constant 0 : i32
      %gather3A_653 = arith.constant 0 : i32
      %gather3A_654 = tpu.memref_slice %arg12[%gather3A_651, %gather3A_652, %gather3A_653] : memref<4x128x32xf32, #tpu.memory_space<vmem>> -> memref<1x128x32xf32, #tpu.memory_space<vmem>>
      %gather3A_655 = tpu.memref_squeeze %gather3A_654 : memref<1x128x32xf32, #tpu.memory_space<vmem>> -> memref<128x32xf32, #tpu.memory_space<vmem>>
      %gather3A_656 = tpu.vector_load_idx %gather3A_655[%add3A_425, %broadcast_in_dim3A_650] : memref<128x32xf32, #tpu.memory_space<vmem>>[vector<16xi32>, vector<16xi32>], vector<16xf32>,
      %gather3A_657 = arith.constant 2 : i32
      %gather3A_658 = arith.constant 0 : i32
      %gather3A_659 = arith.constant 0 : i32
      %gather3A_660 = tpu.memref_slice %arg13[%gather3A_657, %gather3A_658, %gather3A_659] : memref<4x128x32xf32, #tpu.memory_space<vmem>> -> memref<1x128x32xf32, #tpu.memory_space<vmem>>
      %gather3A_661 = tpu.memref_squeeze %gather3A_660 : memref<1x128x32xf32, #tpu.memory_space<vmem>> -> memref<128x32xf32, #tpu.memory_space<vmem>>
      %gather3A_662 = tpu.vector_load_idx %gather3A_661[%add3A_425, %broadcast_in_dim3A_650] : memref<128x32xf32, #tpu.memory_space<vmem>>[vector<16xi32>, vector<16xi32>], vector<16xf32>,
      %mul3A_663 = arith.mulf %gather3A_656, %gather3A_662 : vector<16xf32>
      %add3A_664 = arith.addf %add3A_648, %mul3A_663 : vector<16xf32>
      %broadcast_in_dim3A_665 = arith.constant 15 : i32
      %broadcast_in_dim3A_666 = vector.broadcast %broadcast_in_dim3A_665 : i32 to vector<16xi32>
      %gather3A_667 = arith.constant 2 : i32
      %gather3A_668 = arith.constant 0 : i32
      %gather3A_669 = arith.constant 0 : i32
      %gather3A_670 = tpu.memref_slice %arg12[%gather3A_667, %gather3A_668, %gather3A_669] : memref<4x128x32xf32, #tpu.memory_space<vmem>> -> memref<1x128x32xf32, #tpu.memory_space<vmem>>
      %gather3A_671 = tpu.memref_squeeze %gather3A_670 : memref<1x128x32xf32, #tpu.memory_space<vmem>> -> memref<128x32xf32, #tpu.memory_space<vmem>>
      %gather3A_672 = tpu.vector_load_idx %gather3A_671[%add3A_425, %broadcast_in_dim3A_666] : memref<128x32xf32, #tpu.memory_space<vmem>>[vector<16xi32>, vector<16xi32>], vector<16xf32>,
      %gather3A_673 = arith.constant 2 : i32
      %gather3A_674 = arith.constant 0 : i32
      %gather3A_675 = arith.constant 0 : i32
      %gather3A_676 = tpu.memref_slice %arg13[%gather3A_673, %gather3A_674, %gather3A_675] : memref<4x128x32xf32, #tpu.memory_space<vmem>> -> memref<1x128x32xf32, #tpu.memory_space<vmem>>
      %gather3A_677 = tpu.memref_squeeze %gather3A_676 : memref<1x128x32xf32, #tpu.memory_space<vmem>> -> memref<128x32xf32, #tpu.memory_space<vmem>>
      %gather3A_678 = tpu.vector_load_idx %gather3A_677[%add3A_425, %broadcast_in_dim3A_666] : memref<128x32xf32, #tpu.memory_space<vmem>>[vector<16xi32>, vector<16xi32>], vector<16xf32>,
      %mul3A_679 = arith.mulf %gather3A_672, %gather3A_678 : vector<16xf32>
      %add3A_680 = arith.addf %add3A_664, %mul3A_679 : vector<16xf32>
      %broadcast_in_dim3A_681 = arith.constant 16 : i32
      %broadcast_in_dim3A_682 = vector.broadcast %broadcast_in_dim3A_681 : i32 to vector<16xi32>
      %gather3A_683 = arith.constant 2 : i32
      %gather3A_684 = arith.constant 0 : i32
      %gather3A_685 = arith.constant 0 : i32
      %gather3A_686 = tpu.memref_slice %arg12[%gather3A_683, %gather3A_684, %gather3A_685] : memref<4x128x32xf32, #tpu.memory_space<vmem>> -> memref<1x128x32xf32, #tpu.memory_space<vmem>>
      %gather3A_687 = tpu.memref_squeeze %gather3A_686 : memref<1x128x32xf32, #tpu.memory_space<vmem>> -> memref<128x32xf32, #tpu.memory_space<vmem>>
      %gather3A_688 = tpu.vector_load_idx %gather3A_687[%add3A_425, %broadcast_in_dim3A_682] : memref<128x32xf32, #tpu.memory_space<vmem>>[vector<16xi32>, vector<16xi32>], vector<16xf32>,
      %gather3A_689 = arith.constant 2 : i32
      %gather3A_690 = arith.constant 0 : i32
      %gather3A_691 = arith.constant 0 : i32
      %gather3A_692 = tpu.memref_slice %arg13[%gather3A_689, %gather3A_690, %gather3A_691] : memref<4x128x32xf32, #tpu.memory_space<vmem>> -> memref<1x128x32xf32, #tpu.memory_space<vmem>>
      %gather3A_693 = tpu.memref_squeeze %gather3A_692 : memref<1x128x32xf32, #tpu.memory_space<vmem>> -> memref<128x32xf32, #tpu.memory_space<vmem>>
      %gather3A_694 = tpu.vector_load_idx %gather3A_693[%add3A_425, %broadcast_in_dim3A_682] : memref<128x32xf32, #tpu.memory_space<vmem>>[vector<16xi32>, vector<16xi32>], vector<16xf32>,
      %mul3A_695 = arith.mulf %gather3A_688, %gather3A_694 : vector<16xf32>
      %add3A_696 = arith.addf %add3A_680, %mul3A_695 : vector<16xf32>
      %broadcast_in_dim3A_697 = arith.constant 17 : i32
      %broadcast_in_dim3A_698 = vector.broadcast %broadcast_in_dim3A_697 : i32 to vector<16xi32>
      %gather3A_699 = arith.constant 2 : i32
      %gather3A_700 = arith.constant 0 : i32
      %gather3A_701 = arith.constant 0 : i32
      %gather3A_702 = tpu.memref_slice %arg12[%gather3A_699, %gather3A_700, %gather3A_701] : memref<4x128x32xf32, #tpu.memory_space<vmem>> -> memref<1x128x32xf32, #tpu.memory_space<vmem>>
      %gather3A_703 = tpu.memref_squeeze %gather3A_702 : memref<1x128x32xf32, #tpu.memory_space<vmem>> -> memref<128x32xf32, #tpu.memory_space<vmem>>
      %gather3A_704 = tpu.vector_load_idx %gather3A_703[%add3A_425, %broadcast_in_dim3A_698] : memref<128x32xf32, #tpu.memory_space<vmem>>[vector<16xi32>, vector<16xi32>], vector<16xf32>,
      %gather3A_705 = arith.constant 2 : i32
      %gather3A_706 = arith.constant 0 : i32
      %gather3A_707 = arith.constant 0 : i32
      %gather3A_708 = tpu.memref_slice %arg13[%gather3A_705, %gather3A_706, %gather3A_707] : memref<4x128x32xf32, #tpu.memory_space<vmem>> -> memref<1x128x32xf32, #tpu.memory_space<vmem>>
      %gather3A_709 = tpu.memref_squeeze %gather3A_708 : memref<1x128x32xf32, #tpu.memory_space<vmem>> -> memref<128x32xf32, #tpu.memory_space<vmem>>
      %gather3A_710 = tpu.vector_load_idx %gather3A_709[%add3A_425, %broadcast_in_dim3A_698] : memref<128x32xf32, #tpu.memory_space<vmem>>[vector<16xi32>, vector<16xi32>], vector<16xf32>,
      %mul3A_711 = arith.mulf %gather3A_704, %gather3A_710 : vector<16xf32>
      %add3A_712 = arith.addf %add3A_696, %mul3A_711 : vector<16xf32>
      %broadcast_in_dim3A_713 = arith.constant 18 : i32
      %broadcast_in_dim3A_714 = vector.broadcast %broadcast_in_dim3A_713 : i32 to vector<16xi32>
      %gather3A_715 = arith.constant 2 : i32
      %gather3A_716 = arith.constant 0 : i32
      %gather3A_717 = arith.constant 0 : i32
      %gather3A_718 = tpu.memref_slice %arg12[%gather3A_715, %gather3A_716, %gather3A_717] : memref<4x128x32xf32, #tpu.memory_space<vmem>> -> memref<1x128x32xf32, #tpu.memory_space<vmem>>
      %gather3A_719 = tpu.memref_squeeze %gather3A_718 : memref<1x128x32xf32, #tpu.memory_space<vmem>> -> memref<128x32xf32, #tpu.memory_space<vmem>>
      %gather3A_720 = tpu.vector_load_idx %gather3A_719[%add3A_425, %broadcast_in_dim3A_714] : memref<128x32xf32, #tpu.memory_space<vmem>>[vector<16xi32>, vector<16xi32>], vector<16xf32>,
      %gather3A_721 = arith.constant 2 : i32
      %gather3A_722 = arith.constant 0 : i32
      %gather3A_723 = arith.constant 0 : i32
      %gather3A_724 = tpu.memref_slice %arg13[%gather3A_721, %gather3A_722, %gather3A_723] : memref<4x128x32xf32, #tpu.memory_space<vmem>> -> memref<1x128x32xf32, #tpu.memory_space<vmem>>
      %gather3A_725 = tpu.memref_squeeze %gather3A_724 : memref<1x128x32xf32, #tpu.memory_space<vmem>> -> memref<128x32xf32, #tpu.memory_space<vmem>>
      %gather3A_726 = tpu.vector_load_idx %gather3A_725[%add3A_425, %broadcast_in_dim3A_714] : memref<128x32xf32, #tpu.memory_space<vmem>>[vector<16xi32>, vector<16xi32>], vector<16xf32>,
      %mul3A_727 = arith.mulf %gather3A_720, %gather3A_726 : vector<16xf32>
      %add3A_728 = arith.addf %add3A_712, %mul3A_727 : vector<16xf32>
      %broadcast_in_dim3A_729 = arith.constant 19 : i32
      %broadcast_in_dim3A_730 = vector.broadcast %broadcast_in_dim3A_729 : i32 to vector<16xi32>
      %gather3A_731 = arith.constant 2 : i32
      %gather3A_732 = arith.constant 0 : i32
      %gather3A_733 = arith.constant 0 : i32
      %gather3A_734 = tpu.memref_slice %arg12[%gather3A_731, %gather3A_732, %gather3A_733] : memref<4x128x32xf32, #tpu.memory_space<vmem>> -> memref<1x128x32xf32, #tpu.memory_space<vmem>>
      %gather3A_735 = tpu.memref_squeeze %gather3A_734 : memref<1x128x32xf32, #tpu.memory_space<vmem>> -> memref<128x32xf32, #tpu.memory_space<vmem>>
      %gather3A_736 = tpu.vector_load_idx %gather3A_735[%add3A_425, %broadcast_in_dim3A_730] : memref<128x32xf32, #tpu.memory_space<vmem>>[vector<16xi32>, vector<16xi32>], vector<16xf32>,
      %gather3A_737 = arith.constant 2 : i32
      %gather3A_738 = arith.constant 0 : i32
      %gather3A_739 = arith.constant 0 : i32
      %gather3A_740 = tpu.memref_slice %arg13[%gather3A_737, %gather3A_738, %gather3A_739] : memref<4x128x32xf32, #tpu.memory_space<vmem>> -> memref<1x128x32xf32, #tpu.memory_space<vmem>>
      %gather3A_741 = tpu.memref_squeeze %gather3A_740 : memref<1x128x32xf32, #tpu.memory_space<vmem>> -> memref<128x32xf32, #tpu.memory_space<vmem>>
      %gather3A_742 = tpu.vector_load_idx %gather3A_741[%add3A_425, %broadcast_in_dim3A_730] : memref<128x32xf32, #tpu.memory_space<vmem>>[vector<16xi32>, vector<16xi32>], vector<16xf32>,
      %mul3A_743 = arith.mulf %gather3A_736, %gather3A_742 : vector<16xf32>
      %add3A_744 = arith.addf %add3A_728, %mul3A_743 : vector<16xf32>
      %broadcast_in_dim3A_745 = arith.constant 20 : i32
      %broadcast_in_dim3A_746 = vector.broadcast %broadcast_in_dim3A_745 : i32 to vector<16xi32>
      %gather3A_747 = arith.constant 2 : i32
      %gather3A_748 = arith.constant 0 : i32
      %gather3A_749 = arith.constant 0 : i32
      %gather3A_750 = tpu.memref_slice %arg12[%gather3A_747, %gather3A_748, %gather3A_749] : memref<4x128x32xf32, #tpu.memory_space<vmem>> -> memref<1x128x32xf32, #tpu.memory_space<vmem>>
      %gather3A_751 = tpu.memref_squeeze %gather3A_750 : memref<1x128x32xf32, #tpu.memory_space<vmem>> -> memref<128x32xf32, #tpu.memory_space<vmem>>
      %gather3A_752 = tpu.vector_load_idx %gather3A_751[%add3A_425, %broadcast_in_dim3A_746] : memref<128x32xf32, #tpu.memory_space<vmem>>[vector<16xi32>, vector<16xi32>], vector<16xf32>,
      %gather3A_753 = arith.constant 2 : i32
      %gather3A_754 = arith.constant 0 : i32
      %gather3A_755 = arith.constant 0 : i32
      %gather3A_756 = tpu.memref_slice %arg13[%gather3A_753, %gather3A_754, %gather3A_755] : memref<4x128x32xf32, #tpu.memory_space<vmem>> -> memref<1x128x32xf32, #tpu.memory_space<vmem>>
      %gather3A_757 = tpu.memref_squeeze %gather3A_756 : memref<1x128x32xf32, #tpu.memory_space<vmem>> -> memref<128x32xf32, #tpu.memory_space<vmem>>
      %gather3A_758 = tpu.vector_load_idx %gather3A_757[%add3A_425, %broadcast_in_dim3A_746] : memref<128x32xf32, #tpu.memory_space<vmem>>[vector<16xi32>, vector<16xi32>], vector<16xf32>,
      %mul3A_759 = arith.mulf %gather3A_752, %gather3A_758 : vector<16xf32>
      %add3A_760 = arith.addf %add3A_744, %mul3A_759 : vector<16xf32>
      %broadcast_in_dim3A_761 = arith.constant 21 : i32
      %broadcast_in_dim3A_762 = vector.broadcast %broadcast_in_dim3A_761 : i32 to vector<16xi32>
      %gather3A_763 = arith.constant 2 : i32
      %gather3A_764 = arith.constant 0 : i32
      %gather3A_765 = arith.constant 0 : i32
      %gather3A_766 = tpu.memref_slice %arg12[%gather3A_763, %gather3A_764, %gather3A_765] : memref<4x128x32xf32, #tpu.memory_space<vmem>> -> memref<1x128x32xf32, #tpu.memory_space<vmem>>
      %gather3A_767 = tpu.memref_squeeze %gather3A_766 : memref<1x128x32xf32, #tpu.memory_space<vmem>> -> memref<128x32xf32, #tpu.memory_space<vmem>>
      %gather3A_768 = tpu.vector_load_idx %gather3A_767[%add3A_425, %broadcast_in_dim3A_762] : memref<128x32xf32, #tpu.memory_space<vmem>>[vector<16xi32>, vector<16xi32>], vector<16xf32>,
      %gather3A_769 = arith.constant 2 : i32
      %gather3A_770 = arith.constant 0 : i32
      %gather3A_771 = arith.constant 0 : i32
      %gather3A_772 = tpu.memref_slice %arg13[%gather3A_769, %gather3A_770, %gather3A_771] : memref<4x128x32xf32, #tpu.memory_space<vmem>> -> memref<1x128x32xf32, #tpu.memory_space<vmem>>
      %gather3A_773 = tpu.memref_squeeze %gather3A_772 : memref<1x128x32xf32, #tpu.memory_space<vmem>> -> memref<128x32xf32, #tpu.memory_space<vmem>>
      %gather3A_774 = tpu.vector_load_idx %gather3A_773[%add3A_425, %broadcast_in_dim3A_762] : memref<128x32xf32, #tpu.memory_space<vmem>>[vector<16xi32>, vector<16xi32>], vector<16xf32>,
      %mul3A_775 = arith.mulf %gather3A_768, %gather3A_774 : vector<16xf32>
      %add3A_776 = arith.addf %add3A_760, %mul3A_775 : vector<16xf32>
      %broadcast_in_dim3A_777 = arith.constant 22 : i32
      %broadcast_in_dim3A_778 = vector.broadcast %broadcast_in_dim3A_777 : i32 to vector<16xi32>
      %gather3A_779 = arith.constant 2 : i32
      %gather3A_780 = arith.constant 0 : i32
      %gather3A_781 = arith.constant 0 : i32
      %gather3A_782 = tpu.memref_slice %arg12[%gather3A_779, %gather3A_780, %gather3A_781] : memref<4x128x32xf32, #tpu.memory_space<vmem>> -> memref<1x128x32xf32, #tpu.memory_space<vmem>>
      %gather3A_783 = tpu.memref_squeeze %gather3A_782 : memref<1x128x32xf32, #tpu.memory_space<vmem>> -> memref<128x32xf32, #tpu.memory_space<vmem>>
      %gather3A_784 = tpu.vector_load_idx %gather3A_783[%add3A_425, %broadcast_in_dim3A_778] : memref<128x32xf32, #tpu.memory_space<vmem>>[vector<16xi32>, vector<16xi32>], vector<16xf32>,
      %gather3A_785 = arith.constant 2 : i32
      %gather3A_786 = arith.constant 0 : i32
      %gather3A_787 = arith.constant 0 : i32
      %gather3A_788 = tpu.memref_slice %arg13[%gather3A_785, %gather3A_786, %gather3A_787] : memref<4x128x32xf32, #tpu.memory_space<vmem>> -> memref<1x128x32xf32, #tpu.memory_space<vmem>>
      %gather3A_789 = tpu.memref_squeeze %gather3A_788 : memref<1x128x32xf32, #tpu.memory_space<vmem>> -> memref<128x32xf32, #tpu.memory_space<vmem>>
      %gather3A_790 = tpu.vector_load_idx %gather3A_789[%add3A_425, %broadcast_in_dim3A_778] : memref<128x32xf32, #tpu.memory_space<vmem>>[vector<16xi32>, vector<16xi32>], vector<16xf32>,
      %mul3A_791 = arith.mulf %gather3A_784, %gather3A_790 : vector<16xf32>
      %add3A_792 = arith.addf %add3A_776, %mul3A_791 : vector<16xf32>
      %broadcast_in_dim3A_793 = arith.constant 23 : i32
      %broadcast_in_dim3A_794 = vector.broadcast %broadcast_in_dim3A_793 : i32 to vector<16xi32>
      %gather3A_795 = arith.constant 2 : i32
      %gather3A_796 = arith.constant 0 : i32
      %gather3A_797 = arith.constant 0 : i32
      %gather3A_798 = tpu.memref_slice %arg12[%gather3A_795, %gather3A_796, %gather3A_797] : memref<4x128x32xf32, #tpu.memory_space<vmem>> -> memref<1x128x32xf32, #tpu.memory_space<vmem>>
      %gather3A_799 = tpu.memref_squeeze %gather3A_798 : memref<1x128x32xf32, #tpu.memory_space<vmem>> -> memref<128x32xf32, #tpu.memory_space<vmem>>
      %gather3A_800 = tpu.vector_load_idx %gather3A_799[%add3A_425, %broadcast_in_dim3A_794] : memref<128x32xf32, #tpu.memory_space<vmem>>[vector<16xi32>, vector<16xi32>], vector<16xf32>,
      %gather3A_801 = arith.constant 2 : i32
      %gather3A_802 = arith.constant 0 : i32
      %gather3A_803 = arith.constant 0 : i32
      %gather3A_804 = tpu.memref_slice %arg13[%gather3A_801, %gather3A_802, %gather3A_803] : memref<4x128x32xf32, #tpu.memory_space<vmem>> -> memref<1x128x32xf32, #tpu.memory_space<vmem>>
      %gather3A_805 = tpu.memref_squeeze %gather3A_804 : memref<1x128x32xf32, #tpu.memory_space<vmem>> -> memref<128x32xf32, #tpu.memory_space<vmem>>
      %gather3A_806 = tpu.vector_load_idx %gather3A_805[%add3A_425, %broadcast_in_dim3A_794] : memref<128x32xf32, #tpu.memory_space<vmem>>[vector<16xi32>, vector<16xi32>], vector<16xf32>,
      %mul3A_807 = arith.mulf %gather3A_800, %gather3A_806 : vector<16xf32>
      %add3A_808 = arith.addf %add3A_792, %mul3A_807 : vector<16xf32>
      %broadcast_in_dim3A_809 = arith.constant 24 : i32
      %broadcast_in_dim3A_810 = vector.broadcast %broadcast_in_dim3A_809 : i32 to vector<16xi32>
      %gather3A_811 = arith.constant 2 : i32
      %gather3A_812 = arith.constant 0 : i32
      %gather3A_813 = arith.constant 0 : i32
      %gather3A_814 = tpu.memref_slice %arg12[%gather3A_811, %gather3A_812, %gather3A_813] : memref<4x128x32xf32, #tpu.memory_space<vmem>> -> memref<1x128x32xf32, #tpu.memory_space<vmem>>
      %gather3A_815 = tpu.memref_squeeze %gather3A_814 : memref<1x128x32xf32, #tpu.memory_space<vmem>> -> memref<128x32xf32, #tpu.memory_space<vmem>>
      %gather3A_816 = tpu.vector_load_idx %gather3A_815[%add3A_425, %broadcast_in_dim3A_810] : memref<128x32xf32, #tpu.memory_space<vmem>>[vector<16xi32>, vector<16xi32>], vector<16xf32>,
      %gather3A_817 = arith.constant 2 : i32
      %gather3A_818 = arith.constant 0 : i32
      %gather3A_819 = arith.constant 0 : i32
      %gather3A_820 = tpu.memref_slice %arg13[%gather3A_817, %gather3A_818, %gather3A_819] : memref<4x128x32xf32, #tpu.memory_space<vmem>> -> memref<1x128x32xf32, #tpu.memory_space<vmem>>
      %gather3A_821 = tpu.memref_squeeze %gather3A_820 : memref<1x128x32xf32, #tpu.memory_space<vmem>> -> memref<128x32xf32, #tpu.memory_space<vmem>>
      %gather3A_822 = tpu.vector_load_idx %gather3A_821[%add3A_425, %broadcast_in_dim3A_810] : memref<128x32xf32, #tpu.memory_space<vmem>>[vector<16xi32>, vector<16xi32>], vector<16xf32>,
      %mul3A_823 = arith.mulf %gather3A_816, %gather3A_822 : vector<16xf32>
      %add3A_824 = arith.addf %add3A_808, %mul3A_823 : vector<16xf32>
      %broadcast_in_dim3A_825 = arith.constant 25 : i32
      %broadcast_in_dim3A_826 = vector.broadcast %broadcast_in_dim3A_825 : i32 to vector<16xi32>
      %gather3A_827 = arith.constant 2 : i32
      %gather3A_828 = arith.constant 0 : i32
      %gather3A_829 = arith.constant 0 : i32
      %gather3A_830 = tpu.memref_slice %arg12[%gather3A_827, %gather3A_828, %gather3A_829] : memref<4x128x32xf32, #tpu.memory_space<vmem>> -> memref<1x128x32xf32, #tpu.memory_space<vmem>>
      %gather3A_831 = tpu.memref_squeeze %gather3A_830 : memref<1x128x32xf32, #tpu.memory_space<vmem>> -> memref<128x32xf32, #tpu.memory_space<vmem>>
      %gather3A_832 = tpu.vector_load_idx %gather3A_831[%add3A_425, %broadcast_in_dim3A_826] : memref<128x32xf32, #tpu.memory_space<vmem>>[vector<16xi32>, vector<16xi32>], vector<16xf32>,
      %gather3A_833 = arith.constant 2 : i32
      %gather3A_834 = arith.constant 0 : i32
      %gather3A_835 = arith.constant 0 : i32
      %gather3A_836 = tpu.memref_slice %arg13[%gather3A_833, %gather3A_834, %gather3A_835] : memref<4x128x32xf32, #tpu.memory_space<vmem>> -> memref<1x128x32xf32, #tpu.memory_space<vmem>>
      %gather3A_837 = tpu.memref_squeeze %gather3A_836 : memref<1x128x32xf32, #tpu.memory_space<vmem>> -> memref<128x32xf32, #tpu.memory_space<vmem>>
      %gather3A_838 = tpu.vector_load_idx %gather3A_837[%add3A_425, %broadcast_in_dim3A_826] : memref<128x32xf32, #tpu.memory_space<vmem>>[vector<16xi32>, vector<16xi32>], vector<16xf32>,
      %mul3A_839 = arith.mulf %gather3A_832, %gather3A_838 : vector<16xf32>
      %add3A_840 = arith.addf %add3A_824, %mul3A_839 : vector<16xf32>
      %broadcast_in_dim3A_841 = arith.constant 26 : i32
      %broadcast_in_dim3A_842 = vector.broadcast %broadcast_in_dim3A_841 : i32 to vector<16xi32>
      %gather3A_843 = arith.constant 2 : i32
      %gather3A_844 = arith.constant 0 : i32
      %gather3A_845 = arith.constant 0 : i32
      %gather3A_846 = tpu.memref_slice %arg12[%gather3A_843, %gather3A_844, %gather3A_845] : memref<4x128x32xf32, #tpu.memory_space<vmem>> -> memref<1x128x32xf32, #tpu.memory_space<vmem>>
      %gather3A_847 = tpu.memref_squeeze %gather3A_846 : memref<1x128x32xf32, #tpu.memory_space<vmem>> -> memref<128x32xf32, #tpu.memory_space<vmem>>
      %gather3A_848 = tpu.vector_load_idx %gather3A_847[%add3A_425, %broadcast_in_dim3A_842] : memref<128x32xf32, #tpu.memory_space<vmem>>[vector<16xi32>, vector<16xi32>], vector<16xf32>,
      %gather3A_849 = arith.constant 2 : i32
      %gather3A_850 = arith.constant 0 : i32
      %gather3A_851 = arith.constant 0 : i32
      %gather3A_852 = tpu.memref_slice %arg13[%gather3A_849, %gather3A_850, %gather3A_851] : memref<4x128x32xf32, #tpu.memory_space<vmem>> -> memref<1x128x32xf32, #tpu.memory_space<vmem>>
      %gather3A_853 = tpu.memref_squeeze %gather3A_852 : memref<1x128x32xf32, #tpu.memory_space<vmem>> -> memref<128x32xf32, #tpu.memory_space<vmem>>
      %gather3A_854 = tpu.vector_load_idx %gather3A_853[%add3A_425, %broadcast_in_dim3A_842] : memref<128x32xf32, #tpu.memory_space<vmem>>[vector<16xi32>, vector<16xi32>], vector<16xf32>,
      %mul3A_855 = arith.mulf %gather3A_848, %gather3A_854 : vector<16xf32>
      %add3A_856 = arith.addf %add3A_840, %mul3A_855 : vector<16xf32>
      %broadcast_in_dim3A_857 = arith.constant 27 : i32
      %broadcast_in_dim3A_858 = vector.broadcast %broadcast_in_dim3A_857 : i32 to vector<16xi32>
      %gather3A_859 = arith.constant 2 : i32
      %gather3A_860 = arith.constant 0 : i32
      %gather3A_861 = arith.constant 0 : i32
      %gather3A_862 = tpu.memref_slice %arg12[%gather3A_859, %gather3A_860, %gather3A_861] : memref<4x128x32xf32, #tpu.memory_space<vmem>> -> memref<1x128x32xf32, #tpu.memory_space<vmem>>
      %gather3A_863 = tpu.memref_squeeze %gather3A_862 : memref<1x128x32xf32, #tpu.memory_space<vmem>> -> memref<128x32xf32, #tpu.memory_space<vmem>>
      %gather3A_864 = tpu.vector_load_idx %gather3A_863[%add3A_425, %broadcast_in_dim3A_858] : memref<128x32xf32, #tpu.memory_space<vmem>>[vector<16xi32>, vector<16xi32>], vector<16xf32>,
      %gather3A_865 = arith.constant 2 : i32
      %gather3A_866 = arith.constant 0 : i32
      %gather3A_867 = arith.constant 0 : i32
      %gather3A_868 = tpu.memref_slice %arg13[%gather3A_865, %gather3A_866, %gather3A_867] : memref<4x128x32xf32, #tpu.memory_space<vmem>> -> memref<1x128x32xf32, #tpu.memory_space<vmem>>
      %gather3A_869 = tpu.memref_squeeze %gather3A_868 : memref<1x128x32xf32, #tpu.memory_space<vmem>> -> memref<128x32xf32, #tpu.memory_space<vmem>>
      %gather3A_870 = tpu.vector_load_idx %gather3A_869[%add3A_425, %broadcast_in_dim3A_858] : memref<128x32xf32, #tpu.memory_space<vmem>>[vector<16xi32>, vector<16xi32>], vector<16xf32>,
      %mul3A_871 = arith.mulf %gather3A_864, %gather3A_870 : vector<16xf32>
      %add3A_872 = arith.addf %add3A_856, %mul3A_871 : vector<16xf32>
      %broadcast_in_dim3A_873 = arith.constant 28 : i32
      %broadcast_in_dim3A_874 = vector.broadcast %broadcast_in_dim3A_873 : i32 to vector<16xi32>
      %gather3A_875 = arith.constant 2 : i32
      %gather3A_876 = arith.constant 0 : i32
      %gather3A_877 = arith.constant 0 : i32
      %gather3A_878 = tpu.memref_slice %arg12[%gather3A_875, %gather3A_876, %gather3A_877] : memref<4x128x32xf32, #tpu.memory_space<vmem>> -> memref<1x128x32xf32, #tpu.memory_space<vmem>>
      %gather3A_879 = tpu.memref_squeeze %gather3A_878 : memref<1x128x32xf32, #tpu.memory_space<vmem>> -> memref<128x32xf32, #tpu.memory_space<vmem>>
      %gather3A_880 = tpu.vector_load_idx %gather3A_879[%add3A_425, %broadcast_in_dim3A_874] : memref<128x32xf32, #tpu.memory_space<vmem>>[vector<16xi32>, vector<16xi32>], vector<16xf32>,
      %gather3A_881 = arith.constant 2 : i32
      %gather3A_882 = arith.constant 0 : i32
      %gather3A_883 = arith.constant 0 : i32
      %gather3A_884 = tpu.memref_slice %arg13[%gather3A_881, %gather3A_882, %gather3A_883] : memref<4x128x32xf32, #tpu.memory_space<vmem>> -> memref<1x128x32xf32, #tpu.memory_space<vmem>>
      %gather3A_885 = tpu.memref_squeeze %gather3A_884 : memref<1x128x32xf32, #tpu.memory_space<vmem>> -> memref<128x32xf32, #tpu.memory_space<vmem>>
      %gather3A_886 = tpu.vector_load_idx %gather3A_885[%add3A_425, %broadcast_in_dim3A_874] : memref<128x32xf32, #tpu.memory_space<vmem>>[vector<16xi32>, vector<16xi32>], vector<16xf32>,
      %mul3A_887 = arith.mulf %gather3A_880, %gather3A_886 : vector<16xf32>
      %add3A_888 = arith.addf %add3A_872, %mul3A_887 : vector<16xf32>
      %broadcast_in_dim3A_889 = arith.constant 29 : i32
      %broadcast_in_dim3A_890 = vector.broadcast %broadcast_in_dim3A_889 : i32 to vector<16xi32>
      %gather3A_891 = arith.constant 2 : i32
      %gather3A_892 = arith.constant 0 : i32
      %gather3A_893 = arith.constant 0 : i32
      %gather3A_894 = tpu.memref_slice %arg12[%gather3A_891, %gather3A_892, %gather3A_893] : memref<4x128x32xf32, #tpu.memory_space<vmem>> -> memref<1x128x32xf32, #tpu.memory_space<vmem>>
      %gather3A_895 = tpu.memref_squeeze %gather3A_894 : memref<1x128x32xf32, #tpu.memory_space<vmem>> -> memref<128x32xf32, #tpu.memory_space<vmem>>
      %gather3A_896 = tpu.vector_load_idx %gather3A_895[%add3A_425, %broadcast_in_dim3A_890] : memref<128x32xf32, #tpu.memory_space<vmem>>[vector<16xi32>, vector<16xi32>], vector<16xf32>,
      %gather3A_897 = arith.constant 2 : i32
      %gather3A_898 = arith.constant 0 : i32
      %gather3A_899 = arith.constant 0 : i32
      %gather3A_900 = tpu.memref_slice %arg13[%gather3A_897, %gather3A_898, %gather3A_899] : memref<4x128x32xf32, #tpu.memory_space<vmem>> -> memref<1x128x32xf32, #tpu.memory_space<vmem>>
      %gather3A_901 = tpu.memref_squeeze %gather3A_900 : memref<1x128x32xf32, #tpu.memory_space<vmem>> -> memref<128x32xf32, #tpu.memory_space<vmem>>
      %gather3A_902 = tpu.vector_load_idx %gather3A_901[%add3A_425, %broadcast_in_dim3A_890] : memref<128x32xf32, #tpu.memory_space<vmem>>[vector<16xi32>, vector<16xi32>], vector<16xf32>,
      %mul3A_903 = arith.mulf %gather3A_896, %gather3A_902 : vector<16xf32>
      %add3A_904 = arith.addf %add3A_888, %mul3A_903 : vector<16xf32>
      %broadcast_in_dim3A_905 = arith.constant 30 : i32
      %broadcast_in_dim3A_906 = vector.broadcast %broadcast_in_dim3A_905 : i32 to vector<16xi32>
      %gather3A_907 = arith.constant 2 : i32
      %gather3A_908 = arith.constant 0 : i32
      %gather3A_909 = arith.constant 0 : i32
      %gather3A_910 = tpu.memref_slice %arg12[%gather3A_907, %gather3A_908, %gather3A_909] : memref<4x128x32xf32, #tpu.memory_space<vmem>> -> memref<1x128x32xf32, #tpu.memory_space<vmem>>
      %gather3A_911 = tpu.memref_squeeze %gather3A_910 : memref<1x128x32xf32, #tpu.memory_space<vmem>> -> memref<128x32xf32, #tpu.memory_space<vmem>>
      %gather3A_912 = tpu.vector_load_idx %gather3A_911[%add3A_425, %broadcast_in_dim3A_906] : memref<128x32xf32, #tpu.memory_space<vmem>>[vector<16xi32>, vector<16xi32>], vector<16xf32>,
      %gather3A_913 = arith.constant 2 : i32
      %gather3A_914 = arith.constant 0 : i32
      %gather3A_915 = arith.constant 0 : i32
      %gather3A_916 = tpu.memref_slice %arg13[%gather3A_913, %gather3A_914, %gather3A_915] : memref<4x128x32xf32, #tpu.memory_space<vmem>> -> memref<1x128x32xf32, #tpu.memory_space<vmem>>
      %gather3A_917 = tpu.memref_squeeze %gather3A_916 : memref<1x128x32xf32, #tpu.memory_space<vmem>> -> memref<128x32xf32, #tpu.memory_space<vmem>>
      %gather3A_918 = tpu.vector_load_idx %gather3A_917[%add3A_425, %broadcast_in_dim3A_906] : memref<128x32xf32, #tpu.memory_space<vmem>>[vector<16xi32>, vector<16xi32>], vector<16xf32>,
      %mul3A_919 = arith.mulf %gather3A_912, %gather3A_918 : vector<16xf32>
      %add3A_920 = arith.addf %add3A_904, %mul3A_919 : vector<16xf32>
      %broadcast_in_dim3A_921 = arith.constant 31 : i32
      %broadcast_in_dim3A_922 = vector.broadcast %broadcast_in_dim3A_921 : i32 to vector<16xi32>
      %gather3A_923 = arith.constant 2 : i32
      %gather3A_924 = arith.constant 0 : i32
      %gather3A_925 = arith.constant 0 : i32
      %gather3A_926 = tpu.memref_slice %arg12[%gather3A_923, %gather3A_924, %gather3A_925] : memref<4x128x32xf32, #tpu.memory_space<vmem>> -> memref<1x128x32xf32, #tpu.memory_space<vmem>>
      %gather3A_927 = tpu.memref_squeeze %gather3A_926 : memref<1x128x32xf32, #tpu.memory_space<vmem>> -> memref<128x32xf32, #tpu.memory_space<vmem>>
      %gather3A_928 = tpu.vector_load_idx %gather3A_927[%add3A_425, %broadcast_in_dim3A_922] : memref<128x32xf32, #tpu.memory_space<vmem>>[vector<16xi32>, vector<16xi32>], vector<16xf32>,
      %gather3A_929 = arith.constant 2 : i32
      %gather3A_930 = arith.constant 0 : i32
      %gather3A_931 = arith.constant 0 : i32
      %gather3A_932 = tpu.memref_slice %arg13[%gather3A_929, %gather3A_930, %gather3A_931] : memref<4x128x32xf32, #tpu.memory_space<vmem>> -> memref<1x128x32xf32, #tpu.memory_space<vmem>>
      %gather3A_933 = tpu.memref_squeeze %gather3A_932 : memref<1x128x32xf32, #tpu.memory_space<vmem>> -> memref<128x32xf32, #tpu.memory_space<vmem>>
      %gather3A_934 = tpu.vector_load_idx %gather3A_933[%add3A_425, %broadcast_in_dim3A_922] : memref<128x32xf32, #tpu.memory_space<vmem>>[vector<16xi32>, vector<16xi32>], vector<16xf32>,
      %mul3A_935 = arith.mulf %gather3A_928, %gather3A_934 : vector<16xf32>
      %add3A_936 = arith.addf %add3A_920, %mul3A_935 : vector<16xf32>
      %mul3A_937 = arith.constant 16 : i32
      %mul3A_938 = arith.muli %scan3A_405, %mul3A_937 : i32
      %add3A_939 = arith.constant 256 : i32
      %add3A_940 = arith.addi %add3A_939, %mul3A_938 : i32
      %swap3A = arith.index_cast %add3A_940 : i32 to index
      %swap3A_941 = tpu.vector_load %arg17[%swap3A] {strides = array<i32>} : memref<512xf32, #tpu.memory_space<vmem>>, vector<16xf32>,
      tpu.vector_store %arg17[%swap3A], %add3A_936 {strides = array<i32>} : memref<512xf32, #tpu.memory_space<vmem>>, vector<16xf32>,
    }
    %scan3A_398 = arith.constant 8 : i32
    %scan3A_399 = arith.constant 0 : i32
    %scan3A_400 = arith.constant 0 : i32
    %scan3A_401 = arith.constant 8 : i32
    %scan3A_402 = arith.addi %scan3A_400, %scan3A_401 : i32
    %scan3A_403 = arith.constant 1 : i32
    scf.for %scan3A_405 = %scan3A_400 to %scan3A_402 step %scan3A_403  : i32 {
      %mul3A_406 = arith.constant 16 : i32
      %mul3A_407 = arith.muli %scan3A_405, %mul3A_406 : i32
      %get3A_408 = arith.constant 3 : i32
      %get3A_409 = arith.constant 0 : i32
      %get3A_410 = tpu.memref_slice %arg14[%get3A_408, %get3A_409] : memref<4x128xf32, #tpu.memory_space<vmem>> -> memref<1x128xf32, #tpu.memory_space<vmem>>
      %get3A_411 = tpu.memref_squeeze %get3A_410 : memref<1x128xf32, #tpu.memory_space<vmem>> -> memref<128xf32, #tpu.memory_space<vmem>>
      %get3A_412 = arith.index_cast %mul3A_407 : i32 to index
      %get3A_413 = tpu.vector_load %get3A_411[%get3A_412] {strides = array<i32>} : memref<128xf32, #tpu.memory_space<vmem>>, vector<16xf32>,
      %get3A_414 = arith.constant 3 : i32
      %get3A_415 = arith.constant 0 : i32
      %get3A_416 = tpu.memref_slice %arg15[%get3A_414, %get3A_415] : memref<4x128xf32, #tpu.memory_space<vmem>> -> memref<1x128xf32, #tpu.memory_space<vmem>>
      %get3A_417 = tpu.memref_squeeze %get3A_416 : memref<1x128xf32, #tpu.memory_space<vmem>> -> memref<128xf32, #tpu.memory_space<vmem>>
      %get3A_418 = arith.index_cast %mul3A_407 : i32 to index
      %get3A_419 = tpu.vector_load %get3A_417[%get3A_418] {strides = array<i32>} : memref<128xf32, #tpu.memory_space<vmem>>, vector<16xf32>,
      %add3A_420 = arith.addf %get3A_413, %get3A_419 : vector<16xf32>
      %add3A_421 = arith.addf %add3A_420, %get3A_381 : vector<16xf32>
      %iota3A = tpu.iota {dimensions = array<i32: 0>} : vector<16xi32>
      %mul3A_422 = arith.constant 16 : i32
      %mul3A_423 = arith.muli %scan3A_405, %mul3A_422 : i32
      %add3A_424 = vector.broadcast %mul3A_423 : i32 to vector<16xi32>
      %add3A_425 = arith.addi %iota3A, %add3A_424 : vector<16xi32>
      %broadcast_in_dim3A_426 = arith.constant 0 : i32
      %broadcast_in_dim3A_427 = vector.broadcast %broadcast_in_dim3A_426 : i32 to vector<16xi32>
      %gather3A = arith.constant 3 : i32
      %gather3A_428 = arith.constant 0 : i32
      %gather3A_429 = arith.constant 0 : i32
      %gather3A_430 = tpu.memref_slice %arg12[%gather3A, %gather3A_428, %gather3A_429] : memref<4x128x32xf32, #tpu.memory_space<vmem>> -> memref<1x128x32xf32, #tpu.memory_space<vmem>>
      %gather3A_431 = tpu.memref_squeeze %gather3A_430 : memref<1x128x32xf32, #tpu.memory_space<vmem>> -> memref<128x32xf32, #tpu.memory_space<vmem>>
      %gather3A_432 = tpu.vector_load_idx %gather3A_431[%add3A_425, %broadcast_in_dim3A_427] : memref<128x32xf32, #tpu.memory_space<vmem>>[vector<16xi32>, vector<16xi32>], vector<16xf32>,
      %gather3A_433 = arith.constant 3 : i32
      %gather3A_434 = arith.constant 0 : i32
      %gather3A_435 = arith.constant 0 : i32
      %gather3A_436 = tpu.memref_slice %arg13[%gather3A_433, %gather3A_434, %gather3A_435] : memref<4x128x32xf32, #tpu.memory_space<vmem>> -> memref<1x128x32xf32, #tpu.memory_space<vmem>>
      %gather3A_437 = tpu.memref_squeeze %gather3A_436 : memref<1x128x32xf32, #tpu.memory_space<vmem>> -> memref<128x32xf32, #tpu.memory_space<vmem>>
      %gather3A_438 = tpu.vector_load_idx %gather3A_437[%add3A_425, %broadcast_in_dim3A_427] : memref<128x32xf32, #tpu.memory_space<vmem>>[vector<16xi32>, vector<16xi32>], vector<16xf32>,
      %mul3A_439 = arith.mulf %gather3A_432, %gather3A_438 : vector<16xf32>
      %add3A_440 = arith.addf %add3A_421, %mul3A_439 : vector<16xf32>
      %broadcast_in_dim3A_441 = arith.constant 1 : i32
      %broadcast_in_dim3A_442 = vector.broadcast %broadcast_in_dim3A_441 : i32 to vector<16xi32>
      %gather3A_443 = arith.constant 3 : i32
      %gather3A_444 = arith.constant 0 : i32
      %gather3A_445 = arith.constant 0 : i32
      %gather3A_446 = tpu.memref_slice %arg12[%gather3A_443, %gather3A_444, %gather3A_445] : memref<4x128x32xf32, #tpu.memory_space<vmem>> -> memref<1x128x32xf32, #tpu.memory_space<vmem>>
      %gather3A_447 = tpu.memref_squeeze %gather3A_446 : memref<1x128x32xf32, #tpu.memory_space<vmem>> -> memref<128x32xf32, #tpu.memory_space<vmem>>
      %gather3A_448 = tpu.vector_load_idx %gather3A_447[%add3A_425, %broadcast_in_dim3A_442] : memref<128x32xf32, #tpu.memory_space<vmem>>[vector<16xi32>, vector<16xi32>], vector<16xf32>,
      %gather3A_449 = arith.constant 3 : i32
      %gather3A_450 = arith.constant 0 : i32
      %gather3A_451 = arith.constant 0 : i32
      %gather3A_452 = tpu.memref_slice %arg13[%gather3A_449, %gather3A_450, %gather3A_451] : memref<4x128x32xf32, #tpu.memory_space<vmem>> -> memref<1x128x32xf32, #tpu.memory_space<vmem>>
      %gather3A_453 = tpu.memref_squeeze %gather3A_452 : memref<1x128x32xf32, #tpu.memory_space<vmem>> -> memref<128x32xf32, #tpu.memory_space<vmem>>
      %gather3A_454 = tpu.vector_load_idx %gather3A_453[%add3A_425, %broadcast_in_dim3A_442] : memref<128x32xf32, #tpu.memory_space<vmem>>[vector<16xi32>, vector<16xi32>], vector<16xf32>,
      %mul3A_455 = arith.mulf %gather3A_448, %gather3A_454 : vector<16xf32>
      %add3A_456 = arith.addf %add3A_440, %mul3A_455 : vector<16xf32>
      %broadcast_in_dim3A_457 = arith.constant 2 : i32
      %broadcast_in_dim3A_458 = vector.broadcast %broadcast_in_dim3A_457 : i32 to vector<16xi32>
      %gather3A_459 = arith.constant 3 : i32
      %gather3A_460 = arith.constant 0 : i32
      %gather3A_461 = arith.constant 0 : i32
      %gather3A_462 = tpu.memref_slice %arg12[%gather3A_459, %gather3A_460, %gather3A_461] : memref<4x128x32xf32, #tpu.memory_space<vmem>> -> memref<1x128x32xf32, #tpu.memory_space<vmem>>
      %gather3A_463 = tpu.memref_squeeze %gather3A_462 : memref<1x128x32xf32, #tpu.memory_space<vmem>> -> memref<128x32xf32, #tpu.memory_space<vmem>>
      %gather3A_464 = tpu.vector_load_idx %gather3A_463[%add3A_425, %broadcast_in_dim3A_458] : memref<128x32xf32, #tpu.memory_space<vmem>>[vector<16xi32>, vector<16xi32>], vector<16xf32>,
      %gather3A_465 = arith.constant 3 : i32
      %gather3A_466 = arith.constant 0 : i32
      %gather3A_467 = arith.constant 0 : i32
      %gather3A_468 = tpu.memref_slice %arg13[%gather3A_465, %gather3A_466, %gather3A_467] : memref<4x128x32xf32, #tpu.memory_space<vmem>> -> memref<1x128x32xf32, #tpu.memory_space<vmem>>
      %gather3A_469 = tpu.memref_squeeze %gather3A_468 : memref<1x128x32xf32, #tpu.memory_space<vmem>> -> memref<128x32xf32, #tpu.memory_space<vmem>>
      %gather3A_470 = tpu.vector_load_idx %gather3A_469[%add3A_425, %broadcast_in_dim3A_458] : memref<128x32xf32, #tpu.memory_space<vmem>>[vector<16xi32>, vector<16xi32>], vector<16xf32>,
      %mul3A_471 = arith.mulf %gather3A_464, %gather3A_470 : vector<16xf32>
      %add3A_472 = arith.addf %add3A_456, %mul3A_471 : vector<16xf32>
      %broadcast_in_dim3A_473 = arith.constant 3 : i32
      %broadcast_in_dim3A_474 = vector.broadcast %broadcast_in_dim3A_473 : i32 to vector<16xi32>
      %gather3A_475 = arith.constant 3 : i32
      %gather3A_476 = arith.constant 0 : i32
      %gather3A_477 = arith.constant 0 : i32
      %gather3A_478 = tpu.memref_slice %arg12[%gather3A_475, %gather3A_476, %gather3A_477] : memref<4x128x32xf32, #tpu.memory_space<vmem>> -> memref<1x128x32xf32, #tpu.memory_space<vmem>>
      %gather3A_479 = tpu.memref_squeeze %gather3A_478 : memref<1x128x32xf32, #tpu.memory_space<vmem>> -> memref<128x32xf32, #tpu.memory_space<vmem>>
      %gather3A_480 = tpu.vector_load_idx %gather3A_479[%add3A_425, %broadcast_in_dim3A_474] : memref<128x32xf32, #tpu.memory_space<vmem>>[vector<16xi32>, vector<16xi32>], vector<16xf32>,
      %gather3A_481 = arith.constant 3 : i32
      %gather3A_482 = arith.constant 0 : i32
      %gather3A_483 = arith.constant 0 : i32
      %gather3A_484 = tpu.memref_slice %arg13[%gather3A_481, %gather3A_482, %gather3A_483] : memref<4x128x32xf32, #tpu.memory_space<vmem>> -> memref<1x128x32xf32, #tpu.memory_space<vmem>>
      %gather3A_485 = tpu.memref_squeeze %gather3A_484 : memref<1x128x32xf32, #tpu.memory_space<vmem>> -> memref<128x32xf32, #tpu.memory_space<vmem>>
      %gather3A_486 = tpu.vector_load_idx %gather3A_485[%add3A_425, %broadcast_in_dim3A_474] : memref<128x32xf32, #tpu.memory_space<vmem>>[vector<16xi32>, vector<16xi32>], vector<16xf32>,
      %mul3A_487 = arith.mulf %gather3A_480, %gather3A_486 : vector<16xf32>
      %add3A_488 = arith.addf %add3A_472, %mul3A_487 : vector<16xf32>
      %broadcast_in_dim3A_489 = arith.constant 4 : i32
      %broadcast_in_dim3A_490 = vector.broadcast %broadcast_in_dim3A_489 : i32 to vector<16xi32>
      %gather3A_491 = arith.constant 3 : i32
      %gather3A_492 = arith.constant 0 : i32
      %gather3A_493 = arith.constant 0 : i32
      %gather3A_494 = tpu.memref_slice %arg12[%gather3A_491, %gather3A_492, %gather3A_493] : memref<4x128x32xf32, #tpu.memory_space<vmem>> -> memref<1x128x32xf32, #tpu.memory_space<vmem>>
      %gather3A_495 = tpu.memref_squeeze %gather3A_494 : memref<1x128x32xf32, #tpu.memory_space<vmem>> -> memref<128x32xf32, #tpu.memory_space<vmem>>
      %gather3A_496 = tpu.vector_load_idx %gather3A_495[%add3A_425, %broadcast_in_dim3A_490] : memref<128x32xf32, #tpu.memory_space<vmem>>[vector<16xi32>, vector<16xi32>], vector<16xf32>,
      %gather3A_497 = arith.constant 3 : i32
      %gather3A_498 = arith.constant 0 : i32
      %gather3A_499 = arith.constant 0 : i32
      %gather3A_500 = tpu.memref_slice %arg13[%gather3A_497, %gather3A_498, %gather3A_499] : memref<4x128x32xf32, #tpu.memory_space<vmem>> -> memref<1x128x32xf32, #tpu.memory_space<vmem>>
      %gather3A_501 = tpu.memref_squeeze %gather3A_500 : memref<1x128x32xf32, #tpu.memory_space<vmem>> -> memref<128x32xf32, #tpu.memory_space<vmem>>
      %gather3A_502 = tpu.vector_load_idx %gather3A_501[%add3A_425, %broadcast_in_dim3A_490] : memref<128x32xf32, #tpu.memory_space<vmem>>[vector<16xi32>, vector<16xi32>], vector<16xf32>,
      %mul3A_503 = arith.mulf %gather3A_496, %gather3A_502 : vector<16xf32>
      %add3A_504 = arith.addf %add3A_488, %mul3A_503 : vector<16xf32>
      %broadcast_in_dim3A_505 = arith.constant 5 : i32
      %broadcast_in_dim3A_506 = vector.broadcast %broadcast_in_dim3A_505 : i32 to vector<16xi32>
      %gather3A_507 = arith.constant 3 : i32
      %gather3A_508 = arith.constant 0 : i32
      %gather3A_509 = arith.constant 0 : i32
      %gather3A_510 = tpu.memref_slice %arg12[%gather3A_507, %gather3A_508, %gather3A_509] : memref<4x128x32xf32, #tpu.memory_space<vmem>> -> memref<1x128x32xf32, #tpu.memory_space<vmem>>
      %gather3A_511 = tpu.memref_squeeze %gather3A_510 : memref<1x128x32xf32, #tpu.memory_space<vmem>> -> memref<128x32xf32, #tpu.memory_space<vmem>>
      %gather3A_512 = tpu.vector_load_idx %gather3A_511[%add3A_425, %broadcast_in_dim3A_506] : memref<128x32xf32, #tpu.memory_space<vmem>>[vector<16xi32>, vector<16xi32>], vector<16xf32>,
      %gather3A_513 = arith.constant 3 : i32
      %gather3A_514 = arith.constant 0 : i32
      %gather3A_515 = arith.constant 0 : i32
      %gather3A_516 = tpu.memref_slice %arg13[%gather3A_513, %gather3A_514, %gather3A_515] : memref<4x128x32xf32, #tpu.memory_space<vmem>> -> memref<1x128x32xf32, #tpu.memory_space<vmem>>
      %gather3A_517 = tpu.memref_squeeze %gather3A_516 : memref<1x128x32xf32, #tpu.memory_space<vmem>> -> memref<128x32xf32, #tpu.memory_space<vmem>>
      %gather3A_518 = tpu.vector_load_idx %gather3A_517[%add3A_425, %broadcast_in_dim3A_506] : memref<128x32xf32, #tpu.memory_space<vmem>>[vector<16xi32>, vector<16xi32>], vector<16xf32>,
      %mul3A_519 = arith.mulf %gather3A_512, %gather3A_518 : vector<16xf32>
      %add3A_520 = arith.addf %add3A_504, %mul3A_519 : vector<16xf32>
      %broadcast_in_dim3A_521 = arith.constant 6 : i32
      %broadcast_in_dim3A_522 = vector.broadcast %broadcast_in_dim3A_521 : i32 to vector<16xi32>
      %gather3A_523 = arith.constant 3 : i32
      %gather3A_524 = arith.constant 0 : i32
      %gather3A_525 = arith.constant 0 : i32
      %gather3A_526 = tpu.memref_slice %arg12[%gather3A_523, %gather3A_524, %gather3A_525] : memref<4x128x32xf32, #tpu.memory_space<vmem>> -> memref<1x128x32xf32, #tpu.memory_space<vmem>>
      %gather3A_527 = tpu.memref_squeeze %gather3A_526 : memref<1x128x32xf32, #tpu.memory_space<vmem>> -> memref<128x32xf32, #tpu.memory_space<vmem>>
      %gather3A_528 = tpu.vector_load_idx %gather3A_527[%add3A_425, %broadcast_in_dim3A_522] : memref<128x32xf32, #tpu.memory_space<vmem>>[vector<16xi32>, vector<16xi32>], vector<16xf32>,
      %gather3A_529 = arith.constant 3 : i32
      %gather3A_530 = arith.constant 0 : i32
      %gather3A_531 = arith.constant 0 : i32
      %gather3A_532 = tpu.memref_slice %arg13[%gather3A_529, %gather3A_530, %gather3A_531] : memref<4x128x32xf32, #tpu.memory_space<vmem>> -> memref<1x128x32xf32, #tpu.memory_space<vmem>>
      %gather3A_533 = tpu.memref_squeeze %gather3A_532 : memref<1x128x32xf32, #tpu.memory_space<vmem>> -> memref<128x32xf32, #tpu.memory_space<vmem>>
      %gather3A_534 = tpu.vector_load_idx %gather3A_533[%add3A_425, %broadcast_in_dim3A_522] : memref<128x32xf32, #tpu.memory_space<vmem>>[vector<16xi32>, vector<16xi32>], vector<16xf32>,
      %mul3A_535 = arith.mulf %gather3A_528, %gather3A_534 : vector<16xf32>
      %add3A_536 = arith.addf %add3A_520, %mul3A_535 : vector<16xf32>
      %broadcast_in_dim3A_537 = arith.constant 7 : i32
      %broadcast_in_dim3A_538 = vector.broadcast %broadcast_in_dim3A_537 : i32 to vector<16xi32>
      %gather3A_539 = arith.constant 3 : i32
      %gather3A_540 = arith.constant 0 : i32
      %gather3A_541 = arith.constant 0 : i32
      %gather3A_542 = tpu.memref_slice %arg12[%gather3A_539, %gather3A_540, %gather3A_541] : memref<4x128x32xf32, #tpu.memory_space<vmem>> -> memref<1x128x32xf32, #tpu.memory_space<vmem>>
      %gather3A_543 = tpu.memref_squeeze %gather3A_542 : memref<1x128x32xf32, #tpu.memory_space<vmem>> -> memref<128x32xf32, #tpu.memory_space<vmem>>
      %gather3A_544 = tpu.vector_load_idx %gather3A_543[%add3A_425, %broadcast_in_dim3A_538] : memref<128x32xf32, #tpu.memory_space<vmem>>[vector<16xi32>, vector<16xi32>], vector<16xf32>,
      %gather3A_545 = arith.constant 3 : i32
      %gather3A_546 = arith.constant 0 : i32
      %gather3A_547 = arith.constant 0 : i32
      %gather3A_548 = tpu.memref_slice %arg13[%gather3A_545, %gather3A_546, %gather3A_547] : memref<4x128x32xf32, #tpu.memory_space<vmem>> -> memref<1x128x32xf32, #tpu.memory_space<vmem>>
      %gather3A_549 = tpu.memref_squeeze %gather3A_548 : memref<1x128x32xf32, #tpu.memory_space<vmem>> -> memref<128x32xf32, #tpu.memory_space<vmem>>
      %gather3A_550 = tpu.vector_load_idx %gather3A_549[%add3A_425, %broadcast_in_dim3A_538] : memref<128x32xf32, #tpu.memory_space<vmem>>[vector<16xi32>, vector<16xi32>], vector<16xf32>,
      %mul3A_551 = arith.mulf %gather3A_544, %gather3A_550 : vector<16xf32>
      %add3A_552 = arith.addf %add3A_536, %mul3A_551 : vector<16xf32>
      %broadcast_in_dim3A_553 = arith.constant 8 : i32
      %broadcast_in_dim3A_554 = vector.broadcast %broadcast_in_dim3A_553 : i32 to vector<16xi32>
      %gather3A_555 = arith.constant 3 : i32
      %gather3A_556 = arith.constant 0 : i32
      %gather3A_557 = arith.constant 0 : i32
      %gather3A_558 = tpu.memref_slice %arg12[%gather3A_555, %gather3A_556, %gather3A_557] : memref<4x128x32xf32, #tpu.memory_space<vmem>> -> memref<1x128x32xf32, #tpu.memory_space<vmem>>
      %gather3A_559 = tpu.memref_squeeze %gather3A_558 : memref<1x128x32xf32, #tpu.memory_space<vmem>> -> memref<128x32xf32, #tpu.memory_space<vmem>>
      %gather3A_560 = tpu.vector_load_idx %gather3A_559[%add3A_425, %broadcast_in_dim3A_554] : memref<128x32xf32, #tpu.memory_space<vmem>>[vector<16xi32>, vector<16xi32>], vector<16xf32>,
      %gather3A_561 = arith.constant 3 : i32
      %gather3A_562 = arith.constant 0 : i32
      %gather3A_563 = arith.constant 0 : i32
      %gather3A_564 = tpu.memref_slice %arg13[%gather3A_561, %gather3A_562, %gather3A_563] : memref<4x128x32xf32, #tpu.memory_space<vmem>> -> memref<1x128x32xf32, #tpu.memory_space<vmem>>
      %gather3A_565 = tpu.memref_squeeze %gather3A_564 : memref<1x128x32xf32, #tpu.memory_space<vmem>> -> memref<128x32xf32, #tpu.memory_space<vmem>>
      %gather3A_566 = tpu.vector_load_idx %gather3A_565[%add3A_425, %broadcast_in_dim3A_554] : memref<128x32xf32, #tpu.memory_space<vmem>>[vector<16xi32>, vector<16xi32>], vector<16xf32>,
      %mul3A_567 = arith.mulf %gather3A_560, %gather3A_566 : vector<16xf32>
      %add3A_568 = arith.addf %add3A_552, %mul3A_567 : vector<16xf32>
      %broadcast_in_dim3A_569 = arith.constant 9 : i32
      %broadcast_in_dim3A_570 = vector.broadcast %broadcast_in_dim3A_569 : i32 to vector<16xi32>
      %gather3A_571 = arith.constant 3 : i32
      %gather3A_572 = arith.constant 0 : i32
      %gather3A_573 = arith.constant 0 : i32
      %gather3A_574 = tpu.memref_slice %arg12[%gather3A_571, %gather3A_572, %gather3A_573] : memref<4x128x32xf32, #tpu.memory_space<vmem>> -> memref<1x128x32xf32, #tpu.memory_space<vmem>>
      %gather3A_575 = tpu.memref_squeeze %gather3A_574 : memref<1x128x32xf32, #tpu.memory_space<vmem>> -> memref<128x32xf32, #tpu.memory_space<vmem>>
      %gather3A_576 = tpu.vector_load_idx %gather3A_575[%add3A_425, %broadcast_in_dim3A_570] : memref<128x32xf32, #tpu.memory_space<vmem>>[vector<16xi32>, vector<16xi32>], vector<16xf32>,
      %gather3A_577 = arith.constant 3 : i32
      %gather3A_578 = arith.constant 0 : i32
      %gather3A_579 = arith.constant 0 : i32
      %gather3A_580 = tpu.memref_slice %arg13[%gather3A_577, %gather3A_578, %gather3A_579] : memref<4x128x32xf32, #tpu.memory_space<vmem>> -> memref<1x128x32xf32, #tpu.memory_space<vmem>>
      %gather3A_581 = tpu.memref_squeeze %gather3A_580 : memref<1x128x32xf32, #tpu.memory_space<vmem>> -> memref<128x32xf32, #tpu.memory_space<vmem>>
      %gather3A_582 = tpu.vector_load_idx %gather3A_581[%add3A_425, %broadcast_in_dim3A_570] : memref<128x32xf32, #tpu.memory_space<vmem>>[vector<16xi32>, vector<16xi32>], vector<16xf32>,
      %mul3A_583 = arith.mulf %gather3A_576, %gather3A_582 : vector<16xf32>
      %add3A_584 = arith.addf %add3A_568, %mul3A_583 : vector<16xf32>
      %broadcast_in_dim3A_585 = arith.constant 10 : i32
      %broadcast_in_dim3A_586 = vector.broadcast %broadcast_in_dim3A_585 : i32 to vector<16xi32>
      %gather3A_587 = arith.constant 3 : i32
      %gather3A_588 = arith.constant 0 : i32
      %gather3A_589 = arith.constant 0 : i32
      %gather3A_590 = tpu.memref_slice %arg12[%gather3A_587, %gather3A_588, %gather3A_589] : memref<4x128x32xf32, #tpu.memory_space<vmem>> -> memref<1x128x32xf32, #tpu.memory_space<vmem>>
      %gather3A_591 = tpu.memref_squeeze %gather3A_590 : memref<1x128x32xf32, #tpu.memory_space<vmem>> -> memref<128x32xf32, #tpu.memory_space<vmem>>
      %gather3A_592 = tpu.vector_load_idx %gather3A_591[%add3A_425, %broadcast_in_dim3A_586] : memref<128x32xf32, #tpu.memory_space<vmem>>[vector<16xi32>, vector<16xi32>], vector<16xf32>,
      %gather3A_593 = arith.constant 3 : i32
      %gather3A_594 = arith.constant 0 : i32
      %gather3A_595 = arith.constant 0 : i32
      %gather3A_596 = tpu.memref_slice %arg13[%gather3A_593, %gather3A_594, %gather3A_595] : memref<4x128x32xf32, #tpu.memory_space<vmem>> -> memref<1x128x32xf32, #tpu.memory_space<vmem>>
      %gather3A_597 = tpu.memref_squeeze %gather3A_596 : memref<1x128x32xf32, #tpu.memory_space<vmem>> -> memref<128x32xf32, #tpu.memory_space<vmem>>
      %gather3A_598 = tpu.vector_load_idx %gather3A_597[%add3A_425, %broadcast_in_dim3A_586] : memref<128x32xf32, #tpu.memory_space<vmem>>[vector<16xi32>, vector<16xi32>], vector<16xf32>,
      %mul3A_599 = arith.mulf %gather3A_592, %gather3A_598 : vector<16xf32>
      %add3A_600 = arith.addf %add3A_584, %mul3A_599 : vector<16xf32>
      %broadcast_in_dim3A_601 = arith.constant 11 : i32
      %broadcast_in_dim3A_602 = vector.broadcast %broadcast_in_dim3A_601 : i32 to vector<16xi32>
      %gather3A_603 = arith.constant 3 : i32
      %gather3A_604 = arith.constant 0 : i32
      %gather3A_605 = arith.constant 0 : i32
      %gather3A_606 = tpu.memref_slice %arg12[%gather3A_603, %gather3A_604, %gather3A_605] : memref<4x128x32xf32, #tpu.memory_space<vmem>> -> memref<1x128x32xf32, #tpu.memory_space<vmem>>
      %gather3A_607 = tpu.memref_squeeze %gather3A_606 : memref<1x128x32xf32, #tpu.memory_space<vmem>> -> memref<128x32xf32, #tpu.memory_space<vmem>>
      %gather3A_608 = tpu.vector_load_idx %gather3A_607[%add3A_425, %broadcast_in_dim3A_602] : memref<128x32xf32, #tpu.memory_space<vmem>>[vector<16xi32>, vector<16xi32>], vector<16xf32>,
      %gather3A_609 = arith.constant 3 : i32
      %gather3A_610 = arith.constant 0 : i32
      %gather3A_611 = arith.constant 0 : i32
      %gather3A_612 = tpu.memref_slice %arg13[%gather3A_609, %gather3A_610, %gather3A_611] : memref<4x128x32xf32, #tpu.memory_space<vmem>> -> memref<1x128x32xf32, #tpu.memory_space<vmem>>
      %gather3A_613 = tpu.memref_squeeze %gather3A_612 : memref<1x128x32xf32, #tpu.memory_space<vmem>> -> memref<128x32xf32, #tpu.memory_space<vmem>>
      %gather3A_614 = tpu.vector_load_idx %gather3A_613[%add3A_425, %broadcast_in_dim3A_602] : memref<128x32xf32, #tpu.memory_space<vmem>>[vector<16xi32>, vector<16xi32>], vector<16xf32>,
      %mul3A_615 = arith.mulf %gather3A_608, %gather3A_614 : vector<16xf32>
      %add3A_616 = arith.addf %add3A_600, %mul3A_615 : vector<16xf32>
      %broadcast_in_dim3A_617 = arith.constant 12 : i32
      %broadcast_in_dim3A_618 = vector.broadcast %broadcast_in_dim3A_617 : i32 to vector<16xi32>
      %gather3A_619 = arith.constant 3 : i32
      %gather3A_620 = arith.constant 0 : i32
      %gather3A_621 = arith.constant 0 : i32
      %gather3A_622 = tpu.memref_slice %arg12[%gather3A_619, %gather3A_620, %gather3A_621] : memref<4x128x32xf32, #tpu.memory_space<vmem>> -> memref<1x128x32xf32, #tpu.memory_space<vmem>>
      %gather3A_623 = tpu.memref_squeeze %gather3A_622 : memref<1x128x32xf32, #tpu.memory_space<vmem>> -> memref<128x32xf32, #tpu.memory_space<vmem>>
      %gather3A_624 = tpu.vector_load_idx %gather3A_623[%add3A_425, %broadcast_in_dim3A_618] : memref<128x32xf32, #tpu.memory_space<vmem>>[vector<16xi32>, vector<16xi32>], vector<16xf32>,
      %gather3A_625 = arith.constant 3 : i32
      %gather3A_626 = arith.constant 0 : i32
      %gather3A_627 = arith.constant 0 : i32
      %gather3A_628 = tpu.memref_slice %arg13[%gather3A_625, %gather3A_626, %gather3A_627] : memref<4x128x32xf32, #tpu.memory_space<vmem>> -> memref<1x128x32xf32, #tpu.memory_space<vmem>>
      %gather3A_629 = tpu.memref_squeeze %gather3A_628 : memref<1x128x32xf32, #tpu.memory_space<vmem>> -> memref<128x32xf32, #tpu.memory_space<vmem>>
      %gather3A_630 = tpu.vector_load_idx %gather3A_629[%add3A_425, %broadcast_in_dim3A_618] : memref<128x32xf32, #tpu.memory_space<vmem>>[vector<16xi32>, vector<16xi32>], vector<16xf32>,
      %mul3A_631 = arith.mulf %gather3A_624, %gather3A_630 : vector<16xf32>
      %add3A_632 = arith.addf %add3A_616, %mul3A_631 : vector<16xf32>
      %broadcast_in_dim3A_633 = arith.constant 13 : i32
      %broadcast_in_dim3A_634 = vector.broadcast %broadcast_in_dim3A_633 : i32 to vector<16xi32>
      %gather3A_635 = arith.constant 3 : i32
      %gather3A_636 = arith.constant 0 : i32
      %gather3A_637 = arith.constant 0 : i32
      %gather3A_638 = tpu.memref_slice %arg12[%gather3A_635, %gather3A_636, %gather3A_637] : memref<4x128x32xf32, #tpu.memory_space<vmem>> -> memref<1x128x32xf32, #tpu.memory_space<vmem>>
      %gather3A_639 = tpu.memref_squeeze %gather3A_638 : memref<1x128x32xf32, #tpu.memory_space<vmem>> -> memref<128x32xf32, #tpu.memory_space<vmem>>
      %gather3A_640 = tpu.vector_load_idx %gather3A_639[%add3A_425, %broadcast_in_dim3A_634] : memref<128x32xf32, #tpu.memory_space<vmem>>[vector<16xi32>, vector<16xi32>], vector<16xf32>,
      %gather3A_641 = arith.constant 3 : i32
      %gather3A_642 = arith.constant 0 : i32
      %gather3A_643 = arith.constant 0 : i32
      %gather3A_644 = tpu.memref_slice %arg13[%gather3A_641, %gather3A_642, %gather3A_643] : memref<4x128x32xf32, #tpu.memory_space<vmem>> -> memref<1x128x32xf32, #tpu.memory_space<vmem>>
      %gather3A_645 = tpu.memref_squeeze %gather3A_644 : memref<1x128x32xf32, #tpu.memory_space<vmem>> -> memref<128x32xf32, #tpu.memory_space<vmem>>
      %gather3A_646 = tpu.vector_load_idx %gather3A_645[%add3A_425, %broadcast_in_dim3A_634] : memref<128x32xf32, #tpu.memory_space<vmem>>[vector<16xi32>, vector<16xi32>], vector<16xf32>,
      %mul3A_647 = arith.mulf %gather3A_640, %gather3A_646 : vector<16xf32>
      %add3A_648 = arith.addf %add3A_632, %mul3A_647 : vector<16xf32>
      %broadcast_in_dim3A_649 = arith.constant 14 : i32
      %broadcast_in_dim3A_650 = vector.broadcast %broadcast_in_dim3A_649 : i32 to vector<16xi32>
      %gather3A_651 = arith.constant 3 : i32
      %gather3A_652 = arith.constant 0 : i32
      %gather3A_653 = arith.constant 0 : i32
      %gather3A_654 = tpu.memref_slice %arg12[%gather3A_651, %gather3A_652, %gather3A_653] : memref<4x128x32xf32, #tpu.memory_space<vmem>> -> memref<1x128x32xf32, #tpu.memory_space<vmem>>
      %gather3A_655 = tpu.memref_squeeze %gather3A_654 : memref<1x128x32xf32, #tpu.memory_space<vmem>> -> memref<128x32xf32, #tpu.memory_space<vmem>>
      %gather3A_656 = tpu.vector_load_idx %gather3A_655[%add3A_425, %broadcast_in_dim3A_650] : memref<128x32xf32, #tpu.memory_space<vmem>>[vector<16xi32>, vector<16xi32>], vector<16xf32>,
      %gather3A_657 = arith.constant 3 : i32
      %gather3A_658 = arith.constant 0 : i32
      %gather3A_659 = arith.constant 0 : i32
      %gather3A_660 = tpu.memref_slice %arg13[%gather3A_657, %gather3A_658, %gather3A_659] : memref<4x128x32xf32, #tpu.memory_space<vmem>> -> memref<1x128x32xf32, #tpu.memory_space<vmem>>
      %gather3A_661 = tpu.memref_squeeze %gather3A_660 : memref<1x128x32xf32, #tpu.memory_space<vmem>> -> memref<128x32xf32, #tpu.memory_space<vmem>>
      %gather3A_662 = tpu.vector_load_idx %gather3A_661[%add3A_425, %broadcast_in_dim3A_650] : memref<128x32xf32, #tpu.memory_space<vmem>>[vector<16xi32>, vector<16xi32>], vector<16xf32>,
      %mul3A_663 = arith.mulf %gather3A_656, %gather3A_662 : vector<16xf32>
      %add3A_664 = arith.addf %add3A_648, %mul3A_663 : vector<16xf32>
      %broadcast_in_dim3A_665 = arith.constant 15 : i32
      %broadcast_in_dim3A_666 = vector.broadcast %broadcast_in_dim3A_665 : i32 to vector<16xi32>
      %gather3A_667 = arith.constant 3 : i32
      %gather3A_668 = arith.constant 0 : i32
      %gather3A_669 = arith.constant 0 : i32
      %gather3A_670 = tpu.memref_slice %arg12[%gather3A_667, %gather3A_668, %gather3A_669] : memref<4x128x32xf32, #tpu.memory_space<vmem>> -> memref<1x128x32xf32, #tpu.memory_space<vmem>>
      %gather3A_671 = tpu.memref_squeeze %gather3A_670 : memref<1x128x32xf32, #tpu.memory_space<vmem>> -> memref<128x32xf32, #tpu.memory_space<vmem>>
      %gather3A_672 = tpu.vector_load_idx %gather3A_671[%add3A_425, %broadcast_in_dim3A_666] : memref<128x32xf32, #tpu.memory_space<vmem>>[vector<16xi32>, vector<16xi32>], vector<16xf32>,
      %gather3A_673 = arith.constant 3 : i32
      %gather3A_674 = arith.constant 0 : i32
      %gather3A_675 = arith.constant 0 : i32
      %gather3A_676 = tpu.memref_slice %arg13[%gather3A_673, %gather3A_674, %gather3A_675] : memref<4x128x32xf32, #tpu.memory_space<vmem>> -> memref<1x128x32xf32, #tpu.memory_space<vmem>>
      %gather3A_677 = tpu.memref_squeeze %gather3A_676 : memref<1x128x32xf32, #tpu.memory_space<vmem>> -> memref<128x32xf32, #tpu.memory_space<vmem>>
      %gather3A_678 = tpu.vector_load_idx %gather3A_677[%add3A_425, %broadcast_in_dim3A_666] : memref<128x32xf32, #tpu.memory_space<vmem>>[vector<16xi32>, vector<16xi32>], vector<16xf32>,
      %mul3A_679 = arith.mulf %gather3A_672, %gather3A_678 : vector<16xf32>
      %add3A_680 = arith.addf %add3A_664, %mul3A_679 : vector<16xf32>
      %broadcast_in_dim3A_681 = arith.constant 16 : i32
      %broadcast_in_dim3A_682 = vector.broadcast %broadcast_in_dim3A_681 : i32 to vector<16xi32>
      %gather3A_683 = arith.constant 3 : i32
      %gather3A_684 = arith.constant 0 : i32
      %gather3A_685 = arith.constant 0 : i32
      %gather3A_686 = tpu.memref_slice %arg12[%gather3A_683, %gather3A_684, %gather3A_685] : memref<4x128x32xf32, #tpu.memory_space<vmem>> -> memref<1x128x32xf32, #tpu.memory_space<vmem>>
      %gather3A_687 = tpu.memref_squeeze %gather3A_686 : memref<1x128x32xf32, #tpu.memory_space<vmem>> -> memref<128x32xf32, #tpu.memory_space<vmem>>
      %gather3A_688 = tpu.vector_load_idx %gather3A_687[%add3A_425, %broadcast_in_dim3A_682] : memref<128x32xf32, #tpu.memory_space<vmem>>[vector<16xi32>, vector<16xi32>], vector<16xf32>,
      %gather3A_689 = arith.constant 3 : i32
      %gather3A_690 = arith.constant 0 : i32
      %gather3A_691 = arith.constant 0 : i32
      %gather3A_692 = tpu.memref_slice %arg13[%gather3A_689, %gather3A_690, %gather3A_691] : memref<4x128x32xf32, #tpu.memory_space<vmem>> -> memref<1x128x32xf32, #tpu.memory_space<vmem>>
      %gather3A_693 = tpu.memref_squeeze %gather3A_692 : memref<1x128x32xf32, #tpu.memory_space<vmem>> -> memref<128x32xf32, #tpu.memory_space<vmem>>
      %gather3A_694 = tpu.vector_load_idx %gather3A_693[%add3A_425, %broadcast_in_dim3A_682] : memref<128x32xf32, #tpu.memory_space<vmem>>[vector<16xi32>, vector<16xi32>], vector<16xf32>,
      %mul3A_695 = arith.mulf %gather3A_688, %gather3A_694 : vector<16xf32>
      %add3A_696 = arith.addf %add3A_680, %mul3A_695 : vector<16xf32>
      %broadcast_in_dim3A_697 = arith.constant 17 : i32
      %broadcast_in_dim3A_698 = vector.broadcast %broadcast_in_dim3A_697 : i32 to vector<16xi32>
      %gather3A_699 = arith.constant 3 : i32
      %gather3A_700 = arith.constant 0 : i32
      %gather3A_701 = arith.constant 0 : i32
      %gather3A_702 = tpu.memref_slice %arg12[%gather3A_699, %gather3A_700, %gather3A_701] : memref<4x128x32xf32, #tpu.memory_space<vmem>> -> memref<1x128x32xf32, #tpu.memory_space<vmem>>
      %gather3A_703 = tpu.memref_squeeze %gather3A_702 : memref<1x128x32xf32, #tpu.memory_space<vmem>> -> memref<128x32xf32, #tpu.memory_space<vmem>>
      %gather3A_704 = tpu.vector_load_idx %gather3A_703[%add3A_425, %broadcast_in_dim3A_698] : memref<128x32xf32, #tpu.memory_space<vmem>>[vector<16xi32>, vector<16xi32>], vector<16xf32>,
      %gather3A_705 = arith.constant 3 : i32
      %gather3A_706 = arith.constant 0 : i32
      %gather3A_707 = arith.constant 0 : i32
      %gather3A_708 = tpu.memref_slice %arg13[%gather3A_705, %gather3A_706, %gather3A_707] : memref<4x128x32xf32, #tpu.memory_space<vmem>> -> memref<1x128x32xf32, #tpu.memory_space<vmem>>
      %gather3A_709 = tpu.memref_squeeze %gather3A_708 : memref<1x128x32xf32, #tpu.memory_space<vmem>> -> memref<128x32xf32, #tpu.memory_space<vmem>>
      %gather3A_710 = tpu.vector_load_idx %gather3A_709[%add3A_425, %broadcast_in_dim3A_698] : memref<128x32xf32, #tpu.memory_space<vmem>>[vector<16xi32>, vector<16xi32>], vector<16xf32>,
      %mul3A_711 = arith.mulf %gather3A_704, %gather3A_710 : vector<16xf32>
      %add3A_712 = arith.addf %add3A_696, %mul3A_711 : vector<16xf32>
      %broadcast_in_dim3A_713 = arith.constant 18 : i32
      %broadcast_in_dim3A_714 = vector.broadcast %broadcast_in_dim3A_713 : i32 to vector<16xi32>
      %gather3A_715 = arith.constant 3 : i32
      %gather3A_716 = arith.constant 0 : i32
      %gather3A_717 = arith.constant 0 : i32
      %gather3A_718 = tpu.memref_slice %arg12[%gather3A_715, %gather3A_716, %gather3A_717] : memref<4x128x32xf32, #tpu.memory_space<vmem>> -> memref<1x128x32xf32, #tpu.memory_space<vmem>>
      %gather3A_719 = tpu.memref_squeeze %gather3A_718 : memref<1x128x32xf32, #tpu.memory_space<vmem>> -> memref<128x32xf32, #tpu.memory_space<vmem>>
      %gather3A_720 = tpu.vector_load_idx %gather3A_719[%add3A_425, %broadcast_in_dim3A_714] : memref<128x32xf32, #tpu.memory_space<vmem>>[vector<16xi32>, vector<16xi32>], vector<16xf32>,
      %gather3A_721 = arith.constant 3 : i32
      %gather3A_722 = arith.constant 0 : i32
      %gather3A_723 = arith.constant 0 : i32
      %gather3A_724 = tpu.memref_slice %arg13[%gather3A_721, %gather3A_722, %gather3A_723] : memref<4x128x32xf32, #tpu.memory_space<vmem>> -> memref<1x128x32xf32, #tpu.memory_space<vmem>>
      %gather3A_725 = tpu.memref_squeeze %gather3A_724 : memref<1x128x32xf32, #tpu.memory_space<vmem>> -> memref<128x32xf32, #tpu.memory_space<vmem>>
      %gather3A_726 = tpu.vector_load_idx %gather3A_725[%add3A_425, %broadcast_in_dim3A_714] : memref<128x32xf32, #tpu.memory_space<vmem>>[vector<16xi32>, vector<16xi32>], vector<16xf32>,
      %mul3A_727 = arith.mulf %gather3A_720, %gather3A_726 : vector<16xf32>
      %add3A_728 = arith.addf %add3A_712, %mul3A_727 : vector<16xf32>
      %broadcast_in_dim3A_729 = arith.constant 19 : i32
      %broadcast_in_dim3A_730 = vector.broadcast %broadcast_in_dim3A_729 : i32 to vector<16xi32>
      %gather3A_731 = arith.constant 3 : i32
      %gather3A_732 = arith.constant 0 : i32
      %gather3A_733 = arith.constant 0 : i32
      %gather3A_734 = tpu.memref_slice %arg12[%gather3A_731, %gather3A_732, %gather3A_733] : memref<4x128x32xf32, #tpu.memory_space<vmem>> -> memref<1x128x32xf32, #tpu.memory_space<vmem>>
      %gather3A_735 = tpu.memref_squeeze %gather3A_734 : memref<1x128x32xf32, #tpu.memory_space<vmem>> -> memref<128x32xf32, #tpu.memory_space<vmem>>
      %gather3A_736 = tpu.vector_load_idx %gather3A_735[%add3A_425, %broadcast_in_dim3A_730] : memref<128x32xf32, #tpu.memory_space<vmem>>[vector<16xi32>, vector<16xi32>], vector<16xf32>,
      %gather3A_737 = arith.constant 3 : i32
      %gather3A_738 = arith.constant 0 : i32
      %gather3A_739 = arith.constant 0 : i32
      %gather3A_740 = tpu.memref_slice %arg13[%gather3A_737, %gather3A_738, %gather3A_739] : memref<4x128x32xf32, #tpu.memory_space<vmem>> -> memref<1x128x32xf32, #tpu.memory_space<vmem>>
      %gather3A_741 = tpu.memref_squeeze %gather3A_740 : memref<1x128x32xf32, #tpu.memory_space<vmem>> -> memref<128x32xf32, #tpu.memory_space<vmem>>
      %gather3A_742 = tpu.vector_load_idx %gather3A_741[%add3A_425, %broadcast_in_dim3A_730] : memref<128x32xf32, #tpu.memory_space<vmem>>[vector<16xi32>, vector<16xi32>], vector<16xf32>,
      %mul3A_743 = arith.mulf %gather3A_736, %gather3A_742 : vector<16xf32>
      %add3A_744 = arith.addf %add3A_728, %mul3A_743 : vector<16xf32>
      %broadcast_in_dim3A_745 = arith.constant 20 : i32
      %broadcast_in_dim3A_746 = vector.broadcast %broadcast_in_dim3A_745 : i32 to vector<16xi32>
      %gather3A_747 = arith.constant 3 : i32
      %gather3A_748 = arith.constant 0 : i32
      %gather3A_749 = arith.constant 0 : i32
      %gather3A_750 = tpu.memref_slice %arg12[%gather3A_747, %gather3A_748, %gather3A_749] : memref<4x128x32xf32, #tpu.memory_space<vmem>> -> memref<1x128x32xf32, #tpu.memory_space<vmem>>
      %gather3A_751 = tpu.memref_squeeze %gather3A_750 : memref<1x128x32xf32, #tpu.memory_space<vmem>> -> memref<128x32xf32, #tpu.memory_space<vmem>>
      %gather3A_752 = tpu.vector_load_idx %gather3A_751[%add3A_425, %broadcast_in_dim3A_746] : memref<128x32xf32, #tpu.memory_space<vmem>>[vector<16xi32>, vector<16xi32>], vector<16xf32>,
      %gather3A_753 = arith.constant 3 : i32
      %gather3A_754 = arith.constant 0 : i32
      %gather3A_755 = arith.constant 0 : i32
      %gather3A_756 = tpu.memref_slice %arg13[%gather3A_753, %gather3A_754, %gather3A_755] : memref<4x128x32xf32, #tpu.memory_space<vmem>> -> memref<1x128x32xf32, #tpu.memory_space<vmem>>
      %gather3A_757 = tpu.memref_squeeze %gather3A_756 : memref<1x128x32xf32, #tpu.memory_space<vmem>> -> memref<128x32xf32, #tpu.memory_space<vmem>>
      %gather3A_758 = tpu.vector_load_idx %gather3A_757[%add3A_425, %broadcast_in_dim3A_746] : memref<128x32xf32, #tpu.memory_space<vmem>>[vector<16xi32>, vector<16xi32>], vector<16xf32>,
      %mul3A_759 = arith.mulf %gather3A_752, %gather3A_758 : vector<16xf32>
      %add3A_760 = arith.addf %add3A_744, %mul3A_759 : vector<16xf32>
      %broadcast_in_dim3A_761 = arith.constant 21 : i32
      %broadcast_in_dim3A_762 = vector.broadcast %broadcast_in_dim3A_761 : i32 to vector<16xi32>
      %gather3A_763 = arith.constant 3 : i32
      %gather3A_764 = arith.constant 0 : i32
      %gather3A_765 = arith.constant 0 : i32
      %gather3A_766 = tpu.memref_slice %arg12[%gather3A_763, %gather3A_764, %gather3A_765] : memref<4x128x32xf32, #tpu.memory_space<vmem>> -> memref<1x128x32xf32, #tpu.memory_space<vmem>>
      %gather3A_767 = tpu.memref_squeeze %gather3A_766 : memref<1x128x32xf32, #tpu.memory_space<vmem>> -> memref<128x32xf32, #tpu.memory_space<vmem>>
      %gather3A_768 = tpu.vector_load_idx %gather3A_767[%add3A_425, %broadcast_in_dim3A_762] : memref<128x32xf32, #tpu.memory_space<vmem>>[vector<16xi32>, vector<16xi32>], vector<16xf32>,
      %gather3A_769 = arith.constant 3 : i32
      %gather3A_770 = arith.constant 0 : i32
      %gather3A_771 = arith.constant 0 : i32
      %gather3A_772 = tpu.memref_slice %arg13[%gather3A_769, %gather3A_770, %gather3A_771] : memref<4x128x32xf32, #tpu.memory_space<vmem>> -> memref<1x128x32xf32, #tpu.memory_space<vmem>>
      %gather3A_773 = tpu.memref_squeeze %gather3A_772 : memref<1x128x32xf32, #tpu.memory_space<vmem>> -> memref<128x32xf32, #tpu.memory_space<vmem>>
      %gather3A_774 = tpu.vector_load_idx %gather3A_773[%add3A_425, %broadcast_in_dim3A_762] : memref<128x32xf32, #tpu.memory_space<vmem>>[vector<16xi32>, vector<16xi32>], vector<16xf32>,
      %mul3A_775 = arith.mulf %gather3A_768, %gather3A_774 : vector<16xf32>
      %add3A_776 = arith.addf %add3A_760, %mul3A_775 : vector<16xf32>
      %broadcast_in_dim3A_777 = arith.constant 22 : i32
      %broadcast_in_dim3A_778 = vector.broadcast %broadcast_in_dim3A_777 : i32 to vector<16xi32>
      %gather3A_779 = arith.constant 3 : i32
      %gather3A_780 = arith.constant 0 : i32
      %gather3A_781 = arith.constant 0 : i32
      %gather3A_782 = tpu.memref_slice %arg12[%gather3A_779, %gather3A_780, %gather3A_781] : memref<4x128x32xf32, #tpu.memory_space<vmem>> -> memref<1x128x32xf32, #tpu.memory_space<vmem>>
      %gather3A_783 = tpu.memref_squeeze %gather3A_782 : memref<1x128x32xf32, #tpu.memory_space<vmem>> -> memref<128x32xf32, #tpu.memory_space<vmem>>
      %gather3A_784 = tpu.vector_load_idx %gather3A_783[%add3A_425, %broadcast_in_dim3A_778] : memref<128x32xf32, #tpu.memory_space<vmem>>[vector<16xi32>, vector<16xi32>], vector<16xf32>,
      %gather3A_785 = arith.constant 3 : i32
      %gather3A_786 = arith.constant 0 : i32
      %gather3A_787 = arith.constant 0 : i32
      %gather3A_788 = tpu.memref_slice %arg13[%gather3A_785, %gather3A_786, %gather3A_787] : memref<4x128x32xf32, #tpu.memory_space<vmem>> -> memref<1x128x32xf32, #tpu.memory_space<vmem>>
      %gather3A_789 = tpu.memref_squeeze %gather3A_788 : memref<1x128x32xf32, #tpu.memory_space<vmem>> -> memref<128x32xf32, #tpu.memory_space<vmem>>
      %gather3A_790 = tpu.vector_load_idx %gather3A_789[%add3A_425, %broadcast_in_dim3A_778] : memref<128x32xf32, #tpu.memory_space<vmem>>[vector<16xi32>, vector<16xi32>], vector<16xf32>,
      %mul3A_791 = arith.mulf %gather3A_784, %gather3A_790 : vector<16xf32>
      %add3A_792 = arith.addf %add3A_776, %mul3A_791 : vector<16xf32>
      %broadcast_in_dim3A_793 = arith.constant 23 : i32
      %broadcast_in_dim3A_794 = vector.broadcast %broadcast_in_dim3A_793 : i32 to vector<16xi32>
      %gather3A_795 = arith.constant 3 : i32
      %gather3A_796 = arith.constant 0 : i32
      %gather3A_797 = arith.constant 0 : i32
      %gather3A_798 = tpu.memref_slice %arg12[%gather3A_795, %gather3A_796, %gather3A_797] : memref<4x128x32xf32, #tpu.memory_space<vmem>> -> memref<1x128x32xf32, #tpu.memory_space<vmem>>
      %gather3A_799 = tpu.memref_squeeze %gather3A_798 : memref<1x128x32xf32, #tpu.memory_space<vmem>> -> memref<128x32xf32, #tpu.memory_space<vmem>>
      %gather3A_800 = tpu.vector_load_idx %gather3A_799[%add3A_425, %broadcast_in_dim3A_794] : memref<128x32xf32, #tpu.memory_space<vmem>>[vector<16xi32>, vector<16xi32>], vector<16xf32>,
      %gather3A_801 = arith.constant 3 : i32
      %gather3A_802 = arith.constant 0 : i32
      %gather3A_803 = arith.constant 0 : i32
      %gather3A_804 = tpu.memref_slice %arg13[%gather3A_801, %gather3A_802, %gather3A_803] : memref<4x128x32xf32, #tpu.memory_space<vmem>> -> memref<1x128x32xf32, #tpu.memory_space<vmem>>
      %gather3A_805 = tpu.memref_squeeze %gather3A_804 : memref<1x128x32xf32, #tpu.memory_space<vmem>> -> memref<128x32xf32, #tpu.memory_space<vmem>>
      %gather3A_806 = tpu.vector_load_idx %gather3A_805[%add3A_425, %broadcast_in_dim3A_794] : memref<128x32xf32, #tpu.memory_space<vmem>>[vector<16xi32>, vector<16xi32>], vector<16xf32>,
      %mul3A_807 = arith.mulf %gather3A_800, %gather3A_806 : vector<16xf32>
      %add3A_808 = arith.addf %add3A_792, %mul3A_807 : vector<16xf32>
      %broadcast_in_dim3A_809 = arith.constant 24 : i32
      %broadcast_in_dim3A_810 = vector.broadcast %broadcast_in_dim3A_809 : i32 to vector<16xi32>
      %gather3A_811 = arith.constant 3 : i32
      %gather3A_812 = arith.constant 0 : i32
      %gather3A_813 = arith.constant 0 : i32
      %gather3A_814 = tpu.memref_slice %arg12[%gather3A_811, %gather3A_812, %gather3A_813] : memref<4x128x32xf32, #tpu.memory_space<vmem>> -> memref<1x128x32xf32, #tpu.memory_space<vmem>>
      %gather3A_815 = tpu.memref_squeeze %gather3A_814 : memref<1x128x32xf32, #tpu.memory_space<vmem>> -> memref<128x32xf32, #tpu.memory_space<vmem>>
      %gather3A_816 = tpu.vector_load_idx %gather3A_815[%add3A_425, %broadcast_in_dim3A_810] : memref<128x32xf32, #tpu.memory_space<vmem>>[vector<16xi32>, vector<16xi32>], vector<16xf32>,
      %gather3A_817 = arith.constant 3 : i32
      %gather3A_818 = arith.constant 0 : i32
      %gather3A_819 = arith.constant 0 : i32
      %gather3A_820 = tpu.memref_slice %arg13[%gather3A_817, %gather3A_818, %gather3A_819] : memref<4x128x32xf32, #tpu.memory_space<vmem>> -> memref<1x128x32xf32, #tpu.memory_space<vmem>>
      %gather3A_821 = tpu.memref_squeeze %gather3A_820 : memref<1x128x32xf32, #tpu.memory_space<vmem>> -> memref<128x32xf32, #tpu.memory_space<vmem>>
      %gather3A_822 = tpu.vector_load_idx %gather3A_821[%add3A_425, %broadcast_in_dim3A_810] : memref<128x32xf32, #tpu.memory_space<vmem>>[vector<16xi32>, vector<16xi32>], vector<16xf32>,
      %mul3A_823 = arith.mulf %gather3A_816, %gather3A_822 : vector<16xf32>
      %add3A_824 = arith.addf %add3A_808, %mul3A_823 : vector<16xf32>
      %broadcast_in_dim3A_825 = arith.constant 25 : i32
      %broadcast_in_dim3A_826 = vector.broadcast %broadcast_in_dim3A_825 : i32 to vector<16xi32>
      %gather3A_827 = arith.constant 3 : i32
      %gather3A_828 = arith.constant 0 : i32
      %gather3A_829 = arith.constant 0 : i32
      %gather3A_830 = tpu.memref_slice %arg12[%gather3A_827, %gather3A_828, %gather3A_829] : memref<4x128x32xf32, #tpu.memory_space<vmem>> -> memref<1x128x32xf32, #tpu.memory_space<vmem>>
      %gather3A_831 = tpu.memref_squeeze %gather3A_830 : memref<1x128x32xf32, #tpu.memory_space<vmem>> -> memref<128x32xf32, #tpu.memory_space<vmem>>
      %gather3A_832 = tpu.vector_load_idx %gather3A_831[%add3A_425, %broadcast_in_dim3A_826] : memref<128x32xf32, #tpu.memory_space<vmem>>[vector<16xi32>, vector<16xi32>], vector<16xf32>,
      %gather3A_833 = arith.constant 3 : i32
      %gather3A_834 = arith.constant 0 : i32
      %gather3A_835 = arith.constant 0 : i32
      %gather3A_836 = tpu.memref_slice %arg13[%gather3A_833, %gather3A_834, %gather3A_835] : memref<4x128x32xf32, #tpu.memory_space<vmem>> -> memref<1x128x32xf32, #tpu.memory_space<vmem>>
      %gather3A_837 = tpu.memref_squeeze %gather3A_836 : memref<1x128x32xf32, #tpu.memory_space<vmem>> -> memref<128x32xf32, #tpu.memory_space<vmem>>
      %gather3A_838 = tpu.vector_load_idx %gather3A_837[%add3A_425, %broadcast_in_dim3A_826] : memref<128x32xf32, #tpu.memory_space<vmem>>[vector<16xi32>, vector<16xi32>], vector<16xf32>,
      %mul3A_839 = arith.mulf %gather3A_832, %gather3A_838 : vector<16xf32>
      %add3A_840 = arith.addf %add3A_824, %mul3A_839 : vector<16xf32>
      %broadcast_in_dim3A_841 = arith.constant 26 : i32
      %broadcast_in_dim3A_842 = vector.broadcast %broadcast_in_dim3A_841 : i32 to vector<16xi32>
      %gather3A_843 = arith.constant 3 : i32
      %gather3A_844 = arith.constant 0 : i32
      %gather3A_845 = arith.constant 0 : i32
      %gather3A_846 = tpu.memref_slice %arg12[%gather3A_843, %gather3A_844, %gather3A_845] : memref<4x128x32xf32, #tpu.memory_space<vmem>> -> memref<1x128x32xf32, #tpu.memory_space<vmem>>
      %gather3A_847 = tpu.memref_squeeze %gather3A_846 : memref<1x128x32xf32, #tpu.memory_space<vmem>> -> memref<128x32xf32, #tpu.memory_space<vmem>>
      %gather3A_848 = tpu.vector_load_idx %gather3A_847[%add3A_425, %broadcast_in_dim3A_842] : memref<128x32xf32, #tpu.memory_space<vmem>>[vector<16xi32>, vector<16xi32>], vector<16xf32>,
      %gather3A_849 = arith.constant 3 : i32
      %gather3A_850 = arith.constant 0 : i32
      %gather3A_851 = arith.constant 0 : i32
      %gather3A_852 = tpu.memref_slice %arg13[%gather3A_849, %gather3A_850, %gather3A_851] : memref<4x128x32xf32, #tpu.memory_space<vmem>> -> memref<1x128x32xf32, #tpu.memory_space<vmem>>
      %gather3A_853 = tpu.memref_squeeze %gather3A_852 : memref<1x128x32xf32, #tpu.memory_space<vmem>> -> memref<128x32xf32, #tpu.memory_space<vmem>>
      %gather3A_854 = tpu.vector_load_idx %gather3A_853[%add3A_425, %broadcast_in_dim3A_842] : memref<128x32xf32, #tpu.memory_space<vmem>>[vector<16xi32>, vector<16xi32>], vector<16xf32>,
      %mul3A_855 = arith.mulf %gather3A_848, %gather3A_854 : vector<16xf32>
      %add3A_856 = arith.addf %add3A_840, %mul3A_855 : vector<16xf32>
      %broadcast_in_dim3A_857 = arith.constant 27 : i32
      %broadcast_in_dim3A_858 = vector.broadcast %broadcast_in_dim3A_857 : i32 to vector<16xi32>
      %gather3A_859 = arith.constant 3 : i32
      %gather3A_860 = arith.constant 0 : i32
      %gather3A_861 = arith.constant 0 : i32
      %gather3A_862 = tpu.memref_slice %arg12[%gather3A_859, %gather3A_860, %gather3A_861] : memref<4x128x32xf32, #tpu.memory_space<vmem>> -> memref<1x128x32xf32, #tpu.memory_space<vmem>>
      %gather3A_863 = tpu.memref_squeeze %gather3A_862 : memref<1x128x32xf32, #tpu.memory_space<vmem>> -> memref<128x32xf32, #tpu.memory_space<vmem>>
      %gather3A_864 = tpu.vector_load_idx %gather3A_863[%add3A_425, %broadcast_in_dim3A_858] : memref<128x32xf32, #tpu.memory_space<vmem>>[vector<16xi32>, vector<16xi32>], vector<16xf32>,
      %gather3A_865 = arith.constant 3 : i32
      %gather3A_866 = arith.constant 0 : i32
      %gather3A_867 = arith.constant 0 : i32
      %gather3A_868 = tpu.memref_slice %arg13[%gather3A_865, %gather3A_866, %gather3A_867] : memref<4x128x32xf32, #tpu.memory_space<vmem>> -> memref<1x128x32xf32, #tpu.memory_space<vmem>>
      %gather3A_869 = tpu.memref_squeeze %gather3A_868 : memref<1x128x32xf32, #tpu.memory_space<vmem>> -> memref<128x32xf32, #tpu.memory_space<vmem>>
      %gather3A_870 = tpu.vector_load_idx %gather3A_869[%add3A_425, %broadcast_in_dim3A_858] : memref<128x32xf32, #tpu.memory_space<vmem>>[vector<16xi32>, vector<16xi32>], vector<16xf32>,
      %mul3A_871 = arith.mulf %gather3A_864, %gather3A_870 : vector<16xf32>
      %add3A_872 = arith.addf %add3A_856, %mul3A_871 : vector<16xf32>
      %broadcast_in_dim3A_873 = arith.constant 28 : i32
      %broadcast_in_dim3A_874 = vector.broadcast %broadcast_in_dim3A_873 : i32 to vector<16xi32>
      %gather3A_875 = arith.constant 3 : i32
      %gather3A_876 = arith.constant 0 : i32
      %gather3A_877 = arith.constant 0 : i32
      %gather3A_878 = tpu.memref_slice %arg12[%gather3A_875, %gather3A_876, %gather3A_877] : memref<4x128x32xf32, #tpu.memory_space<vmem>> -> memref<1x128x32xf32, #tpu.memory_space<vmem>>
      %gather3A_879 = tpu.memref_squeeze %gather3A_878 : memref<1x128x32xf32, #tpu.memory_space<vmem>> -> memref<128x32xf32, #tpu.memory_space<vmem>>
      %gather3A_880 = tpu.vector_load_idx %gather3A_879[%add3A_425, %broadcast_in_dim3A_874] : memref<128x32xf32, #tpu.memory_space<vmem>>[vector<16xi32>, vector<16xi32>], vector<16xf32>,
      %gather3A_881 = arith.constant 3 : i32
      %gather3A_882 = arith.constant 0 : i32
      %gather3A_883 = arith.constant 0 : i32
      %gather3A_884 = tpu.memref_slice %arg13[%gather3A_881, %gather3A_882, %gather3A_883] : memref<4x128x32xf32, #tpu.memory_space<vmem>> -> memref<1x128x32xf32, #tpu.memory_space<vmem>>
      %gather3A_885 = tpu.memref_squeeze %gather3A_884 : memref<1x128x32xf32, #tpu.memory_space<vmem>> -> memref<128x32xf32, #tpu.memory_space<vmem>>
      %gather3A_886 = tpu.vector_load_idx %gather3A_885[%add3A_425, %broadcast_in_dim3A_874] : memref<128x32xf32, #tpu.memory_space<vmem>>[vector<16xi32>, vector<16xi32>], vector<16xf32>,
      %mul3A_887 = arith.mulf %gather3A_880, %gather3A_886 : vector<16xf32>
      %add3A_888 = arith.addf %add3A_872, %mul3A_887 : vector<16xf32>
      %broadcast_in_dim3A_889 = arith.constant 29 : i32
      %broadcast_in_dim3A_890 = vector.broadcast %broadcast_in_dim3A_889 : i32 to vector<16xi32>
      %gather3A_891 = arith.constant 3 : i32
      %gather3A_892 = arith.constant 0 : i32
      %gather3A_893 = arith.constant 0 : i32
      %gather3A_894 = tpu.memref_slice %arg12[%gather3A_891, %gather3A_892, %gather3A_893] : memref<4x128x32xf32, #tpu.memory_space<vmem>> -> memref<1x128x32xf32, #tpu.memory_space<vmem>>
      %gather3A_895 = tpu.memref_squeeze %gather3A_894 : memref<1x128x32xf32, #tpu.memory_space<vmem>> -> memref<128x32xf32, #tpu.memory_space<vmem>>
      %gather3A_896 = tpu.vector_load_idx %gather3A_895[%add3A_425, %broadcast_in_dim3A_890] : memref<128x32xf32, #tpu.memory_space<vmem>>[vector<16xi32>, vector<16xi32>], vector<16xf32>,
      %gather3A_897 = arith.constant 3 : i32
      %gather3A_898 = arith.constant 0 : i32
      %gather3A_899 = arith.constant 0 : i32
      %gather3A_900 = tpu.memref_slice %arg13[%gather3A_897, %gather3A_898, %gather3A_899] : memref<4x128x32xf32, #tpu.memory_space<vmem>> -> memref<1x128x32xf32, #tpu.memory_space<vmem>>
      %gather3A_901 = tpu.memref_squeeze %gather3A_900 : memref<1x128x32xf32, #tpu.memory_space<vmem>> -> memref<128x32xf32, #tpu.memory_space<vmem>>
      %gather3A_902 = tpu.vector_load_idx %gather3A_901[%add3A_425, %broadcast_in_dim3A_890] : memref<128x32xf32, #tpu.memory_space<vmem>>[vector<16xi32>, vector<16xi32>], vector<16xf32>,
      %mul3A_903 = arith.mulf %gather3A_896, %gather3A_902 : vector<16xf32>
      %add3A_904 = arith.addf %add3A_888, %mul3A_903 : vector<16xf32>
      %broadcast_in_dim3A_905 = arith.constant 30 : i32
      %broadcast_in_dim3A_906 = vector.broadcast %broadcast_in_dim3A_905 : i32 to vector<16xi32>
      %gather3A_907 = arith.constant 3 : i32
      %gather3A_908 = arith.constant 0 : i32
      %gather3A_909 = arith.constant 0 : i32
      %gather3A_910 = tpu.memref_slice %arg12[%gather3A_907, %gather3A_908, %gather3A_909] : memref<4x128x32xf32, #tpu.memory_space<vmem>> -> memref<1x128x32xf32, #tpu.memory_space<vmem>>
      %gather3A_911 = tpu.memref_squeeze %gather3A_910 : memref<1x128x32xf32, #tpu.memory_space<vmem>> -> memref<128x32xf32, #tpu.memory_space<vmem>>
      %gather3A_912 = tpu.vector_load_idx %gather3A_911[%add3A_425, %broadcast_in_dim3A_906] : memref<128x32xf32, #tpu.memory_space<vmem>>[vector<16xi32>, vector<16xi32>], vector<16xf32>,
      %gather3A_913 = arith.constant 3 : i32
      %gather3A_914 = arith.constant 0 : i32
      %gather3A_915 = arith.constant 0 : i32
      %gather3A_916 = tpu.memref_slice %arg13[%gather3A_913, %gather3A_914, %gather3A_915] : memref<4x128x32xf32, #tpu.memory_space<vmem>> -> memref<1x128x32xf32, #tpu.memory_space<vmem>>
      %gather3A_917 = tpu.memref_squeeze %gather3A_916 : memref<1x128x32xf32, #tpu.memory_space<vmem>> -> memref<128x32xf32, #tpu.memory_space<vmem>>
      %gather3A_918 = tpu.vector_load_idx %gather3A_917[%add3A_425, %broadcast_in_dim3A_906] : memref<128x32xf32, #tpu.memory_space<vmem>>[vector<16xi32>, vector<16xi32>], vector<16xf32>,
      %mul3A_919 = arith.mulf %gather3A_912, %gather3A_918 : vector<16xf32>
      %add3A_920 = arith.addf %add3A_904, %mul3A_919 : vector<16xf32>
      %broadcast_in_dim3A_921 = arith.constant 31 : i32
      %broadcast_in_dim3A_922 = vector.broadcast %broadcast_in_dim3A_921 : i32 to vector<16xi32>
      %gather3A_923 = arith.constant 3 : i32
      %gather3A_924 = arith.constant 0 : i32
      %gather3A_925 = arith.constant 0 : i32
      %gather3A_926 = tpu.memref_slice %arg12[%gather3A_923, %gather3A_924, %gather3A_925] : memref<4x128x32xf32, #tpu.memory_space<vmem>> -> memref<1x128x32xf32, #tpu.memory_space<vmem>>
      %gather3A_927 = tpu.memref_squeeze %gather3A_926 : memref<1x128x32xf32, #tpu.memory_space<vmem>> -> memref<128x32xf32, #tpu.memory_space<vmem>>
      %gather3A_928 = tpu.vector_load_idx %gather3A_927[%add3A_425, %broadcast_in_dim3A_922] : memref<128x32xf32, #tpu.memory_space<vmem>>[vector<16xi32>, vector<16xi32>], vector<16xf32>,
      %gather3A_929 = arith.constant 3 : i32
      %gather3A_930 = arith.constant 0 : i32
      %gather3A_931 = arith.constant 0 : i32
      %gather3A_932 = tpu.memref_slice %arg13[%gather3A_929, %gather3A_930, %gather3A_931] : memref<4x128x32xf32, #tpu.memory_space<vmem>> -> memref<1x128x32xf32, #tpu.memory_space<vmem>>
      %gather3A_933 = tpu.memref_squeeze %gather3A_932 : memref<1x128x32xf32, #tpu.memory_space<vmem>> -> memref<128x32xf32, #tpu.memory_space<vmem>>
      %gather3A_934 = tpu.vector_load_idx %gather3A_933[%add3A_425, %broadcast_in_dim3A_922] : memref<128x32xf32, #tpu.memory_space<vmem>>[vector<16xi32>, vector<16xi32>], vector<16xf32>,
      %mul3A_935 = arith.mulf %gather3A_928, %gather3A_934 : vector<16xf32>
      %add3A_936 = arith.addf %add3A_920, %mul3A_935 : vector<16xf32>
      %mul3A_937 = arith.constant 16 : i32
      %mul3A_938 = arith.muli %scan3A_405, %mul3A_937 : i32
      %add3A_939 = arith.constant 384 : i32
      %add3A_940 = arith.addi %add3A_939, %mul3A_938 : i32
      %swap3A = arith.index_cast %add3A_940 : i32 to index
      %swap3A_941 = tpu.vector_load %arg17[%swap3A] {strides = array<i32>} : memref<512xf32, #tpu.memory_space<vmem>>, vector<16xf32>,
      tpu.vector_store %arg17[%swap3A], %add3A_936 {strides = array<i32>} : memref<512xf32, #tpu.memory_space<vmem>>, vector<16xf32>,
    }
    %scan3A_404 = arith.constant 8 : i32
    "tpu.region"() ({
      %run_scoped3A_405 = tpu.sem_alloc : memref<!tpu.dma_semaphore, #tpu.memory_space<semaphore_mem>>
      %dma_start3A_406 = tpu.memref_slice %arg9[%mul3A_2] : memref<16384xf32, #tpu.memory_space<hbm>> -> memref<512xf32, #tpu.memory_space<hbm>>
      %dma_start3A_407 = tpu.memref_slice %arg9[%mul3A_2] : memref<16384xf32, #tpu.memory_space<hbm>> -> memref<512xf32, #tpu.memory_space<hbm>>
      tpu.enqueue_dma source(%arg17 : memref<512xf32, #tpu.memory_space<vmem>>) target(%dma_start3A_407 : memref<512xf32, #tpu.memory_space<hbm>>) target_semaphore(%run_scoped3A_405 : memref<!tpu.dma_semaphore, #tpu.memory_space<semaphore_mem>>)
      %dma_wait3A_408 = tpu.memref_slice %arg9[%mul3A_2] : memref<16384xf32, #tpu.memory_space<hbm>> -> memref<512xf32, #tpu.memory_space<hbm>>
      %dma_wait3A_409 = tpu.memref_slice %arg9[%mul3A_2] : memref<16384xf32, #tpu.memory_space<hbm>> -> memref<512xf32, #tpu.memory_space<hbm>>
      tpu.wait_dma2 semaphore(%run_scoped3A_405 : memref<!tpu.dma_semaphore, #tpu.memory_space<semaphore_mem>>) src(%arg17 : memref<512xf32, #tpu.memory_space<vmem>>) dst(%dma_wait3A_409 : memref<512xf32, #tpu.memory_space<hbm>>)
      tpu.yield
    }) : () -> ()
    return
  }
}

</mosaic_0001>

<sc_bundles>
// kernel: _mf_sc.3.cloned.1.call-start
scs
__scs_entry_jumppad:
0x0: {  	(pc) =	sbr.rel $0x88, $3  }
0x1: {  	(tag) =	ssettag $0x0;
	lr =	simm.s32 $0x1  }
0x2: {  	[smem:$0x3F9A] =	sst lr;
	_ =	strace $0xD0000000  }
0x3: {  	_ = 	snop  }
0x4: {  	_ = 	snop  }
0x5: {  	_ = 	snop  }
0x6: {  	_ = 	snop  }
0x7: {  	_ = 	snop  }
__scs_overlays_trampoline_lowered:
0x8: {  	[smem:$0x3FA9] =	sst s0  }
0x9: {  	[smem:$0x3FAA] =	sst s1  }
0xa: {  	[smem:$0x3FAB] =	sst s2  }
0xb: {  	[smem:$0x3FAC] =	sst s3  }
0xc: {  	[smem:$0x3FAD] =	sst s4  }
0xd: {  	[smem:$0x3FAE] =	sst s5  }
0xe: {  	[smem:$0x3FAF] =	sst s6  }
0xf: {  	[smem:$0x3FB0] =	sst s7  }
0x10: {  	[smem:$0x3FB1] =	sst s8  }
0x11: {  	[smem:$0x3FB2] =	sst s9;
	s0 =	simm.s32 @!p0 $0x0  }
0x12: {  	s1 =	sld [smem:$0x3F98];
	s0 =	simm.s32 @p0 $0x1  }
0x13: {  	[smem:$0x3FB3] =	sst s0;
	s0 =	simm.s32 @!p1 $0x0  }
0x14: {  	s2 =	sld [smem:$0x3F97];
	s0 =	simm.s32 @p1 $0x1  }
0x15: {  	[smem:$0x3FB4] =	sst s0;
	s0 =	simm.s32 @!p2 $0x0  }
0x16: {  	s3 =	sld [smem:$0x3FDB];
	s0 =	simm.s32 @p2 $0x1  }
0x17: {  	s4 =	simm.s32 $0x1BF5;
	[smem:$0x3FB6] =	sst s0  }
0x18: {  	s0 =	sld [smem:$0x3F99];
	_ =	swait.ge [sflag:s4], $0x0  }
0x19: {  	s7 =	sld [smem:$0x3F9A]  }
0x1a: {  	s8 =	sadd.s32 $0xFFFFE003, lr  }
0x1b: {  	s9 =	sadd.s32 $0xFFFFFEF7, lr;
	s5 =	simm.s32 $0xFFFFFFFF;
	p2 =	slt.u32 s8, $0xFFFFF086  }
0x1c: {  	p1 =	slt.u32 s9, $0xF7A;
	s5 =	simm.s32 @!p2 $0x0  }
0x1d: {  	s5 =	simm.s32 @p1 $0x1;
	p0 =	seq.s32 s7, s2  }
0x1e: {  	s7 =	smul.u32 @!p0 $0xF7A, s2;
	p2 =	seq.s32 @!p0 s5, $0x0  }
0x1f: {  	s9 =	smul.u32 $0xF7A, s1;
	s8 =	simm.s32 @!p0 $0x1BF5;
	p2 =	por !p2, p0  }
0x20: {  	[sflag:s8] =	ssyncset.s32 @!p0 $0xFFFFF086;
	s6 =	sadd.s32 @!p0 s3, s7;
	s7 =	simm.s32 @!p0 $0x108  }
0x21: {  	s3 =	sadd.s32 s3, s9;
	s6 =	sadd.s32 @!p0 $0x88, s6;
	s7 =	simm.s32 @p2 $0x1082  }
0x22: {  	[simem:s7], [sflag:s8] =	dma.local @!p0 [hbm:s6], $0xF7A  }
0x23: {  	s9 =	sor.u32 $0xD0000000, s2;
	s6 =	simm.s32 $0x108;
	_ =	swait.ge @!p0 [sflag:s8], $0x0  }
0x24: {  	s3 =	sadd.s32 $0x88, s3;
	s6 =	simm.s32 @!p1 $0x1082;
	[sflag:s4] =	ssyncset.s32 $0xFFFFF086  }
0x25: {  	[simem:s6], [sflag:s4] =	dma.local [hbm:s3], $0xF7A  }
0x26: {  	[smem:$0x3F9A] =	sst s1;
	(tag) =	ssettag s2;
	_ =	strace s9  }
0x27: {  	s1 =	sld [smem:$0x3FAA]  }
0x28: {  	s2 =	sld [smem:$0x3FAB]  }
0x29: {  	s4 =	sld [smem:$0x3FAD]  }
0x2a: {  	p0 =	seq.s32 s5, $0x0;
	s5 =	sld [smem:$0x3FAE]  }
0x2b: {  	s6 =	sld [smem:$0x3FAF]  }
0x2c: {  	s7 =	sld [smem:$0x3FB0]  }
0x2d: {  	s3 =	simm.s32 $0x108;
	s8 =	sld [smem:$0x3FB1]  }
0x2e: {  	s3 =	simm.s32 @!p0 $0x1082;
	s9 =	sld [smem:$0x3FB2]  }
0x2f: {  	lr =	sadd.s32 s0, s3;
	s0 =	sld [smem:$0x3FA9]  }
0x30: {  	s3 =	sld [smem:$0x3FAC]  }
0x31: {  	[smem:$0x3FB5] =	sst s10  }
0x32: {  	s10 =	sld [smem:$0x3FB3];
	_ =	sdelay $0x3  }
0x33: {  	p0 =	seq.s32 s10, $0x1;
	s10 =	sld [smem:$0x3FB5];
	_ =	sdelay $0x3  }
0x34: {  	[smem:$0x3FB5] =	sst s10  }
0x35: {  	s10 =	sld [smem:$0x3FB4];
	_ =	sdelay $0x3  }
0x36: {  	p1 =	seq.s32 s10, $0x1;
	s10 =	sld [smem:$0x3FB5];
	_ =	sdelay $0x3  }
0x37: {  	[smem:$0x3FB5] =	sst s10  }
0x38: {  	s10 =	sld [smem:$0x3FB6]  }
0x39: {  	_ = 	snop;
	(pc) =	sbr.ind lr, $3  }
0x3a: {  	_ = 	snop  }
0x3b: {  	_ = 	snop  }
0x3c: {  	p2 =	seq.s32 s10, $0x1;
	s10 =	sld [smem:$0x3FB5]  }
0x3d: {  	_ =	shalt  }
0x3e: {  	_ =	shalt  }
0x3f: {  	_ =	shalt  }
0x40: {  	_ =	shalt  }
0x41: {  	_ =	shalt  }
0x42: {  	_ =	shalt  }
0x43: {  	_ =	shalt  }
0x44: {  	_ =	shalt  }
0x45: {  	_ =	shalt  }
0x46: {  	_ =	shalt  }
0x47: {  	_ =	shalt  }
0x48: {  	_ =	shalt  }
0x49: {  	_ =	shalt  }
0x4a: {  	_ =	shalt  }
0x4b: {  	_ =	shalt  }
0x4c: {  	_ =	shalt  }
0x4d: {  	_ =	shalt  }
0x4e: {  	_ =	shalt  }
0x4f: {  	_ =	shalt  }
0x50: {  	_ =	shalt  }
0x51: {  	_ =	shalt  }
0x52: {  	_ =	shalt  }
0x53: {  	_ =	shalt  }
0x54: {  	_ =	shalt  }
0x55: {  	_ =	shalt  }
0x56: {  	_ =	shalt  }
0x57: {  	_ =	shalt  }
0x58: {  	_ =	shalt  }
0x59: {  	_ =	shalt  }
0x5a: {  	_ =	shalt  }
0x5b: {  	_ =	shalt  }
0x5c: {  	_ =	shalt  }
0x5d: {  	_ =	shalt  }
0x5e: {  	_ =	shalt  }
0x5f: {  	_ =	shalt  }
0x60: {  	_ =	shalt  }
0x61: {  	_ =	shalt  }
0x62: {  	_ =	shalt  }
0x63: {  	_ =	shalt  }
0x64: {  	_ =	shalt  }
0x65: {  	_ =	shalt  }
0x66: {  	_ =	shalt  }
0x67: {  	_ =	shalt  }
0x68: {  	_ =	shalt  }
0x69: {  	_ =	shalt  }
0x6a: {  	_ =	shalt  }
0x6b: {  	_ =	shalt  }
0x6c: {  	_ =	shalt  }
0x6d: {  	_ =	shalt  }
0x6e: {  	_ =	shalt  }
0x6f: {  	_ =	shalt  }
0x70: {  	_ =	shalt  }
0x71: {  	_ =	shalt  }
0x72: {  	_ =	shalt  }
0x73: {  	_ =	shalt  }
0x74: {  	_ =	shalt  }
0x75: {  	_ =	shalt  }
0x76: {  	_ =	shalt  }
0x77: {  	_ =	shalt  }
0x78: {  	_ =	shalt  }
0x79: {  	_ =	shalt  }
0x7a: {  	_ =	shalt  }
0x7b: {  	_ =	shalt  }
0x7c: {  	_ =	shalt  }
0x7d: {  	_ =	shalt  }
0x7e: {  	_ =	shalt  }
0x7f: {  	_ =	shalt  }
0x80: {  	_ =	shalt  }
0x81: {  	_ =	shalt  }
0x82: {  	_ =	shalt  }
0x83: {  	_ =	shalt  }
0x84: {  	_ =	shalt  }
0x85: {  	_ =	shalt  }
0x86: {  	_ =	shalt  }
0x87: {  	_ =	shalt  }
.Lfunc_end0:
.L_simem_size_0:
called_computation_lowered:
.L_overlay_start_0:
0x88: {  	s2 =	sld [smem:$0x3FD9]  }
0x89: {  	s3 =	sld [smem:$0x3FFE];
	_ =	sdelay $0x1  }
0x8a: {  	s1 =	srdreg.scid  }
0x8b: {  	s0 =	sand.u32 $0x1, s1  }
0x8c: {  	s17 =	sshll.u32 s0, $0xA;
	s2 =	sadd.s32 s3, s2  }
0x8d: {  	s2 =	sadd.s32 s2, s17  }
0x8e: {  	[smem:$0x3FC1] =	sst s2  }
0x8f: {  	_ = 	snop  }
0x90: {  	s2 =	sld [smem:$0x3FC9]  }
0x91: {  	s18 =	sld [smem:$0x3FC8]  }
0x92: {  	s4 =	sld [smem:$0x3FC3]  }
0x93: {  	s5 =	sld [smem:$0x3FD0];
	(tm) =	ssettm $0x1  }
0x94: {  	s6 =	sld [smem:$0x3FFB];
	_ =	sdelay $0x3  }
0x95: {  	_ =	strace s6  }
0x96: {  	s6 =	sld [smem:$0x3FFC];
	_ =	sdelay $0x3  }
0x97: {  	_ =	strace s6  }
0x98: {  	s6 =	sld [smem:$0x3FFD];
	_ =	sdelay $0x3  }
0x99: {  	_ =	strace s6  }
0x9a: {  	_ =	strace $0x8FFFFFFF  }
0x9b: {  	s19 =	sld [smem:$0x3FDB];
	_ =	sdelay $0x1  }
0x9c: {  	s7 =	simm.s32 $_scs_section_size  }
0x9d: {  	s8 =	simm.s32 $_size__tile_overlayer_lowered;
	s9 =	simm.s32 $_tile_overlayer_lowered  }
0x9e: {  	s22 =	simm.s32 $0x1BFF;
	s21 =	sshll.u32 s9, $0x1;
	s6 =	sadd.s32 s7, s19  }
0x9f: {  	s10 =	simm.s32 $0x0;
	s20 =	sshll.u32 s8, $0x1;
	s8 =	sadd.s32 s21, s6  }
0xa0: {  	[timem:s10], [sflag:s22] =	dma.local [hbm:s8], s20  }
0xa1: {  	_ =	swait.ge [sflag:s22], s20  }
0xa2: {  	s7 =	ssub.s32 $0x0, s20;
	[sflag:s22] =	ssyncset.done $0x0  }
0xa3: {  	[sflag:s22] =	ssyncadd.s32 s7;
	_ =	sdelay $0x1  }
0xa4: {  	s23 =	simm.s32 $0x1B8B  }
0xa5: {  	_ =	swait.ge [sflag:s23], $0x1  }
0xa6: {  	[sflag:s23] =	ssyncset.done $0x0  }
0xa7: {  	s25 =	simm.s32 $0x1B8E;
	s24 =	sld [smem:$0x3FFE];
	[sflag:s23] =	ssyncadd.s32 $0xFFFFFFFF  }
0xa8: {  	s26 =	simm.s32 $execute0_lowered;
	[smem:$0x3FD2] =	sst s25  }
0xa9: {  	s8 =	sshll.u32 s26, $0x1;
	_ =	strace $0x80000046;
	[dreg:$0x1] =	wrdreg $0xFFFFFFFF  }
0xaa: {  	s28 =	simm.s32 $_size_execute0_lowered;
	s6 =	sadd.s32 s6, s8;
	[dreg:$0x0] =	wrdreg $0x0  }
0xab: {  	s8 =	sshll.u32 s28, $0x1;
	[dreg:$0x2] =	wrdreg s6  }
0xac: {  	[dreg:$0x3] =	wrdreg s8  }
0xad: {  	[dreg:$0x4] =	wrdreg $0xC0  }
0xae: {  	_ =	task [dreg:s10], $0x5FFFF  }
0xaf: {  	[dreg:$0x1] =	wrdreg $0xFFFFFFFF  }
0xb0: {  	[dreg:$0x0] =	wrdreg $0x60  }
0xb1: {  	[dreg:$0x2] =	wrdreg s2  }
0xb2: {  	[dreg:$0x3] =	wrdreg s18  }
0xb3: {  	[dreg:$0x4] =	wrdreg s24  }
0xb4: {  	[dreg:$0x5] =	wrdreg s4  }
0xb5: {  	[dreg:$0x6] =	wrdreg s5  }
0xb6: {  	[dreg:$0x7] =	wrdreg $0x9  }
0xb7: {  	_ =	task.clear_ibuf [dreg:s10], $0x8FFFF;
	_ =	strace $0x90000046  }
0xb8: {  	s29 =	simm.s32 $0x9;
	_ =	strace $0x80000048  }
0xb9: {  	_ =	swait.ge [sflag:s29], $0x1  }
0xba: {  	[sflag:s29] =	ssyncadd.s32 $0xFFFFFFFF  }
0xbb: {  	_ =	strace $0x90000048  }
0xbc: {  	_ =	sfence  }
0xbd: {  	s30 =	sld [smem:$0x0];
	_ =	sdelay $0x2  }
0xbe: {  	s31 =	sshll.u32 s1, $0xD;
	s1 =	sshrl.u32 s1, $0x2  }
0xbf: {  	s3 =	sand.u32 $0x4000, s31;
	s1 =	sadd.s32 s1, s30  }
0xc0: {  	s0 =	sor.u32 s3, s0;
	s1 =	sshll.u32 s1, $0x11  }
0xc1: {  	s0 =	sor.u32 s1, s0  }
0xc2: {  	s0 =	sadd.s32 $0x8F2B, s0  }
0xc3: {  	[sflag:s0] =	ssyncadd.remote.s32 $0x1  }
0xc4: {  	_ =	sfence.sel $0xFFFF  }
0xc5: {  	[dreg:$0x0] =	wrdreg $0xFFFFFFFF;
	(pc) =	sbr.abs _section_cstart, $3  }
0xc6: {  	[dreg:$0x1] =	wrdreg $0xFFFFFFFF  }
0xc7: {  	_ =	task.clear_ibuf [dreg:s10], $0x2FFFF;
	_ =	strace $0x9FFFFFFF  }
0xc8: {  	(tm) =	ssettm $0x7FFFFFFF  }
0xc9: {  	_ =	shalt  }
tec
execute0_lowered:
.L_overlay_start_1:
0x0: {  	(tag) =	ssettag $0x1  }
0x1: {  	s0 =	rddreg [dreg:$0x0]  }
0x2: {  	s2 =	rddreg [dreg:$0x1]  }
0x3: {  	s1 =	rddreg [dreg:$0x2]  }
0x4: {  	s4 =	rddreg [dreg:$0x4];
	s3 =	simm.s32 $0x0;
	s6 =	srdreg.scid  }
0x5: {  	s7 =	stileid.u32;
	s18 =	simm.s32 $0x3;
	s19 =	simm.s32 $0x200  }
0x6: {  	s20 =	simm.s32 $0x80;
	s28 =	simm.s32 $0x4400;
	s29 =	simm.s32 $0x1400  }
0x7: {  	s30 =	simm.s32 $0x5400;
	s31 =	simm.s32 $0x3400;
	s15 =	simm.s32 $0x8810  }
0x8: {  	[smem:$0x7FF] =	sst s3;
	s5 =	sadd.s32 $0x1312E00, s1;
	s6 =	sand.u32 $0x1, s6  }
0x9: {  	s7 =	sshll.u32 s7, $0x7;
	_ =	strace $0x80000047;
	s8 =	ssub.s32 $0x2, s6  }
0xa: {  	s9 =	sshll.u32 s6, $0x6;
	s6 =	sadd.s32 $0xF42400, s1;
	s10 =	sshrl.u32 s8, $0x1  }
0xb: {  	s9 =	sor.u32 s9, s7;
	s7 =	sadd.s32 $0x1EA00, s1;
	s8 =	ssub.s32 s8, s10  }
0xc: {  	s21 =	sor.u32 $0x10, s9;
	s11 =	sadd.s32 s0, s9;
	s22 =	sadd.s32 s2, s9  }
0xd: {  	s24 =	sor.u32 $0x20, s9;
	s25 =	sor.u32 $0x30, s9;
	s16 =	sadd.s32 s4, s9  }
0xe: {  	s4 =	simm.s32 $0x2400;
	s9 =	simm.s32 $0x2;
	[dreg:$0x6] =	wrdreg s11  }
0xf: {  	[dreg:$0x7] =	wrdreg s22;
	s23 =	sadd.s32 s0, s21;
	s10 =	sadd.s32 s2, s21  }
0x10: {  	s12 =	sadd.s32 s0, s24;
	s0 =	sadd.s32 s0, s25;
	[dreg:$0x8] =	wrdreg s23  }
0x11: {  	s26 =	sadd.s32 s2, s25;
	s17 =	smax.u32 s8, $0x1;
	[dreg:$0x9] =	wrdreg s10  }
0x12: {  	s21 =	simm.s32 $0x280;
	s22 =	simm.s32 $0x100;
	[dreg:$0xa] =	wrdreg s12  }
0x13: {  	s25 =	simm.s32 $0x380;
	s8 =	simm.s32 $0x1;
	[dreg:$0xc] =	wrdreg s0  }
0x14: {  	s10 =	sadd.s32 s2, s24;
	[dreg:$0xd] =	wrdreg s26;
	s23 =	simm.s32 $0x300  }
0x15: {  	v0 =	vlaneseq.u32;
	s24 =	simm.s32 $0x180;
	s26 =	simm.s32 $0x400;
	s2 =	simm.s32 $0x6400  }
0x16: {  	vm0 =	vmmov $0xffff;
	v1 =	vmul.u32 $0x20, v0;
	s0 =	simm.s32 $0x7400;
	[dreg:$0xb] =	wrdreg s10;
	s10 =	simm.s32 $0x0  }
.LBB2_1:
0x17: {  	s11 =	rddreg [dreg:$0x6]  }
0x18: {  	[tilespmem:s3], [sflag:$0x3] =	stream.linear.gather [hbm4b:s11+s3], $0x80, $0x38;
	[tilespmem:$0x8A10] =	vst v63  }
0x19: {  	_ =	swait.ge [sflag:s18], $0x80  }
0x1a: {  	[sflag:s18] =	ssyncset.done $0x0  }
0x1b: {  	s13 =	rddreg [dreg:$0x7];
	[sflag:s18] =	ssyncadd.s32 $0xFFFFFF80  }
0x1c: {  	[tilespmem:s19], [sflag:$0x3] =	stream.linear.gather [hbm4b:s13+s3], $0x80, $0x38;
	[tilespmem:$0x8A10] =	vst v63  }
0x1d: {  	_ =	swait.ge [sflag:s18], $0x80  }
0x1e: {  	[sflag:s18] =	ssyncset.done $0x0  }
0x1f: {  	s14 =	rddreg [dreg:$0x8];
	[sflag:s18] =	ssyncadd.s32 $0xFFFFFF80  }
0x20: {  	[tilespmem:s20], [sflag:$0x3] =	stream.linear.gather [hbm4b:s14+s3], $0x80, $0x38;
	[tilespmem:$0x8A10] =	vst v63  }
0x21: {  	_ =	swait.ge [sflag:s18], $0x80  }
0x22: {  	[sflag:s18] =	ssyncset.done $0x0  }
0x23: {  	s12 =	rddreg [dreg:$0x9];
	[sflag:s18] =	ssyncadd.s32 $0xFFFFFF80  }
0x24: {  	[tilespmem:s21], [sflag:$0x3] =	stream.linear.gather [hbm4b:s12+s3], $0x80, $0x38;
	[tilespmem:$0x8A10] =	vst v63  }
0x25: {  	_ =	swait.ge [sflag:s18], $0x80  }
0x26: {  	[sflag:s18] =	ssyncset.done $0x0  }
0x27: {  	s13 =	rddreg [dreg:$0xa];
	[sflag:s18] =	ssyncadd.s32 $0xFFFFFF80  }
0x28: {  	[tilespmem:s22], [sflag:$0x3] =	stream.linear.gather [hbm4b:s13+s3], $0x80, $0x38;
	[tilespmem:$0x8A10] =	vst v63  }
0x29: {  	_ =	swait.ge [sflag:s18], $0x80  }
0x2a: {  	[sflag:s18] =	ssyncset.done $0x0  }
0x2b: {  	s14 =	rddreg [dreg:$0xb];
	[sflag:s18] =	ssyncadd.s32 $0xFFFFFF80  }
0x2c: {  	[tilespmem:s23], [sflag:$0x3] =	stream.linear.gather [hbm4b:s14+s3], $0x80, $0x38;
	[tilespmem:$0x8A10] =	vst v63  }
0x2d: {  	_ =	swait.ge [sflag:s18], $0x80  }
0x2e: {  	[sflag:s18] =	ssyncset.done $0x0  }
0x2f: {  	s12 =	rddreg [dreg:$0xc];
	[sflag:s18] =	ssyncadd.s32 $0xFFFFFF80  }
0x30: {  	[tilespmem:s24], [sflag:$0x3] =	stream.linear.gather [hbm4b:s12+s3], $0x80, $0x38;
	[tilespmem:$0x8A10] =	vst v63  }
0x31: {  	_ =	swait.ge [sflag:s18], $0x80  }
0x32: {  	[sflag:s18] =	ssyncset.done $0x0  }
0x33: {  	s13 =	rddreg [dreg:$0xd];
	[sflag:s18] =	ssyncadd.s32 $0xFFFFFF80  }
0x34: {  	[tilespmem:s25], [sflag:$0x3] =	stream.linear.gather [hbm4b:s13+s3], $0x80, $0x38;
	[tilespmem:$0x8A10] =	vst v63  }
0x35: {  	_ =	swait.ge [sflag:s18], $0x80  }
0x36: {  	[sflag:s18] =	ssyncset.done $0x0  }
0x37: {  	[sflag:s18] =	ssyncadd.s32 $0xFFFFFF80  }
0x38: {  	[tilespmem:s26], [sflag:$0x1] =	stream.indirect.gather [hbm4b:s5+s20], $0x20, s3, s20, $0xb8;
	[tilespmem:$0x8A10] =	vst v63  }
0x39: {  	_ = 	snop  }
0x3a: {  	[tilespmem:s28], [sflag:$0x1] =	stream.indirect.gather [hbm4b:s6+s20], $0x20, s19, s20, $0xb8;
	[tilespmem:$0x8A10] =	vst v63  }
0x3b: {  	s11 =	simm.s32 $0x8400  }
0x3c: {  	[tilespmem:s11], [sflag:$0x2] =	stream.indirect.gather [hbm4b:s7+s20], $0x1, s3, s20, $0xb8;
	[tilespmem:$0x8A10] =	vst v63  }
0x3d: {  	s12 =	simm.s32 $0x8600  }
0x3e: {  	[tilespmem:s12], [sflag:$0x2] =	stream.indirect.gather [hbm4b:s1+s20], $0x1, s19, s20, $0xb8;
	[tilespmem:$0x8A10] =	vst v63  }
0x3f: {  	_ = 	snop  }
0x40: {  	[tilespmem:s29], [sflag:$0x1] =	stream.indirect.gather [hbm4b:s5+s20], $0x20, s20, s20, $0xb8;
	[tilespmem:$0x8A10] =	vst v63  }
0x41: {  	_ = 	snop  }
0x42: {  	[tilespmem:s30], [sflag:$0x1] =	stream.indirect.gather [hbm4b:s6+s20], $0x20, s21, s20, $0xb8;
	[tilespmem:$0x8A10] =	vst v63  }
0x43: {  	s13 =	simm.s32 $0x8480  }
0x44: {  	[tilespmem:s13], [sflag:$0x2] =	stream.indirect.gather [hbm4b:s7+s20], $0x1, s20, s20, $0xb8;
	[tilespmem:$0x8A10] =	vst v63  }
0x45: {  	s14 =	simm.s32 $0x8680  }
0x46: {  	[tilespmem:s14], [sflag:$0x2] =	stream.indirect.gather [hbm4b:s1+s20], $0x1, s21, s20, $0xb8;
	[tilespmem:$0x8A10] =	vst v63  }
0x47: {  	_ = 	snop  }
0x48: {  	[tilespmem:s4], [sflag:$0x1] =	stream.indirect.gather [hbm4b:s5+s20], $0x20, s22, s20, $0xb8;
	[tilespmem:$0x8A10] =	vst v63  }
0x49: {  	_ = 	snop  }
0x4a: {  	[tilespmem:s2], [sflag:$0x1] =	stream.indirect.gather [hbm4b:s6+s20], $0x20, s23, s20, $0xb8;
	[tilespmem:$0x8A10] =	vst v63  }
0x4b: {  	s14 =	simm.s32 $0x8500  }
0x4c: {  	[tilespmem:s14], [sflag:$0x2] =	stream.indirect.gather [hbm4b:s7+s20], $0x1, s22, s20, $0xb8;
	[tilespmem:$0x8A10] =	vst v63  }
0x4d: {  	s14 =	simm.s32 $0x8700  }
0x4e: {  	[tilespmem:s14], [sflag:$0x2] =	stream.indirect.gather [hbm4b:s1+s20], $0x1, s23, s20, $0xb8;
	[tilespmem:$0x8A10] =	vst v63  }
0x4f: {  	_ = 	snop  }
0x50: {  	[tilespmem:s31], [sflag:$0x1] =	stream.indirect.gather [hbm4b:s5+s20], $0x20, s24, s20, $0xb8;
	[tilespmem:$0x8A10] =	vst v63  }
0x51: {  	_ = 	snop  }
0x52: {  	[tilespmem:s0], [sflag:$0x1] =	stream.indirect.gather [hbm4b:s6+s20], $0x20, s25, s20, $0xb8;
	[tilespmem:$0x8A10] =	vst v63  }
0x53: {  	v0 =	vimm.s32 $0x0;
	s14 =	simm.s32 $0x8580  }
0x54: {  	[tilespmem:s14], [sflag:$0x2] =	stream.indirect.gather [hbm4b:s7+s20], $0x1, s24, s20, $0xb8;
	[tilespmem:$0x8A10] =	vst v63  }
0x55: {  	s14 =	simm.s32 $0x8780  }
0x56: {  	[tilespmem:s14], [sflag:$0x2] =	stream.indirect.gather [hbm4b:s1+s20], $0x1, s25, s20, $0xb8;
	[tilespmem:$0x8A10] =	vst v63  }
0x57: {  	s13 =	rddreg [dreg:$0x3];
	s14 =	simm.s32 $0x8800  }
0x58: {  	[tilespmem:s14], [sflag:$0x2] =	stream.indirect_vreg.gather [hbm4b:s13+s3], $0x1, v0, vm0, $0xb8;
	[tilespmem:$0x8A10] =	vst v63  }
0x59: {  	_ =	swait.ge [sflag:s8], $0x1000  }
0x5a: {  	[sflag:s8] =	ssyncset.done $0x0  }
0x5b: {  	[sflag:s8] =	ssyncadd.s32 $0xFFFFF000  }
0x5c: {  	_ =	swait.ge [sflag:s8], $0x1000  }
0x5d: {  	[sflag:s8] =	ssyncset.done $0x0  }
0x5e: {  	[sflag:s8] =	ssyncadd.s32 $0xFFFFF000  }
0x5f: {  	_ =	swait.ge [sflag:s9], $0x80  }
0x60: {  	[sflag:s9] =	ssyncset.done $0x0  }
0x61: {  	[sflag:s9] =	ssyncadd.s32 $0xFFFFFF80  }
0x62: {  	_ =	swait.ge [sflag:s9], $0x80  }
0x63: {  	[sflag:s9] =	ssyncset.done $0x0  }
0x64: {  	[sflag:s9] =	ssyncadd.s32 $0xFFFFFF80  }
0x65: {  	_ =	swait.ge [sflag:s8], $0x1000  }
0x66: {  	[sflag:s8] =	ssyncset.done $0x0  }
0x67: {  	[sflag:s8] =	ssyncadd.s32 $0xFFFFF000  }
0x68: {  	_ =	swait.ge [sflag:s8], $0x1000  }
0x69: {  	[sflag:s8] =	ssyncset.done $0x0  }
0x6a: {  	[sflag:s8] =	ssyncadd.s32 $0xFFFFF000  }
0x6b: {  	_ =	swait.ge [sflag:s9], $0x80  }
0x6c: {  	[sflag:s9] =	ssyncset.done $0x0  }
0x6d: {  	[sflag:s9] =	ssyncadd.s32 $0xFFFFFF80  }
0x6e: {  	_ =	swait.ge [sflag:s9], $0x80  }
0x6f: {  	[sflag:s9] =	ssyncset.done $0x0  }
0x70: {  	[sflag:s9] =	ssyncadd.s32 $0xFFFFFF80  }
0x71: {  	_ =	swait.ge [sflag:s8], $0x1000  }
0x72: {  	[sflag:s8] =	ssyncset.done $0x0  }
0x73: {  	[sflag:s8] =	ssyncadd.s32 $0xFFFFF000  }
0x74: {  	_ =	swait.ge [sflag:s8], $0x1000  }
0x75: {  	[sflag:s8] =	ssyncset.done $0x0  }
0x76: {  	[sflag:s8] =	ssyncadd.s32 $0xFFFFF000  }
0x77: {  	_ =	swait.ge [sflag:s9], $0x80  }
0x78: {  	[sflag:s9] =	ssyncset.done $0x0  }
0x79: {  	[sflag:s9] =	ssyncadd.s32 $0xFFFFFF80  }
0x7a: {  	_ =	swait.ge [sflag:s9], $0x80  }
0x7b: {  	[sflag:s9] =	ssyncset.done $0x0  }
0x7c: {  	[sflag:s9] =	ssyncadd.s32 $0xFFFFFF80  }
0x7d: {  	_ =	swait.ge [sflag:s8], $0x1000  }
0x7e: {  	[sflag:s8] =	ssyncset.done $0x0  }
0x7f: {  	[sflag:s8] =	ssyncadd.s32 $0xFFFFF000  }
0x80: {  	_ =	swait.ge [sflag:s8], $0x1000  }
0x81: {  	[sflag:s8] =	ssyncset.done $0x0  }
0x82: {  	[sflag:s8] =	ssyncadd.s32 $0xFFFFF000  }
0x83: {  	_ =	swait.ge [sflag:s9], $0x80  }
0x84: {  	[sflag:s9] =	ssyncset.done $0x0  }
0x85: {  	[sflag:s9] =	ssyncadd.s32 $0xFFFFFF80  }
0x86: {  	_ =	swait.ge [sflag:s9], $0x80  }
0x87: {  	[sflag:s9] =	ssyncset.done $0x0  }
0x88: {  	v0 =	vmov s3;
	[sflag:s9] =	ssyncadd.s32 $0xFFFFFF80  }
0x89: {  	v0 =	vshll.u32 v0, $0x5;
	_ =	swait.ge [sflag:s9], $0x10  }
0x8a: {  	v0 =	vor.u32 v1, v0;
	[sflag:s9] =	ssyncset.done $0x0  }
0x8b: {  	[sflag:s9] =	ssyncadd.s32 $0xFFFFFFF0  }
0x8c: {  	v3 =	vor.u32 $0x1, v0;
	v2 =	vld [tilespmem:$0x8800]  }
0x8d: {  	v4 =	vld [tilespmem:s12+$0x0]  }
0x8e: {  	v5 =	vor.u32 $0x2, v0;
	v6 =	vld [tilespmem:s11+$0x0]  }
0x8f: {  	v7 =	vld.idx.msk [tilespmem:v0+s26+$0x0], $0xffff  }
0x90: {  	v9 =	vor.u32 $0x3, v0;
	v8 =	vld.idx.msk [tilespmem:v0+s28+$0x0], $0xffff  }
0x91: {  	v10 =	vld.idx.msk [tilespmem:v3+s26+$0x0], $0xffff  }
0x92: {  	v11 =	vor.u32 $0x4, v0;
	v3 =	vld.idx.msk [tilespmem:v3+s28+$0x0], $0xffff  }
0x93: {  	v12 =	vld.idx.msk [tilespmem:v5+s26+$0x0], $0xffff;
	v4 =	vadd.f32 v4, v6  }
0x94: {  	v5 =	vld.idx.msk [tilespmem:v5+s28+$0x0], $0xffff;
	v6 =	vor.u32 $0x5, v0  }
0x95: {  	v13 =	vld.idx.msk [tilespmem:v9+s26+$0x0], $0xffff;
	v7 =	vmul.f32 v8, v7;
	v4 =	vadd.f32 v4, v2  }
0x96: {  	v48 =	vor.u32 $0x6, v0;
	v47 =	vld.idx.msk [tilespmem:v9+s28+$0x0], $0xffff  }
0x97: {  	v14 =	vld.idx.msk [tilespmem:v11+s26+$0x0], $0xffff;
	v3 =	vmul.f32 v3, v10;
	v4 =	vadd.f32 v7, v4  }
0x98: {  	v49 =	vor.u32 $0x7, v0;
	v7 =	vld.idx.msk [tilespmem:v11+s28+$0x0], $0xffff  }
0x99: {  	v50 =	vld.idx.msk [tilespmem:v6+s26+$0x0], $0xffff;
	v3 =	vadd.f32 v3, v4;
	v4 =	vmul.f32 v5, v12  }
0x9a: {  	v5 =	vld.idx.msk [tilespmem:v6+s28+$0x0], $0xffff;
	v6 =	vor.u32 $0x8, v0  }
0x9b: {  	v51 =	vld.idx.msk [tilespmem:v48+s26+$0x0], $0xffff;
	v3 =	vadd.f32 v4, v3;
	v4 =	vmul.f32 v47, v13  }
0x9c: {  	v53 =	vor.u32 $0x9, v0;
	v52 =	vld.idx.msk [tilespmem:v48+s28+$0x0], $0xffff  }
0x9d: {  	v54 =	vld.idx.msk [tilespmem:v49+s26+$0x0], $0xffff;
	v3 =	vadd.f32 v4, v3;
	v4 =	vmul.f32 v7, v14  }
0x9e: {  	v55 =	vor.u32 $0xA, v0;
	v7 =	vld.idx.msk [tilespmem:v49+s28+$0x0], $0xffff  }
0x9f: {  	v56 =	vld.idx.msk [tilespmem:v6+s26+$0x0], $0xffff;
	v3 =	vadd.f32 v4, v3;
	v4 =	vmul.f32 v5, v50  }
0xa0: {  	v5 =	vld.idx.msk [tilespmem:v6+s28+$0x0], $0xffff;
	v6 =	vor.u32 $0xB, v0  }
0xa1: {  	v57 =	vld.idx.msk [tilespmem:v53+s26+$0x0], $0xffff;
	v3 =	vadd.f32 v4, v3;
	v4 =	vmul.f32 v52, v51  }
0xa2: {  	v59 =	vor.u32 $0xC, v0;
	v58 =	vld.idx.msk [tilespmem:v53+s28+$0x0], $0xffff  }
0xa3: {  	v60 =	vld.idx.msk [tilespmem:v55+s26+$0x0], $0xffff;
	v3 =	vadd.f32 v4, v3;
	v4 =	vmul.f32 v7, v54  }
0xa4: {  	v61 =	vor.u32 $0xD, v0;
	v7 =	vld.idx.msk [tilespmem:v55+s28+$0x0], $0xffff  }
0xa5: {  	v62 =	vld.idx.msk [tilespmem:v6+s26+$0x0], $0xffff;
	v3 =	vadd.f32 v4, v3;
	v4 =	vmul.f32 v5, v56  }
0xa6: {  	v5 =	vld.idx.msk [tilespmem:v6+s28+$0x0], $0xffff;
	v6 =	vor.u32 $0xE, v0  }
0xa7: {  	v63 =	vld.idx.msk [tilespmem:v59+s26+$0x0], $0xffff;
	v3 =	vadd.f32 v4, v3;
	v4 =	vmul.f32 v58, v57  }
0xa8: {  	v17 =	vor.u32 $0xF, v0;
	v16 =	vld.idx.msk [tilespmem:v59+s28+$0x0], $0xffff  }
0xa9: {  	v18 =	vld.idx.msk [tilespmem:v61+s26+$0x0], $0xffff;
	v3 =	vadd.f32 v4, v3;
	v4 =	vmul.f32 v7, v60  }
0xaa: {  	v19 =	vor.u32 $0x10, v0;
	v7 =	vld.idx.msk [tilespmem:v61+s28+$0x0], $0xffff  }
0xab: {  	v20 =	vld.idx.msk [tilespmem:v6+s26+$0x0], $0xffff;
	v3 =	vadd.f32 v4, v3;
	v4 =	vmul.f32 v5, v62  }
0xac: {  	v5 =	vld.idx.msk [tilespmem:v6+s28+$0x0], $0xffff;
	v6 =	vor.u32 $0x11, v0  }
0xad: {  	v21 =	vld.idx.msk [tilespmem:v17+s26+$0x0], $0xffff;
	v3 =	vadd.f32 v4, v3;
	v4 =	vmul.f32 v16, v63  }
0xae: {  	v23 =	vor.u32 $0x12, v0;
	v22 =	vld.idx.msk [tilespmem:v17+s28+$0x0], $0xffff  }
0xaf: {  	v24 =	vld.idx.msk [tilespmem:v19+s26+$0x0], $0xffff;
	v3 =	vadd.f32 v4, v3;
	v4 =	vmul.f32 v7, v18  }
0xb0: {  	v25 =	vor.u32 $0x13, v0;
	v7 =	vld.idx.msk [tilespmem:v19+s28+$0x0], $0xffff  }
0xb1: {  	v26 =	vld.idx.msk [tilespmem:v6+s26+$0x0], $0xffff;
	v3 =	vadd.f32 v4, v3;
	v4 =	vmul.f32 v5, v20  }
0xb2: {  	v5 =	vld.idx.msk [tilespmem:v6+s28+$0x0], $0xffff;
	v6 =	vor.u32 $0x14, v0  }
0xb3: {  	v27 =	vld.idx.msk [tilespmem:v23+s26+$0x0], $0xffff;
	v3 =	vadd.f32 v4, v3;
	v4 =	vmul.f32 v22, v21  }
0xb4: {  	v29 =	vor.u32 $0x15, v0;
	v28 =	vld.idx.msk [tilespmem:v23+s28+$0x0], $0xffff  }
0xb5: {  	v30 =	vld.idx.msk [tilespmem:v25+s26+$0x0], $0xffff;
	v3 =	vadd.f32 v4, v3;
	v4 =	vmul.f32 v7, v24  }
0xb6: {  	v31 =	vor.u32 $0x16, v0;
	v7 =	vld.idx.msk [tilespmem:v25+s28+$0x0], $0xffff  }
0xb7: {  	v32 =	vld.idx.msk [tilespmem:v6+s26+$0x0], $0xffff;
	v3 =	vadd.f32 v4, v3;
	v4 =	vmul.f32 v5, v26  }
0xb8: {  	v5 =	vld.idx.msk [tilespmem:v6+s28+$0x0], $0xffff;
	v6 =	vor.u32 $0x17, v0  }
0xb9: {  	v33 =	vld.idx.msk [tilespmem:v29+s26+$0x0], $0xffff;
	v3 =	vadd.f32 v4, v3;
	v4 =	vmul.f32 v28, v27  }
0xba: {  	v35 =	vor.u32 $0x18, v0;
	v34 =	vld.idx.msk [tilespmem:v29+s28+$0x0], $0xffff  }
0xbb: {  	v36 =	vld.idx.msk [tilespmem:v31+s26+$0x0], $0xffff;
	v3 =	vadd.f32 v4, v3;
	v4 =	vmul.f32 v7, v30  }
0xbc: {  	v37 =	vor.u32 $0x19, v0;
	v7 =	vld.idx.msk [tilespmem:v31+s28+$0x0], $0xffff  }
0xbd: {  	v38 =	vld.idx.msk [tilespmem:v6+s26+$0x0], $0xffff;
	v3 =	vadd.f32 v4, v3;
	v4 =	vmul.f32 v5, v32  }
0xbe: {  	v5 =	vld.idx.msk [tilespmem:v6+s28+$0x0], $0xffff;
	v6 =	vor.u32 $0x1A, v0  }
0xbf: {  	v39 =	vld.idx.msk [tilespmem:v35+s26+$0x0], $0xffff;
	v3 =	vadd.f32 v4, v3;
	v4 =	vmul.f32 v34, v33  }
0xc0: {  	v41 =	vor.u32 $0x1B, v0;
	v40 =	vld.idx.msk [tilespmem:v35+s28+$0x0], $0xffff  }
0xc1: {  	v42 =	vld.idx.msk [tilespmem:v37+s26+$0x0], $0xffff;
	v3 =	vadd.f32 v4, v3;
	v4 =	vmul.f32 v7, v36  }
0xc2: {  	v43 =	vor.u32 $0x1C, v0;
	v7 =	vld.idx.msk [tilespmem:v37+s28+$0x0], $0xffff  }
0xc3: {  	v44 =	vld.idx.msk [tilespmem:v6+s26+$0x0], $0xffff;
	v3 =	vadd.f32 v4, v3;
	v4 =	vmul.f32 v5, v38  }
0xc4: {  	v5 =	vld.idx.msk [tilespmem:v6+s28+$0x0], $0xffff;
	v6 =	vor.u32 $0x1D, v0  }
0xc5: {  	v45 =	vld.idx.msk [tilespmem:v41+s26+$0x0], $0xffff;
	v3 =	vadd.f32 v4, v3;
	v4 =	vmul.f32 v40, v39  }
0xc6: {  	v46 =	vld.idx.msk [tilespmem:v41+s28+$0x0], $0xffff;
	v47 =	vor.u32 $0x1E, v0  }
0xc7: {  	v48 =	vld.idx.msk [tilespmem:v43+s26+$0x0], $0xffff;
	v3 =	vadd.f32 v4, v3;
	v4 =	vmul.f32 v7, v42  }
0xc8: {  	v0 =	vor.u32 $0x1F, v0;
	v7 =	vld.idx.msk [tilespmem:v43+s28+$0x0], $0xffff  }
0xc9: {  	v49 =	vld.idx.msk [tilespmem:v6+s26+$0x0], $0xffff;
	v3 =	vadd.f32 v4, v3;
	v4 =	vmul.f32 v5, v44  }
0xca: {  	v5 =	vld.idx.msk [tilespmem:v6+s28+$0x0], $0xffff  }
0xcb: {  	v50 =	vld.idx.msk [tilespmem:v47+s28+$0x0], $0xffff;
	v3 =	vadd.f32 v4, v3;
	v4 =	vmul.f32 v46, v45  }
0xcc: {  	v6 =	vld.idx.msk [tilespmem:v47+s26+$0x0], $0xffff  }
0xcd: {  	v51 =	vld.idx.msk [tilespmem:v0+s26+$0x0], $0xffff;
	v3 =	vadd.f32 v4, v3;
	v4 =	vmul.f32 v7, v48  }
0xce: {  	v0 =	vld.idx.msk [tilespmem:v0+s28+$0x0], $0xffff  }
0xcf: {  	v3 =	vadd.f32 v4, v3;
	v4 =	vmul.f32 v5, v49;
	_ =	sdelay $0x1  }
0xd0: {  	v3 =	vadd.f32 v4, v3;
	v4 =	vmul.f32 v50, v6  }
0xd1: {  	s13 =	simm.s32 $0x10  }
0xd2: {  	v5 =	vmov s13;
	v3 =	vadd.f32 v4, v3;
	v4 =	vmul.f32 v0, v51  }
0xd3: {  	v0 =	vshll.u32 v5, $0x5  }
0xd4: {  	v0 =	vor.u32 v1, v0;
	v3 =	vadd.f32 v4, v3;
	_ =	sdelay $0x1  }
0xd5: {  	s11 =	simm.s32 $0x8610;
	v4 =	vor.u32 $0x1, v0;
	[tilespmem:s15+$0x0] =	vst v3  }
0xd6: {  	s12 =	simm.s32 $0x8410;
	v3 =	vld [tilespmem:s11+$0x0]  }
0xd7: {  	v5 =	vor.u32 $0x2, v0;
	v6 =	vld [tilespmem:s12+$0x0]  }
0xd8: {  	v7 =	vld.idx.msk [tilespmem:v0+s26+$0x0], $0xffff  }
0xd9: {  	v53 =	vor.u32 $0x3, v0;
	v52 =	vld.idx.msk [tilespmem:v0+s28+$0x0], $0xffff  }
0xda: {  	v54 =	vld.idx.msk [tilespmem:v4+s26+$0x0], $0xffff  }
0xdb: {  	v55 =	vor.u32 $0x4, v0;
	v4 =	vld.idx.msk [tilespmem:v4+s28+$0x0], $0xffff  }
0xdc: {  	v56 =	vld.idx.msk [tilespmem:v5+s26+$0x0], $0xffff;
	v3 =	vadd.f32 v3, v6  }
0xdd: {  	v5 =	vld.idx.msk [tilespmem:v5+s28+$0x0], $0xffff;
	v6 =	vor.u32 $0x5, v0  }
0xde: {  	v57 =	vld.idx.msk [tilespmem:v53+s26+$0x0], $0xffff;
	v7 =	vmul.f32 v52, v7;
	v3 =	vadd.f32 v3, v2  }
0xdf: {  	v59 =	vor.u32 $0x6, v0;
	v58 =	vld.idx.msk [tilespmem:v53+s28+$0x0], $0xffff  }
0xe0: {  	v60 =	vld.idx.msk [tilespmem:v55+s26+$0x0], $0xffff;
	v4 =	vmul.f32 v4, v54;
	v3 =	vadd.f32 v7, v3  }
0xe1: {  	v61 =	vor.u32 $0x7, v0;
	v7 =	vld.idx.msk [tilespmem:v55+s28+$0x0], $0xffff  }
0xe2: {  	v62 =	vld.idx.msk [tilespmem:v6+s26+$0x0], $0xffff;
	v3 =	vadd.f32 v4, v3;
	v4 =	vmul.f32 v5, v56  }
0xe3: {  	v5 =	vld.idx.msk [tilespmem:v6+s28+$0x0], $0xffff;
	v6 =	vor.u32 $0x8, v0  }
0xe4: {  	v63 =	vld.idx.msk [tilespmem:v59+s26+$0x0], $0xffff;
	v3 =	vadd.f32 v4, v3;
	v4 =	vmul.f32 v58, v57  }
0xe5: {  	v17 =	vor.u32 $0x9, v0;
	v16 =	vld.idx.msk [tilespmem:v59+s28+$0x0], $0xffff  }
0xe6: {  	v18 =	vld.idx.msk [tilespmem:v61+s26+$0x0], $0xffff;
	v3 =	vadd.f32 v4, v3;
	v4 =	vmul.f32 v7, v60  }
0xe7: {  	v19 =	vor.u32 $0xA, v0;
	v7 =	vld.idx.msk [tilespmem:v61+s28+$0x0], $0xffff  }
0xe8: {  	v20 =	vld.idx.msk [tilespmem:v6+s26+$0x0], $0xffff;
	v3 =	vadd.f32 v4, v3;
	v4 =	vmul.f32 v5, v62  }
0xe9: {  	v5 =	vld.idx.msk [tilespmem:v6+s28+$0x0], $0xffff;
	v6 =	vor.u32 $0xB, v0  }
0xea: {  	v21 =	vld.idx.msk [tilespmem:v17+s26+$0x0], $0xffff;
	v3 =	vadd.f32 v4, v3;
	v4 =	vmul.f32 v16, v63  }
0xeb: {  	v23 =	vor.u32 $0xC, v0;
	v22 =	vld.idx.msk [tilespmem:v17+s28+$0x0], $0xffff  }
0xec: {  	v24 =	vld.idx.msk [tilespmem:v19+s26+$0x0], $0xffff;
	v3 =	vadd.f32 v4, v3;
	v4 =	vmul.f32 v7, v18  }
0xed: {  	v25 =	vor.u32 $0xD, v0;
	v7 =	vld.idx.msk [tilespmem:v19+s28+$0x0], $0xffff  }
0xee: {  	v26 =	vld.idx.msk [tilespmem:v6+s26+$0x0], $0xffff;
	v3 =	vadd.f32 v4, v3;
	v4 =	vmul.f32 v5, v20  }
0xef: {  	v5 =	vld.idx.msk [tilespmem:v6+s28+$0x0], $0xffff;
	v6 =	vor.u32 $0xE, v0  }
0xf0: {  	v27 =	vld.idx.msk [tilespmem:v23+s26+$0x0], $0xffff;
	v3 =	vadd.f32 v4, v3;
	v4 =	vmul.f32 v22, v21  }
0xf1: {  	v29 =	vor.u32 $0xF, v0;
	v28 =	vld.idx.msk [tilespmem:v23+s28+$0x0], $0xffff  }
0xf2: {  	v30 =	vld.idx.msk [tilespmem:v25+s26+$0x0], $0xffff;
	v3 =	vadd.f32 v4, v3;
	v4 =	vmul.f32 v7, v24  }
0xf3: {  	v31 =	vor.u32 $0x10, v0;
	v7 =	vld.idx.msk [tilespmem:v25+s28+$0x0], $0xffff  }
0xf4: {  	v32 =	vld.idx.msk [tilespmem:v6+s26+$0x0], $0xffff;
	v3 =	vadd.f32 v4, v3;
	v4 =	vmul.f32 v5, v26  }
0xf5: {  	v5 =	vld.idx.msk [tilespmem:v6+s28+$0x0], $0xffff;
	v6 =	vor.u32 $0x11, v0  }
0xf6: {  	v33 =	vld.idx.msk [tilespmem:v29+s26+$0x0], $0xffff;
	v3 =	vadd.f32 v4, v3;
	v4 =	vmul.f32 v28, v27  }
0xf7: {  	v35 =	vor.u32 $0x12, v0;
	v34 =	vld.idx.msk [tilespmem:v29+s28+$0x0], $0xffff  }
0xf8: {  	v36 =	vld.idx.msk [tilespmem:v31+s26+$0x0], $0xffff;
	v3 =	vadd.f32 v4, v3;
	v4 =	vmul.f32 v7, v30  }
0xf9: {  	v37 =	vor.u32 $0x13, v0;
	v7 =	vld.idx.msk [tilespmem:v31+s28+$0x0], $0xffff  }
0xfa: {  	v38 =	vld.idx.msk [tilespmem:v6+s26+$0x0], $0xffff;
	v3 =	vadd.f32 v4, v3;
	v4 =	vmul.f32 v5, v32  }
0xfb: {  	v5 =	vld.idx.msk [tilespmem:v6+s28+$0x0], $0xffff;
	v6 =	vor.u32 $0x14, v0  }
0xfc: {  	v39 =	vld.idx.msk [tilespmem:v35+s26+$0x0], $0xffff;
	v3 =	vadd.f32 v4, v3;
	v4 =	vmul.f32 v34, v33  }
0xfd: {  	v41 =	vor.u32 $0x15, v0;
	v40 =	vld.idx.msk [tilespmem:v35+s28+$0x0], $0xffff  }
0xfe: {  	v42 =	vld.idx.msk [tilespmem:v37+s26+$0x0], $0xffff;
	v3 =	vadd.f32 v4, v3;
	v4 =	vmul.f32 v7, v36  }
0xff: {  	v43 =	vor.u32 $0x16, v0;
	v7 =	vld.idx.msk [tilespmem:v37+s28+$0x0], $0xffff  }
0x100: {  	v44 =	vld.idx.msk [tilespmem:v6+s26+$0x0], $0xffff;
	v3 =	vadd.f32 v4, v3;
	v4 =	vmul.f32 v5, v38  }
0x101: {  	v5 =	vld.idx.msk [tilespmem:v6+s28+$0x0], $0xffff;
	v6 =	vor.u32 $0x17, v0  }
0x102: {  	v45 =	vld.idx.msk [tilespmem:v41+s26+$0x0], $0xffff;
	v3 =	vadd.f32 v4, v3;
	v4 =	vmul.f32 v40, v39  }
0x103: {  	v47 =	vor.u32 $0x18, v0;
	v46 =	vld.idx.msk [tilespmem:v41+s28+$0x0], $0xffff  }
0x104: {  	v48 =	vld.idx.msk [tilespmem:v43+s26+$0x0], $0xffff;
	v3 =	vadd.f32 v4, v3;
	v4 =	vmul.f32 v7, v42  }
0x105: {  	v49 =	vor.u32 $0x19, v0;
	v7 =	vld.idx.msk [tilespmem:v43+s28+$0x0], $0xffff  }
0x106: {  	v50 =	vld.idx.msk [tilespmem:v6+s26+$0x0], $0xffff;
	v3 =	vadd.f32 v4, v3;
	v4 =	vmul.f32 v5, v44  }
0x107: {  	v5 =	vld.idx.msk [tilespmem:v6+s28+$0x0], $0xffff;
	v6 =	vor.u32 $0x1A, v0  }
0x108: {  	v51 =	vld.idx.msk [tilespmem:v47+s26+$0x0], $0xffff;
	v3 =	vadd.f32 v4, v3;
	v4 =	vmul.f32 v46, v45  }
0x109: {  	v53 =	vor.u32 $0x1B, v0;
	v52 =	vld.idx.msk [tilespmem:v47+s28+$0x0], $0xffff  }
0x10a: {  	v54 =	vld.idx.msk [tilespmem:v49+s26+$0x0], $0xffff;
	v3 =	vadd.f32 v4, v3;
	v4 =	vmul.f32 v7, v48  }
0x10b: {  	v55 =	vor.u32 $0x1C, v0;
	v7 =	vld.idx.msk [tilespmem:v49+s28+$0x0], $0xffff  }
0x10c: {  	v56 =	vld.idx.msk [tilespmem:v6+s26+$0x0], $0xffff;
	v3 =	vadd.f32 v4, v3;
	v4 =	vmul.f32 v5, v50  }
0x10d: {  	v5 =	vld.idx.msk [tilespmem:v6+s28+$0x0], $0xffff;
	v6 =	vor.u32 $0x1D, v0  }
0x10e: {  	v57 =	vld.idx.msk [tilespmem:v53+s26+$0x0], $0xffff;
	v3 =	vadd.f32 v4, v3;
	v4 =	vmul.f32 v52, v51  }
0x10f: {  	v59 =	vor.u32 $0x1E, v0;
	v58 =	vld.idx.msk [tilespmem:v53+s28+$0x0], $0xffff  }
0x110: {  	v60 =	vld.idx.msk [tilespmem:v55+s26+$0x0], $0xffff;
	v3 =	vadd.f32 v4, v3;
	v4 =	vmul.f32 v7, v54  }
0x111: {  	v0 =	vor.u32 $0x1F, v0;
	v7 =	vld.idx.msk [tilespmem:v55+s28+$0x0], $0xffff  }
0x112: {  	v61 =	vld.idx.msk [tilespmem:v6+s26+$0x0], $0xffff;
	v3 =	vadd.f32 v4, v3;
	v4 =	vmul.f32 v5, v56  }
0x113: {  	v5 =	vld.idx.msk [tilespmem:v6+s28+$0x0], $0xffff  }
0x114: {  	v62 =	vld.idx.msk [tilespmem:v59+s28+$0x0], $0xffff;
	v3 =	vadd.f32 v4, v3;
	v4 =	vmul.f32 v58, v57  }
0x115: {  	v6 =	vld.idx.msk [tilespmem:v59+s26+$0x0], $0xffff  }
0x116: {  	v63 =	vld.idx.msk [tilespmem:v0+s26+$0x0], $0xffff;
	v3 =	vadd.f32 v4, v3;
	v4 =	vmul.f32 v7, v60  }
0x117: {  	v7 =	vld.idx.msk [tilespmem:v0+s28+$0x0], $0xffff  }
0x118: {  	v0 =	vadd.f32 v4, v3;
	v3 =	vmul.f32 v5, v61;
	_ =	sdelay $0x1  }
0x119: {  	s14 =	simm.s32 $0x20;
	v5 =	vmul.f32 v62, v6;
	v3 =	vadd.f32 v3, v0  }
0x11a: {  	v4 =	vmov s14  }
0x11b: {  	v0 =	vshll.u32 v4, $0x5;
	v4 =	vmul.f32 v7, v63;
	v3 =	vadd.f32 v5, v3  }
0x11c: {  	s13 =	simm.s32 $0x8810;
	s14 =	simm.s32 $0x30;
	v0 =	vor.u32 v1, v0  }
.LBB2_2:
0x11d: {  	p0 =	sne.s32 s14, $0x70;
	v3 =	vadd.f32 v4, v3  }
0x11e: {  	s13 =	sadd.s32 $0x10, s13  }
0x11f: {  	v4 =	vor.u32 $0x1, v0;
	[tilespmem:s13+$0x0] =	vst v3  }
0x120: {  	s11 =	sadd.s32 $0x10, s11;
	v3 =	vld.idx.msk [tilespmem:v0+s26+$0x0], $0xffff  }
0x121: {  	v6 =	vor.u32 $0x2, v0;
	s12 =	sadd.s32 $0x10, s12;
	v5 =	vld [tilespmem:s11+$0x0]  }
0x122: {  	v7 =	vld [tilespmem:s12+$0x0]  }
0x123: {  	v9 =	vor.u32 $0x3, v0;
	v8 =	vld.idx.msk [tilespmem:v0+s28+$0x0], $0xffff  }
0x124: {  	v10 =	vld.idx.msk [tilespmem:v4+s26+$0x0], $0xffff  }
0x125: {  	v11 =	vor.u32 $0x4, v0;
	v4 =	vld.idx.msk [tilespmem:v4+s28+$0x0], $0xffff  }
0x126: {  	v12 =	vld.idx.msk [tilespmem:v6+s26+$0x0], $0xffff  }
0x127: {  	v5 =	vadd.f32 v5, v7;
	v6 =	vld.idx.msk [tilespmem:v6+s28+$0x0], $0xffff;
	v7 =	vor.u32 $0x5, v0  }
0x128: {  	v13 =	vld.idx.msk [tilespmem:v9+s26+$0x0], $0xffff  }
0x129: {  	v3 =	vmul.f32 v8, v3;
	v5 =	vadd.f32 v5, v2;
	v8 =	vld.idx.msk [tilespmem:v9+s28+$0x0], $0xffff;
	v9 =	vor.u32 $0x6, v0  }
0x12a: {  	v14 =	vld.idx.msk [tilespmem:v11+s26+$0x0], $0xffff  }
0x12b: {  	v4 =	vmul.f32 v4, v10;
	v10 =	vor.u32 $0x7, v0;
	v3 =	vadd.f32 v3, v5;
	v5 =	vld.idx.msk [tilespmem:v11+s28+$0x0], $0xffff  }
0x12c: {  	v11 =	vld.idx.msk [tilespmem:v7+s26+$0x0], $0xffff  }
0x12d: {  	v3 =	vadd.f32 v4, v3;
	v4 =	vmul.f32 v6, v12;
	v6 =	vld.idx.msk [tilespmem:v7+s28+$0x0], $0xffff;
	v7 =	vor.u32 $0x8, v0  }
0x12e: {  	v12 =	vld.idx.msk [tilespmem:v9+s26+$0x0], $0xffff  }
0x12f: {  	v3 =	vadd.f32 v4, v3;
	v4 =	vmul.f32 v8, v13;
	v8 =	vld.idx.msk [tilespmem:v9+s28+$0x0], $0xffff;
	v9 =	vor.u32 $0x9, v0  }
0x130: {  	v13 =	vld.idx.msk [tilespmem:v10+s26+$0x0], $0xffff  }
0x131: {  	v3 =	vadd.f32 v4, v3;
	v4 =	vmul.f32 v5, v14;
	v5 =	vld.idx.msk [tilespmem:v10+s28+$0x0], $0xffff;
	v10 =	vor.u32 $0xA, v0  }
0x132: {  	v14 =	vld.idx.msk [tilespmem:v7+s26+$0x0], $0xffff  }
0x133: {  	v3 =	vadd.f32 v4, v3;
	v4 =	vmul.f32 v6, v11;
	v6 =	vld.idx.msk [tilespmem:v7+s28+$0x0], $0xffff;
	v7 =	vor.u32 $0xB, v0  }
0x134: {  	v11 =	vld.idx.msk [tilespmem:v9+s26+$0x0], $0xffff  }
0x135: {  	v3 =	vadd.f32 v4, v3;
	v4 =	vmul.f32 v8, v12;
	v8 =	vld.idx.msk [tilespmem:v9+s28+$0x0], $0xffff;
	v9 =	vor.u32 $0xC, v0  }
0x136: {  	v12 =	vld.idx.msk [tilespmem:v10+s26+$0x0], $0xffff  }
0x137: {  	v3 =	vadd.f32 v4, v3;
	v4 =	vmul.f32 v5, v13;
	v5 =	vld.idx.msk [tilespmem:v10+s28+$0x0], $0xffff;
	v10 =	vor.u32 $0xD, v0  }
0x138: {  	v13 =	vld.idx.msk [tilespmem:v7+s26+$0x0], $0xffff  }
0x139: {  	v3 =	vadd.f32 v4, v3;
	v4 =	vmul.f32 v6, v14;
	v6 =	vld.idx.msk [tilespmem:v7+s28+$0x0], $0xffff;
	v7 =	vor.u32 $0xE, v0  }
0x13a: {  	v14 =	vld.idx.msk [tilespmem:v9+s26+$0x0], $0xffff  }
0x13b: {  	v3 =	vadd.f32 v4, v3;
	v4 =	vmul.f32 v8, v11;
	v8 =	vld.idx.msk [tilespmem:v9+s28+$0x0], $0xffff;
	v9 =	vor.u32 $0xF, v0  }
0x13c: {  	v11 =	vld.idx.msk [tilespmem:v10+s26+$0x0], $0xffff  }
0x13d: {  	v3 =	vadd.f32 v4, v3;
	v4 =	vmul.f32 v5, v12;
	v5 =	vld.idx.msk [tilespmem:v10+s28+$0x0], $0xffff;
	v10 =	vor.u32 $0x10, v0  }
0x13e: {  	v12 =	vld.idx.msk [tilespmem:v7+s26+$0x0], $0xffff  }
0x13f: {  	v3 =	vadd.f32 v4, v3;
	v4 =	vmul.f32 v6, v13;
	v6 =	vld.idx.msk [tilespmem:v7+s28+$0x0], $0xffff;
	v7 =	vor.u32 $0x11, v0  }
0x140: {  	v13 =	vld.idx.msk [tilespmem:v9+s26+$0x0], $0xffff  }
0x141: {  	v3 =	vadd.f32 v4, v3;
	v4 =	vmul.f32 v8, v14;
	v8 =	vld.idx.msk [tilespmem:v9+s28+$0x0], $0xffff;
	v9 =	vor.u32 $0x12, v0  }
0x142: {  	v14 =	vld.idx.msk [tilespmem:v10+s26+$0x0], $0xffff  }
0x143: {  	v3 =	vadd.f32 v4, v3;
	v4 =	vmul.f32 v5, v11;
	v5 =	vld.idx.msk [tilespmem:v10+s28+$0x0], $0xffff;
	v10 =	vor.u32 $0x13, v0  }
0x144: {  	v11 =	vld.idx.msk [tilespmem:v7+s26+$0x0], $0xffff  }
0x145: {  	v3 =	vadd.f32 v4, v3;
	v4 =	vmul.f32 v6, v12;
	v6 =	vld.idx.msk [tilespmem:v7+s28+$0x0], $0xffff;
	v7 =	vor.u32 $0x14, v0  }
0x146: {  	v12 =	vld.idx.msk [tilespmem:v9+s26+$0x0], $0xffff  }
0x147: {  	v3 =	vadd.f32 v4, v3;
	v4 =	vmul.f32 v8, v13;
	v8 =	vld.idx.msk [tilespmem:v9+s28+$0x0], $0xffff;
	v9 =	vor.u32 $0x15, v0  }
0x148: {  	v13 =	vld.idx.msk [tilespmem:v10+s26+$0x0], $0xffff  }
0x149: {  	v3 =	vadd.f32 v4, v3;
	v4 =	vmul.f32 v5, v14;
	v5 =	vld.idx.msk [tilespmem:v10+s28+$0x0], $0xffff;
	v10 =	vor.u32 $0x16, v0  }
0x14a: {  	v14 =	vld.idx.msk [tilespmem:v7+s26+$0x0], $0xffff  }
0x14b: {  	v3 =	vadd.f32 v4, v3;
	v4 =	vmul.f32 v6, v11;
	v6 =	vld.idx.msk [tilespmem:v7+s28+$0x0], $0xffff;
	v7 =	vor.u32 $0x17, v0  }
0x14c: {  	v11 =	vld.idx.msk [tilespmem:v9+s26+$0x0], $0xffff  }
0x14d: {  	v3 =	vadd.f32 v4, v3;
	v4 =	vmul.f32 v8, v12;
	v8 =	vld.idx.msk [tilespmem:v9+s28+$0x0], $0xffff;
	v9 =	vor.u32 $0x18, v0  }
0x14e: {  	v12 =	vld.idx.msk [tilespmem:v10+s26+$0x0], $0xffff  }
0x14f: {  	v3 =	vadd.f32 v4, v3;
	v4 =	vmul.f32 v5, v13;
	v5 =	vld.idx.msk [tilespmem:v10+s28+$0x0], $0xffff;
	v10 =	vor.u32 $0x19, v0  }
0x150: {  	v13 =	vld.idx.msk [tilespmem:v7+s26+$0x0], $0xffff  }
0x151: {  	v3 =	vadd.f32 v4, v3;
	v4 =	vmul.f32 v6, v14;
	v6 =	vld.idx.msk [tilespmem:v7+s28+$0x0], $0xffff;
	v7 =	vor.u32 $0x1A, v0  }
0x152: {  	v14 =	vld.idx.msk [tilespmem:v9+s26+$0x0], $0xffff  }
0x153: {  	v3 =	vadd.f32 v4, v3;
	v4 =	vmul.f32 v8, v11;
	v8 =	vld.idx.msk [tilespmem:v9+s28+$0x0], $0xffff;
	v9 =	vor.u32 $0x1B, v0  }
0x154: {  	v11 =	vld.idx.msk [tilespmem:v10+s26+$0x0], $0xffff  }
0x155: {  	v3 =	vadd.f32 v4, v3;
	v4 =	vmul.f32 v5, v12;
	v5 =	vld.idx.msk [tilespmem:v10+s28+$0x0], $0xffff;
	v10 =	vor.u32 $0x1C, v0  }
0x156: {  	v12 =	vld.idx.msk [tilespmem:v7+s26+$0x0], $0xffff  }
0x157: {  	v3 =	vadd.f32 v4, v3;
	v4 =	vmul.f32 v6, v13;
	v6 =	vld.idx.msk [tilespmem:v7+s28+$0x0], $0xffff;
	v7 =	vor.u32 $0x1D, v0  }
0x158: {  	v13 =	vld.idx.msk [tilespmem:v9+s26+$0x0], $0xffff  }
0x159: {  	v3 =	vadd.f32 v4, v3;
	v4 =	vmul.f32 v8, v14;
	v8 =	vld.idx.msk [tilespmem:v9+s28+$0x0], $0xffff;
	v9 =	vor.u32 $0x1E, v0  }
0x15a: {  	v14 =	vld.idx.msk [tilespmem:v10+s26+$0x0], $0xffff  }
0x15b: {  	v0 =	vor.u32 $0x1F, v0;
	v3 =	vadd.f32 v4, v3;
	v4 =	vmul.f32 v5, v11;
	v5 =	vld.idx.msk [tilespmem:v10+s28+$0x0], $0xffff  }
0x15c: {  	v10 =	vld.idx.msk [tilespmem:v7+s26+$0x0], $0xffff  }
0x15d: {  	v3 =	vadd.f32 v4, v3;
	v4 =	vmul.f32 v6, v12;
	v6 =	vld.idx.msk [tilespmem:v7+s28+$0x0], $0xffff  }
0x15e: {  	v7 =	vld.idx.msk [tilespmem:v9+s26+$0x0], $0xffff  }
0x15f: {  	v3 =	vadd.f32 v4, v3;
	v4 =	vmul.f32 v8, v13;
	v8 =	vld.idx.msk [tilespmem:v9+s28+$0x0], $0xffff  }
0x160: {  	v9 =	vld.idx.msk [tilespmem:v0+s26+$0x0], $0xffff  }
0x161: {  	v3 =	vadd.f32 v4, v3;
	v4 =	vmul.f32 v5, v14;
	v5 =	vld.idx.msk [tilespmem:v0+s28+$0x0], $0xffff;
	_ =	sdelay $0x1  }
0x162: {  	v0 =	vadd.f32 v4, v3;
	v3 =	vmul.f32 v6, v10  }
.Ltmp0:
0x163: {  	(pc) =	sbr.rel @p0 .LBB2_2-.Ltmp0, $4  }
0x164: {  	v4 =	vmov s14;
	v6 =	vmul.f32 v8, v7;
	v3 =	vadd.f32 v3, v0  }
0x165: {  	v0 =	vshll.u32 v4, $0x5  }
0x166: {  	v0 =	vor.u32 v1, v0;
	v4 =	vmul.f32 v5, v9;
	v3 =	vadd.f32 v6, v3  }
0x167: {  	s14 =	sadd.s32 $0x10, s14  }
0x168: {  	v3 =	vadd.f32 v4, v3  }
0x169: {  	s13 =	sadd.s32 $0x10, s13  }
0x16a: {  	v4 =	vor.u32 $0x1, v0;
	s11 =	sadd.s32 $0x10, s11;
	[tilespmem:s13+$0x0] =	vst v3  }
0x16b: {  	s14 =	sadd.s32 $0x10, s12;
	v3 =	vld [tilespmem:s11+$0x0]  }
0x16c: {  	v5 =	vor.u32 $0x2, v0;
	v6 =	vld [tilespmem:s14+$0x0]  }
0x16d: {  	v7 =	vld.idx.msk [tilespmem:v0+s26+$0x0], $0xffff  }
0x16e: {  	v9 =	vor.u32 $0x3, v0;
	v8 =	vld.idx.msk [tilespmem:v0+s28+$0x0], $0xffff  }
0x16f: {  	v10 =	vld.idx.msk [tilespmem:v4+s26+$0x0], $0xffff  }
0x170: {  	v11 =	vor.u32 $0x4, v0;
	v4 =	vld.idx.msk [tilespmem:v4+s28+$0x0], $0xffff  }
0x171: {  	v12 =	vld.idx.msk [tilespmem:v5+s26+$0x0], $0xffff;
	v3 =	vadd.f32 v3, v6  }
0x172: {  	v5 =	vld.idx.msk [tilespmem:v5+s28+$0x0], $0xffff;
	v6 =	vor.u32 $0x5, v0  }
0x173: {  	v13 =	vld.idx.msk [tilespmem:v9+s26+$0x0], $0xffff;
	v7 =	vmul.f32 v8, v7;
	v3 =	vadd.f32 v3, v2  }
0x174: {  	v8 =	vld.idx.msk [tilespmem:v9+s28+$0x0], $0xffff;
	v9 =	vor.u32 $0x6, v0  }
0x175: {  	v14 =	vld.idx.msk [tilespmem:v11+s26+$0x0], $0xffff;
	v4 =	vmul.f32 v4, v10;
	v3 =	vadd.f32 v7, v3  }
0x176: {  	v10 =	vor.u32 $0x7, v0;
	v7 =	vld.idx.msk [tilespmem:v11+s28+$0x0], $0xffff  }
0x177: {  	v11 =	vld.idx.msk [tilespmem:v6+s26+$0x0], $0xffff;
	v3 =	vadd.f32 v4, v3;
	v4 =	vmul.f32 v5, v12  }
0x178: {  	v5 =	vld.idx.msk [tilespmem:v6+s28+$0x0], $0xffff;
	v6 =	vor.u32 $0x8, v0  }
0x179: {  	v40 =	vld.idx.msk [tilespmem:v9+s26+$0x0], $0xffff;
	v3 =	vadd.f32 v4, v3;
	v4 =	vmul.f32 v8, v13  }
0x17a: {  	v8 =	vld.idx.msk [tilespmem:v9+s28+$0x0], $0xffff;
	v9 =	vor.u32 $0x9, v0  }
0x17b: {  	v41 =	vld.idx.msk [tilespmem:v10+s26+$0x0], $0xffff;
	v3 =	vadd.f32 v4, v3;
	v4 =	vmul.f32 v7, v14  }
0x17c: {  	v7 =	vld.idx.msk [tilespmem:v10+s28+$0x0], $0xffff;
	v10 =	vor.u32 $0xA, v0  }
0x17d: {  	v42 =	vld.idx.msk [tilespmem:v6+s26+$0x0], $0xffff;
	v3 =	vadd.f32 v4, v3;
	v4 =	vmul.f32 v5, v11  }
0x17e: {  	v5 =	vld.idx.msk [tilespmem:v6+s28+$0x0], $0xffff;
	v6 =	vor.u32 $0xB, v0  }
0x17f: {  	v11 =	vld.idx.msk [tilespmem:v9+s26+$0x0], $0xffff;
	v3 =	vadd.f32 v4, v3;
	v4 =	vmul.f32 v8, v40  }
0x180: {  	v8 =	vld.idx.msk [tilespmem:v9+s28+$0x0], $0xffff;
	v9 =	vor.u32 $0xC, v0  }
0x181: {  	v43 =	vld.idx.msk [tilespmem:v10+s26+$0x0], $0xffff;
	v3 =	vadd.f32 v4, v3;
	v4 =	vmul.f32 v7, v41  }
0x182: {  	v7 =	vld.idx.msk [tilespmem:v10+s28+$0x0], $0xffff;
	v10 =	vor.u32 $0xD, v0  }
0x183: {  	v44 =	vld.idx.msk [tilespmem:v6+s26+$0x0], $0xffff;
	v3 =	vadd.f32 v4, v3;
	v4 =	vmul.f32 v5, v42  }
0x184: {  	v5 =	vld.idx.msk [tilespmem:v6+s28+$0x0], $0xffff;
	v6 =	vor.u32 $0xE, v0  }
0x185: {  	v45 =	vld.idx.msk [tilespmem:v9+s26+$0x0], $0xffff;
	v3 =	vadd.f32 v4, v3;
	v4 =	vmul.f32 v8, v11  }
0x186: {  	v8 =	vld.idx.msk [tilespmem:v9+s28+$0x0], $0xffff;
	v9 =	vor.u32 $0xF, v0  }
0x187: {  	v11 =	vld.idx.msk [tilespmem:v10+s26+$0x0], $0xffff;
	v3 =	vadd.f32 v4, v3;
	v4 =	vmul.f32 v7, v43  }
0x188: {  	v7 =	vld.idx.msk [tilespmem:v10+s28+$0x0], $0xffff;
	v10 =	vor.u32 $0x10, v0  }
0x189: {  	v46 =	vld.idx.msk [tilespmem:v6+s26+$0x0], $0xffff;
	v3 =	vadd.f32 v4, v3;
	v4 =	vmul.f32 v5, v44  }
0x18a: {  	v5 =	vld.idx.msk [tilespmem:v6+s28+$0x0], $0xffff;
	v6 =	vor.u32 $0x11, v0  }
0x18b: {  	v47 =	vld.idx.msk [tilespmem:v9+s26+$0x0], $0xffff;
	v3 =	vadd.f32 v4, v3;
	v4 =	vmul.f32 v8, v45  }
0x18c: {  	v8 =	vld.idx.msk [tilespmem:v9+s28+$0x0], $0xffff;
	v9 =	vor.u32 $0x12, v0  }
0x18d: {  	v48 =	vld.idx.msk [tilespmem:v10+s26+$0x0], $0xffff;
	v3 =	vadd.f32 v4, v3;
	v4 =	vmul.f32 v7, v11  }
0x18e: {  	v7 =	vld.idx.msk [tilespmem:v10+s28+$0x0], $0xffff;
	v10 =	vor.u32 $0x13, v0  }
0x18f: {  	v11 =	vld.idx.msk [tilespmem:v6+s26+$0x0], $0xffff;
	v3 =	vadd.f32 v4, v3;
	v4 =	vmul.f32 v5, v46  }
0x190: {  	v5 =	vld.idx.msk [tilespmem:v6+s28+$0x0], $0xffff;
	v6 =	vor.u32 $0x14, v0  }
0x191: {  	v49 =	vld.idx.msk [tilespmem:v9+s26+$0x0], $0xffff;
	v3 =	vadd.f32 v4, v3;
	v4 =	vmul.f32 v8, v47  }
0x192: {  	v8 =	vld.idx.msk [tilespmem:v9+s28+$0x0], $0xffff;
	v9 =	vor.u32 $0x15, v0  }
0x193: {  	v50 =	vld.idx.msk [tilespmem:v10+s26+$0x0], $0xffff;
	v3 =	vadd.f32 v4, v3;
	v4 =	vmul.f32 v7, v48  }
0x194: {  	v7 =	vld.idx.msk [tilespmem:v10+s28+$0x0], $0xffff;
	v10 =	vor.u32 $0x16, v0  }
0x195: {  	v51 =	vld.idx.msk [tilespmem:v6+s26+$0x0], $0xffff;
	v3 =	vadd.f32 v4, v3;
	v4 =	vmul.f32 v5, v11  }
0x196: {  	v5 =	vld.idx.msk [tilespmem:v6+s28+$0x0], $0xffff;
	v6 =	vor.u32 $0x17, v0  }
0x197: {  	v11 =	vld.idx.msk [tilespmem:v9+s26+$0x0], $0xffff;
	v3 =	vadd.f32 v4, v3;
	v4 =	vmul.f32 v8, v49  }
0x198: {  	v8 =	vld.idx.msk [tilespmem:v9+s28+$0x0], $0xffff;
	v9 =	vor.u32 $0x18, v0  }
0x199: {  	v52 =	vld.idx.msk [tilespmem:v10+s26+$0x0], $0xffff;
	v3 =	vadd.f32 v4, v3;
	v4 =	vmul.f32 v7, v50  }
0x19a: {  	v7 =	vld.idx.msk [tilespmem:v10+s28+$0x0], $0xffff;
	v10 =	vor.u32 $0x19, v0  }
0x19b: {  	v53 =	vld.idx.msk [tilespmem:v6+s26+$0x0], $0xffff;
	v3 =	vadd.f32 v4, v3;
	v4 =	vmul.f32 v5, v51  }
0x19c: {  	v5 =	vld.idx.msk [tilespmem:v6+s28+$0x0], $0xffff;
	v6 =	vor.u32 $0x1A, v0  }
0x19d: {  	v54 =	vld.idx.msk [tilespmem:v9+s26+$0x0], $0xffff;
	v3 =	vadd.f32 v4, v3;
	v4 =	vmul.f32 v8, v11  }
0x19e: {  	v8 =	vld.idx.msk [tilespmem:v9+s28+$0x0], $0xffff;
	v9 =	vor.u32 $0x1B, v0  }
0x19f: {  	v11 =	vld.idx.msk [tilespmem:v10+s26+$0x0], $0xffff;
	v3 =	vadd.f32 v4, v3;
	v4 =	vmul.f32 v7, v52  }
0x1a0: {  	v7 =	vld.idx.msk [tilespmem:v10+s28+$0x0], $0xffff;
	v10 =	vor.u32 $0x1C, v0  }
0x1a1: {  	v55 =	vld.idx.msk [tilespmem:v6+s26+$0x0], $0xffff;
	v3 =	vadd.f32 v4, v3;
	v4 =	vmul.f32 v5, v53  }
0x1a2: {  	v5 =	vld.idx.msk [tilespmem:v6+s28+$0x0], $0xffff;
	v6 =	vor.u32 $0x1D, v0  }
0x1a3: {  	v56 =	vld.idx.msk [tilespmem:v9+s26+$0x0], $0xffff;
	v3 =	vadd.f32 v4, v3;
	v4 =	vmul.f32 v8, v54  }
0x1a4: {  	v8 =	vld.idx.msk [tilespmem:v9+s28+$0x0], $0xffff;
	v9 =	vor.u32 $0x1E, v0  }
0x1a5: {  	v57 =	vld.idx.msk [tilespmem:v10+s26+$0x0], $0xffff;
	v3 =	vadd.f32 v4, v3;
	v4 =	vmul.f32 v7, v11  }
0x1a6: {  	v0 =	vor.u32 $0x1F, v0;
	v7 =	vld.idx.msk [tilespmem:v10+s28+$0x0], $0xffff  }
0x1a7: {  	v10 =	vld.idx.msk [tilespmem:v6+s26+$0x0], $0xffff;
	v3 =	vadd.f32 v4, v3;
	v4 =	vmul.f32 v5, v55  }
0x1a8: {  	v5 =	vld.idx.msk [tilespmem:v6+s28+$0x0], $0xffff  }
0x1a9: {  	v6 =	vld.idx.msk [tilespmem:v9+s26+$0x0], $0xffff;
	v3 =	vadd.f32 v4, v3;
	v4 =	vmul.f32 v8, v56  }
0x1aa: {  	v8 =	vld.idx.msk [tilespmem:v9+s28+$0x0], $0xffff  }
0x1ab: {  	v9 =	vld.idx.msk [tilespmem:v0+s26+$0x0], $0xffff;
	v3 =	vadd.f32 v4, v3;
	v4 =	vmul.f32 v7, v57  }
0x1ac: {  	v0 =	vld.idx.msk [tilespmem:v0+s28+$0x0], $0xffff  }
0x1ad: {  	v3 =	vadd.f32 v4, v3;
	v4 =	vmul.f32 v5, v10;
	_ =	sdelay $0x1  }
0x1ae: {  	v3 =	vadd.f32 v4, v3;
	v4 =	vmul.f32 v8, v6  }
0x1af: {  	s12 =	simm.s32 $0x0  }
0x1b0: {  	v0 =	vmul.f32 v0, v9;
	v3 =	vadd.f32 v4, v3;
	v4 =	vmov s12  }
0x1b1: {  	v4 =	vshll.u32 v4, $0x5  }
0x1b2: {  	v0 =	vadd.f32 v0, v3;
	v3 =	vor.u32 v1, v4  }
0x1b3: {  	s14 =	sadd.s32 $0x10, s13  }
0x1b4: {  	s12 =	simm.s32 $0x8680;
	v8 =	vor.u32 $0x1, v3;
	[tilespmem:s14+$0x0] =	vst v0  }
0x1b5: {  	s13 =	simm.s32 $0x8480;
	v0 =	vld [tilespmem:s12+$0x0]  }
0x1b6: {  	v10 =	vor.u32 $0x2, v3;
	v4 =	vld [tilespmem:s13+$0x0]  }
0x1b7: {  	v5 =	vld.idx.msk [tilespmem:v3+s29+$0x0], $0xffff  }
0x1b8: {  	v58 =	vor.u32 $0x3, v3;
	v6 =	vld.idx.msk [tilespmem:v3+s30+$0x0], $0xffff  }
0x1b9: {  	v7 =	vld.idx.msk [tilespmem:v8+s29+$0x0], $0xffff  }
0x1ba: {  	v9 =	vor.u32 $0x4, v3;
	[tilespmem:$0x1FF00] =	vst v8;
	v8 =	vld.idx.msk [tilespmem:v8+s30+$0x0], $0xffff  }
0x1bb: {  	v11 =	vld.idx.msk [tilespmem:v10+s29+$0x0], $0xffff;
	v0 =	vadd.f32 v0, v4  }
0x1bc: {  	[tilespmem:$0x1FF10] =	vst v10;
	v4 =	vld.idx.msk [tilespmem:v10+s30+$0x0], $0xffff;
	v10 =	vor.u32 $0x5, v3  }
0x1bd: {  	v59 =	vld.idx.msk [tilespmem:v58+s29+$0x0], $0xffff;
	v0 =	vadd.f32 v0, v2;
	v5 =	vmul.f32 v6, v5  }
0x1be: {  	v60 =	vor.u32 $0x6, v3;
	v6 =	vld.idx.msk [tilespmem:v58+s30+$0x0], $0xffff  }
0x1bf: {  	v61 =	vld.idx.msk [tilespmem:v9+s29+$0x0], $0xffff;
	v0 =	vadd.f32 v5, v0;
	v5 =	vmul.f32 v8, v7  }
0x1c0: {  	[tilespmem:$0x1FF30] =	vst v9;
	v7 =	vld.idx.msk [tilespmem:v9+s30+$0x0], $0xffff;
	v9 =	vor.u32 $0x7, v3  }
0x1c1: {  	v8 =	vld.idx.msk [tilespmem:v10+s29+$0x0], $0xffff;
	v4 =	vmul.f32 v4, v11;
	v0 =	vadd.f32 v5, v0  }
0x1c2: {  	[tilespmem:$0x1FF40] =	vst v10;
	v5 =	vld.idx.msk [tilespmem:v10+s30+$0x0], $0xffff;
	v10 =	vor.u32 $0x8, v3  }
0x1c3: {  	v15 =	vld.idx.msk [tilespmem:v60+s29+$0x0], $0xffff;
	v0 =	vadd.f32 v4, v0;
	v4 =	vmul.f32 v6, v59  }
0x1c4: {  	v11 =	vor.u32 $0x9, v3;
	v6 =	vld.idx.msk [tilespmem:v60+s30+$0x0], $0xffff  }
0x1c5: {  	v16 =	vld.idx.msk [tilespmem:v9+s29+$0x0], $0xffff;
	v0 =	vadd.f32 v4, v0;
	v4 =	vmul.f32 v7, v61  }
0x1c6: {  	[tilespmem:$0x1FF60] =	vst v9;
	v7 =	vld.idx.msk [tilespmem:v9+s30+$0x0], $0xffff;
	v9 =	vor.u32 $0xA, v3  }
0x1c7: {  	v17 =	vld.idx.msk [tilespmem:v10+s29+$0x0], $0xffff;
	v0 =	vadd.f32 v4, v0;
	v4 =	vmul.f32 v5, v8  }
0x1c8: {  	[tilespmem:$0x1FF70] =	vst v10;
	v5 =	vld.idx.msk [tilespmem:v10+s30+$0x0], $0xffff;
	v10 =	vor.u32 $0xB, v3  }
0x1c9: {  	v8 =	vld.idx.msk [tilespmem:v11+s29+$0x0], $0xffff;
	v0 =	vadd.f32 v4, v0;
	v4 =	vmul.f32 v6, v15  }
0x1ca: {  	[tilespmem:$0x1FF80] =	vst v11;
	v6 =	vld.idx.msk [tilespmem:v11+s30+$0x0], $0xffff;
	v11 =	vor.u32 $0xC, v3  }
0x1cb: {  	v19 =	vld.idx.msk [tilespmem:v9+s29+$0x0], $0xffff;
	v0 =	vadd.f32 v4, v0;
	v4 =	vmul.f32 v7, v16  }
0x1cc: {  	[tilespmem:$0x1FF90] =	vst v9;
	v7 =	vld.idx.msk [tilespmem:v9+s30+$0x0], $0xffff;
	v9 =	vor.u32 $0xD, v3  }
0x1cd: {  	v20 =	vld.idx.msk [tilespmem:v10+s29+$0x0], $0xffff;
	v0 =	vadd.f32 v4, v0;
	v4 =	vmul.f32 v5, v17  }
0x1ce: {  	[tilespmem:$0x1FFA0] =	vst v10;
	v5 =	vld.idx.msk [tilespmem:v10+s30+$0x0], $0xffff;
	v10 =	vor.u32 $0xE, v3  }
0x1cf: {  	v21 =	vld.idx.msk [tilespmem:v11+s29+$0x0], $0xffff;
	v0 =	vadd.f32 v4, v0;
	v4 =	vmul.f32 v6, v8  }
0x1d0: {  	[tilespmem:$0x1FFB0] =	vst v11;
	v6 =	vld.idx.msk [tilespmem:v11+s30+$0x0], $0xffff;
	v11 =	vor.u32 $0xF, v3  }
0x1d1: {  	v8 =	vld.idx.msk [tilespmem:v9+s29+$0x0], $0xffff;
	v0 =	vadd.f32 v4, v0;
	v4 =	vmul.f32 v7, v19  }
0x1d2: {  	v7 =	vld.idx.msk [tilespmem:v9+s30+$0x0], $0xffff;
	v19 =	vor.u32 $0x10, v3  }
0x1d3: {  	v23 =	vld.idx.msk [tilespmem:v10+s29+$0x0], $0xffff;
	v0 =	vadd.f32 v4, v0;
	v4 =	vmul.f32 v5, v20  }
0x1d4: {  	v5 =	vld.idx.msk [tilespmem:v10+s30+$0x0], $0xffff;
	v20 =	vor.u32 $0x11, v3  }
0x1d5: {  	v24 =	vld.idx.msk [tilespmem:v11+s29+$0x0], $0xffff;
	v0 =	vadd.f32 v4, v0;
	v4 =	vmul.f32 v6, v21  }
0x1d6: {  	v6 =	vld.idx.msk [tilespmem:v11+s30+$0x0], $0xffff;
	v21 =	vor.u32 $0x12, v3  }
0x1d7: {  	v25 =	vld.idx.msk [tilespmem:v19+s29+$0x0], $0xffff;
	v0 =	vadd.f32 v4, v0;
	v4 =	vmul.f32 v7, v8  }
0x1d8: {  	v22 =	vor.u32 $0x13, v3;
	v7 =	vld.idx.msk [tilespmem:v19+s30+$0x0], $0xffff  }
0x1d9: {  	v8 =	vld.idx.msk [tilespmem:v20+s29+$0x0], $0xffff;
	v0 =	vadd.f32 v4, v0;
	v4 =	vmul.f32 v5, v23  }
0x1da: {  	v5 =	vld.idx.msk [tilespmem:v20+s30+$0x0], $0xffff;
	v23 =	vor.u32 $0x14, v3  }
0x1db: {  	v27 =	vld.idx.msk [tilespmem:v21+s29+$0x0], $0xffff;
	v0 =	vadd.f32 v4, v0;
	v4 =	vmul.f32 v6, v24  }
0x1dc: {  	v6 =	vld.idx.msk [tilespmem:v21+s30+$0x0], $0xffff;
	v24 =	vor.u32 $0x15, v3  }
0x1dd: {  	v28 =	vld.idx.msk [tilespmem:v22+s29+$0x0], $0xffff;
	v0 =	vadd.f32 v4, v0;
	v4 =	vmul.f32 v7, v25  }
0x1de: {  	v7 =	vld.idx.msk [tilespmem:v22+s30+$0x0], $0xffff;
	v25 =	vor.u32 $0x16, v3  }
0x1df: {  	v29 =	vld.idx.msk [tilespmem:v23+s29+$0x0], $0xffff;
	v0 =	vadd.f32 v4, v0;
	v4 =	vmul.f32 v5, v8  }
0x1e0: {  	v26 =	vor.u32 $0x17, v3;
	v5 =	vld.idx.msk [tilespmem:v23+s30+$0x0], $0xffff  }
0x1e1: {  	v8 =	vld.idx.msk [tilespmem:v24+s29+$0x0], $0xffff;
	v0 =	vadd.f32 v4, v0;
	v4 =	vmul.f32 v6, v27  }
0x1e2: {  	v6 =	vld.idx.msk [tilespmem:v24+s30+$0x0], $0xffff;
	v27 =	vor.u32 $0x18, v3  }
0x1e3: {  	v31 =	vld.idx.msk [tilespmem:v25+s29+$0x0], $0xffff;
	v0 =	vadd.f32 v4, v0;
	v4 =	vmul.f32 v7, v28  }
0x1e4: {  	v7 =	vld.idx.msk [tilespmem:v25+s30+$0x0], $0xffff;
	v28 =	vor.u32 $0x19, v3  }
0x1e5: {  	v32 =	vld.idx.msk [tilespmem:v26+s29+$0x0], $0xffff;
	v0 =	vadd.f32 v4, v0;
	v4 =	vmul.f32 v5, v29  }
0x1e6: {  	v5 =	vld.idx.msk [tilespmem:v26+s30+$0x0], $0xffff;
	v29 =	vor.u32 $0x1A, v3  }
0x1e7: {  	v33 =	vld.idx.msk [tilespmem:v27+s29+$0x0], $0xffff;
	v0 =	vadd.f32 v4, v0;
	v4 =	vmul.f32 v6, v8  }
0x1e8: {  	v30 =	vor.u32 $0x1B, v3;
	v6 =	vld.idx.msk [tilespmem:v27+s30+$0x0], $0xffff  }
0x1e9: {  	v8 =	vld.idx.msk [tilespmem:v28+s29+$0x0], $0xffff;
	v0 =	vadd.f32 v4, v0;
	v4 =	vmul.f32 v7, v31  }
0x1ea: {  	v7 =	vld.idx.msk [tilespmem:v28+s30+$0x0], $0xffff;
	v31 =	vor.u32 $0x1C, v3  }
0x1eb: {  	v35 =	vld.idx.msk [tilespmem:v29+s29+$0x0], $0xffff;
	v0 =	vadd.f32 v4, v0;
	v4 =	vmul.f32 v5, v32  }
0x1ec: {  	v5 =	vld.idx.msk [tilespmem:v29+s30+$0x0], $0xffff;
	v32 =	vor.u32 $0x1D, v3  }
0x1ed: {  	v36 =	vld.idx.msk [tilespmem:v30+s29+$0x0], $0xffff;
	v0 =	vadd.f32 v4, v0;
	v4 =	vmul.f32 v6, v33  }
0x1ee: {  	v6 =	vld.idx.msk [tilespmem:v30+s30+$0x0], $0xffff;
	v33 =	vor.u32 $0x1E, v3  }
0x1ef: {  	v37 =	vld.idx.msk [tilespmem:v31+s29+$0x0], $0xffff;
	v0 =	vadd.f32 v4, v0;
	v4 =	vmul.f32 v7, v8  }
0x1f0: {  	v34 =	vor.u32 $0x1F, v3;
	v7 =	vld.idx.msk [tilespmem:v31+s30+$0x0], $0xffff  }
0x1f1: {  	v8 =	vld.idx.msk [tilespmem:v32+s29+$0x0], $0xffff;
	v0 =	vadd.f32 v4, v0;
	v4 =	vmul.f32 v5, v35  }
0x1f2: {  	v5 =	vld.idx.msk [tilespmem:v32+s30+$0x0], $0xffff  }
0x1f3: {  	v62 =	vld.idx.msk [tilespmem:v33+s29+$0x0], $0xffff;
	v0 =	vadd.f32 v4, v0;
	v4 =	vmul.f32 v6, v36  }
0x1f4: {  	v6 =	vld.idx.msk [tilespmem:v33+s30+$0x0], $0xffff  }
0x1f5: {  	v63 =	vld.idx.msk [tilespmem:v34+s29+$0x0], $0xffff;
	v0 =	vadd.f32 v4, v0;
	v4 =	vmul.f32 v7, v37  }
0x1f6: {  	v7 =	vld.idx.msk [tilespmem:v34+s30+$0x0], $0xffff  }
0x1f7: {  	v0 =	vadd.f32 v4, v0;
	v4 =	vmul.f32 v5, v8;
	_ =	sdelay $0x1  }
0x1f8: {  	v0 =	vadd.f32 v4, v0;
	v4 =	vmul.f32 v6, v62  }
0x1f9: {  	s14 =	simm.s32 $0x10  }
0x1fa: {  	v5 =	vmov s14;
	v0 =	vadd.f32 v4, v0;
	v4 =	vmul.f32 v7, v63  }
0x1fb: {  	v5 =	vshll.u32 v5, $0x5  }
0x1fc: {  	v35 =	vor.u32 v1, v5;
	v0 =	vadd.f32 v4, v0  }
0x1fd: {  	s11 =	simm.s32 $0x8890  }
0x1fe: {  	s12 =	simm.s32 $0x8690;
	v36 =	vor.u32 $0x1, v35;
	[tilespmem:s11+$0x0] =	vst v0  }
0x1ff: {  	s13 =	simm.s32 $0x8490;
	v0 =	vld [tilespmem:s12+$0x0]  }
0x200: {  	v39 =	vor.u32 $0x2, v35;
	v4 =	vld [tilespmem:s13+$0x0]  }
0x201: {  	v5 =	vld.idx.msk [tilespmem:v35+s29+$0x0], $0xffff  }
0x202: {  	v40 =	vor.u32 $0x3, v35;
	v6 =	vld.idx.msk [tilespmem:v35+s30+$0x0], $0xffff  }
0x203: {  	v7 =	vld.idx.msk [tilespmem:v36+s29+$0x0], $0xffff  }
0x204: {  	v37 =	vor.u32 $0x4, v35;
	v8 =	vld.idx.msk [tilespmem:v36+s30+$0x0], $0xffff  }
0x205: {  	v43 =	vld.idx.msk [tilespmem:v39+s29+$0x0], $0xffff;
	v0 =	vadd.f32 v0, v4  }
0x206: {  	v38 =	vor.u32 $0x5, v35;
	v4 =	vld.idx.msk [tilespmem:v39+s30+$0x0], $0xffff  }
0x207: {  	v44 =	vld.idx.msk [tilespmem:v40+s29+$0x0], $0xffff;
	v5 =	vmul.f32 v6, v5;
	v0 =	vadd.f32 v0, v2  }
0x208: {  	v41 =	vor.u32 $0x6, v35;
	v6 =	vld.idx.msk [tilespmem:v40+s30+$0x0], $0xffff  }
0x209: {  	v45 =	vld.idx.msk [tilespmem:v37+s29+$0x0], $0xffff;
	v0 =	vadd.f32 v5, v0;
	v5 =	vmul.f32 v8, v7  }
0x20a: {  	v42 =	vor.u32 $0x7, v35;
	v7 =	vld.idx.msk [tilespmem:v37+s30+$0x0], $0xffff  }
0x20b: {  	v8 =	vld.idx.msk [tilespmem:v38+s29+$0x0], $0xffff;
	v4 =	vmul.f32 v4, v43;
	v0 =	vadd.f32 v5, v0  }
0x20c: {  	v43 =	vor.u32 $0x8, v35;
	v5 =	vld.idx.msk [tilespmem:v38+s30+$0x0], $0xffff  }
0x20d: {  	v47 =	vld.idx.msk [tilespmem:v41+s29+$0x0], $0xffff;
	v0 =	vadd.f32 v4, v0;
	v4 =	vmul.f32 v6, v44  }
0x20e: {  	v6 =	vld.idx.msk [tilespmem:v41+s30+$0x0], $0xffff;
	v44 =	vor.u32 $0x9, v35  }
0x20f: {  	v48 =	vld.idx.msk [tilespmem:v42+s29+$0x0], $0xffff;
	v0 =	vadd.f32 v4, v0;
	v4 =	vmul.f32 v7, v45  }
0x210: {  	v7 =	vld.idx.msk [tilespmem:v42+s30+$0x0], $0xffff;
	v45 =	vor.u32 $0xA, v35  }
0x211: {  	v49 =	vld.idx.msk [tilespmem:v43+s29+$0x0], $0xffff;
	v0 =	vadd.f32 v4, v0;
	v4 =	vmul.f32 v5, v8  }
0x212: {  	v46 =	vor.u32 $0xB, v35;
	v5 =	vld.idx.msk [tilespmem:v43+s30+$0x0], $0xffff  }
0x213: {  	v8 =	vld.idx.msk [tilespmem:v44+s29+$0x0], $0xffff;
	v0 =	vadd.f32 v4, v0;
	v4 =	vmul.f32 v6, v47  }
0x214: {  	v6 =	vld.idx.msk [tilespmem:v44+s30+$0x0], $0xffff;
	v47 =	vor.u32 $0xC, v35  }
0x215: {  	v51 =	vld.idx.msk [tilespmem:v45+s29+$0x0], $0xffff;
	v0 =	vadd.f32 v4, v0;
	v4 =	vmul.f32 v7, v48  }
0x216: {  	v7 =	vld.idx.msk [tilespmem:v45+s30+$0x0], $0xffff;
	v48 =	vor.u32 $0xD, v35  }
0x217: {  	v52 =	vld.idx.msk [tilespmem:v46+s29+$0x0], $0xffff;
	v0 =	vadd.f32 v4, v0;
	v4 =	vmul.f32 v5, v49  }
0x218: {  	v5 =	vld.idx.msk [tilespmem:v46+s30+$0x0], $0xffff;
	v49 =	vor.u32 $0xE, v35  }
0x219: {  	v53 =	vld.idx.msk [tilespmem:v47+s29+$0x0], $0xffff;
	v0 =	vadd.f32 v4, v0;
	v4 =	vmul.f32 v6, v8  }
0x21a: {  	v50 =	vor.u32 $0xF, v35;
	v6 =	vld.idx.msk [tilespmem:v47+s30+$0x0], $0xffff  }
0x21b: {  	v8 =	vld.idx.msk [tilespmem:v48+s29+$0x0], $0xffff;
	v0 =	vadd.f32 v4, v0;
	v4 =	vmul.f32 v7, v51  }
0x21c: {  	v7 =	vld.idx.msk [tilespmem:v48+s30+$0x0], $0xffff;
	v51 =	vor.u32 $0x10, v35  }
0x21d: {  	v55 =	vld.idx.msk [tilespmem:v49+s29+$0x0], $0xffff;
	v0 =	vadd.f32 v4, v0;
	v4 =	vmul.f32 v5, v52  }
0x21e: {  	v5 =	vld.idx.msk [tilespmem:v49+s30+$0x0], $0xffff;
	v52 =	vor.u32 $0x11, v35  }
0x21f: {  	v56 =	vld.idx.msk [tilespmem:v50+s29+$0x0], $0xffff;
	v0 =	vadd.f32 v4, v0;
	v4 =	vmul.f32 v6, v53  }
0x220: {  	v6 =	vld.idx.msk [tilespmem:v50+s30+$0x0], $0xffff;
	v53 =	vor.u32 $0x12, v35  }
0x221: {  	v57 =	vld.idx.msk [tilespmem:v51+s29+$0x0], $0xffff;
	v0 =	vadd.f32 v4, v0;
	v4 =	vmul.f32 v7, v8  }
0x222: {  	v54 =	vor.u32 $0x13, v35;
	v7 =	vld.idx.msk [tilespmem:v51+s30+$0x0], $0xffff  }
0x223: {  	v8 =	vld.idx.msk [tilespmem:v52+s29+$0x0], $0xffff;
	v0 =	vadd.f32 v4, v0;
	v4 =	vmul.f32 v5, v55  }
0x224: {  	v5 =	vld.idx.msk [tilespmem:v52+s30+$0x0], $0xffff;
	v55 =	vor.u32 $0x14, v35  }
0x225: {  	v59 =	vld.idx.msk [tilespmem:v53+s29+$0x0], $0xffff;
	v0 =	vadd.f32 v4, v0;
	v4 =	vmul.f32 v6, v56  }
0x226: {  	v6 =	vld.idx.msk [tilespmem:v53+s30+$0x0], $0xffff;
	v56 =	vor.u32 $0x15, v35  }
0x227: {  	[tilespmem:$0x1FF50] =	vst v60;
	v60 =	vld.idx.msk [tilespmem:v54+s29+$0x0], $0xffff;
	v0 =	vadd.f32 v4, v0;
	v4 =	vmul.f32 v7, v57  }
0x228: {  	v7 =	vld.idx.msk [tilespmem:v54+s30+$0x0], $0xffff;
	v57 =	vor.u32 $0x16, v35  }
0x229: {  	v61 =	vld.idx.msk [tilespmem:v55+s29+$0x0], $0xffff;
	v0 =	vadd.f32 v4, v0;
	v4 =	vmul.f32 v5, v8  }
0x22a: {  	[tilespmem:$0x1FF20] =	vst v58;
	v58 =	vor.u32 $0x17, v35;
	v5 =	vld.idx.msk [tilespmem:v55+s30+$0x0], $0xffff  }
0x22b: {  	v6 =	vmul.f32 v6, v59;
	v8 =	vld.idx.msk [tilespmem:v56+s30+$0x0], $0xffff;
	v0 =	vadd.f32 v4, v0  }
0x22c: {  	v59 =	vor.u32 $0x18, v35;
	v4 =	vld.idx.msk [tilespmem:v56+s29+$0x0], $0xffff  }
0x22d: {  	v63 =	vld.idx.msk [tilespmem:v57+s30+$0x0], $0xffff;
	v0 =	vadd.f32 v6, v0;
	v6 =	vmul.f32 v7, v60  }
0x22e: {  	v7 =	vld.idx.msk [tilespmem:v57+s29+$0x0], $0xffff;
	v60 =	vor.u32 $0x19, v35  }
0x22f: {  	[tilespmem:$0x1FFC0] =	vst v9;
	v9 =	vld.idx.msk [tilespmem:v58+s30+$0x0], $0xffff;
	v5 =	vmul.f32 v5, v61;
	v0 =	vadd.f32 v6, v0  }
0x230: {  	v61 =	vor.u32 $0x1A, v35;
	v6 =	vld.idx.msk [tilespmem:v58+s29+$0x0], $0xffff  }
0x231: {  	v4 =	vmul.f32 v8, v4;
	v8 =	vld.idx.msk [tilespmem:v59+s30+$0x0], $0xffff;
	v0 =	vadd.f32 v5, v0  }
0x232: {  	v62 =	vor.u32 $0x1B, v35;
	v5 =	vld.idx.msk [tilespmem:v59+s29+$0x0], $0xffff  }
0x233: {  	[tilespmem:$0x1FFD0] =	vst v10;
	v10 =	vld.idx.msk [tilespmem:v60+s30+$0x0], $0xffff;
	v0 =	vadd.f32 v4, v0;
	v4 =	vmul.f32 v63, v7  }
0x234: {  	v7 =	vld.idx.msk [tilespmem:v60+s29+$0x0], $0xffff;
	v63 =	vor.u32 $0x1C, v35  }
0x235: {  	[tilespmem:$0x1FFE0] =	vst v11;
	v11 =	vld.idx.msk [tilespmem:v61+s30+$0x0], $0xffff;
	v6 =	vmul.f32 v9, v6;
	v4 =	vadd.f32 v4, v0  }
0x236: {  	v9 =	vld.idx.msk [tilespmem:v61+s29+$0x0], $0xffff;
	v0 =	vor.u32 $0x1D, v35  }
0x237: {  	v12 =	vld.idx.msk [tilespmem:v62+s30+$0x0], $0xffff;
	v5 =	vmul.f32 v8, v5;
	v6 =	vadd.f32 v6, v4  }
0x238: {  	v8 =	vld.idx.msk [tilespmem:v62+s29+$0x0], $0xffff;
	v4 =	vor.u32 $0x1E, v35  }
0x239: {  	v7 =	vmul.f32 v10, v7;
	v10 =	vld.idx.msk [tilespmem:v63+s29+$0x0], $0xffff;
	v6 =	vadd.f32 v5, v6  }
0x23a: {  	v13 =	vld.idx.msk [tilespmem:v63+s30+$0x0], $0xffff;
	v5 =	vor.u32 $0x1F, v35  }
0x23b: {  	v6 =	vadd.f32 v7, v6;
	v7 =	vmul.f32 v11, v9;
	v9 =	vld.idx.msk [tilespmem:v0+s29+$0x0], $0xffff  }
0x23c: {  	v11 =	vld.idx.msk [tilespmem:v0+s30+$0x0], $0xffff  }
0x23d: {  	v6 =	vadd.f32 v7, v6;
	v7 =	vmul.f32 v12, v8;
	v8 =	vld.idx.msk [tilespmem:v4+s29+$0x0], $0xffff  }
0x23e: {  	v12 =	vld.idx.msk [tilespmem:v4+s30+$0x0], $0xffff  }
0x23f: {  	v6 =	vadd.f32 v7, v6;
	v7 =	vmul.f32 v13, v10;
	v10 =	vld.idx.msk [tilespmem:v5+s29+$0x0], $0xffff  }
0x240: {  	v13 =	vld.idx.msk [tilespmem:v5+s30+$0x0], $0xffff  }
0x241: {  	v6 =	vadd.f32 v7, v6;
	v7 =	vmul.f32 v11, v9;
	_ =	sdelay $0x1  }
0x242: {  	s14 =	simm.s32 $0x20;
	v6 =	vadd.f32 v7, v6;
	v7 =	vmul.f32 v12, v8  }
0x243: {  	v8 =	vmov s14  }
0x244: {  	v9 =	vshll.u32 v8, $0x5;
	v8 =	vmul.f32 v13, v10;
	v7 =	vadd.f32 v7, v6  }
0x245: {  	s14 =	simm.s32 $0x30;
	[tilespmem:$0x1FFF0] =	vst v9;
	v6 =	vor.u32 v1, v9  }
.LBB2_4:
0x246: {  	p0 =	sne.s32 s14, $0x70;
	v7 =	vadd.f32 v8, v7  }
0x247: {  	s11 =	sadd.s32 $0x10, s11  }
0x248: {  	v8 =	vor.u32 $0x1, v6;
	[tilespmem:s11+$0x0] =	vst v7  }
0x249: {  	s12 =	sadd.s32 $0x10, s12;
	v7 =	vld.idx.msk [tilespmem:v6+s29+$0x0], $0xffff  }
0x24a: {  	v10 =	vor.u32 $0x2, v6;
	s13 =	sadd.s32 $0x10, s13;
	v9 =	vld [tilespmem:s12+$0x0]  }
0x24b: {  	v11 =	vld [tilespmem:s13+$0x0]  }
0x24c: {  	v13 =	vor.u32 $0x3, v6;
	v12 =	vld.idx.msk [tilespmem:v6+s30+$0x0], $0xffff  }
0x24d: {  	v14 =	vld.idx.msk [tilespmem:v8+s29+$0x0], $0xffff  }
0x24e: {  	v15 =	vor.u32 $0x4, v6;
	v8 =	vld.idx.msk [tilespmem:v8+s30+$0x0], $0xffff  }
0x24f: {  	v16 =	vld.idx.msk [tilespmem:v10+s29+$0x0], $0xffff  }
0x250: {  	v9 =	vadd.f32 v9, v11;
	v10 =	vld.idx.msk [tilespmem:v10+s30+$0x0], $0xffff;
	v11 =	vor.u32 $0x5, v6  }
0x251: {  	v17 =	vld.idx.msk [tilespmem:v13+s29+$0x0], $0xffff  }
0x252: {  	v7 =	vmul.f32 v12, v7;
	v9 =	vadd.f32 v9, v2;
	v12 =	vld.idx.msk [tilespmem:v13+s30+$0x0], $0xffff;
	v13 =	vor.u32 $0x6, v6  }
0x253: {  	v18 =	vld.idx.msk [tilespmem:v15+s29+$0x0], $0xffff  }
0x254: {  	v8 =	vmul.f32 v8, v14;
	v14 =	vor.u32 $0x7, v6;
	v7 =	vadd.f32 v7, v9;
	v9 =	vld.idx.msk [tilespmem:v15+s30+$0x0], $0xffff  }
0x255: {  	v15 =	vld.idx.msk [tilespmem:v11+s29+$0x0], $0xffff  }
0x256: {  	v7 =	vadd.f32 v8, v7;
	v8 =	vmul.f32 v10, v16;
	v10 =	vld.idx.msk [tilespmem:v11+s30+$0x0], $0xffff;
	v11 =	vor.u32 $0x8, v6  }
0x257: {  	v16 =	vld.idx.msk [tilespmem:v13+s29+$0x0], $0xffff  }
0x258: {  	v7 =	vadd.f32 v8, v7;
	v8 =	vmul.f32 v12, v17;
	v12 =	vld.idx.msk [tilespmem:v13+s30+$0x0], $0xffff;
	v13 =	vor.u32 $0x9, v6  }
0x259: {  	v17 =	vld.idx.msk [tilespmem:v14+s29+$0x0], $0xffff  }
0x25a: {  	v7 =	vadd.f32 v8, v7;
	v8 =	vmul.f32 v9, v18;
	v9 =	vld.idx.msk [tilespmem:v14+s30+$0x0], $0xffff;
	v14 =	vor.u32 $0xA, v6  }
0x25b: {  	v18 =	vld.idx.msk [tilespmem:v11+s29+$0x0], $0xffff  }
0x25c: {  	v7 =	vadd.f32 v8, v7;
	v8 =	vmul.f32 v10, v15;
	v10 =	vld.idx.msk [tilespmem:v11+s30+$0x0], $0xffff;
	v11 =	vor.u32 $0xB, v6  }
0x25d: {  	v15 =	vld.idx.msk [tilespmem:v13+s29+$0x0], $0xffff  }
0x25e: {  	v7 =	vadd.f32 v8, v7;
	v8 =	vmul.f32 v12, v16;
	v12 =	vld.idx.msk [tilespmem:v13+s30+$0x0], $0xffff;
	v13 =	vor.u32 $0xC, v6  }
0x25f: {  	v16 =	vld.idx.msk [tilespmem:v14+s29+$0x0], $0xffff  }
0x260: {  	v7 =	vadd.f32 v8, v7;
	v8 =	vmul.f32 v9, v17;
	v9 =	vld.idx.msk [tilespmem:v14+s30+$0x0], $0xffff;
	v14 =	vor.u32 $0xD, v6  }
0x261: {  	v17 =	vld.idx.msk [tilespmem:v11+s29+$0x0], $0xffff  }
0x262: {  	v7 =	vadd.f32 v8, v7;
	v8 =	vmul.f32 v10, v18;
	v10 =	vld.idx.msk [tilespmem:v11+s30+$0x0], $0xffff;
	v11 =	vor.u32 $0xE, v6  }
0x263: {  	v18 =	vld.idx.msk [tilespmem:v13+s29+$0x0], $0xffff  }
0x264: {  	v7 =	vadd.f32 v8, v7;
	v8 =	vmul.f32 v12, v15;
	v12 =	vld.idx.msk [tilespmem:v13+s30+$0x0], $0xffff;
	v13 =	vor.u32 $0xF, v6  }
0x265: {  	v15 =	vld.idx.msk [tilespmem:v14+s29+$0x0], $0xffff  }
0x266: {  	v7 =	vadd.f32 v8, v7;
	v8 =	vmul.f32 v9, v16;
	v9 =	vld.idx.msk [tilespmem:v14+s30+$0x0], $0xffff;
	v14 =	vor.u32 $0x10, v6  }
0x267: {  	v16 =	vld.idx.msk [tilespmem:v11+s29+$0x0], $0xffff  }
0x268: {  	v7 =	vadd.f32 v8, v7;
	v8 =	vmul.f32 v10, v17;
	v10 =	vld.idx.msk [tilespmem:v11+s30+$0x0], $0xffff;
	v11 =	vor.u32 $0x11, v6  }
0x269: {  	v17 =	vld.idx.msk [tilespmem:v13+s29+$0x0], $0xffff  }
0x26a: {  	v7 =	vadd.f32 v8, v7;
	v8 =	vmul.f32 v12, v18;
	v12 =	vld.idx.msk [tilespmem:v13+s30+$0x0], $0xffff;
	v13 =	vor.u32 $0x12, v6  }
0x26b: {  	v18 =	vld.idx.msk [tilespmem:v14+s29+$0x0], $0xffff  }
0x26c: {  	v7 =	vadd.f32 v8, v7;
	v8 =	vmul.f32 v9, v15;
	v9 =	vld.idx.msk [tilespmem:v14+s30+$0x0], $0xffff;
	v14 =	vor.u32 $0x13, v6  }
0x26d: {  	v15 =	vld.idx.msk [tilespmem:v11+s29+$0x0], $0xffff  }
0x26e: {  	v7 =	vadd.f32 v8, v7;
	v8 =	vmul.f32 v10, v16;
	v10 =	vld.idx.msk [tilespmem:v11+s30+$0x0], $0xffff;
	v11 =	vor.u32 $0x14, v6  }
0x26f: {  	v16 =	vld.idx.msk [tilespmem:v13+s29+$0x0], $0xffff  }
0x270: {  	v7 =	vadd.f32 v8, v7;
	v8 =	vmul.f32 v12, v17;
	v12 =	vld.idx.msk [tilespmem:v13+s30+$0x0], $0xffff;
	v13 =	vor.u32 $0x15, v6  }
0x271: {  	v17 =	vld.idx.msk [tilespmem:v14+s29+$0x0], $0xffff  }
0x272: {  	v7 =	vadd.f32 v8, v7;
	v8 =	vmul.f32 v9, v18;
	v9 =	vld.idx.msk [tilespmem:v14+s30+$0x0], $0xffff;
	v14 =	vor.u32 $0x16, v6  }
0x273: {  	v18 =	vld.idx.msk [tilespmem:v11+s29+$0x0], $0xffff  }
0x274: {  	v7 =	vadd.f32 v8, v7;
	v8 =	vmul.f32 v10, v15;
	v10 =	vld.idx.msk [tilespmem:v11+s30+$0x0], $0xffff;
	v11 =	vor.u32 $0x17, v6  }
0x275: {  	v15 =	vld.idx.msk [tilespmem:v13+s29+$0x0], $0xffff  }
0x276: {  	v7 =	vadd.f32 v8, v7;
	v8 =	vmul.f32 v12, v16;
	v12 =	vld.idx.msk [tilespmem:v13+s30+$0x0], $0xffff;
	v13 =	vor.u32 $0x18, v6  }
0x277: {  	v16 =	vld.idx.msk [tilespmem:v14+s29+$0x0], $0xffff  }
0x278: {  	v7 =	vadd.f32 v8, v7;
	v8 =	vmul.f32 v9, v17;
	v9 =	vld.idx.msk [tilespmem:v14+s30+$0x0], $0xffff;
	v14 =	vor.u32 $0x19, v6  }
0x279: {  	v17 =	vld.idx.msk [tilespmem:v11+s29+$0x0], $0xffff  }
0x27a: {  	v7 =	vadd.f32 v8, v7;
	v8 =	vmul.f32 v10, v18;
	v10 =	vld.idx.msk [tilespmem:v11+s30+$0x0], $0xffff;
	v11 =	vor.u32 $0x1A, v6  }
0x27b: {  	v18 =	vld.idx.msk [tilespmem:v13+s29+$0x0], $0xffff  }
0x27c: {  	v7 =	vadd.f32 v8, v7;
	v8 =	vmul.f32 v12, v15;
	v12 =	vld.idx.msk [tilespmem:v13+s30+$0x0], $0xffff;
	v13 =	vor.u32 $0x1B, v6  }
0x27d: {  	v15 =	vld.idx.msk [tilespmem:v14+s29+$0x0], $0xffff  }
0x27e: {  	v7 =	vadd.f32 v8, v7;
	v8 =	vmul.f32 v9, v16;
	v9 =	vld.idx.msk [tilespmem:v14+s30+$0x0], $0xffff;
	v14 =	vor.u32 $0x1C, v6  }
0x27f: {  	v16 =	vld.idx.msk [tilespmem:v11+s29+$0x0], $0xffff  }
0x280: {  	v7 =	vadd.f32 v8, v7;
	v8 =	vmul.f32 v10, v17;
	v10 =	vld.idx.msk [tilespmem:v11+s30+$0x0], $0xffff;
	v11 =	vor.u32 $0x1D, v6  }
0x281: {  	v17 =	vld.idx.msk [tilespmem:v13+s29+$0x0], $0xffff  }
0x282: {  	v7 =	vadd.f32 v8, v7;
	v8 =	vmul.f32 v12, v18;
	v12 =	vld.idx.msk [tilespmem:v13+s30+$0x0], $0xffff;
	v13 =	vor.u32 $0x1E, v6  }
0x283: {  	v18 =	vld.idx.msk [tilespmem:v14+s29+$0x0], $0xffff  }
0x284: {  	v6 =	vor.u32 $0x1F, v6;
	v7 =	vadd.f32 v8, v7;
	v8 =	vmul.f32 v9, v15;
	v9 =	vld.idx.msk [tilespmem:v14+s30+$0x0], $0xffff  }
0x285: {  	v14 =	vld.idx.msk [tilespmem:v11+s29+$0x0], $0xffff  }
0x286: {  	v7 =	vadd.f32 v8, v7;
	v8 =	vmul.f32 v10, v16;
	v10 =	vld.idx.msk [tilespmem:v11+s30+$0x0], $0xffff  }
0x287: {  	v11 =	vld.idx.msk [tilespmem:v13+s29+$0x0], $0xffff  }
0x288: {  	v7 =	vadd.f32 v8, v7;
	v8 =	vmul.f32 v12, v17;
	v12 =	vld.idx.msk [tilespmem:v13+s30+$0x0], $0xffff  }
0x289: {  	v13 =	vld.idx.msk [tilespmem:v6+s29+$0x0], $0xffff  }
0x28a: {  	v7 =	vadd.f32 v8, v7;
	v8 =	vmul.f32 v9, v18;
	v9 =	vld.idx.msk [tilespmem:v6+s30+$0x0], $0xffff;
	_ =	sdelay $0x1  }
0x28b: {  	v6 =	vadd.f32 v8, v7;
	v7 =	vmul.f32 v10, v14  }
.Ltmp1:
0x28c: {  	(pc) =	sbr.rel @p0 .LBB2_4-.Ltmp1, $4  }
0x28d: {  	v8 =	vmov s14;
	v10 =	vmul.f32 v12, v11;
	v7 =	vadd.f32 v7, v6  }
0x28e: {  	v6 =	vshll.u32 v8, $0x5  }
0x28f: {  	v6 =	vor.u32 v1, v6;
	v8 =	vmul.f32 v9, v13;
	v7 =	vadd.f32 v10, v7  }
0x290: {  	s14 =	sadd.s32 $0x10, s14  }
0x291: {  	v7 =	vadd.f32 v8, v7  }
0x292: {  	s11 =	sadd.s32 $0x10, s11  }
0x293: {  	s12 =	sadd.s32 $0x10, s12;
	[tilespmem:s11+$0x0] =	vst v7;
	v7 =	vor.u32 $0x1, v6  }
0x294: {  	s13 =	sadd.s32 $0x10, s13;
	v18 =	vld [tilespmem:s12+$0x0]  }
0x295: {  	v9 =	vor.u32 $0x2, v6;
	v10 =	vld [tilespmem:s13+$0x0]  }
0x296: {  	v11 =	vld.idx.msk [tilespmem:v6+s29+$0x0], $0xffff  }
0x297: {  	v13 =	vor.u32 $0x3, v6;
	v12 =	vld.idx.msk [tilespmem:v6+s30+$0x0], $0xffff  }
0x298: {  	v14 =	vld.idx.msk [tilespmem:v7+s29+$0x0], $0xffff  }
0x299: {  	v15 =	vor.u32 $0x4, v6;
	v7 =	vld.idx.msk [tilespmem:v7+s30+$0x0], $0xffff  }
0x29a: {  	v8 =	vadd.f32 v18, v10;
	v10 =	vld.idx.msk [tilespmem:v9+s29+$0x0], $0xffff  }
0x29b: {  	v16 =	vor.u32 $0x5, v6;
	v9 =	vld.idx.msk [tilespmem:v9+s30+$0x0], $0xffff  }
0x29c: {  	v11 =	vmul.f32 v12, v11;
	v12 =	vld.idx.msk [tilespmem:v13+s29+$0x0], $0xffff;
	v8 =	vadd.f32 v8, v2  }
0x29d: {  	v17 =	vor.u32 $0x6, v6;
	v13 =	vld.idx.msk [tilespmem:v13+s30+$0x0], $0xffff  }
0x29e: {  	v8 =	vadd.f32 v11, v8;
	v7 =	vmul.f32 v7, v14;
	v11 =	vld.idx.msk [tilespmem:v15+s29+$0x0], $0xffff  }
0x29f: {  	v14 =	vld.idx.msk [tilespmem:v15+s30+$0x0], $0xffff;
	v15 =	vor.u32 $0x7, v6  }
0x2a0: {  	v7 =	vadd.f32 v7, v8;
	v8 =	vmul.f32 v9, v10;
	v9 =	vld.idx.msk [tilespmem:v16+s29+$0x0], $0xffff  }
0x2a1: {  	v10 =	vld.idx.msk [tilespmem:v16+s30+$0x0], $0xffff;
	v16 =	vor.u32 $0x8, v6  }
0x2a2: {  	v7 =	vadd.f32 v8, v7;
	v8 =	vmul.f32 v13, v12;
	v12 =	vld.idx.msk [tilespmem:v17+s29+$0x0], $0xffff  }
0x2a3: {  	v13 =	vld.idx.msk [tilespmem:v17+s30+$0x0], $0xffff;
	v17 =	vor.u32 $0x9, v6  }
0x2a4: {  	v18 =	vmul.f32 v14, v11;
	v11 =	vld.idx.msk [tilespmem:v15+s29+$0x0], $0xffff;
	v7 =	vadd.f32 v8, v7  }
0x2a5: {  	v14 =	vld.idx.msk [tilespmem:v15+s30+$0x0], $0xffff;
	v15 =	vor.u32 $0xA, v6  }
0x2a6: {  	v8 =	vmul.f32 v10, v9;
	v9 =	vld.idx.msk [tilespmem:v16+s29+$0x0], $0xffff;
	v7 =	vadd.f32 v18, v7  }
0x2a7: {  	v10 =	vld.idx.msk [tilespmem:v16+s30+$0x0], $0xffff;
	v16 =	vor.u32 $0xB, v6  }
0x2a8: {  	v7 =	vadd.f32 v8, v7;
	v8 =	vmul.f32 v13, v12;
	v12 =	vld.idx.msk [tilespmem:v17+s29+$0x0], $0xffff  }
0x2a9: {  	v13 =	vld.idx.msk [tilespmem:v17+s30+$0x0], $0xffff;
	v17 =	vor.u32 $0xC, v6  }
0x2aa: {  	v18 =	vmul.f32 v14, v11;
	v11 =	vld.idx.msk [tilespmem:v15+s29+$0x0], $0xffff;
	v7 =	vadd.f32 v8, v7  }
0x2ab: {  	v14 =	vld.idx.msk [tilespmem:v15+s30+$0x0], $0xffff;
	v15 =	vor.u32 $0xD, v6  }
0x2ac: {  	v8 =	vmul.f32 v10, v9;
	v9 =	vld.idx.msk [tilespmem:v16+s29+$0x0], $0xffff;
	v7 =	vadd.f32 v18, v7  }
0x2ad: {  	v10 =	vld.idx.msk [tilespmem:v16+s30+$0x0], $0xffff;
	v16 =	vor.u32 $0xE, v6  }
0x2ae: {  	v7 =	vadd.f32 v8, v7;
	v8 =	vmul.f32 v13, v12;
	v12 =	vld.idx.msk [tilespmem:v17+s29+$0x0], $0xffff  }
0x2af: {  	v13 =	vld.idx.msk [tilespmem:v17+s30+$0x0], $0xffff;
	v17 =	vor.u32 $0xF, v6  }
0x2b0: {  	v18 =	vmul.f32 v14, v11;
	v11 =	vld.idx.msk [tilespmem:v15+s29+$0x0], $0xffff;
	v7 =	vadd.f32 v8, v7  }
0x2b1: {  	v14 =	vld.idx.msk [tilespmem:v15+s30+$0x0], $0xffff;
	v15 =	vor.u32 $0x10, v6  }
0x2b2: {  	v8 =	vmul.f32 v10, v9;
	v9 =	vld.idx.msk [tilespmem:v16+s29+$0x0], $0xffff;
	v7 =	vadd.f32 v18, v7  }
0x2b3: {  	v10 =	vld.idx.msk [tilespmem:v16+s30+$0x0], $0xffff;
	v16 =	vor.u32 $0x11, v6  }
0x2b4: {  	v7 =	vadd.f32 v8, v7;
	v8 =	vmul.f32 v13, v12;
	v12 =	vld.idx.msk [tilespmem:v17+s29+$0x0], $0xffff  }
0x2b5: {  	v13 =	vld.idx.msk [tilespmem:v17+s30+$0x0], $0xffff;
	v17 =	vor.u32 $0x12, v6  }
0x2b6: {  	v18 =	vmul.f32 v14, v11;
	v11 =	vld.idx.msk [tilespmem:v15+s29+$0x0], $0xffff;
	v7 =	vadd.f32 v8, v7  }
0x2b7: {  	v14 =	vld.idx.msk [tilespmem:v15+s30+$0x0], $0xffff;
	v15 =	vor.u32 $0x13, v6  }
0x2b8: {  	v8 =	vmul.f32 v10, v9;
	v9 =	vld.idx.msk [tilespmem:v16+s29+$0x0], $0xffff;
	v7 =	vadd.f32 v18, v7  }
0x2b9: {  	v10 =	vld.idx.msk [tilespmem:v16+s30+$0x0], $0xffff;
	v16 =	vor.u32 $0x14, v6  }
0x2ba: {  	v7 =	vadd.f32 v8, v7;
	v8 =	vmul.f32 v13, v12;
	v12 =	vld.idx.msk [tilespmem:v17+s29+$0x0], $0xffff  }
0x2bb: {  	v13 =	vld.idx.msk [tilespmem:v17+s30+$0x0], $0xffff;
	v17 =	vor.u32 $0x15, v6  }
0x2bc: {  	v18 =	vmul.f32 v14, v11;
	v11 =	vld.idx.msk [tilespmem:v15+s29+$0x0], $0xffff;
	v7 =	vadd.f32 v8, v7  }
0x2bd: {  	v14 =	vld.idx.msk [tilespmem:v15+s30+$0x0], $0xffff;
	v15 =	vor.u32 $0x16, v6  }
0x2be: {  	v8 =	vmul.f32 v10, v9;
	v9 =	vld.idx.msk [tilespmem:v16+s29+$0x0], $0xffff;
	v7 =	vadd.f32 v18, v7  }
0x2bf: {  	v10 =	vld.idx.msk [tilespmem:v16+s30+$0x0], $0xffff;
	v16 =	vor.u32 $0x17, v6  }
0x2c0: {  	v7 =	vadd.f32 v8, v7;
	v8 =	vmul.f32 v13, v12;
	v12 =	vld.idx.msk [tilespmem:v17+s29+$0x0], $0xffff  }
0x2c1: {  	v13 =	vld.idx.msk [tilespmem:v17+s30+$0x0], $0xffff;
	v17 =	vor.u32 $0x18, v6  }
0x2c2: {  	v18 =	vmul.f32 v14, v11;
	v11 =	vld.idx.msk [tilespmem:v15+s29+$0x0], $0xffff;
	v7 =	vadd.f32 v8, v7  }
0x2c3: {  	v14 =	vld.idx.msk [tilespmem:v15+s30+$0x0], $0xffff;
	v15 =	vor.u32 $0x19, v6  }
0x2c4: {  	v8 =	vmul.f32 v10, v9;
	v9 =	vld.idx.msk [tilespmem:v16+s29+$0x0], $0xffff;
	v7 =	vadd.f32 v18, v7  }
0x2c5: {  	v10 =	vld.idx.msk [tilespmem:v16+s30+$0x0], $0xffff;
	v16 =	vor.u32 $0x1A, v6  }
0x2c6: {  	v7 =	vadd.f32 v8, v7;
	v8 =	vmul.f32 v13, v12;
	v12 =	vld.idx.msk [tilespmem:v17+s29+$0x0], $0xffff  }
0x2c7: {  	v13 =	vld.idx.msk [tilespmem:v17+s30+$0x0], $0xffff;
	v17 =	vor.u32 $0x1B, v6  }
0x2c8: {  	v18 =	vmul.f32 v14, v11;
	v11 =	vld.idx.msk [tilespmem:v15+s29+$0x0], $0xffff;
	v7 =	vadd.f32 v8, v7  }
0x2c9: {  	v14 =	vld.idx.msk [tilespmem:v15+s30+$0x0], $0xffff;
	v15 =	vor.u32 $0x1C, v6  }
0x2ca: {  	v8 =	vmul.f32 v10, v9;
	v9 =	vld.idx.msk [tilespmem:v16+s29+$0x0], $0xffff;
	v7 =	vadd.f32 v18, v7  }
0x2cb: {  	v10 =	vld.idx.msk [tilespmem:v16+s30+$0x0], $0xffff;
	v16 =	vor.u32 $0x1D, v6  }
0x2cc: {  	v7 =	vadd.f32 v8, v7;
	v8 =	vmul.f32 v13, v12;
	v12 =	vld.idx.msk [tilespmem:v17+s29+$0x0], $0xffff  }
0x2cd: {  	v13 =	vld.idx.msk [tilespmem:v17+s30+$0x0], $0xffff;
	v17 =	vor.u32 $0x1E, v6  }
0x2ce: {  	v18 =	vmul.f32 v14, v11;
	v11 =	vld.idx.msk [tilespmem:v15+s29+$0x0], $0xffff;
	v7 =	vadd.f32 v8, v7  }
0x2cf: {  	v14 =	vld.idx.msk [tilespmem:v15+s30+$0x0], $0xffff;
	v6 =	vor.u32 $0x1F, v6  }
0x2d0: {  	v15 =	vmul.f32 v10, v9;
	v9 =	vld.idx.msk [tilespmem:v16+s29+$0x0], $0xffff;
	v7 =	vadd.f32 v18, v7  }
0x2d1: {  	v10 =	vld.idx.msk [tilespmem:v16+s30+$0x0], $0xffff  }
0x2d2: {  	v18 =	vmul.f32 v13, v12;
	v12 =	vld.idx.msk [tilespmem:v17+s29+$0x0], $0xffff;
	v7 =	vadd.f32 v15, v7  }
0x2d3: {  	v13 =	vld.idx.msk [tilespmem:v17+s30+$0x0], $0xffff  }
0x2d4: {  	v16 =	vmul.f32 v14, v11;
	v17 =	vld.idx.msk [tilespmem:v6+s29+$0x0], $0xffff;
	v7 =	vadd.f32 v18, v7  }
0x2d5: {  	v6 =	vld.idx.msk [tilespmem:v6+s30+$0x0], $0xffff  }
0x2d6: {  	v18 =	vmul.f32 v10, v9;
	v7 =	vadd.f32 v16, v7;
	_ =	sdelay $0x1  }
0x2d7: {  	v13 =	vmul.f32 v13, v12;
	v7 =	vadd.f32 v18, v7;
	_ =	sdelay $0x1  }
0x2d8: {  	v6 =	vmul.f32 v6, v17;
	v7 =	vadd.f32 v13, v7  }
0x2d9: {  	v15 =	vld [tilespmem:$0x1FF00]  }
0x2da: {  	v6 =	vadd.f32 v6, v7  }
0x2db: {  	s11 =	sadd.s32 $0x10, s11;
	v16 =	vld [tilespmem:$0x1FF10]  }
0x2dc: {  	s13 =	simm.s32 $0x8700;
	v17 =	vld [tilespmem:$0x1FF20];
	[tilespmem:s11+$0x0] =	vst v6  }
0x2dd: {  	s14 =	simm.s32 $0x8500;
	v6 =	vld [tilespmem:s13+$0x0]  }
0x2de: {  	v7 =	vld [tilespmem:s14+$0x0]  }
0x2df: {  	v14 =	vld.idx.msk [tilespmem:v3+s4+$0x0], $0xffff  }
0x2e0: {  	v3 =	vld.idx.msk [tilespmem:v3+s2+$0x0], $0xffff  }
0x2e1: {  	v9 =	vld.idx.msk [tilespmem:v15+s4+$0x0], $0xffff  }
0x2e2: {  	v10 =	vld.idx.msk [tilespmem:v15+s2+$0x0], $0xffff  }
0x2e3: {  	v11 =	vld.idx.msk [tilespmem:v16+s2+$0x0], $0xffff  }
0x2e4: {  	v15 =	vld [tilespmem:$0x1FF30]  }
0x2e5: {  	v18 =	vld.idx.msk [tilespmem:v17+s4+$0x0], $0xffff  }
0x2e6: {  	v6 =	vadd.f32 v6, v7;
	v7 =	vld.idx.msk [tilespmem:v16+s4+$0x0], $0xffff  }
0x2e7: {  	v16 =	vld [tilespmem:$0x1FF40]  }
0x2e8: {  	v12 =	vld.idx.msk [tilespmem:v17+s2+$0x0], $0xffff  }
0x2e9: {  	v17 =	vld [tilespmem:$0x1FF50]  }
0x2ea: {  	v3 =	vmul.f32 v3, v14;
	v6 =	vadd.f32 v6, v2;
	_ =	sdelay $0x1  }
0x2eb: {  	v3 =	vadd.f32 v3, v6;
	v6 =	vmul.f32 v10, v9;
	v9 =	vld.idx.msk [tilespmem:v15+s4+$0x0], $0xffff  }
0x2ec: {  	v10 =	vld.idx.msk [tilespmem:v15+s2+$0x0], $0xffff  }
0x2ed: {  	v15 =	vld [tilespmem:$0x1FF60]  }
0x2ee: {  	v3 =	vadd.f32 v6, v3;
	v6 =	vmul.f32 v11, v7;
	v7 =	vld.idx.msk [tilespmem:v16+s4+$0x0], $0xffff  }
0x2ef: {  	v11 =	vld.idx.msk [tilespmem:v16+s2+$0x0], $0xffff  }
0x2f0: {  	v3 =	vadd.f32 v6, v3;
	v6 =	vmul.f32 v12, v18;
	v18 =	vld.idx.msk [tilespmem:v17+s4+$0x0], $0xffff  }
0x2f1: {  	v16 =	vld [tilespmem:$0x1FF70]  }
0x2f2: {  	v12 =	vld.idx.msk [tilespmem:v17+s2+$0x0], $0xffff  }
0x2f3: {  	v17 =	vld [tilespmem:$0x1FF80];
	_ =	sdelay $0x2  }
0x2f4: {  	v3 =	vadd.f32 v6, v3;
	v6 =	vmul.f32 v10, v9;
	v9 =	vld.idx.msk [tilespmem:v15+s4+$0x0], $0xffff  }
0x2f5: {  	v10 =	vld.idx.msk [tilespmem:v15+s2+$0x0], $0xffff  }
0x2f6: {  	v15 =	vld [tilespmem:$0x1FF90]  }
0x2f7: {  	v3 =	vadd.f32 v6, v3;
	v6 =	vmul.f32 v11, v7;
	v7 =	vld.idx.msk [tilespmem:v16+s4+$0x0], $0xffff  }
0x2f8: {  	v11 =	vld.idx.msk [tilespmem:v16+s2+$0x0], $0xffff  }
0x2f9: {  	v3 =	vadd.f32 v6, v3;
	v6 =	vmul.f32 v12, v18;
	v18 =	vld.idx.msk [tilespmem:v17+s4+$0x0], $0xffff  }
0x2fa: {  	v16 =	vld [tilespmem:$0x1FFA0]  }
0x2fb: {  	v12 =	vld.idx.msk [tilespmem:v17+s2+$0x0], $0xffff  }
0x2fc: {  	v17 =	vld [tilespmem:$0x1FFB0];
	_ =	sdelay $0x2  }
0x2fd: {  	v3 =	vadd.f32 v6, v3;
	v6 =	vmul.f32 v10, v9;
	v9 =	vld.idx.msk [tilespmem:v15+s4+$0x0], $0xffff  }
0x2fe: {  	v10 =	vld.idx.msk [tilespmem:v15+s2+$0x0], $0xffff  }
0x2ff: {  	v15 =	vld [tilespmem:$0x1FFC0]  }
0x300: {  	v3 =	vadd.f32 v6, v3;
	v6 =	vmul.f32 v11, v7;
	v7 =	vld.idx.msk [tilespmem:v16+s4+$0x0], $0xffff  }
0x301: {  	v11 =	vld.idx.msk [tilespmem:v16+s2+$0x0], $0xffff  }
0x302: {  	v3 =	vadd.f32 v6, v3;
	v6 =	vmul.f32 v12, v18;
	v18 =	vld.idx.msk [tilespmem:v17+s4+$0x0], $0xffff  }
0x303: {  	v16 =	vld [tilespmem:$0x1FFD0]  }
0x304: {  	v12 =	vld.idx.msk [tilespmem:v17+s2+$0x0], $0xffff  }
0x305: {  	v17 =	vld [tilespmem:$0x1FFE0];
	_ =	sdelay $0x3  }
0x306: {  	v3 =	vadd.f32 v6, v3;
	v6 =	vmul.f32 v10, v9;
	v9 =	vld.idx.msk [tilespmem:v15+s4+$0x0], $0xffff  }
0x307: {  	v10 =	vld.idx.msk [tilespmem:v15+s2+$0x0], $0xffff  }
0x308: {  	v3 =	vadd.f32 v6, v3;
	v6 =	vmul.f32 v11, v7;
	v7 =	vld.idx.msk [tilespmem:v16+s4+$0x0], $0xffff  }
0x309: {  	v11 =	vld.idx.msk [tilespmem:v16+s2+$0x0], $0xffff  }
0x30a: {  	v3 =	vadd.f32 v6, v3;
	v6 =	vmul.f32 v12, v18;
	v18 =	vld.idx.msk [tilespmem:v17+s4+$0x0], $0xffff  }
0x30b: {  	v12 =	vld.idx.msk [tilespmem:v17+s2+$0x0], $0xffff  }
0x30c: {  	v16 =	vld.idx.msk [tilespmem:v19+s2+$0x0], $0xffff;
	v3 =	vadd.f32 v6, v3;
	v6 =	vmul.f32 v10, v9  }
0x30d: {  	v9 =	vld.idx.msk [tilespmem:v19+s4+$0x0], $0xffff  }
0x30e: {  	v17 =	vld.idx.msk [tilespmem:v20+s2+$0x0], $0xffff;
	v3 =	vadd.f32 v6, v3;
	v6 =	vmul.f32 v11, v7  }
0x30f: {  	v7 =	vld.idx.msk [tilespmem:v20+s4+$0x0], $0xffff  }
0x310: {  	v19 =	vld.idx.msk [tilespmem:v21+s2+$0x0], $0xffff;
	v3 =	vadd.f32 v6, v3;
	v6 =	vmul.f32 v12, v18  }
0x311: {  	v18 =	vld.idx.msk [tilespmem:v21+s4+$0x0], $0xffff  }
0x312: {  	v20 =	vld.idx.msk [tilespmem:v22+s4+$0x0], $0xffff;
	v3 =	vadd.f32 v6, v3;
	v6 =	vmul.f32 v16, v9  }
0x313: {  	v21 =	vld.idx.msk [tilespmem:v22+s2+$0x0], $0xffff  }
0x314: {  	v22 =	vld.idx.msk [tilespmem:v23+s2+$0x0], $0xffff;
	v3 =	vadd.f32 v6, v3;
	v6 =	vmul.f32 v17, v7  }
0x315: {  	v7 =	vld.idx.msk [tilespmem:v23+s4+$0x0], $0xffff  }
0x316: {  	v16 =	vld.idx.msk [tilespmem:v24+s2+$0x0], $0xffff;
	v3 =	vadd.f32 v6, v3;
	v6 =	vmul.f32 v19, v18  }
0x317: {  	v23 =	vld.idx.msk [tilespmem:v24+s4+$0x0], $0xffff  }
0x318: {  	v17 =	vld.idx.msk [tilespmem:v25+s4+$0x0], $0xffff;
	v3 =	vadd.f32 v6, v3;
	v6 =	vmul.f32 v21, v20  }
0x319: {  	v18 =	vld.idx.msk [tilespmem:v25+s2+$0x0], $0xffff  }
0x31a: {  	v19 =	vld.idx.msk [tilespmem:v26+s2+$0x0], $0xffff;
	v3 =	vadd.f32 v6, v3;
	v6 =	vmul.f32 v22, v7  }
0x31b: {  	v7 =	vld.idx.msk [tilespmem:v26+s4+$0x0], $0xffff  }
0x31c: {  	v20 =	vld.idx.msk [tilespmem:v27+s4+$0x0], $0xffff;
	v3 =	vadd.f32 v6, v3;
	v6 =	vmul.f32 v16, v23  }
0x31d: {  	v21 =	vld.idx.msk [tilespmem:v27+s2+$0x0], $0xffff  }
0x31e: {  	v22 =	vld.idx.msk [tilespmem:v28+s4+$0x0], $0xffff;
	v3 =	vadd.f32 v6, v3;
	v6 =	vmul.f32 v18, v17  }
0x31f: {  	v23 =	vld.idx.msk [tilespmem:v28+s2+$0x0], $0xffff  }
0x320: {  	v24 =	vld.idx.msk [tilespmem:v29+s2+$0x0], $0xffff;
	v3 =	vadd.f32 v6, v3;
	v6 =	vmul.f32 v19, v7  }
0x321: {  	v7 =	vld.idx.msk [tilespmem:v29+s4+$0x0], $0xffff  }
0x322: {  	v25 =	vld.idx.msk [tilespmem:v30+s4+$0x0], $0xffff;
	v3 =	vadd.f32 v6, v3;
	v6 =	vmul.f32 v21, v20  }
0x323: {  	v26 =	vld.idx.msk [tilespmem:v30+s2+$0x0], $0xffff  }
0x324: {  	v27 =	vld.idx.msk [tilespmem:v31+s4+$0x0], $0xffff;
	v3 =	vadd.f32 v6, v3;
	v6 =	vmul.f32 v23, v22  }
0x325: {  	v28 =	vld.idx.msk [tilespmem:v31+s2+$0x0], $0xffff  }
0x326: {  	v29 =	vld.idx.msk [tilespmem:v32+s2+$0x0], $0xffff;
	v3 =	vadd.f32 v6, v3;
	v6 =	vmul.f32 v24, v7  }
0x327: {  	v7 =	vld.idx.msk [tilespmem:v32+s4+$0x0], $0xffff  }
0x328: {  	v30 =	vld.idx.msk [tilespmem:v33+s4+$0x0], $0xffff;
	v3 =	vadd.f32 v6, v3;
	v6 =	vmul.f32 v26, v25  }
0x329: {  	v31 =	vld.idx.msk [tilespmem:v33+s2+$0x0], $0xffff  }
0x32a: {  	v33 =	vld.idx.msk [tilespmem:v34+s2+$0x0], $0xffff;
	v3 =	vadd.f32 v6, v3;
	v6 =	vmul.f32 v28, v27  }
0x32b: {  	v32 =	vld.idx.msk [tilespmem:v34+s4+$0x0], $0xffff  }
0x32c: {  	v3 =	vadd.f32 v6, v3;
	v6 =	vmul.f32 v29, v7;
	_ =	sdelay $0x1  }
0x32d: {  	v3 =	vadd.f32 v6, v3;
	v6 =	vmul.f32 v31, v30;
	_ =	sdelay $0x1  }
0x32e: {  	v3 =	vadd.f32 v6, v3;
	v6 =	vmul.f32 v33, v32;
	_ =	sdelay $0x1  }
0x32f: {  	v3 =	vadd.f32 v6, v3  }
0x330: {  	s13 =	simm.s32 $0x8910  }
0x331: {  	s11 =	simm.s32 $0x8710;
	[tilespmem:s13+$0x0] =	vst v3  }
0x332: {  	s12 =	simm.s32 $0x8510;
	v3 =	vld [tilespmem:s11+$0x0]  }
0x333: {  	v6 =	vld [tilespmem:s12+$0x0]  }
0x334: {  	v7 =	vld.idx.msk [tilespmem:v35+s4+$0x0], $0xffff  }
0x335: {  	v34 =	vld.idx.msk [tilespmem:v35+s2+$0x0], $0xffff  }
0x336: {  	v35 =	vld.idx.msk [tilespmem:v36+s4+$0x0], $0xffff  }
0x337: {  	v16 =	vld.idx.msk [tilespmem:v36+s2+$0x0], $0xffff  }
0x338: {  	v17 =	vld.idx.msk [tilespmem:v39+s2+$0x0], $0xffff;
	v3 =	vadd.f32 v3, v6  }
0x339: {  	v6 =	vld.idx.msk [tilespmem:v39+s4+$0x0], $0xffff  }
0x33a: {  	v18 =	vld.idx.msk [tilespmem:v40+s4+$0x0], $0xffff;
	v7 =	vmul.f32 v34, v7;
	v3 =	vadd.f32 v3, v2  }
0x33b: {  	v19 =	vld.idx.msk [tilespmem:v40+s2+$0x0], $0xffff  }
0x33c: {  	v20 =	vld.idx.msk [tilespmem:v37+s4+$0x0], $0xffff;
	v3 =	vadd.f32 v7, v3;
	v7 =	vmul.f32 v16, v35  }
0x33d: {  	v21 =	vld.idx.msk [tilespmem:v37+s2+$0x0], $0xffff  }
0x33e: {  	v22 =	vld.idx.msk [tilespmem:v38+s2+$0x0], $0xffff;
	v6 =	vmul.f32 v17, v6;
	v3 =	vadd.f32 v7, v3  }
0x33f: {  	v7 =	vld.idx.msk [tilespmem:v38+s4+$0x0], $0xffff  }
0x340: {  	v23 =	vld.idx.msk [tilespmem:v41+s4+$0x0], $0xffff;
	v3 =	vadd.f32 v6, v3;
	v6 =	vmul.f32 v19, v18  }
0x341: {  	v24 =	vld.idx.msk [tilespmem:v41+s2+$0x0], $0xffff  }
0x342: {  	v25 =	vld.idx.msk [tilespmem:v42+s4+$0x0], $0xffff;
	v3 =	vadd.f32 v6, v3;
	v6 =	vmul.f32 v21, v20  }
0x343: {  	v26 =	vld.idx.msk [tilespmem:v42+s2+$0x0], $0xffff  }
0x344: {  	v27 =	vld.idx.msk [tilespmem:v43+s2+$0x0], $0xffff;
	v3 =	vadd.f32 v6, v3;
	v6 =	vmul.f32 v22, v7  }
0x345: {  	v7 =	vld.idx.msk [tilespmem:v43+s4+$0x0], $0xffff  }
0x346: {  	v28 =	vld.idx.msk [tilespmem:v44+s4+$0x0], $0xffff;
	v3 =	vadd.f32 v6, v3;
	v6 =	vmul.f32 v24, v23  }
0x347: {  	v29 =	vld.idx.msk [tilespmem:v44+s2+$0x0], $0xffff  }
0x348: {  	v30 =	vld.idx.msk [tilespmem:v45+s4+$0x0], $0xffff;
	v3 =	vadd.f32 v6, v3;
	v6 =	vmul.f32 v26, v25  }
0x349: {  	v31 =	vld.idx.msk [tilespmem:v45+s2+$0x0], $0xffff  }
0x34a: {  	v32 =	vld.idx.msk [tilespmem:v46+s2+$0x0], $0xffff;
	v3 =	vadd.f32 v6, v3;
	v6 =	vmul.f32 v27, v7  }
0x34b: {  	v7 =	vld.idx.msk [tilespmem:v46+s4+$0x0], $0xffff  }
0x34c: {  	v33 =	vld.idx.msk [tilespmem:v47+s4+$0x0], $0xffff;
	v3 =	vadd.f32 v6, v3;
	v6 =	vmul.f32 v29, v28  }
0x34d: {  	v34 =	vld.idx.msk [tilespmem:v47+s2+$0x0], $0xffff  }
0x34e: {  	v36 =	vld.idx.msk [tilespmem:v48+s2+$0x0], $0xffff;
	v3 =	vadd.f32 v6, v3;
	v6 =	vmul.f32 v31, v30  }
0x34f: {  	v35 =	vld.idx.msk [tilespmem:v48+s4+$0x0], $0xffff  }
0x350: {  	v37 =	vld.idx.msk [tilespmem:v49+s2+$0x0], $0xffff;
	v3 =	vadd.f32 v6, v3;
	v6 =	vmul.f32 v32, v7  }
0x351: {  	v7 =	vld.idx.msk [tilespmem:v49+s4+$0x0], $0xffff  }
0x352: {  	v39 =	vld.idx.msk [tilespmem:v50+s2+$0x0], $0xffff;
	v3 =	vadd.f32 v6, v3;
	v6 =	vmul.f32 v34, v33  }
0x353: {  	v38 =	vld.idx.msk [tilespmem:v50+s4+$0x0], $0xffff  }
0x354: {  	v40 =	vld.idx.msk [tilespmem:v51+s4+$0x0], $0xffff;
	v3 =	vadd.f32 v6, v3;
	v6 =	vmul.f32 v36, v35  }
0x355: {  	v41 =	vld.idx.msk [tilespmem:v51+s2+$0x0], $0xffff  }
0x356: {  	v42 =	vld.idx.msk [tilespmem:v52+s2+$0x0], $0xffff;
	v3 =	vadd.f32 v6, v3;
	v6 =	vmul.f32 v37, v7  }
0x357: {  	v7 =	vld.idx.msk [tilespmem:v52+s4+$0x0], $0xffff  }
0x358: {  	v44 =	vld.idx.msk [tilespmem:v53+s2+$0x0], $0xffff;
	v3 =	vadd.f32 v6, v3;
	v6 =	vmul.f32 v39, v38  }
0x359: {  	v43 =	vld.idx.msk [tilespmem:v53+s4+$0x0], $0xffff  }
0x35a: {  	v45 =	vld.idx.msk [tilespmem:v54+s4+$0x0], $0xffff;
	v3 =	vadd.f32 v6, v3;
	v6 =	vmul.f32 v41, v40  }
0x35b: {  	v46 =	vld.idx.msk [tilespmem:v54+s2+$0x0], $0xffff  }
0x35c: {  	v47 =	vld.idx.msk [tilespmem:v55+s2+$0x0], $0xffff;
	v3 =	vadd.f32 v6, v3;
	v6 =	vmul.f32 v42, v7  }
0x35d: {  	v7 =	vld.idx.msk [tilespmem:v55+s4+$0x0], $0xffff  }
0x35e: {  	v48 =	vld.idx.msk [tilespmem:v56+s4+$0x0], $0xffff;
	v3 =	vadd.f32 v6, v3;
	v6 =	vmul.f32 v44, v43  }
0x35f: {  	v49 =	vld.idx.msk [tilespmem:v56+s2+$0x0], $0xffff  }
0x360: {  	v51 =	vld.idx.msk [tilespmem:v57+s2+$0x0], $0xffff;
	v3 =	vadd.f32 v6, v3;
	v6 =	vmul.f32 v46, v45  }
0x361: {  	v50 =	vld.idx.msk [tilespmem:v57+s4+$0x0], $0xffff  }
0x362: {  	v52 =	vld.idx.msk [tilespmem:v58+s2+$0x0], $0xffff;
	v3 =	vadd.f32 v6, v3;
	v6 =	vmul.f32 v47, v7  }
0x363: {  	v7 =	vld.idx.msk [tilespmem:v58+s4+$0x0], $0xffff  }
0x364: {  	v53 =	vld.idx.msk [tilespmem:v59+s4+$0x0], $0xffff;
	v3 =	vadd.f32 v6, v3;
	v6 =	vmul.f32 v49, v48  }
0x365: {  	v54 =	vld.idx.msk [tilespmem:v59+s2+$0x0], $0xffff  }
0x366: {  	v56 =	vld.idx.msk [tilespmem:v60+s2+$0x0], $0xffff;
	v3 =	vadd.f32 v6, v3;
	v6 =	vmul.f32 v51, v50  }
0x367: {  	v55 =	vld.idx.msk [tilespmem:v60+s4+$0x0], $0xffff  }
0x368: {  	v57 =	vld.idx.msk [tilespmem:v61+s2+$0x0], $0xffff;
	v3 =	vadd.f32 v6, v3;
	v6 =	vmul.f32 v52, v7  }
0x369: {  	v7 =	vld.idx.msk [tilespmem:v61+s4+$0x0], $0xffff  }
0x36a: {  	v59 =	vld.idx.msk [tilespmem:v62+s2+$0x0], $0xffff;
	v3 =	vadd.f32 v6, v3;
	v6 =	vmul.f32 v54, v53  }
0x36b: {  	v58 =	vld.idx.msk [tilespmem:v62+s4+$0x0], $0xffff  }
0x36c: {  	v60 =	vld.idx.msk [tilespmem:v63+s4+$0x0], $0xffff;
	v3 =	vadd.f32 v6, v3;
	v6 =	vmul.f32 v56, v55  }
0x36d: {  	v61 =	vld.idx.msk [tilespmem:v63+s2+$0x0], $0xffff  }
0x36e: {  	v3 =	vadd.f32 v6, v3;
	v6 =	vmul.f32 v57, v7;
	v7 =	vld.idx.msk [tilespmem:v0+s4+$0x0], $0xffff  }
0x36f: {  	v0 =	vld.idx.msk [tilespmem:v0+s2+$0x0], $0xffff  }
0x370: {  	v62 =	vld.idx.msk [tilespmem:v4+s4+$0x0], $0xffff;
	v3 =	vadd.f32 v6, v3;
	v6 =	vmul.f32 v59, v58  }
0x371: {  	v4 =	vld.idx.msk [tilespmem:v4+s2+$0x0], $0xffff  }
0x372: {  	v3 =	vadd.f32 v6, v3;
	v6 =	vmul.f32 v61, v60;
	_ =	sdelay $0x1  }
0x373: {  	v0 =	vmul.f32 v0, v7;
	v3 =	vadd.f32 v6, v3;
	_ =	sdelay $0x1  }
0x374: {  	v63 =	vld.idx.msk [tilespmem:v5+s4+$0x0], $0xffff;
	v0 =	vadd.f32 v0, v3;
	v3 =	vmul.f32 v4, v62  }
0x375: {  	v5 =	vld.idx.msk [tilespmem:v5+s2+$0x0], $0xffff  }
0x376: {  	v3 =	vadd.f32 v3, v0;
	v0 =	vld [tilespmem:$0x1FFF0];
	_ =	sdelay $0x3  }
0x377: {  	v4 =	vmul.f32 v5, v63  }
0x378: {  	s14 =	simm.s32 $0x30;
	v0 =	vor.u32 v1, v0  }
.LBB2_6:
0x379: {  	p0 =	sne.s32 s14, $0x70;
	v3 =	vadd.f32 v4, v3  }
0x37a: {  	s13 =	sadd.s32 $0x10, s13  }
0x37b: {  	v4 =	vor.u32 $0x1, v0;
	[tilespmem:s13+$0x0] =	vst v3  }
0x37c: {  	s11 =	sadd.s32 $0x10, s11;
	v3 =	vld.idx.msk [tilespmem:v0+s4+$0x0], $0xffff  }
0x37d: {  	v6 =	vor.u32 $0x2, v0;
	s12 =	sadd.s32 $0x10, s12;
	v5 =	vld [tilespmem:s11+$0x0]  }
0x37e: {  	v7 =	vld [tilespmem:s12+$0x0]  }
0x37f: {  	v9 =	vor.u32 $0x3, v0;
	v8 =	vld.idx.msk [tilespmem:v0+s2+$0x0], $0xffff  }
0x380: {  	v10 =	vld.idx.msk [tilespmem:v4+s4+$0x0], $0xffff  }
0x381: {  	v11 =	vor.u32 $0x4, v0;
	v4 =	vld.idx.msk [tilespmem:v4+s2+$0x0], $0xffff  }
0x382: {  	v12 =	vld.idx.msk [tilespmem:v6+s4+$0x0], $0xffff  }
0x383: {  	v5 =	vadd.f32 v5, v7;
	v6 =	vld.idx.msk [tilespmem:v6+s2+$0x0], $0xffff;
	v7 =	vor.u32 $0x5, v0  }
0x384: {  	v13 =	vld.idx.msk [tilespmem:v9+s4+$0x0], $0xffff  }
0x385: {  	v3 =	vmul.f32 v8, v3;
	v5 =	vadd.f32 v5, v2;
	v8 =	vld.idx.msk [tilespmem:v9+s2+$0x0], $0xffff;
	v9 =	vor.u32 $0x6, v0  }
0x386: {  	v14 =	vld.idx.msk [tilespmem:v11+s4+$0x0], $0xffff  }
0x387: {  	v4 =	vmul.f32 v4, v10;
	v10 =	vor.u32 $0x7, v0;
	v3 =	vadd.f32 v3, v5;
	v5 =	vld.idx.msk [tilespmem:v11+s2+$0x0], $0xffff  }
0x388: {  	v11 =	vld.idx.msk [tilespmem:v7+s4+$0x0], $0xffff  }
0x389: {  	v3 =	vadd.f32 v4, v3;
	v4 =	vmul.f32 v6, v12;
	v6 =	vld.idx.msk [tilespmem:v7+s2+$0x0], $0xffff;
	v7 =	vor.u32 $0x8, v0  }
0x38a: {  	v12 =	vld.idx.msk [tilespmem:v9+s4+$0x0], $0xffff  }
0x38b: {  	v3 =	vadd.f32 v4, v3;
	v4 =	vmul.f32 v8, v13;
	v8 =	vld.idx.msk [tilespmem:v9+s2+$0x0], $0xffff;
	v9 =	vor.u32 $0x9, v0  }
0x38c: {  	v13 =	vld.idx.msk [tilespmem:v10+s4+$0x0], $0xffff  }
0x38d: {  	v3 =	vadd.f32 v4, v3;
	v4 =	vmul.f32 v5, v14;
	v5 =	vld.idx.msk [tilespmem:v10+s2+$0x0], $0xffff;
	v10 =	vor.u32 $0xA, v0  }
0x38e: {  	v14 =	vld.idx.msk [tilespmem:v7+s4+$0x0], $0xffff  }
0x38f: {  	v3 =	vadd.f32 v4, v3;
	v4 =	vmul.f32 v6, v11;
	v6 =	vld.idx.msk [tilespmem:v7+s2+$0x0], $0xffff;
	v7 =	vor.u32 $0xB, v0  }
0x390: {  	v11 =	vld.idx.msk [tilespmem:v9+s4+$0x0], $0xffff  }
0x391: {  	v3 =	vadd.f32 v4, v3;
	v4 =	vmul.f32 v8, v12;
	v8 =	vld.idx.msk [tilespmem:v9+s2+$0x0], $0xffff;
	v9 =	vor.u32 $0xC, v0  }
0x392: {  	v12 =	vld.idx.msk [tilespmem:v10+s4+$0x0], $0xffff  }
0x393: {  	v3 =	vadd.f32 v4, v3;
	v4 =	vmul.f32 v5, v13;
	v5 =	vld.idx.msk [tilespmem:v10+s2+$0x0], $0xffff;
	v10 =	vor.u32 $0xD, v0  }
0x394: {  	v13 =	vld.idx.msk [tilespmem:v7+s4+$0x0], $0xffff  }
0x395: {  	v3 =	vadd.f32 v4, v3;
	v4 =	vmul.f32 v6, v14;
	v6 =	vld.idx.msk [tilespmem:v7+s2+$0x0], $0xffff;
	v7 =	vor.u32 $0xE, v0  }
0x396: {  	v14 =	vld.idx.msk [tilespmem:v9+s4+$0x0], $0xffff  }
0x397: {  	v3 =	vadd.f32 v4, v3;
	v4 =	vmul.f32 v8, v11;
	v8 =	vld.idx.msk [tilespmem:v9+s2+$0x0], $0xffff;
	v9 =	vor.u32 $0xF, v0  }
0x398: {  	v11 =	vld.idx.msk [tilespmem:v10+s4+$0x0], $0xffff  }
0x399: {  	v3 =	vadd.f32 v4, v3;
	v4 =	vmul.f32 v5, v12;
	v5 =	vld.idx.msk [tilespmem:v10+s2+$0x0], $0xffff;
	v10 =	vor.u32 $0x10, v0  }
0x39a: {  	v12 =	vld.idx.msk [tilespmem:v7+s4+$0x0], $0xffff  }
0x39b: {  	v3 =	vadd.f32 v4, v3;
	v4 =	vmul.f32 v6, v13;
	v6 =	vld.idx.msk [tilespmem:v7+s2+$0x0], $0xffff;
	v7 =	vor.u32 $0x11, v0  }
0x39c: {  	v13 =	vld.idx.msk [tilespmem:v9+s4+$0x0], $0xffff  }
0x39d: {  	v3 =	vadd.f32 v4, v3;
	v4 =	vmul.f32 v8, v14;
	v8 =	vld.idx.msk [tilespmem:v9+s2+$0x0], $0xffff;
	v9 =	vor.u32 $0x12, v0  }
0x39e: {  	v14 =	vld.idx.msk [tilespmem:v10+s4+$0x0], $0xffff  }
0x39f: {  	v3 =	vadd.f32 v4, v3;
	v4 =	vmul.f32 v5, v11;
	v5 =	vld.idx.msk [tilespmem:v10+s2+$0x0], $0xffff;
	v10 =	vor.u32 $0x13, v0  }
0x3a0: {  	v11 =	vld.idx.msk [tilespmem:v7+s4+$0x0], $0xffff  }
0x3a1: {  	v3 =	vadd.f32 v4, v3;
	v4 =	vmul.f32 v6, v12;
	v6 =	vld.idx.msk [tilespmem:v7+s2+$0x0], $0xffff;
	v7 =	vor.u32 $0x14, v0  }
0x3a2: {  	v12 =	vld.idx.msk [tilespmem:v9+s4+$0x0], $0xffff  }
0x3a3: {  	v3 =	vadd.f32 v4, v3;
	v4 =	vmul.f32 v8, v13;
	v8 =	vld.idx.msk [tilespmem:v9+s2+$0x0], $0xffff;
	v9 =	vor.u32 $0x15, v0  }
0x3a4: {  	v13 =	vld.idx.msk [tilespmem:v10+s4+$0x0], $0xffff  }
0x3a5: {  	v3 =	vadd.f32 v4, v3;
	v4 =	vmul.f32 v5, v14;
	v5 =	vld.idx.msk [tilespmem:v10+s2+$0x0], $0xffff;
	v10 =	vor.u32 $0x16, v0  }
0x3a6: {  	v14 =	vld.idx.msk [tilespmem:v7+s4+$0x0], $0xffff  }
0x3a7: {  	v3 =	vadd.f32 v4, v3;
	v4 =	vmul.f32 v6, v11;
	v6 =	vld.idx.msk [tilespmem:v7+s2+$0x0], $0xffff;
	v7 =	vor.u32 $0x17, v0  }
0x3a8: {  	v11 =	vld.idx.msk [tilespmem:v9+s4+$0x0], $0xffff  }
0x3a9: {  	v3 =	vadd.f32 v4, v3;
	v4 =	vmul.f32 v8, v12;
	v8 =	vld.idx.msk [tilespmem:v9+s2+$0x0], $0xffff;
	v9 =	vor.u32 $0x18, v0  }
0x3aa: {  	v12 =	vld.idx.msk [tilespmem:v10+s4+$0x0], $0xffff  }
0x3ab: {  	v3 =	vadd.f32 v4, v3;
	v4 =	vmul.f32 v5, v13;
	v5 =	vld.idx.msk [tilespmem:v10+s2+$0x0], $0xffff;
	v10 =	vor.u32 $0x19, v0  }
0x3ac: {  	v13 =	vld.idx.msk [tilespmem:v7+s4+$0x0], $0xffff  }
0x3ad: {  	v3 =	vadd.f32 v4, v3;
	v4 =	vmul.f32 v6, v14;
	v6 =	vld.idx.msk [tilespmem:v7+s2+$0x0], $0xffff;
	v7 =	vor.u32 $0x1A, v0  }
0x3ae: {  	v14 =	vld.idx.msk [tilespmem:v9+s4+$0x0], $0xffff  }
0x3af: {  	v3 =	vadd.f32 v4, v3;
	v4 =	vmul.f32 v8, v11;
	v8 =	vld.idx.msk [tilespmem:v9+s2+$0x0], $0xffff;
	v9 =	vor.u32 $0x1B, v0  }
0x3b0: {  	v11 =	vld.idx.msk [tilespmem:v10+s4+$0x0], $0xffff  }
0x3b1: {  	v3 =	vadd.f32 v4, v3;
	v4 =	vmul.f32 v5, v12;
	v5 =	vld.idx.msk [tilespmem:v10+s2+$0x0], $0xffff;
	v10 =	vor.u32 $0x1C, v0  }
0x3b2: {  	v12 =	vld.idx.msk [tilespmem:v7+s4+$0x0], $0xffff  }
0x3b3: {  	v3 =	vadd.f32 v4, v3;
	v4 =	vmul.f32 v6, v13;
	v6 =	vld.idx.msk [tilespmem:v7+s2+$0x0], $0xffff;
	v7 =	vor.u32 $0x1D, v0  }
0x3b4: {  	v13 =	vld.idx.msk [tilespmem:v9+s4+$0x0], $0xffff  }
0x3b5: {  	v3 =	vadd.f32 v4, v3;
	v4 =	vmul.f32 v8, v14;
	v8 =	vld.idx.msk [tilespmem:v9+s2+$0x0], $0xffff;
	v9 =	vor.u32 $0x1E, v0  }
0x3b6: {  	v14 =	vld.idx.msk [tilespmem:v10+s4+$0x0], $0xffff  }
0x3b7: {  	v0 =	vor.u32 $0x1F, v0;
	v3 =	vadd.f32 v4, v3;
	v4 =	vmul.f32 v5, v11;
	v5 =	vld.idx.msk [tilespmem:v10+s2+$0x0], $0xffff  }
0x3b8: {  	v10 =	vld.idx.msk [tilespmem:v7+s4+$0x0], $0xffff  }
0x3b9: {  	v3 =	vadd.f32 v4, v3;
	v4 =	vmul.f32 v6, v12;
	v6 =	vld.idx.msk [tilespmem:v7+s2+$0x0], $0xffff  }
0x3ba: {  	v7 =	vld.idx.msk [tilespmem:v9+s4+$0x0], $0xffff  }
0x3bb: {  	v3 =	vadd.f32 v4, v3;
	v4 =	vmul.f32 v8, v13;
	v8 =	vld.idx.msk [tilespmem:v9+s2+$0x0], $0xffff  }
0x3bc: {  	v9 =	vld.idx.msk [tilespmem:v0+s4+$0x0], $0xffff  }
0x3bd: {  	v3 =	vadd.f32 v4, v3;
	v4 =	vmul.f32 v5, v14;
	v5 =	vld.idx.msk [tilespmem:v0+s2+$0x0], $0xffff;
	_ =	sdelay $0x1  }
0x3be: {  	v0 =	vadd.f32 v4, v3;
	v3 =	vmul.f32 v6, v10  }
.Ltmp2:
0x3bf: {  	(pc) =	sbr.rel @p0 .LBB2_6-.Ltmp2, $4  }
0x3c0: {  	v4 =	vmov s14;
	v6 =	vmul.f32 v8, v7;
	v3 =	vadd.f32 v3, v0  }
0x3c1: {  	v0 =	vshll.u32 v4, $0x5  }
0x3c2: {  	v0 =	vor.u32 v1, v0;
	v4 =	vmul.f32 v5, v9;
	v3 =	vadd.f32 v6, v3  }
0x3c3: {  	s14 =	sadd.s32 $0x10, s14  }
0x3c4: {  	v3 =	vadd.f32 v4, v3  }
0x3c5: {  	s13 =	sadd.s32 $0x10, s13  }
0x3c6: {  	v4 =	vor.u32 $0x1, v0;
	s11 =	sadd.s32 $0x10, s11;
	[tilespmem:s13+$0x0] =	vst v3  }
0x3c7: {  	s14 =	sadd.s32 $0x10, s12;
	v3 =	vld [tilespmem:s11+$0x0]  }
0x3c8: {  	v5 =	vor.u32 $0x2, v0;
	v6 =	vld [tilespmem:s14+$0x0]  }
0x3c9: {  	v7 =	vld.idx.msk [tilespmem:v0+s4+$0x0], $0xffff  }
0x3ca: {  	v9 =	vor.u32 $0x3, v0;
	v8 =	vld.idx.msk [tilespmem:v0+s2+$0x0], $0xffff  }
0x3cb: {  	v10 =	vld.idx.msk [tilespmem:v4+s4+$0x0], $0xffff  }
0x3cc: {  	v11 =	vor.u32 $0x4, v0;
	v4 =	vld.idx.msk [tilespmem:v4+s2+$0x0], $0xffff  }
0x3cd: {  	v12 =	vld.idx.msk [tilespmem:v5+s4+$0x0], $0xffff;
	v3 =	vadd.f32 v3, v6  }
0x3ce: {  	v5 =	vld.idx.msk [tilespmem:v5+s2+$0x0], $0xffff;
	v6 =	vor.u32 $0x5, v0  }
0x3cf: {  	v13 =	vld.idx.msk [tilespmem:v9+s4+$0x0], $0xffff;
	v7 =	vmul.f32 v8, v7;
	v3 =	vadd.f32 v3, v2  }
0x3d0: {  	v36 =	vor.u32 $0x6, v0;
	v35 =	vld.idx.msk [tilespmem:v9+s2+$0x0], $0xffff  }
0x3d1: {  	v14 =	vld.idx.msk [tilespmem:v11+s4+$0x0], $0xffff;
	v4 =	vmul.f32 v4, v10;
	v3 =	vadd.f32 v7, v3  }
0x3d2: {  	v37 =	vor.u32 $0x7, v0;
	v7 =	vld.idx.msk [tilespmem:v11+s2+$0x0], $0xffff  }
0x3d3: {  	v38 =	vld.idx.msk [tilespmem:v6+s4+$0x0], $0xffff;
	v3 =	vadd.f32 v4, v3;
	v4 =	vmul.f32 v5, v12  }
0x3d4: {  	v5 =	vld.idx.msk [tilespmem:v6+s2+$0x0], $0xffff;
	v6 =	vor.u32 $0x8, v0  }
0x3d5: {  	v39 =	vld.idx.msk [tilespmem:v36+s4+$0x0], $0xffff;
	v3 =	vadd.f32 v4, v3;
	v4 =	vmul.f32 v35, v13  }
0x3d6: {  	v41 =	vor.u32 $0x9, v0;
	v40 =	vld.idx.msk [tilespmem:v36+s2+$0x0], $0xffff  }
0x3d7: {  	v42 =	vld.idx.msk [tilespmem:v37+s4+$0x0], $0xffff;
	v3 =	vadd.f32 v4, v3;
	v4 =	vmul.f32 v7, v14  }
0x3d8: {  	v43 =	vor.u32 $0xA, v0;
	v7 =	vld.idx.msk [tilespmem:v37+s2+$0x0], $0xffff  }
0x3d9: {  	v44 =	vld.idx.msk [tilespmem:v6+s4+$0x0], $0xffff;
	v3 =	vadd.f32 v4, v3;
	v4 =	vmul.f32 v5, v38  }
0x3da: {  	v5 =	vld.idx.msk [tilespmem:v6+s2+$0x0], $0xffff;
	v6 =	vor.u32 $0xB, v0  }
0x3db: {  	v45 =	vld.idx.msk [tilespmem:v41+s4+$0x0], $0xffff;
	v3 =	vadd.f32 v4, v3;
	v4 =	vmul.f32 v40, v39  }
0x3dc: {  	v47 =	vor.u32 $0xC, v0;
	v46 =	vld.idx.msk [tilespmem:v41+s2+$0x0], $0xffff  }
0x3dd: {  	v48 =	vld.idx.msk [tilespmem:v43+s4+$0x0], $0xffff;
	v3 =	vadd.f32 v4, v3;
	v4 =	vmul.f32 v7, v42  }
0x3de: {  	v49 =	vor.u32 $0xD, v0;
	v7 =	vld.idx.msk [tilespmem:v43+s2+$0x0], $0xffff  }
0x3df: {  	v50 =	vld.idx.msk [tilespmem:v6+s4+$0x0], $0xffff;
	v3 =	vadd.f32 v4, v3;
	v4 =	vmul.f32 v5, v44  }
0x3e0: {  	v5 =	vld.idx.msk [tilespmem:v6+s2+$0x0], $0xffff;
	v6 =	vor.u32 $0xE, v0  }
0x3e1: {  	v51 =	vld.idx.msk [tilespmem:v47+s4+$0x0], $0xffff;
	v3 =	vadd.f32 v4, v3;
	v4 =	vmul.f32 v46, v45  }
0x3e2: {  	v53 =	vor.u32 $0xF, v0;
	v52 =	vld.idx.msk [tilespmem:v47+s2+$0x0], $0xffff  }
0x3e3: {  	v54 =	vld.idx.msk [tilespmem:v49+s4+$0x0], $0xffff;
	v3 =	vadd.f32 v4, v3;
	v4 =	vmul.f32 v7, v48  }
0x3e4: {  	v55 =	vor.u32 $0x10, v0;
	v7 =	vld.idx.msk [tilespmem:v49+s2+$0x0], $0xffff  }
0x3e5: {  	v56 =	vld.idx.msk [tilespmem:v6+s4+$0x0], $0xffff;
	v3 =	vadd.f32 v4, v3;
	v4 =	vmul.f32 v5, v50  }
0x3e6: {  	v5 =	vld.idx.msk [tilespmem:v6+s2+$0x0], $0xffff;
	v6 =	vor.u32 $0x11, v0  }
0x3e7: {  	v57 =	vld.idx.msk [tilespmem:v53+s4+$0x0], $0xffff;
	v3 =	vadd.f32 v4, v3;
	v4 =	vmul.f32 v52, v51  }
0x3e8: {  	v59 =	vor.u32 $0x12, v0;
	v58 =	vld.idx.msk [tilespmem:v53+s2+$0x0], $0xffff  }
0x3e9: {  	v60 =	vld.idx.msk [tilespmem:v55+s4+$0x0], $0xffff;
	v3 =	vadd.f32 v4, v3;
	v4 =	vmul.f32 v7, v54  }
0x3ea: {  	v61 =	vor.u32 $0x13, v0;
	v7 =	vld.idx.msk [tilespmem:v55+s2+$0x0], $0xffff  }
0x3eb: {  	v62 =	vld.idx.msk [tilespmem:v6+s4+$0x0], $0xffff;
	v3 =	vadd.f32 v4, v3;
	v4 =	vmul.f32 v5, v56  }
0x3ec: {  	v5 =	vld.idx.msk [tilespmem:v6+s2+$0x0], $0xffff;
	v6 =	vor.u32 $0x14, v0  }
0x3ed: {  	v63 =	vld.idx.msk [tilespmem:v59+s4+$0x0], $0xffff;
	v3 =	vadd.f32 v4, v3;
	v4 =	vmul.f32 v58, v57  }
0x3ee: {  	v17 =	vor.u32 $0x15, v0;
	v16 =	vld.idx.msk [tilespmem:v59+s2+$0x0], $0xffff  }
0x3ef: {  	v18 =	vld.idx.msk [tilespmem:v61+s4+$0x0], $0xffff;
	v3 =	vadd.f32 v4, v3;
	v4 =	vmul.f32 v7, v60  }
0x3f0: {  	v19 =	vor.u32 $0x16, v0;
	v7 =	vld.idx.msk [tilespmem:v61+s2+$0x0], $0xffff  }
0x3f1: {  	v20 =	vld.idx.msk [tilespmem:v6+s4+$0x0], $0xffff;
	v3 =	vadd.f32 v4, v3;
	v4 =	vmul.f32 v5, v62  }
0x3f2: {  	v5 =	vld.idx.msk [tilespmem:v6+s2+$0x0], $0xffff;
	v6 =	vor.u32 $0x17, v0  }
0x3f3: {  	v21 =	vld.idx.msk [tilespmem:v17+s4+$0x0], $0xffff;
	v3 =	vadd.f32 v4, v3;
	v4 =	vmul.f32 v16, v63  }
0x3f4: {  	v23 =	vor.u32 $0x18, v0;
	v22 =	vld.idx.msk [tilespmem:v17+s2+$0x0], $0xffff  }
0x3f5: {  	v24 =	vld.idx.msk [tilespmem:v19+s4+$0x0], $0xffff;
	v3 =	vadd.f32 v4, v3;
	v4 =	vmul.f32 v7, v18  }
0x3f6: {  	v25 =	vor.u32 $0x19, v0;
	v7 =	vld.idx.msk [tilespmem:v19+s2+$0x0], $0xffff  }
0x3f7: {  	v26 =	vld.idx.msk [tilespmem:v6+s4+$0x0], $0xffff;
	v3 =	vadd.f32 v4, v3;
	v4 =	vmul.f32 v5, v20  }
0x3f8: {  	v5 =	vld.idx.msk [tilespmem:v6+s2+$0x0], $0xffff;
	v6 =	vor.u32 $0x1A, v0  }
0x3f9: {  	v27 =	vld.idx.msk [tilespmem:v23+s4+$0x0], $0xffff;
	v3 =	vadd.f32 v4, v3;
	v4 =	vmul.f32 v22, v21  }
0x3fa: {  	v29 =	vor.u32 $0x1B, v0;
	v28 =	vld.idx.msk [tilespmem:v23+s2+$0x0], $0xffff  }
0x3fb: {  	v30 =	vld.idx.msk [tilespmem:v25+s4+$0x0], $0xffff;
	v3 =	vadd.f32 v4, v3;
	v4 =	vmul.f32 v7, v24  }
0x3fc: {  	v31 =	vor.u32 $0x1C, v0;
	v7 =	vld.idx.msk [tilespmem:v25+s2+$0x0], $0xffff  }
0x3fd: {  	v32 =	vld.idx.msk [tilespmem:v6+s4+$0x0], $0xffff;
	v3 =	vadd.f32 v4, v3;
	v4 =	vmul.f32 v5, v26  }
0x3fe: {  	v5 =	vld.idx.msk [tilespmem:v6+s2+$0x0], $0xffff;
	v6 =	vor.u32 $0x1D, v0  }
0x3ff: {  	v33 =	vld.idx.msk [tilespmem:v29+s4+$0x0], $0xffff;
	v3 =	vadd.f32 v4, v3;
	v4 =	vmul.f32 v28, v27  }
0x400: {  	v34 =	vld.idx.msk [tilespmem:v29+s2+$0x0], $0xffff;
	v35 =	vor.u32 $0x1E, v0  }
0x401: {  	v36 =	vld.idx.msk [tilespmem:v31+s4+$0x0], $0xffff;
	v3 =	vadd.f32 v4, v3;
	v4 =	vmul.f32 v7, v30  }
0x402: {  	v0 =	vor.u32 $0x1F, v0;
	v7 =	vld.idx.msk [tilespmem:v31+s2+$0x0], $0xffff  }
0x403: {  	v37 =	vld.idx.msk [tilespmem:v6+s4+$0x0], $0xffff;
	v3 =	vadd.f32 v4, v3;
	v4 =	vmul.f32 v5, v32  }
0x404: {  	v5 =	vld.idx.msk [tilespmem:v6+s2+$0x0], $0xffff  }
0x405: {  	v38 =	vld.idx.msk [tilespmem:v35+s2+$0x0], $0xffff;
	v3 =	vadd.f32 v4, v3;
	v4 =	vmul.f32 v34, v33  }
0x406: {  	v6 =	vld.idx.msk [tilespmem:v35+s4+$0x0], $0xffff  }
0x407: {  	v39 =	vld.idx.msk [tilespmem:v0+s4+$0x0], $0xffff;
	v3 =	vadd.f32 v4, v3;
	v4 =	vmul.f32 v7, v36  }
0x408: {  	v0 =	vld.idx.msk [tilespmem:v0+s2+$0x0], $0xffff  }
0x409: {  	v3 =	vadd.f32 v4, v3;
	v4 =	vmul.f32 v5, v37;
	_ =	sdelay $0x1  }
0x40a: {  	v3 =	vadd.f32 v4, v3;
	v4 =	vmul.f32 v38, v6  }
0x40b: {  	s12 =	simm.s32 $0x0  }
0x40c: {  	v0 =	vmul.f32 v0, v39;
	v3 =	vadd.f32 v4, v3;
	v4 =	vmov s12  }
0x40d: {  	v4 =	vshll.u32 v4, $0x5  }
0x40e: {  	v3 =	vadd.f32 v0, v3;
	v0 =	vor.u32 v1, v4  }
0x40f: {  	s14 =	sadd.s32 $0x10, s13  }
0x410: {  	s12 =	simm.s32 $0x8780;
	[tilespmem:s14+$0x0] =	vst v3;
	v3 =	vor.u32 $0x1, v0  }
0x411: {  	s13 =	simm.s32 $0x8580;
	v4 =	vld [tilespmem:s12+$0x0]  }
0x412: {  	v5 =	vor.u32 $0x2, v0;
	v6 =	vld [tilespmem:s13+$0x0]  }
0x413: {  	v7 =	vld.idx.msk [tilespmem:v0+s31+$0x0], $0xffff  }
0x414: {  	v41 =	vor.u32 $0x3, v0;
	v40 =	vld.idx.msk [tilespmem:v0+s0+$0x0], $0xffff  }
0x415: {  	v42 =	vld.idx.msk [tilespmem:v3+s31+$0x0], $0xffff  }
0x416: {  	v43 =	vor.u32 $0x4, v0;
	v3 =	vld.idx.msk [tilespmem:v3+s0+$0x0], $0xffff  }
0x417: {  	v44 =	vld.idx.msk [tilespmem:v5+s31+$0x0], $0xffff;
	v4 =	vadd.f32 v4, v6  }
0x418: {  	v5 =	vld.idx.msk [tilespmem:v5+s0+$0x0], $0xffff;
	v6 =	vor.u32 $0x5, v0  }
0x419: {  	v45 =	vld.idx.msk [tilespmem:v41+s31+$0x0], $0xffff;
	v4 =	vadd.f32 v4, v2;
	v7 =	vmul.f32 v40, v7  }
0x41a: {  	v47 =	vor.u32 $0x6, v0;
	v46 =	vld.idx.msk [tilespmem:v41+s0+$0x0], $0xffff  }
0x41b: {  	v48 =	vld.idx.msk [tilespmem:v43+s31+$0x0], $0xffff;
	v4 =	vadd.f32 v7, v4;
	v3 =	vmul.f32 v3, v42  }
0x41c: {  	v49 =	vor.u32 $0x7, v0;
	v7 =	vld.idx.msk [tilespmem:v43+s0+$0x0], $0xffff  }
0x41d: {  	v50 =	vld.idx.msk [tilespmem:v6+s31+$0x0], $0xffff;
	v3 =	vadd.f32 v3, v4;
	v4 =	vmul.f32 v5, v44  }
0x41e: {  	v5 =	vld.idx.msk [tilespmem:v6+s0+$0x0], $0xffff;
	v6 =	vor.u32 $0x8, v0  }
0x41f: {  	v51 =	vld.idx.msk [tilespmem:v47+s31+$0x0], $0xffff;
	v3 =	vadd.f32 v4, v3;
	v4 =	vmul.f32 v46, v45  }
0x420: {  	v53 =	vor.u32 $0x9, v0;
	v52 =	vld.idx.msk [tilespmem:v47+s0+$0x0], $0xffff  }
0x421: {  	v54 =	vld.idx.msk [tilespmem:v49+s31+$0x0], $0xffff;
	v3 =	vadd.f32 v4, v3;
	v4 =	vmul.f32 v7, v48  }
0x422: {  	v55 =	vor.u32 $0xA, v0;
	v7 =	vld.idx.msk [tilespmem:v49+s0+$0x0], $0xffff  }
0x423: {  	v56 =	vld.idx.msk [tilespmem:v6+s31+$0x0], $0xffff;
	v3 =	vadd.f32 v4, v3;
	v4 =	vmul.f32 v5, v50  }
0x424: {  	v5 =	vld.idx.msk [tilespmem:v6+s0+$0x0], $0xffff;
	v6 =	vor.u32 $0xB, v0  }
0x425: {  	v57 =	vld.idx.msk [tilespmem:v53+s31+$0x0], $0xffff;
	v3 =	vadd.f32 v4, v3;
	v4 =	vmul.f32 v52, v51  }
0x426: {  	v59 =	vor.u32 $0xC, v0;
	v58 =	vld.idx.msk [tilespmem:v53+s0+$0x0], $0xffff  }
0x427: {  	v60 =	vld.idx.msk [tilespmem:v55+s31+$0x0], $0xffff;
	v3 =	vadd.f32 v4, v3;
	v4 =	vmul.f32 v7, v54  }
0x428: {  	v61 =	vor.u32 $0xD, v0;
	v7 =	vld.idx.msk [tilespmem:v55+s0+$0x0], $0xffff  }
0x429: {  	v62 =	vld.idx.msk [tilespmem:v6+s31+$0x0], $0xffff;
	v3 =	vadd.f32 v4, v3;
	v4 =	vmul.f32 v5, v56  }
0x42a: {  	v5 =	vld.idx.msk [tilespmem:v6+s0+$0x0], $0xffff;
	v6 =	vor.u32 $0xE, v0  }
0x42b: {  	v63 =	vld.idx.msk [tilespmem:v59+s31+$0x0], $0xffff;
	v3 =	vadd.f32 v4, v3;
	v4 =	vmul.f32 v58, v57  }
0x42c: {  	v17 =	vor.u32 $0xF, v0;
	v16 =	vld.idx.msk [tilespmem:v59+s0+$0x0], $0xffff  }
0x42d: {  	v18 =	vld.idx.msk [tilespmem:v61+s31+$0x0], $0xffff;
	v3 =	vadd.f32 v4, v3;
	v4 =	vmul.f32 v7, v60  }
0x42e: {  	v19 =	vor.u32 $0x10, v0;
	v7 =	vld.idx.msk [tilespmem:v61+s0+$0x0], $0xffff  }
0x42f: {  	v20 =	vld.idx.msk [tilespmem:v6+s31+$0x0], $0xffff;
	v3 =	vadd.f32 v4, v3;
	v4 =	vmul.f32 v5, v62  }
0x430: {  	v5 =	vld.idx.msk [tilespmem:v6+s0+$0x0], $0xffff;
	v6 =	vor.u32 $0x11, v0  }
0x431: {  	v21 =	vld.idx.msk [tilespmem:v17+s31+$0x0], $0xffff;
	v3 =	vadd.f32 v4, v3;
	v4 =	vmul.f32 v16, v63  }
0x432: {  	v23 =	vor.u32 $0x12, v0;
	v22 =	vld.idx.msk [tilespmem:v17+s0+$0x0], $0xffff  }
0x433: {  	v24 =	vld.idx.msk [tilespmem:v19+s31+$0x0], $0xffff;
	v3 =	vadd.f32 v4, v3;
	v4 =	vmul.f32 v7, v18  }
0x434: {  	v25 =	vor.u32 $0x13, v0;
	v7 =	vld.idx.msk [tilespmem:v19+s0+$0x0], $0xffff  }
0x435: {  	v26 =	vld.idx.msk [tilespmem:v6+s31+$0x0], $0xffff;
	v3 =	vadd.f32 v4, v3;
	v4 =	vmul.f32 v5, v20  }
0x436: {  	v5 =	vld.idx.msk [tilespmem:v6+s0+$0x0], $0xffff;
	v6 =	vor.u32 $0x14, v0  }
0x437: {  	v27 =	vld.idx.msk [tilespmem:v23+s31+$0x0], $0xffff;
	v3 =	vadd.f32 v4, v3;
	v4 =	vmul.f32 v22, v21  }
0x438: {  	v29 =	vor.u32 $0x15, v0;
	v28 =	vld.idx.msk [tilespmem:v23+s0+$0x0], $0xffff  }
0x439: {  	v30 =	vld.idx.msk [tilespmem:v25+s31+$0x0], $0xffff;
	v3 =	vadd.f32 v4, v3;
	v4 =	vmul.f32 v7, v24  }
0x43a: {  	v31 =	vor.u32 $0x16, v0;
	v7 =	vld.idx.msk [tilespmem:v25+s0+$0x0], $0xffff  }
0x43b: {  	v32 =	vld.idx.msk [tilespmem:v6+s31+$0x0], $0xffff;
	v3 =	vadd.f32 v4, v3;
	v4 =	vmul.f32 v5, v26  }
0x43c: {  	v5 =	vld.idx.msk [tilespmem:v6+s0+$0x0], $0xffff;
	v6 =	vor.u32 $0x17, v0  }
0x43d: {  	v33 =	vld.idx.msk [tilespmem:v29+s31+$0x0], $0xffff;
	v3 =	vadd.f32 v4, v3;
	v4 =	vmul.f32 v28, v27  }
0x43e: {  	v35 =	vor.u32 $0x18, v0;
	v34 =	vld.idx.msk [tilespmem:v29+s0+$0x0], $0xffff  }
0x43f: {  	v36 =	vld.idx.msk [tilespmem:v31+s31+$0x0], $0xffff;
	v3 =	vadd.f32 v4, v3;
	v4 =	vmul.f32 v7, v30  }
0x440: {  	v37 =	vor.u32 $0x19, v0;
	v7 =	vld.idx.msk [tilespmem:v31+s0+$0x0], $0xffff  }
0x441: {  	v38 =	vld.idx.msk [tilespmem:v6+s31+$0x0], $0xffff;
	v3 =	vadd.f32 v4, v3;
	v4 =	vmul.f32 v5, v32  }
0x442: {  	v5 =	vld.idx.msk [tilespmem:v6+s0+$0x0], $0xffff;
	v6 =	vor.u32 $0x1A, v0  }
0x443: {  	v39 =	vld.idx.msk [tilespmem:v35+s31+$0x0], $0xffff;
	v3 =	vadd.f32 v4, v3;
	v4 =	vmul.f32 v34, v33  }
0x444: {  	v41 =	vor.u32 $0x1B, v0;
	v40 =	vld.idx.msk [tilespmem:v35+s0+$0x0], $0xffff  }
0x445: {  	v42 =	vld.idx.msk [tilespmem:v37+s31+$0x0], $0xffff;
	v3 =	vadd.f32 v4, v3;
	v4 =	vmul.f32 v7, v36  }
0x446: {  	v43 =	vor.u32 $0x1C, v0;
	v7 =	vld.idx.msk [tilespmem:v37+s0+$0x0], $0xffff  }
0x447: {  	v44 =	vld.idx.msk [tilespmem:v6+s31+$0x0], $0xffff;
	v3 =	vadd.f32 v4, v3;
	v4 =	vmul.f32 v5, v38  }
0x448: {  	v5 =	vld.idx.msk [tilespmem:v6+s0+$0x0], $0xffff;
	v6 =	vor.u32 $0x1D, v0  }
0x449: {  	v45 =	vld.idx.msk [tilespmem:v41+s31+$0x0], $0xffff;
	v3 =	vadd.f32 v4, v3;
	v4 =	vmul.f32 v40, v39  }
0x44a: {  	v47 =	vor.u32 $0x1E, v0;
	v46 =	vld.idx.msk [tilespmem:v41+s0+$0x0], $0xffff  }
0x44b: {  	v48 =	vld.idx.msk [tilespmem:v43+s31+$0x0], $0xffff;
	v3 =	vadd.f32 v4, v3;
	v4 =	vmul.f32 v7, v42  }
0x44c: {  	v0 =	vor.u32 $0x1F, v0;
	v7 =	vld.idx.msk [tilespmem:v43+s0+$0x0], $0xffff  }
0x44d: {  	v49 =	vld.idx.msk [tilespmem:v6+s31+$0x0], $0xffff;
	v3 =	vadd.f32 v4, v3;
	v4 =	vmul.f32 v5, v44  }
0x44e: {  	v5 =	vld.idx.msk [tilespmem:v6+s0+$0x0], $0xffff  }
0x44f: {  	v50 =	vld.idx.msk [tilespmem:v47+s0+$0x0], $0xffff;
	v3 =	vadd.f32 v4, v3;
	v4 =	vmul.f32 v46, v45  }
0x450: {  	v6 =	vld.idx.msk [tilespmem:v47+s31+$0x0], $0xffff  }
0x451: {  	v51 =	vld.idx.msk [tilespmem:v0+s31+$0x0], $0xffff;
	v3 =	vadd.f32 v4, v3;
	v4 =	vmul.f32 v7, v48  }
0x452: {  	v0 =	vld.idx.msk [tilespmem:v0+s0+$0x0], $0xffff  }
0x453: {  	v3 =	vadd.f32 v4, v3;
	v4 =	vmul.f32 v5, v49;
	_ =	sdelay $0x1  }
0x454: {  	v3 =	vadd.f32 v4, v3;
	v4 =	vmul.f32 v50, v6  }
0x455: {  	s14 =	simm.s32 $0x10  }
0x456: {  	v5 =	vmov s14;
	v3 =	vadd.f32 v4, v3;
	v4 =	vmul.f32 v0, v51  }
0x457: {  	v0 =	vshll.u32 v5, $0x5  }
0x458: {  	v0 =	vor.u32 v1, v0;
	v3 =	vadd.f32 v4, v3  }
0x459: {  	s11 =	simm.s32 $0x8990  }
0x45a: {  	s12 =	simm.s32 $0x8790;
	v4 =	vor.u32 $0x1, v0;
	[tilespmem:s11+$0x0] =	vst v3  }
0x45b: {  	s13 =	simm.s32 $0x8590;
	v3 =	vld [tilespmem:s12+$0x0]  }
0x45c: {  	v5 =	vor.u32 $0x2, v0;
	v6 =	vld [tilespmem:s13+$0x0]  }
0x45d: {  	v7 =	vld.idx.msk [tilespmem:v0+s31+$0x0], $0xffff  }
0x45e: {  	v53 =	vor.u32 $0x3, v0;
	v52 =	vld.idx.msk [tilespmem:v0+s0+$0x0], $0xffff  }
0x45f: {  	v54 =	vld.idx.msk [tilespmem:v4+s31+$0x0], $0xffff  }
0x460: {  	v55 =	vor.u32 $0x4, v0;
	v4 =	vld.idx.msk [tilespmem:v4+s0+$0x0], $0xffff  }
0x461: {  	v56 =	vld.idx.msk [tilespmem:v5+s31+$0x0], $0xffff;
	v3 =	vadd.f32 v3, v6  }
0x462: {  	v5 =	vld.idx.msk [tilespmem:v5+s0+$0x0], $0xffff;
	v6 =	vor.u32 $0x5, v0  }
0x463: {  	v57 =	vld.idx.msk [tilespmem:v53+s31+$0x0], $0xffff;
	v7 =	vmul.f32 v52, v7;
	v3 =	vadd.f32 v3, v2  }
0x464: {  	v59 =	vor.u32 $0x6, v0;
	v58 =	vld.idx.msk [tilespmem:v53+s0+$0x0], $0xffff  }
0x465: {  	v60 =	vld.idx.msk [tilespmem:v55+s31+$0x0], $0xffff;
	v4 =	vmul.f32 v4, v54;
	v3 =	vadd.f32 v7, v3  }
0x466: {  	v61 =	vor.u32 $0x7, v0;
	v7 =	vld.idx.msk [tilespmem:v55+s0+$0x0], $0xffff  }
0x467: {  	v62 =	vld.idx.msk [tilespmem:v6+s31+$0x0], $0xffff;
	v3 =	vadd.f32 v4, v3;
	v4 =	vmul.f32 v5, v56  }
0x468: {  	v5 =	vld.idx.msk [tilespmem:v6+s0+$0x0], $0xffff;
	v6 =	vor.u32 $0x8, v0  }
0x469: {  	v63 =	vld.idx.msk [tilespmem:v59+s31+$0x0], $0xffff;
	v3 =	vadd.f32 v4, v3;
	v4 =	vmul.f32 v58, v57  }
0x46a: {  	v17 =	vor.u32 $0x9, v0;
	v16 =	vld.idx.msk [tilespmem:v59+s0+$0x0], $0xffff  }
0x46b: {  	v18 =	vld.idx.msk [tilespmem:v61+s31+$0x0], $0xffff;
	v3 =	vadd.f32 v4, v3;
	v4 =	vmul.f32 v7, v60  }
0x46c: {  	v19 =	vor.u32 $0xA, v0;
	v7 =	vld.idx.msk [tilespmem:v61+s0+$0x0], $0xffff  }
0x46d: {  	v20 =	vld.idx.msk [tilespmem:v6+s31+$0x0], $0xffff;
	v3 =	vadd.f32 v4, v3;
	v4 =	vmul.f32 v5, v62  }
0x46e: {  	v5 =	vld.idx.msk [tilespmem:v6+s0+$0x0], $0xffff;
	v6 =	vor.u32 $0xB, v0  }
0x46f: {  	v21 =	vld.idx.msk [tilespmem:v17+s31+$0x0], $0xffff;
	v3 =	vadd.f32 v4, v3;
	v4 =	vmul.f32 v16, v63  }
0x470: {  	v23 =	vor.u32 $0xC, v0;
	v22 =	vld.idx.msk [tilespmem:v17+s0+$0x0], $0xffff  }
0x471: {  	v24 =	vld.idx.msk [tilespmem:v19+s31+$0x0], $0xffff;
	v3 =	vadd.f32 v4, v3;
	v4 =	vmul.f32 v7, v18  }
0x472: {  	v25 =	vor.u32 $0xD, v0;
	v7 =	vld.idx.msk [tilespmem:v19+s0+$0x0], $0xffff  }
0x473: {  	v26 =	vld.idx.msk [tilespmem:v6+s31+$0x0], $0xffff;
	v3 =	vadd.f32 v4, v3;
	v4 =	vmul.f32 v5, v20  }
0x474: {  	v5 =	vld.idx.msk [tilespmem:v6+s0+$0x0], $0xffff;
	v6 =	vor.u32 $0xE, v0  }
0x475: {  	v27 =	vld.idx.msk [tilespmem:v23+s31+$0x0], $0xffff;
	v3 =	vadd.f32 v4, v3;
	v4 =	vmul.f32 v22, v21  }
0x476: {  	v29 =	vor.u32 $0xF, v0;
	v28 =	vld.idx.msk [tilespmem:v23+s0+$0x0], $0xffff  }
0x477: {  	v30 =	vld.idx.msk [tilespmem:v25+s31+$0x0], $0xffff;
	v3 =	vadd.f32 v4, v3;
	v4 =	vmul.f32 v7, v24  }
0x478: {  	v31 =	vor.u32 $0x10, v0;
	v7 =	vld.idx.msk [tilespmem:v25+s0+$0x0], $0xffff  }
0x479: {  	v32 =	vld.idx.msk [tilespmem:v6+s31+$0x0], $0xffff;
	v3 =	vadd.f32 v4, v3;
	v4 =	vmul.f32 v5, v26  }
0x47a: {  	v5 =	vld.idx.msk [tilespmem:v6+s0+$0x0], $0xffff;
	v6 =	vor.u32 $0x11, v0  }
0x47b: {  	v33 =	vld.idx.msk [tilespmem:v29+s31+$0x0], $0xffff;
	v3 =	vadd.f32 v4, v3;
	v4 =	vmul.f32 v28, v27  }
0x47c: {  	v35 =	vor.u32 $0x12, v0;
	v34 =	vld.idx.msk [tilespmem:v29+s0+$0x0], $0xffff  }
0x47d: {  	v36 =	vld.idx.msk [tilespmem:v31+s31+$0x0], $0xffff;
	v3 =	vadd.f32 v4, v3;
	v4 =	vmul.f32 v7, v30  }
0x47e: {  	v37 =	vor.u32 $0x13, v0;
	v7 =	vld.idx.msk [tilespmem:v31+s0+$0x0], $0xffff  }
0x47f: {  	v38 =	vld.idx.msk [tilespmem:v6+s31+$0x0], $0xffff;
	v3 =	vadd.f32 v4, v3;
	v4 =	vmul.f32 v5, v32  }
0x480: {  	v5 =	vld.idx.msk [tilespmem:v6+s0+$0x0], $0xffff;
	v6 =	vor.u32 $0x14, v0  }
0x481: {  	v39 =	vld.idx.msk [tilespmem:v35+s31+$0x0], $0xffff;
	v3 =	vadd.f32 v4, v3;
	v4 =	vmul.f32 v34, v33  }
0x482: {  	v41 =	vor.u32 $0x15, v0;
	v40 =	vld.idx.msk [tilespmem:v35+s0+$0x0], $0xffff  }
0x483: {  	v42 =	vld.idx.msk [tilespmem:v37+s31+$0x0], $0xffff;
	v3 =	vadd.f32 v4, v3;
	v4 =	vmul.f32 v7, v36  }
0x484: {  	v43 =	vor.u32 $0x16, v0;
	v7 =	vld.idx.msk [tilespmem:v37+s0+$0x0], $0xffff  }
0x485: {  	v44 =	vld.idx.msk [tilespmem:v6+s31+$0x0], $0xffff;
	v3 =	vadd.f32 v4, v3;
	v4 =	vmul.f32 v5, v38  }
0x486: {  	v5 =	vld.idx.msk [tilespmem:v6+s0+$0x0], $0xffff;
	v6 =	vor.u32 $0x17, v0  }
0x487: {  	v45 =	vld.idx.msk [tilespmem:v41+s31+$0x0], $0xffff;
	v3 =	vadd.f32 v4, v3;
	v4 =	vmul.f32 v40, v39  }
0x488: {  	v47 =	vor.u32 $0x18, v0;
	v46 =	vld.idx.msk [tilespmem:v41+s0+$0x0], $0xffff  }
0x489: {  	v48 =	vld.idx.msk [tilespmem:v43+s31+$0x0], $0xffff;
	v3 =	vadd.f32 v4, v3;
	v4 =	vmul.f32 v7, v42  }
0x48a: {  	v49 =	vor.u32 $0x19, v0;
	v7 =	vld.idx.msk [tilespmem:v43+s0+$0x0], $0xffff  }
0x48b: {  	v50 =	vld.idx.msk [tilespmem:v6+s31+$0x0], $0xffff;
	v3 =	vadd.f32 v4, v3;
	v4 =	vmul.f32 v5, v44  }
0x48c: {  	v5 =	vld.idx.msk [tilespmem:v6+s0+$0x0], $0xffff;
	v6 =	vor.u32 $0x1A, v0  }
0x48d: {  	v51 =	vld.idx.msk [tilespmem:v47+s31+$0x0], $0xffff;
	v3 =	vadd.f32 v4, v3;
	v4 =	vmul.f32 v46, v45  }
0x48e: {  	v53 =	vor.u32 $0x1B, v0;
	v52 =	vld.idx.msk [tilespmem:v47+s0+$0x0], $0xffff  }
0x48f: {  	v54 =	vld.idx.msk [tilespmem:v49+s31+$0x0], $0xffff;
	v3 =	vadd.f32 v4, v3;
	v4 =	vmul.f32 v7, v48  }
0x490: {  	v55 =	vor.u32 $0x1C, v0;
	v7 =	vld.idx.msk [tilespmem:v49+s0+$0x0], $0xffff  }
0x491: {  	v56 =	vld.idx.msk [tilespmem:v6+s31+$0x0], $0xffff;
	v3 =	vadd.f32 v4, v3;
	v4 =	vmul.f32 v5, v50  }
0x492: {  	v5 =	vld.idx.msk [tilespmem:v6+s0+$0x0], $0xffff;
	v6 =	vor.u32 $0x1D, v0  }
0x493: {  	v57 =	vld.idx.msk [tilespmem:v53+s31+$0x0], $0xffff;
	v3 =	vadd.f32 v4, v3;
	v4 =	vmul.f32 v52, v51  }
0x494: {  	v59 =	vor.u32 $0x1E, v0;
	v58 =	vld.idx.msk [tilespmem:v53+s0+$0x0], $0xffff  }
0x495: {  	v60 =	vld.idx.msk [tilespmem:v55+s31+$0x0], $0xffff;
	v3 =	vadd.f32 v4, v3;
	v4 =	vmul.f32 v7, v54  }
0x496: {  	v0 =	vor.u32 $0x1F, v0;
	v7 =	vld.idx.msk [tilespmem:v55+s0+$0x0], $0xffff  }
0x497: {  	v61 =	vld.idx.msk [tilespmem:v6+s31+$0x0], $0xffff;
	v3 =	vadd.f32 v4, v3;
	v4 =	vmul.f32 v5, v56  }
0x498: {  	v5 =	vld.idx.msk [tilespmem:v6+s0+$0x0], $0xffff  }
0x499: {  	v62 =	vld.idx.msk [tilespmem:v59+s0+$0x0], $0xffff;
	v3 =	vadd.f32 v4, v3;
	v4 =	vmul.f32 v58, v57  }
0x49a: {  	v6 =	vld.idx.msk [tilespmem:v59+s31+$0x0], $0xffff  }
0x49b: {  	v63 =	vld.idx.msk [tilespmem:v0+s31+$0x0], $0xffff;
	v3 =	vadd.f32 v4, v3;
	v4 =	vmul.f32 v7, v60  }
0x49c: {  	v7 =	vld.idx.msk [tilespmem:v0+s0+$0x0], $0xffff  }
0x49d: {  	v0 =	vadd.f32 v4, v3;
	v3 =	vmul.f32 v5, v61;
	_ =	sdelay $0x1  }
0x49e: {  	s14 =	simm.s32 $0x20;
	v5 =	vmul.f32 v62, v6;
	v3 =	vadd.f32 v3, v0  }
0x49f: {  	v4 =	vmov s14  }
0x4a0: {  	v0 =	vshll.u32 v4, $0x5;
	v4 =	vmul.f32 v7, v63;
	v3 =	vadd.f32 v5, v3  }
0x4a1: {  	s14 =	simm.s32 $0x30;
	v0 =	vor.u32 v1, v0  }
.LBB2_8:
0x4a2: {  	p0 =	sne.s32 s14, $0x70;
	v3 =	vadd.f32 v4, v3  }
0x4a3: {  	s11 =	sadd.s32 $0x10, s11  }
0x4a4: {  	v4 =	vor.u32 $0x1, v0;
	[tilespmem:s11+$0x0] =	vst v3  }
0x4a5: {  	s12 =	sadd.s32 $0x10, s12;
	v3 =	vld.idx.msk [tilespmem:v0+s31+$0x0], $0xffff  }
0x4a6: {  	v6 =	vor.u32 $0x2, v0;
	s13 =	sadd.s32 $0x10, s13;
	v5 =	vld [tilespmem:s12+$0x0]  }
0x4a7: {  	v7 =	vld [tilespmem:s13+$0x0]  }
0x4a8: {  	v9 =	vor.u32 $0x3, v0;
	v8 =	vld.idx.msk [tilespmem:v0+s0+$0x0], $0xffff  }
0x4a9: {  	v10 =	vld.idx.msk [tilespmem:v4+s31+$0x0], $0xffff  }
0x4aa: {  	v11 =	vor.u32 $0x4, v0;
	v4 =	vld.idx.msk [tilespmem:v4+s0+$0x0], $0xffff  }
0x4ab: {  	v12 =	vld.idx.msk [tilespmem:v6+s31+$0x0], $0xffff  }
0x4ac: {  	v5 =	vadd.f32 v5, v7;
	v6 =	vld.idx.msk [tilespmem:v6+s0+$0x0], $0xffff;
	v7 =	vor.u32 $0x5, v0  }
0x4ad: {  	v13 =	vld.idx.msk [tilespmem:v9+s31+$0x0], $0xffff  }
0x4ae: {  	v3 =	vmul.f32 v8, v3;
	v5 =	vadd.f32 v5, v2;
	v8 =	vld.idx.msk [tilespmem:v9+s0+$0x0], $0xffff;
	v9 =	vor.u32 $0x6, v0  }
0x4af: {  	v14 =	vld.idx.msk [tilespmem:v11+s31+$0x0], $0xffff  }
0x4b0: {  	v4 =	vmul.f32 v4, v10;
	v10 =	vor.u32 $0x7, v0;
	v3 =	vadd.f32 v3, v5;
	v5 =	vld.idx.msk [tilespmem:v11+s0+$0x0], $0xffff  }
0x4b1: {  	v11 =	vld.idx.msk [tilespmem:v7+s31+$0x0], $0xffff  }
0x4b2: {  	v3 =	vadd.f32 v4, v3;
	v4 =	vmul.f32 v6, v12;
	v6 =	vld.idx.msk [tilespmem:v7+s0+$0x0], $0xffff;
	v7 =	vor.u32 $0x8, v0  }
0x4b3: {  	v12 =	vld.idx.msk [tilespmem:v9+s31+$0x0], $0xffff  }
0x4b4: {  	v3 =	vadd.f32 v4, v3;
	v4 =	vmul.f32 v8, v13;
	v8 =	vld.idx.msk [tilespmem:v9+s0+$0x0], $0xffff;
	v9 =	vor.u32 $0x9, v0  }
0x4b5: {  	v13 =	vld.idx.msk [tilespmem:v10+s31+$0x0], $0xffff  }
0x4b6: {  	v3 =	vadd.f32 v4, v3;
	v4 =	vmul.f32 v5, v14;
	v5 =	vld.idx.msk [tilespmem:v10+s0+$0x0], $0xffff;
	v10 =	vor.u32 $0xA, v0  }
0x4b7: {  	v14 =	vld.idx.msk [tilespmem:v7+s31+$0x0], $0xffff  }
0x4b8: {  	v3 =	vadd.f32 v4, v3;
	v4 =	vmul.f32 v6, v11;
	v6 =	vld.idx.msk [tilespmem:v7+s0+$0x0], $0xffff;
	v7 =	vor.u32 $0xB, v0  }
0x4b9: {  	v11 =	vld.idx.msk [tilespmem:v9+s31+$0x0], $0xffff  }
0x4ba: {  	v3 =	vadd.f32 v4, v3;
	v4 =	vmul.f32 v8, v12;
	v8 =	vld.idx.msk [tilespmem:v9+s0+$0x0], $0xffff;
	v9 =	vor.u32 $0xC, v0  }
0x4bb: {  	v12 =	vld.idx.msk [tilespmem:v10+s31+$0x0], $0xffff  }
0x4bc: {  	v3 =	vadd.f32 v4, v3;
	v4 =	vmul.f32 v5, v13;
	v5 =	vld.idx.msk [tilespmem:v10+s0+$0x0], $0xffff;
	v10 =	vor.u32 $0xD, v0  }
0x4bd: {  	v13 =	vld.idx.msk [tilespmem:v7+s31+$0x0], $0xffff  }
0x4be: {  	v3 =	vadd.f32 v4, v3;
	v4 =	vmul.f32 v6, v14;
	v6 =	vld.idx.msk [tilespmem:v7+s0+$0x0], $0xffff;
	v7 =	vor.u32 $0xE, v0  }
0x4bf: {  	v14 =	vld.idx.msk [tilespmem:v9+s31+$0x0], $0xffff  }
0x4c0: {  	v3 =	vadd.f32 v4, v3;
	v4 =	vmul.f32 v8, v11;
	v8 =	vld.idx.msk [tilespmem:v9+s0+$0x0], $0xffff;
	v9 =	vor.u32 $0xF, v0  }
0x4c1: {  	v11 =	vld.idx.msk [tilespmem:v10+s31+$0x0], $0xffff  }
0x4c2: {  	v3 =	vadd.f32 v4, v3;
	v4 =	vmul.f32 v5, v12;
	v5 =	vld.idx.msk [tilespmem:v10+s0+$0x0], $0xffff;
	v10 =	vor.u32 $0x10, v0  }
0x4c3: {  	v12 =	vld.idx.msk [tilespmem:v7+s31+$0x0], $0xffff  }
0x4c4: {  	v3 =	vadd.f32 v4, v3;
	v4 =	vmul.f32 v6, v13;
	v6 =	vld.idx.msk [tilespmem:v7+s0+$0x0], $0xffff;
	v7 =	vor.u32 $0x11, v0  }
0x4c5: {  	v13 =	vld.idx.msk [tilespmem:v9+s31+$0x0], $0xffff  }
0x4c6: {  	v3 =	vadd.f32 v4, v3;
	v4 =	vmul.f32 v8, v14;
	v8 =	vld.idx.msk [tilespmem:v9+s0+$0x0], $0xffff;
	v9 =	vor.u32 $0x12, v0  }
0x4c7: {  	v14 =	vld.idx.msk [tilespmem:v10+s31+$0x0], $0xffff  }
0x4c8: {  	v3 =	vadd.f32 v4, v3;
	v4 =	vmul.f32 v5, v11;
	v5 =	vld.idx.msk [tilespmem:v10+s0+$0x0], $0xffff;
	v10 =	vor.u32 $0x13, v0  }
0x4c9: {  	v11 =	vld.idx.msk [tilespmem:v7+s31+$0x0], $0xffff  }
0x4ca: {  	v3 =	vadd.f32 v4, v3;
	v4 =	vmul.f32 v6, v12;
	v6 =	vld.idx.msk [tilespmem:v7+s0+$0x0], $0xffff;
	v7 =	vor.u32 $0x14, v0  }
0x4cb: {  	v12 =	vld.idx.msk [tilespmem:v9+s31+$0x0], $0xffff  }
0x4cc: {  	v3 =	vadd.f32 v4, v3;
	v4 =	vmul.f32 v8, v13;
	v8 =	vld.idx.msk [tilespmem:v9+s0+$0x0], $0xffff;
	v9 =	vor.u32 $0x15, v0  }
0x4cd: {  	v13 =	vld.idx.msk [tilespmem:v10+s31+$0x0], $0xffff  }
0x4ce: {  	v3 =	vadd.f32 v4, v3;
	v4 =	vmul.f32 v5, v14;
	v5 =	vld.idx.msk [tilespmem:v10+s0+$0x0], $0xffff;
	v10 =	vor.u32 $0x16, v0  }
0x4cf: {  	v14 =	vld.idx.msk [tilespmem:v7+s31+$0x0], $0xffff  }
0x4d0: {  	v3 =	vadd.f32 v4, v3;
	v4 =	vmul.f32 v6, v11;
	v6 =	vld.idx.msk [tilespmem:v7+s0+$0x0], $0xffff;
	v7 =	vor.u32 $0x17, v0  }
0x4d1: {  	v11 =	vld.idx.msk [tilespmem:v9+s31+$0x0], $0xffff  }
0x4d2: {  	v3 =	vadd.f32 v4, v3;
	v4 =	vmul.f32 v8, v12;
	v8 =	vld.idx.msk [tilespmem:v9+s0+$0x0], $0xffff;
	v9 =	vor.u32 $0x18, v0  }
0x4d3: {  	v12 =	vld.idx.msk [tilespmem:v10+s31+$0x0], $0xffff  }
0x4d4: {  	v3 =	vadd.f32 v4, v3;
	v4 =	vmul.f32 v5, v13;
	v5 =	vld.idx.msk [tilespmem:v10+s0+$0x0], $0xffff;
	v10 =	vor.u32 $0x19, v0  }
0x4d5: {  	v13 =	vld.idx.msk [tilespmem:v7+s31+$0x0], $0xffff  }
0x4d6: {  	v3 =	vadd.f32 v4, v3;
	v4 =	vmul.f32 v6, v14;
	v6 =	vld.idx.msk [tilespmem:v7+s0+$0x0], $0xffff;
	v7 =	vor.u32 $0x1A, v0  }
0x4d7: {  	v14 =	vld.idx.msk [tilespmem:v9+s31+$0x0], $0xffff  }
0x4d8: {  	v3 =	vadd.f32 v4, v3;
	v4 =	vmul.f32 v8, v11;
	v8 =	vld.idx.msk [tilespmem:v9+s0+$0x0], $0xffff;
	v9 =	vor.u32 $0x1B, v0  }
0x4d9: {  	v11 =	vld.idx.msk [tilespmem:v10+s31+$0x0], $0xffff  }
0x4da: {  	v3 =	vadd.f32 v4, v3;
	v4 =	vmul.f32 v5, v12;
	v5 =	vld.idx.msk [tilespmem:v10+s0+$0x0], $0xffff;
	v10 =	vor.u32 $0x1C, v0  }
0x4db: {  	v12 =	vld.idx.msk [tilespmem:v7+s31+$0x0], $0xffff  }
0x4dc: {  	v3 =	vadd.f32 v4, v3;
	v4 =	vmul.f32 v6, v13;
	v6 =	vld.idx.msk [tilespmem:v7+s0+$0x0], $0xffff;
	v7 =	vor.u32 $0x1D, v0  }
0x4dd: {  	v13 =	vld.idx.msk [tilespmem:v9+s31+$0x0], $0xffff  }
0x4de: {  	v3 =	vadd.f32 v4, v3;
	v4 =	vmul.f32 v8, v14;
	v8 =	vld.idx.msk [tilespmem:v9+s0+$0x0], $0xffff;
	v9 =	vor.u32 $0x1E, v0  }
0x4df: {  	v14 =	vld.idx.msk [tilespmem:v10+s31+$0x0], $0xffff  }
0x4e0: {  	v0 =	vor.u32 $0x1F, v0;
	v3 =	vadd.f32 v4, v3;
	v4 =	vmul.f32 v5, v11;
	v5 =	vld.idx.msk [tilespmem:v10+s0+$0x0], $0xffff  }
0x4e1: {  	v10 =	vld.idx.msk [tilespmem:v7+s31+$0x0], $0xffff  }
0x4e2: {  	v3 =	vadd.f32 v4, v3;
	v4 =	vmul.f32 v6, v12;
	v6 =	vld.idx.msk [tilespmem:v7+s0+$0x0], $0xffff  }
0x4e3: {  	v7 =	vld.idx.msk [tilespmem:v9+s31+$0x0], $0xffff  }
0x4e4: {  	v3 =	vadd.f32 v4, v3;
	v4 =	vmul.f32 v8, v13;
	v8 =	vld.idx.msk [tilespmem:v9+s0+$0x0], $0xffff  }
0x4e5: {  	v9 =	vld.idx.msk [tilespmem:v0+s31+$0x0], $0xffff  }
0x4e6: {  	v3 =	vadd.f32 v4, v3;
	v4 =	vmul.f32 v5, v14;
	v5 =	vld.idx.msk [tilespmem:v0+s0+$0x0], $0xffff;
	_ =	sdelay $0x1  }
0x4e7: {  	v0 =	vadd.f32 v4, v3;
	v3 =	vmul.f32 v6, v10  }
.Ltmp3:
0x4e8: {  	(pc) =	sbr.rel @p0 .LBB2_8-.Ltmp3, $4  }
0x4e9: {  	v4 =	vmov s14;
	v6 =	vmul.f32 v8, v7;
	v3 =	vadd.f32 v3, v0  }
0x4ea: {  	v0 =	vshll.u32 v4, $0x5  }
0x4eb: {  	v0 =	vor.u32 v1, v0;
	v4 =	vmul.f32 v5, v9;
	v3 =	vadd.f32 v6, v3  }
0x4ec: {  	s14 =	sadd.s32 $0x10, s14  }
0x4ed: {  	v3 =	vadd.f32 v4, v3  }
0x4ee: {  	s11 =	sadd.s32 $0x10, s11  }
0x4ef: {  	v29 =	vor.u32 $0x1, v0;
	s12 =	sadd.s32 $0x10, s12;
	[tilespmem:s11+$0x0] =	vst v3  }
0x4f0: {  	s13 =	sadd.s32 $0x10, s13;
	v3 =	vld [tilespmem:s12+$0x0]  }
0x4f1: {  	v5 =	vor.u32 $0x2, v0;
	v6 =	vld [tilespmem:s13+$0x0]  }
0x4f2: {  	v7 =	vld.idx.msk [tilespmem:v0+s31+$0x0], $0xffff  }
0x4f3: {  	v9 =	vor.u32 $0x3, v0;
	v8 =	vld.idx.msk [tilespmem:v0+s0+$0x0], $0xffff  }
0x4f4: {  	v10 =	vld.idx.msk [tilespmem:v29+s31+$0x0], $0xffff  }
0x4f5: {  	v11 =	vor.u32 $0x4, v0;
	v4 =	vld.idx.msk [tilespmem:v29+s0+$0x0], $0xffff  }
0x4f6: {  	v12 =	vld.idx.msk [tilespmem:v5+s31+$0x0], $0xffff;
	v3 =	vadd.f32 v3, v6  }
0x4f7: {  	v30 =	vor.u32 $0x5, v0;
	v5 =	vld.idx.msk [tilespmem:v5+s0+$0x0], $0xffff  }
0x4f8: {  	v13 =	vld.idx.msk [tilespmem:v9+s31+$0x0], $0xffff;
	v2 =	vadd.f32 v3, v2;
	v3 =	vmul.f32 v8, v7  }
0x4f9: {  	v32 =	vor.u32 $0x6, v0;
	v31 =	vld.idx.msk [tilespmem:v9+s0+$0x0], $0xffff  }
0x4fa: {  	v33 =	vld.idx.msk [tilespmem:v11+s31+$0x0], $0xffff;
	v2 =	vadd.f32 v3, v2;
	v3 =	vmul.f32 v4, v10  }
0x4fb: {  	v35 =	vor.u32 $0x7, v0;
	v34 =	vld.idx.msk [tilespmem:v11+s0+$0x0], $0xffff  }
0x4fc: {  	v36 =	vld.idx.msk [tilespmem:v30+s31+$0x0], $0xffff;
	v2 =	vadd.f32 v3, v2;
	v3 =	vmul.f32 v5, v12  }
0x4fd: {  	v38 =	vor.u32 $0x8, v0;
	v37 =	vld.idx.msk [tilespmem:v30+s0+$0x0], $0xffff  }
0x4fe: {  	v39 =	vld.idx.msk [tilespmem:v32+s31+$0x0], $0xffff;
	v2 =	vadd.f32 v3, v2;
	v3 =	vmul.f32 v31, v13  }
0x4ff: {  	v41 =	vor.u32 $0x9, v0;
	v40 =	vld.idx.msk [tilespmem:v32+s0+$0x0], $0xffff  }
0x500: {  	v42 =	vld.idx.msk [tilespmem:v35+s31+$0x0], $0xffff;
	v2 =	vadd.f32 v3, v2;
	v3 =	vmul.f32 v34, v33  }
0x501: {  	v44 =	vor.u32 $0xA, v0;
	v43 =	vld.idx.msk [tilespmem:v35+s0+$0x0], $0xffff  }
0x502: {  	v45 =	vld.idx.msk [tilespmem:v38+s31+$0x0], $0xffff;
	v2 =	vadd.f32 v3, v2;
	v3 =	vmul.f32 v37, v36  }
0x503: {  	v47 =	vor.u32 $0xB, v0;
	v46 =	vld.idx.msk [tilespmem:v38+s0+$0x0], $0xffff  }
0x504: {  	v48 =	vld.idx.msk [tilespmem:v41+s31+$0x0], $0xffff;
	v2 =	vadd.f32 v3, v2;
	v3 =	vmul.f32 v40, v39  }
0x505: {  	v50 =	vor.u32 $0xC, v0;
	v49 =	vld.idx.msk [tilespmem:v41+s0+$0x0], $0xffff  }
0x506: {  	v51 =	vld.idx.msk [tilespmem:v44+s31+$0x0], $0xffff;
	v2 =	vadd.f32 v3, v2;
	v3 =	vmul.f32 v43, v42  }
0x507: {  	v53 =	vor.u32 $0xD, v0;
	v52 =	vld.idx.msk [tilespmem:v44+s0+$0x0], $0xffff  }
0x508: {  	v54 =	vld.idx.msk [tilespmem:v47+s31+$0x0], $0xffff;
	v2 =	vadd.f32 v3, v2;
	v3 =	vmul.f32 v46, v45  }
0x509: {  	v56 =	vor.u32 $0xE, v0;
	v55 =	vld.idx.msk [tilespmem:v47+s0+$0x0], $0xffff  }
0x50a: {  	v57 =	vld.idx.msk [tilespmem:v50+s31+$0x0], $0xffff;
	v2 =	vadd.f32 v3, v2;
	v3 =	vmul.f32 v49, v48  }
0x50b: {  	v59 =	vor.u32 $0xF, v0;
	v58 =	vld.idx.msk [tilespmem:v50+s0+$0x0], $0xffff  }
0x50c: {  	v60 =	vld.idx.msk [tilespmem:v53+s31+$0x0], $0xffff;
	v2 =	vadd.f32 v3, v2;
	v3 =	vmul.f32 v52, v51  }
0x50d: {  	v62 =	vor.u32 $0x10, v0;
	v61 =	vld.idx.msk [tilespmem:v53+s0+$0x0], $0xffff  }
0x50e: {  	v63 =	vld.idx.msk [tilespmem:v56+s31+$0x0], $0xffff;
	v2 =	vadd.f32 v3, v2;
	v3 =	vmul.f32 v55, v54  }
0x50f: {  	v17 =	vor.u32 $0x11, v0;
	v16 =	vld.idx.msk [tilespmem:v56+s0+$0x0], $0xffff  }
0x510: {  	v18 =	vld.idx.msk [tilespmem:v59+s31+$0x0], $0xffff;
	v2 =	vadd.f32 v3, v2;
	v3 =	vmul.f32 v58, v57  }
0x511: {  	v20 =	vor.u32 $0x12, v0;
	v19 =	vld.idx.msk [tilespmem:v59+s0+$0x0], $0xffff  }
0x512: {  	v21 =	vld.idx.msk [tilespmem:v62+s31+$0x0], $0xffff;
	v2 =	vadd.f32 v3, v2;
	v3 =	vmul.f32 v61, v60  }
0x513: {  	v23 =	vor.u32 $0x13, v0;
	v22 =	vld.idx.msk [tilespmem:v62+s0+$0x0], $0xffff  }
0x514: {  	v24 =	vld.idx.msk [tilespmem:v17+s31+$0x0], $0xffff;
	v2 =	vadd.f32 v3, v2;
	v3 =	vmul.f32 v16, v63  }
0x515: {  	v26 =	vor.u32 $0x14, v0;
	v25 =	vld.idx.msk [tilespmem:v17+s0+$0x0], $0xffff  }
0x516: {  	v27 =	vld.idx.msk [tilespmem:v20+s31+$0x0], $0xffff;
	v2 =	vadd.f32 v3, v2;
	v3 =	vmul.f32 v19, v18  }
0x517: {  	v28 =	vld.idx.msk [tilespmem:v20+s0+$0x0], $0xffff;
	v29 =	vor.u32 $0x15, v0  }
0x518: {  	v30 =	vld.idx.msk [tilespmem:v23+s31+$0x0], $0xffff;
	v2 =	vadd.f32 v3, v2;
	v3 =	vmul.f32 v22, v21  }
0x519: {  	v32 =	vor.u32 $0x16, v0;
	v31 =	vld.idx.msk [tilespmem:v23+s0+$0x0], $0xffff  }
0x51a: {  	v33 =	vld.idx.msk [tilespmem:v26+s31+$0x0], $0xffff;
	v2 =	vadd.f32 v3, v2;
	v3 =	vmul.f32 v25, v24  }
0x51b: {  	v35 =	vor.u32 $0x17, v0;
	v34 =	vld.idx.msk [tilespmem:v26+s0+$0x0], $0xffff  }
0x51c: {  	v36 =	vld.idx.msk [tilespmem:v29+s31+$0x0], $0xffff;
	v2 =	vadd.f32 v3, v2;
	v3 =	vmul.f32 v28, v27  }
0x51d: {  	v38 =	vor.u32 $0x18, v0;
	v37 =	vld.idx.msk [tilespmem:v29+s0+$0x0], $0xffff  }
0x51e: {  	v39 =	vld.idx.msk [tilespmem:v32+s31+$0x0], $0xffff;
	v2 =	vadd.f32 v3, v2;
	v3 =	vmul.f32 v31, v30  }
0x51f: {  	v41 =	vor.u32 $0x19, v0;
	v40 =	vld.idx.msk [tilespmem:v32+s0+$0x0], $0xffff  }
0x520: {  	v42 =	vld.idx.msk [tilespmem:v35+s31+$0x0], $0xffff;
	v2 =	vadd.f32 v3, v2;
	v3 =	vmul.f32 v34, v33  }
0x521: {  	v44 =	vor.u32 $0x1A, v0;
	v43 =	vld.idx.msk [tilespmem:v35+s0+$0x0], $0xffff  }
0x522: {  	v45 =	vld.idx.msk [tilespmem:v38+s31+$0x0], $0xffff;
	v2 =	vadd.f32 v3, v2;
	v3 =	vmul.f32 v37, v36  }
0x523: {  	v47 =	vor.u32 $0x1B, v0;
	v46 =	vld.idx.msk [tilespmem:v38+s0+$0x0], $0xffff  }
0x524: {  	v48 =	vld.idx.msk [tilespmem:v41+s31+$0x0], $0xffff;
	v2 =	vadd.f32 v3, v2;
	v3 =	vmul.f32 v40, v39  }
0x525: {  	v50 =	vor.u32 $0x1C, v0;
	v49 =	vld.idx.msk [tilespmem:v41+s0+$0x0], $0xffff  }
0x526: {  	v51 =	vld.idx.msk [tilespmem:v44+s31+$0x0], $0xffff;
	v2 =	vadd.f32 v3, v2;
	v3 =	vmul.f32 v43, v42  }
0x527: {  	v53 =	vor.u32 $0x1D, v0;
	v52 =	vld.idx.msk [tilespmem:v44+s0+$0x0], $0xffff  }
0x528: {  	v54 =	vld.idx.msk [tilespmem:v47+s31+$0x0], $0xffff;
	v2 =	vadd.f32 v3, v2;
	v3 =	vmul.f32 v46, v45  }
0x529: {  	v56 =	vor.u32 $0x1E, v0;
	v55 =	vld.idx.msk [tilespmem:v47+s0+$0x0], $0xffff  }
0x52a: {  	v57 =	vld.idx.msk [tilespmem:v50+s31+$0x0], $0xffff;
	v2 =	vadd.f32 v3, v2;
	v3 =	vmul.f32 v49, v48  }
0x52b: {  	v0 =	vor.u32 $0x1F, v0;
	v58 =	vld.idx.msk [tilespmem:v50+s0+$0x0], $0xffff  }
0x52c: {  	v59 =	vld.idx.msk [tilespmem:v53+s31+$0x0], $0xffff;
	v2 =	vadd.f32 v3, v2;
	v3 =	vmul.f32 v52, v51  }
0x52d: {  	v60 =	vld.idx.msk [tilespmem:v53+s0+$0x0], $0xffff  }
0x52e: {  	v62 =	vld.idx.msk [tilespmem:v56+s0+$0x0], $0xffff;
	v2 =	vadd.f32 v3, v2;
	v3 =	vmul.f32 v55, v54  }
0x52f: {  	v61 =	vld.idx.msk [tilespmem:v56+s31+$0x0], $0xffff  }
0x530: {  	v63 =	vld.idx.msk [tilespmem:v0+s31+$0x0], $0xffff;
	v2 =	vadd.f32 v3, v2;
	v3 =	vmul.f32 v58, v57  }
0x531: {  	v0 =	vld.idx.msk [tilespmem:v0+s0+$0x0], $0xffff  }
0x532: {  	v2 =	vadd.f32 v3, v2;
	v3 =	vmul.f32 v60, v59;
	_ =	sdelay $0x1  }
0x533: {  	v2 =	vadd.f32 v3, v2;
	v3 =	vmul.f32 v62, v61;
	_ =	sdelay $0x1  }
0x534: {  	v0 =	vmul.f32 v0, v63;
	v2 =	vadd.f32 v3, v2;
	_ =	sdelay $0x1  }
0x535: {  	s10 =	sadd.s32 $0x1, s10;
	v0 =	vadd.f32 v0, v2  }
0x536: {  	p0 =	sne.s32 s10, s17;
	s11 =	sadd.s32 $0x10, s11  }
.Ltmp4:
0x537: {  	s14 =	simm.s32 $0x8810;
	[tilespmem:s11+$0x0] =	vst v0;
	(pc) =	sbr.rel @p0 .LBB2_1-.Ltmp4, $4  }
0x538: {  	[hbm4b:s16+s3] =	stream.linear.scatter [tilespmem:s14], [sflag:$0x3], $0x200, $0x38;
	[tilespmem:$0x8A10] =	vst v63  }
0x539: {  	_ =	swait.ge [sflag:s18], $0x200  }
0x53a: {  	[sflag:s18] =	ssyncset.done $0x0  }
0x53b: {  	[sflag:s18] =	ssyncadd.s32 $0xFFFFFE00  }
0x53c: {  	_ =	sfence.sel $0x180000  }
0x53d: {  	[bflag:$0x0] =	sbarrier.arrive $0xFFFF  }
0x53e: {  	_ =	strace $0x90000047  }
0x53f: {  	s0 =	stileid.u32;
	[bflag:$0x2] =	sbarrier.arrive $0xFFFF  }
0x540: {  	p0 =	sne.s32 s0, $0x0;
	s0 =	rddreg [dreg:$0x5]  }
0x541: {  	s0 =	sadd.s32 @!p0 $0x100000, s0  }
0x542: {  	[sflag:s0] =	ssyncadd.tile.s32 @!p0 $0x1;
	_ =	shalt  }
.Lfunc_end2:
_tile_overlayer_lowered:
.L_overlay_start_2:
0x543: {  	(tag) =	ssettag $0x2  }
0x544: {  	s0 =	rddreg [dreg:$0x0];
	s2 =	stileid.u32  }
0x545: {  	s1 =	rddreg [dreg:$0x1];
	p0 =	sne.s32 s2, $0x0  }
0x546: {  	s3 =	rddreg [dreg:$0x2];
	[bflag:$0x3] =	sbarrier.arrive $0xFFFF;
	s2 =	simm.s32 @!p0 $0x1C03  }
0x547: {  	[timem:s3], [sflag:s2] =	dma.local @!p0 [hbm:s0], s1  }
0x548: {  	s0 =	simm.s32 @!p0 $0x3  }
0x549: {  	_ =	swait.ge @!p0 [sflag:s0], s1  }
0x54a: {  	s1 =	ssub.s32 @!p0 $0x0, s1;
	[sflag:s0] =	ssyncset.done @!p0 $0x0  }
0x54b: {  	[sflag:s0] =	ssyncadd.s32 @!p0 s1  }
0x54c: {  	[bflag:$0x3] =	sbarrier.arrive $0xFFFF  }
0x54d: {  	_ =	shalt  }

</sc_bundles>
